<compile_context>
chip_gen: v7x
topology: tpu7x:2x2x1
jax: 0.10.2.dev20260603
libtpu: 0.0.44.dev20260713+nightly
codegen_flags: <defaults>
</compile_context>

<pallas_src>
import functools

import jax
import jax.numpy as jnp
from jax import lax
from jax.experimental import pallas as pl
from jax.experimental.pallas import tpu as pltpu
from jax.experimental.pallas import tpu_sc as plsc

N = 10000
E = 320000
D = 128
DW = D // 2
BN_EPS = 1e-5

NC = 2
NS = 16
CH = 104
NCHUNK = 196
EPCP = NCHUNK * CH
EPAD = NS * EPCP - E
NP = 10240
RPS = NP // NS


@functools.cache
def _get_sc_segsum():
    mesh = plsc.VectorSubcoreMesh(
        core_axis_name="c", subcore_axis_name="s",
        num_cores=NC, num_subcores=NS)
    return functools.partial(
        pl.kernel,
        out_type=jax.ShapeDtypeStruct((NC, NP, D), jnp.float32),
        mesh=mesh,
        compiler_params=pltpu.CompilerParams(use_tc_tiling_on_sc=False),
        scratch_types=[
            pltpu.VMEM((4, 2, CH), jnp.int32),
            pltpu.VMEM((CH, DW), jnp.int32),
            pltpu.VMEM((CH, DW), jnp.int32),
            pltpu.VMEM((CH, DW), jnp.int32),
            pltpu.VMEM((CH, D), jnp.float32),
            pltpu.VMEM((CH, D), jnp.float32),
            pltpu.VMEM_SHARED((NP, D), jnp.float32),
            pltpu.SemaphoreType.DMA,
            pltpu.SemaphoreType.DMA,
            pltpu.SemaphoreType.DMA,
            pltpu.SemaphoreType.DMA,
            pltpu.SemaphoreType.DMA,
        ],
    )(_sc_segsum_body)


def _sc_segsum_body(src_hbm, ids_hbm, out_hbm,
                    ids, gbuf0, gbuf1, gbuf2, fbuf0, fbuf1, acc,
                    sg0, sg1, sg2, ss0, ss1):
    c = lax.axis_index("c")
    s = lax.axis_index("s")
    gbuf = (gbuf0, gbuf1, gbuf2)
    fbuf = (fbuf0, fbuf1)
    sg = (sg0, sg1, sg2)
    ss = (ss0, ss1)

    def zrow(r, carry):
        for j in range(D // 16):
            fbuf0[r, 16 * j:16 * (j + 1)] = jnp.zeros((16,), jnp.float32)
        return carry

    lax.fori_loop(0, CH, zrow, 0)
    for k in range(RPS // CH):
        pltpu.sync_copy(fbuf0, acc.at[pl.ds(s * RPS + k * CH, CH)])
    pltpu.sync_copy(fbuf0.at[pl.ds(0, RPS % CH)],
                    acc.at[pl.ds(s * RPS + (RPS // CH) * CH, RPS % CH)])
    plsc.subcore_barrier()

    def load_idx(i, r):
        pltpu.sync_copy(ids_hbm.at[c, s, i], ids.at[r])

    def gather_desc(g, r):
        return pltpu.make_async_copy(
            src_hbm.at[ids.at[r].at[0]], gbuf[g], sg[g])

    def scatter_desc(f, r):
        return pltpu.make_async_copy(
            fbuf[f], acc.at[ids.at[r].at[1]], ss[f])

    def convert(g, f):
        sh16 = jnp.broadcast_to(jnp.int32(16), (16,))
        mask = jnp.broadcast_to(jnp.int32(-65536), (16,))

        def crow(r, carry):
            for m in range(DW // 16):
                v = gbuf[g][r, 16 * m:16 * (m + 1)]
                fbuf[f][r, 32 * m:32 * m + 16] = lax.bitcast_convert_type(
                    lax.shift_left(v, sh16), jnp.float32)
                fbuf[f][r, 32 * m + 16:32 * m + 32] = lax.bitcast_convert_type(
                    lax.bitwise_and(v, mask), jnp.float32)
            return carry

        lax.fori_loop(0, CH, crow, 0)

    load_idx(0, 0)
    gather_desc(0, 0).start()
    load_idx(1, 1)
    gather_desc(1, 1).start()

    def step(i, imod, ss_wait, refill):
        g = imod % 3
        f = imod % 2
        r = imod % 4
        g2 = (imod + 2) % 3
        r2 = (imod + 2) % 4
        gather_desc(g, r).wait()
        if ss_wait:
            scatter_desc(f, r2).wait()
        if refill:
            load_idx(i + 2, r2)
            gather_desc(g2, r2).start()
        convert(g, f)
        scatter_desc(f, r).start(add=True)

    step(0, 0, False, True)
    step(1, 1, False, True)

    def body(j, carry):
        for t in range(12):
            step(12 * j + 2 + t, (2 + t) % 12, True, True)
        return carry

    lax.fori_loop(0, (NCHUNK - 4) // 12, body, 0)

    step(NCHUNK - 2, (NCHUNK - 2) % 12, True, False)
    step(NCHUNK - 1, (NCHUNK - 1) % 12, True, False)
    scatter_desc((NCHUNK - 2) % 2, (NCHUNK - 2) % 4).wait()
    scatter_desc((NCHUNK - 1) % 2, (NCHUNK - 1) % 4).wait()
    plsc.subcore_barrier()

    pltpu.sync_copy(acc.at[pl.ds(s * RPS, RPS)],
                    out_hbm.at[c, pl.ds(s * RPS, RPS)])


def _tc_body(x_ref, perb_ref, s0_ref, s1_ref,
             wo_ref, bo_ref, wt_ref, bt_ref,
             w1t_ref, b1_ref, gamma_ref, beta_ref, a_ref, w2t_ref, b2_ref,
             embed_ref, loss_ref):
    s0 = s0_ref[...]
    s01 = s0 + s1_ref[...]

    wo = wo_ref[...]
    bo = bo_ref[...]
    g1 = jnp.dot(s0, wo, preferred_element_type=jnp.float32) + bo
    g2 = jnp.dot(s01, wo, preferred_element_type=jnp.float32) + bo
    embed_ref[...] = x_ref[...] + perb_ref[...] + g2

    wt = wt_ref[...]
    bt = bt_ref[...]
    t1 = jnp.dot(s0, wt, preferred_element_type=jnp.float32) + bt
    t2 = jnp.dot(s01, wt, preferred_element_type=jnp.float32) + bt

    w1t = w1t_ref[...]
    w2t = w2t_ref[...]
    b1 = b1_ref[...]
    b2 = b2_ref[...]
    gamma = gamma_ref[...]
    beta = beta_ref[...]
    a = a_ref[0, 0]

    def predictor(z):
        h = jnp.dot(z, w1t, preferred_element_type=jnp.float32) + b1
        mean = jnp.mean(h, axis=0, keepdims=True)
        d = h - mean
        var = jnp.mean(d * d, axis=0, keepdims=True)
        h = gamma * d * jax.lax.rsqrt(var + BN_EPS) + beta
        h = jnp.where(h >= 0.0, h, a * h)
        return jnp.dot(h, w2t, preferred_element_type=jnp.float32) + b2

    p1 = predictor(g1)
    p2 = predictor(g2)

    def l2n(v):
        ss = jnp.sum(v * v, axis=-1, keepdims=True)
        return v / jnp.maximum(jnp.sqrt(ss), 1e-12)

    dots = jnp.sum(l2n(p1) * l2n(t2) + l2n(p2) * l2n(t1))
    loss_ref[0, 0] = 4.0 - 2.0 * dots / N


def _tc_stage(x, perb, s0, s1, W_online, b_online, W_target, b_target,
              W1, b1, gamma, beta, prelu_a, W2, b2):
    vmem = pl.BlockSpec(memory_space=pltpu.VMEM)
    smem = pl.BlockSpec(memory_space=pltpu.SMEM)
    embed, loss = pl.pallas_call(
        _tc_body,
        out_shape=[
            jax.ShapeDtypeStruct((N, D), jnp.float32),
            jax.ShapeDtypeStruct((1, 1), jnp.float32),
        ],
        in_specs=[vmem] * 12 + [smem] + [vmem] * 2,
        out_specs=[vmem, smem],
    )(x, perb, s0, s1,
      W_online, b_online.reshape(1, D), W_target, b_target.reshape(1, D),
      W1.T, b1.reshape(1, D), gamma.reshape(1, D), beta.reshape(1, D),
      prelu_a.reshape(1, 1), W2.T, b2.reshape(1, D))
    return embed, loss[0, 0]


def kernel(x, perb, edge_index, W_online, b_online, W_target, b_target,
           W1, b1, gamma, beta, prelu_a, W2, b2):
    row = edge_index[0]
    col = edge_index[1]
    src = jnp.concatenate([x, perb], axis=0)
    u16 = jax.lax.bitcast_convert_type(src.astype(jnp.bfloat16), jnp.uint16)
    grp = u16.reshape(2 * N, D // 32, 2, 16)
    packed = jax.lax.bitcast_convert_type(
        (grp[:, :, 0, :].astype(jnp.uint32)
         | (grp[:, :, 1, :].astype(jnp.uint32) << 16)).reshape(2 * N, DW),
        jnp.int32)
    colp = jnp.concatenate([col, jnp.zeros((EPAD,), jnp.int32)])
    rowp = jnp.concatenate([row, jnp.full((EPAD,), N, jnp.int32)])
    cols = jnp.stack([colp, colp + N]).reshape(NC, NS, NCHUNK, CH)
    rows = jnp.broadcast_to(rowp.reshape(1, NS, NCHUNK, CH),
                            (NC, NS, NCHUNK, CH))
    ids = jnp.stack([cols, rows], axis=3)
    agg = _get_sc_segsum()(packed, ids)[:, :N, :]
    embed, loss = _tc_stage(x, perb, agg[0], agg[1],
                            W_online, b_online, W_target, b_target,
                            W1, b1, gamma, beta, prelu_a, W2, b2)
    return (embed, loss)

# --- scband reference (transcript-rebuilt; emitter-appended) ---
"""Pipeline reference for scband-bgrl-35218731827951 (READ-ONLY COPY).

The authoritative reference and input builder live on the scoring server;
editing this copy changes nothing except your own understanding.
"""

import jax, jax.numpy as jnp
import numpy as np

N = 10000
E = 320000
D = 128
BN_EPS = 1e-5


def setup_inputs(seed: int = 0) -> dict:
    key = jax.random.key(seed)
    ks = jax.random.split(key, 16)
    x = jax.random.normal(ks[0], (N, D), dtype=jnp.float32)
    perb = jax.random.normal(ks[1], (N, D), dtype=jnp.float32) * 0.01
    edge_index = jax.random.randint(ks[2], (2, E), 0, N, dtype=jnp.int32)
    # online GCN encoder params (xavier-ish)
    s = 1.0 / np.sqrt(D)
    W_online = jax.random.uniform(ks[3], (D, D), jnp.float32, -s, s)
    b_online = jnp.zeros((D,), jnp.float32)
    # target encoder = deepcopy of online encoder at init
    W_target = W_online
    b_target = b_online
    # MLP predictor: Linear(D,D) -> BatchNorm1d(D) -> PReLU -> Linear(D,D)
    W1 = jax.random.uniform(ks[4], (D, D), jnp.float32, -s, s)
    b1 = jax.random.uniform(ks[5], (D,), jnp.float32, -s, s)
    gamma = jnp.ones((D,), jnp.float32)
    beta = jnp.zeros((D,), jnp.float32)
    prelu_a = jnp.asarray(0.25, jnp.float32)
    W2 = jax.random.uniform(ks[6], (D, D), jnp.float32, -s, s)
    b2 = jax.random.uniform(ks[7], (D,), jnp.float32, -s, s)
    return {
        'x': x, 'perb': perb, 'edge_index': edge_index,
        'W_online': W_online, 'b_online': b_online,
        'W_target': W_target, 'b_target': b_target,
        'W1': W1, 'b1': b1, 'gamma': gamma, 'beta': beta,
        'prelu_a': prelu_a, 'W2': W2, 'b2': b2,
    }


def _l2norm(v):
    n = jnp.linalg.norm(v, ord=2, axis=-1, keepdims=True)
    return v / jnp.clip(n, 1e-12)


def _loss_fn(a, b):
    a = _l2norm(a)
    b = _l2norm(b)
    return 2.0 - 2.0 * (a * b).sum(axis=-1)


def reference(x, perb, edge_index, W_online, b_online, W_target, b_target,
              W1, b1, gamma, beta, prelu_a, W2, b2):
    row = edge_index[0]
    col = edge_index[1]

    def gcn(h, W, b):
        # dropout p=0.0 -> identity
        h = jnp.matmul(h, W)
        # sparse adjacency (binary, COO) matmul: out[i] = sum_{(i,j) in E} h[j]
        h = jax.ops.segment_sum(h[col], row, num_segments=N)
        return h + b

    def predictor(z):
        h = jnp.matmul(z, W1.T) + b1
        # BatchNorm1d (training mode: batch statistics, biased variance)
        mean = h.mean(axis=0)
        var = h.var(axis=0)
        h = gamma * (h - mean) / jnp.sqrt(var + BN_EPS) + beta
        # PReLU (single shared parameter)
        h = jnp.where(h >= 0, h, prelu_a * h)
        return jnp.matmul(h, W2.T) + b2

    x1 = x
    x2 = x + perb
    embed = x2 + gcn(x2, W_online, b_online)
    online_x = gcn(x1, W_online, b_online)
    online_y = gcn(x2, W_online, b_online)
    target_y = jax.lax.stop_gradient(gcn(x1, W_target, b_target))
    target_x = jax.lax.stop_gradient(gcn(x2, W_target, b_target))
    online_x = predictor(online_x)
    online_y = predictor(online_y)
    loss = (_loss_fn(online_x, target_x) + _loss_fn(online_y, target_y)).mean()
    return (embed, loss)

if __name__ == "__main__":
    import jax
    _d = setup_inputs()
    print(jax.jit(kernel)(*tuple(_d.values())))

</pallas_src>

<mosaic_0001>
#map = affine_map<(d0, d1) -> (0, 0)>
#map1 = affine_map<(d0, d1) -> (0, 0, 0, 0, 0)>
#map2 = affine_map<(d0, d1) -> (0, 0, 0)>
module attributes {stable_mosaic.version = 14 : i64} {
  func.func @_sc_segsum_body(%arg0: i32, %arg1: i32, %arg2: memref<20000x64xi32, #tpu.memory_space<hbm>>, %arg3: memref<2x16x196x2x104xi32, #tpu.memory_space<hbm>>, %arg4: memref<2x10240x128xf32, #tpu.memory_space<hbm>>, %arg5: memref<4x2x104xi32, #tpu.memory_space<vmem>>, %arg6: memref<104x64xi32, #tpu.memory_space<vmem>>, %arg7: memref<104x64xi32, #tpu.memory_space<vmem>>, %arg8: memref<104x64xi32, #tpu.memory_space<vmem>>, %arg9: memref<104x128xf32, #tpu.memory_space<vmem>>, %arg10: memref<104x128xf32, #tpu.memory_space<vmem>>, %arg11: memref<10240x128xf32, #tpu.memory_space<vmem_shared>>, %arg12: memref<!tpu.dma_semaphore, #tpu.memory_space<semaphore_mem>>, %arg13: memref<!tpu.dma_semaphore, #tpu.memory_space<semaphore_mem>>, %arg14: memref<!tpu.dma_semaphore, #tpu.memory_space<semaphore_mem>>, %arg15: memref<!tpu.dma_semaphore, #tpu.memory_space<semaphore_mem>>, %arg16: memref<!tpu.dma_semaphore, #tpu.memory_space<semaphore_mem>>) attributes {dimension_semantics = [#tpu.dimension_semantics<core_parallel>, #tpu.dimension_semantics<subcore_parallel>], iteration_bounds = array<i64: 2, 16>, scalar_prefetch = 0 : i64, scratch_operands = 12 : i64, tpu.core_type = #tpu.core_type<sc_vector_subcore>, window_params = [{transform_indices = #map}, {transform_indices = #map1}, {transform_indices = #map2}]} {
    %scan3A = arith.constant 0 : i32
    %scan3A_0 = arith.constant 0 : i32
    %scan3A_1 = arith.constant 104 : i32
    %scan3A_2 = arith.addi %scan3A_0, %scan3A_1 : i32
    %scan3A_3 = arith.constant 1 : i32
    scf.for %scan3A_278 = %scan3A_0 to %scan3A_2 step %scan3A_3  : i32 {
      %broadcast_in_dim3A_279 = arith.constant 0.000000e+00 : f32
      %broadcast_in_dim3A_280 = vector.broadcast %broadcast_in_dim3A_279 : f32 to vector<16xf32>
      %swap3A = arith.index_cast %scan3A_278 : i32 to index
      %swap3A_281 = arith.constant 0 : index
      %swap3A_282 = tpu.vector_load %arg9[%swap3A, %swap3A_281] {strides = array<i32>} : memref<104x128xf32, #tpu.memory_space<vmem>>, vector<1x16xf32>,
      %swap3A_283 = vector.shape_cast %swap3A_282 : vector<1x16xf32> to vector<16xf32>
      %swap3A_284 = vector.shape_cast %broadcast_in_dim3A_280 : vector<16xf32> to vector<1x16xf32>
      tpu.vector_store %arg9[%swap3A, %swap3A_281], %swap3A_284 {strides = array<i32>} : memref<104x128xf32, #tpu.memory_space<vmem>>, vector<1x16xf32>,
      %broadcast_in_dim3A_285 = arith.constant 0.000000e+00 : f32
      %broadcast_in_dim3A_286 = vector.broadcast %broadcast_in_dim3A_285 : f32 to vector<16xf32>
      %swap3A_287 = arith.index_cast %scan3A_278 : i32 to index
      %swap3A_288 = arith.constant 16 : index
      %swap3A_289 = tpu.vector_load %arg9[%swap3A_287, %swap3A_288] {strides = array<i32>} : memref<104x128xf32, #tpu.memory_space<vmem>>, vector<1x16xf32>,
      %swap3A_290 = vector.shape_cast %swap3A_289 : vector<1x16xf32> to vector<16xf32>
      %swap3A_291 = vector.shape_cast %broadcast_in_dim3A_286 : vector<16xf32> to vector<1x16xf32>
      tpu.vector_store %arg9[%swap3A_287, %swap3A_288], %swap3A_291 {strides = array<i32>} : memref<104x128xf32, #tpu.memory_space<vmem>>, vector<1x16xf32>,
      %broadcast_in_dim3A_292 = arith.constant 0.000000e+00 : f32
      %broadcast_in_dim3A_293 = vector.broadcast %broadcast_in_dim3A_292 : f32 to vector<16xf32>
      %swap3A_294 = arith.index_cast %scan3A_278 : i32 to index
      %swap3A_295 = arith.constant 32 : index
      %swap3A_296 = tpu.vector_load %arg9[%swap3A_294, %swap3A_295] {strides = array<i32>} : memref<104x128xf32, #tpu.memory_space<vmem>>, vector<1x16xf32>,
      %swap3A_297 = vector.shape_cast %swap3A_296 : vector<1x16xf32> to vector<16xf32>
      %swap3A_298 = vector.shape_cast %broadcast_in_dim3A_293 : vector<16xf32> to vector<1x16xf32>
      tpu.vector_store %arg9[%swap3A_294, %swap3A_295], %swap3A_298 {strides = array<i32>} : memref<104x128xf32, #tpu.memory_space<vmem>>, vector<1x16xf32>,
      %broadcast_in_dim3A_299 = arith.constant 0.000000e+00 : f32
      %broadcast_in_dim3A_300 = vector.broadcast %broadcast_in_dim3A_299 : f32 to vector<16xf32>
      %swap3A_301 = arith.index_cast %scan3A_278 : i32 to index
      %swap3A_302 = arith.constant 48 : index
      %swap3A_303 = tpu.vector_load %arg9[%swap3A_301, %swap3A_302] {strides = array<i32>} : memref<104x128xf32, #tpu.memory_space<vmem>>, vector<1x16xf32>,
      %swap3A_304 = vector.shape_cast %swap3A_303 : vector<1x16xf32> to vector<16xf32>
      %swap3A_305 = vector.shape_cast %broadcast_in_dim3A_300 : vector<16xf32> to vector<1x16xf32>
      tpu.vector_store %arg9[%swap3A_301, %swap3A_302], %swap3A_305 {strides = array<i32>} : memref<104x128xf32, #tpu.memory_space<vmem>>, vector<1x16xf32>,
      %broadcast_in_dim3A_306 = arith.constant 0.000000e+00 : f32
      %broadcast_in_dim3A_307 = vector.broadcast %broadcast_in_dim3A_306 : f32 to vector<16xf32>
      %swap3A_308 = arith.index_cast %scan3A_278 : i32 to index
      %swap3A_309 = arith.constant 64 : index
      %swap3A_310 = tpu.vector_load %arg9[%swap3A_308, %swap3A_309] {strides = array<i32>} : memref<104x128xf32, #tpu.memory_space<vmem>>, vector<1x16xf32>,
      %swap3A_311 = vector.shape_cast %swap3A_310 : vector<1x16xf32> to vector<16xf32>
      %swap3A_312 = vector.shape_cast %broadcast_in_dim3A_307 : vector<16xf32> to vector<1x16xf32>
      tpu.vector_store %arg9[%swap3A_308, %swap3A_309], %swap3A_312 {strides = array<i32>} : memref<104x128xf32, #tpu.memory_space<vmem>>, vector<1x16xf32>,
      %broadcast_in_dim3A_313 = arith.constant 0.000000e+00 : f32
      %broadcast_in_dim3A_314 = vector.broadcast %broadcast_in_dim3A_313 : f32 to vector<16xf32>
      %swap3A_315 = arith.index_cast %scan3A_278 : i32 to index
      %swap3A_316 = arith.constant 80 : index
      %swap3A_317 = tpu.vector_load %arg9[%swap3A_315, %swap3A_316] {strides = array<i32>} : memref<104x128xf32, #tpu.memory_space<vmem>>, vector<1x16xf32>,
      %swap3A_318 = vector.shape_cast %swap3A_317 : vector<1x16xf32> to vector<16xf32>
      %swap3A_319 = vector.shape_cast %broadcast_in_dim3A_314 : vector<16xf32> to vector<1x16xf32>
      tpu.vector_store %arg9[%swap3A_315, %swap3A_316], %swap3A_319 {strides = array<i32>} : memref<104x128xf32, #tpu.memory_space<vmem>>, vector<1x16xf32>,
      %broadcast_in_dim3A_320 = arith.constant 0.000000e+00 : f32
      %broadcast_in_dim3A_321 = vector.broadcast %broadcast_in_dim3A_320 : f32 to vector<16xf32>
      %swap3A_322 = arith.index_cast %scan3A_278 : i32 to index
      %swap3A_323 = arith.constant 96 : index
      %swap3A_324 = tpu.vector_load %arg9[%swap3A_322, %swap3A_323] {strides = array<i32>} : memref<104x128xf32, #tpu.memory_space<vmem>>, vector<1x16xf32>,
      %swap3A_325 = vector.shape_cast %swap3A_324 : vector<1x16xf32> to vector<16xf32>
      %swap3A_326 = vector.shape_cast %broadcast_in_dim3A_321 : vector<16xf32> to vector<1x16xf32>
      tpu.vector_store %arg9[%swap3A_322, %swap3A_323], %swap3A_326 {strides = array<i32>} : memref<104x128xf32, #tpu.memory_space<vmem>>, vector<1x16xf32>,
      %broadcast_in_dim3A_327 = arith.constant 0.000000e+00 : f32
      %broadcast_in_dim3A_328 = vector.broadcast %broadcast_in_dim3A_327 : f32 to vector<16xf32>
      %swap3A_329 = arith.index_cast %scan3A_278 : i32 to index
      %swap3A_330 = arith.constant 112 : index
      %swap3A_331 = tpu.vector_load %arg9[%swap3A_329, %swap3A_330] {strides = array<i32>} : memref<104x128xf32, #tpu.memory_space<vmem>>, vector<1x16xf32>,
      %swap3A_332 = vector.shape_cast %swap3A_331 : vector<1x16xf32> to vector<16xf32>
      %swap3A_333 = vector.shape_cast %broadcast_in_dim3A_328 : vector<16xf32> to vector<1x16xf32>
      tpu.vector_store %arg9[%swap3A_329, %swap3A_330], %swap3A_333 {strides = array<i32>} : memref<104x128xf32, #tpu.memory_space<vmem>>, vector<1x16xf32>,
    }
    %scan3A_4 = arith.constant 104 : i32
    %mul3A = arith.constant 640 : i32
    %mul3A_5 = arith.muli %arg1, %mul3A : i32
    %add3A = arith.constant 0 : i32
    %add3A_6 = arith.addi %mul3A_5, %add3A : i32
    "tpu.region"() ({
      %run_scoped3A_278 = tpu.sem_alloc : memref<!tpu.dma_semaphore, #tpu.memory_space<semaphore_mem>>
      %dma_start3A_279 = arith.constant 0 : i32
      %dma_start3A_280 = tpu.memref_slice %arg11[%add3A_6, %dma_start3A_279] : memref<10240x128xf32, #tpu.memory_space<vmem_shared>> -> memref<104x128xf32, #tpu.memory_space<vmem_shared>>
      %dma_start3A_281 = arith.constant 0 : i32
      %dma_start3A_282 = tpu.memref_slice %arg11[%add3A_6, %dma_start3A_281] : memref<10240x128xf32, #tpu.memory_space<vmem_shared>> -> memref<104x128xf32, #tpu.memory_space<vmem_shared>>
      tpu.enqueue_dma source(%arg9 : memref<104x128xf32, #tpu.memory_space<vmem>>) target(%dma_start3A_282 : memref<104x128xf32, #tpu.memory_space<vmem_shared>>) target_semaphore(%run_scoped3A_278 : memref<!tpu.dma_semaphore, #tpu.memory_space<semaphore_mem>>)
      %dma_wait3A_283 = arith.constant 0 : i32
      %dma_wait3A_284 = tpu.memref_slice %arg11[%add3A_6, %dma_wait3A_283] : memref<10240x128xf32, #tpu.memory_space<vmem_shared>> -> memref<104x128xf32, #tpu.memory_space<vmem_shared>>
      %dma_wait3A_285 = arith.constant 0 : i32
      %dma_wait3A_286 = tpu.memref_slice %arg11[%add3A_6, %dma_wait3A_285] : memref<10240x128xf32, #tpu.memory_space<vmem_shared>> -> memref<104x128xf32, #tpu.memory_space<vmem_shared>>
      tpu.wait_dma2 semaphore(%run_scoped3A_278 : memref<!tpu.dma_semaphore, #tpu.memory_space<semaphore_mem>>) src(%arg9 : memref<104x128xf32, #tpu.memory_space<vmem>>) dst(%dma_wait3A_286 : memref<104x128xf32, #tpu.memory_space<vmem_shared>>)
      tpu.yield
    }) : () -> ()
    %mul3A_7 = arith.constant 640 : i32
    %mul3A_8 = arith.muli %arg1, %mul3A_7 : i32
    %add3A_9 = arith.constant 104 : i32
    %add3A_10 = arith.addi %mul3A_8, %add3A_9 : i32
    "tpu.region"() ({
      %run_scoped3A_278 = tpu.sem_alloc : memref<!tpu.dma_semaphore, #tpu.memory_space<semaphore_mem>>
      %dma_start3A_279 = arith.constant 0 : i32
      %dma_start3A_280 = tpu.memref_slice %arg11[%add3A_10, %dma_start3A_279] : memref<10240x128xf32, #tpu.memory_space<vmem_shared>> -> memref<104x128xf32, #tpu.memory_space<vmem_shared>>
      %dma_start3A_281 = arith.constant 0 : i32
      %dma_start3A_282 = tpu.memref_slice %arg11[%add3A_10, %dma_start3A_281] : memref<10240x128xf32, #tpu.memory_space<vmem_shared>> -> memref<104x128xf32, #tpu.memory_space<vmem_shared>>
      tpu.enqueue_dma source(%arg9 : memref<104x128xf32, #tpu.memory_space<vmem>>) target(%dma_start3A_282 : memref<104x128xf32, #tpu.memory_space<vmem_shared>>) target_semaphore(%run_scoped3A_278 : memref<!tpu.dma_semaphore, #tpu.memory_space<semaphore_mem>>)
      %dma_wait3A_283 = arith.constant 0 : i32
      %dma_wait3A_284 = tpu.memref_slice %arg11[%add3A_10, %dma_wait3A_283] : memref<10240x128xf32, #tpu.memory_space<vmem_shared>> -> memref<104x128xf32, #tpu.memory_space<vmem_shared>>
      %dma_wait3A_285 = arith.constant 0 : i32
      %dma_wait3A_286 = tpu.memref_slice %arg11[%add3A_10, %dma_wait3A_285] : memref<10240x128xf32, #tpu.memory_space<vmem_shared>> -> memref<104x128xf32, #tpu.memory_space<vmem_shared>>
      tpu.wait_dma2 semaphore(%run_scoped3A_278 : memref<!tpu.dma_semaphore, #tpu.memory_space<semaphore_mem>>) src(%arg9 : memref<104x128xf32, #tpu.memory_space<vmem>>) dst(%dma_wait3A_286 : memref<104x128xf32, #tpu.memory_space<vmem_shared>>)
      tpu.yield
    }) : () -> ()
    %mul3A_11 = arith.constant 640 : i32
    %mul3A_12 = arith.muli %arg1, %mul3A_11 : i32
    %add3A_13 = arith.constant 208 : i32
    %add3A_14 = arith.addi %mul3A_12, %add3A_13 : i32
    "tpu.region"() ({
      %run_scoped3A_278 = tpu.sem_alloc : memref<!tpu.dma_semaphore, #tpu.memory_space<semaphore_mem>>
      %dma_start3A_279 = arith.constant 0 : i32
      %dma_start3A_280 = tpu.memref_slice %arg11[%add3A_14, %dma_start3A_279] : memref<10240x128xf32, #tpu.memory_space<vmem_shared>> -> memref<104x128xf32, #tpu.memory_space<vmem_shared>>
      %dma_start3A_281 = arith.constant 0 : i32
      %dma_start3A_282 = tpu.memref_slice %arg11[%add3A_14, %dma_start3A_281] : memref<10240x128xf32, #tpu.memory_space<vmem_shared>> -> memref<104x128xf32, #tpu.memory_space<vmem_shared>>
      tpu.enqueue_dma source(%arg9 : memref<104x128xf32, #tpu.memory_space<vmem>>) target(%dma_start3A_282 : memref<104x128xf32, #tpu.memory_space<vmem_shared>>) target_semaphore(%run_scoped3A_278 : memref<!tpu.dma_semaphore, #tpu.memory_space<semaphore_mem>>)
      %dma_wait3A_283 = arith.constant 0 : i32
      %dma_wait3A_284 = tpu.memref_slice %arg11[%add3A_14, %dma_wait3A_283] : memref<10240x128xf32, #tpu.memory_space<vmem_shared>> -> memref<104x128xf32, #tpu.memory_space<vmem_shared>>
      %dma_wait3A_285 = arith.constant 0 : i32
      %dma_wait3A_286 = tpu.memref_slice %arg11[%add3A_14, %dma_wait3A_285] : memref<10240x128xf32, #tpu.memory_space<vmem_shared>> -> memref<104x128xf32, #tpu.memory_space<vmem_shared>>
      tpu.wait_dma2 semaphore(%run_scoped3A_278 : memref<!tpu.dma_semaphore, #tpu.memory_space<semaphore_mem>>) src(%arg9 : memref<104x128xf32, #tpu.memory_space<vmem>>) dst(%dma_wait3A_286 : memref<104x128xf32, #tpu.memory_space<vmem_shared>>)
      tpu.yield
    }) : () -> ()
    %mul3A_15 = arith.constant 640 : i32
    %mul3A_16 = arith.muli %arg1, %mul3A_15 : i32
    %add3A_17 = arith.constant 312 : i32
    %add3A_18 = arith.addi %mul3A_16, %add3A_17 : i32
    "tpu.region"() ({
      %run_scoped3A_278 = tpu.sem_alloc : memref<!tpu.dma_semaphore, #tpu.memory_space<semaphore_mem>>
      %dma_start3A_279 = arith.constant 0 : i32
      %dma_start3A_280 = tpu.memref_slice %arg11[%add3A_18, %dma_start3A_279] : memref<10240x128xf32, #tpu.memory_space<vmem_shared>> -> memref<104x128xf32, #tpu.memory_space<vmem_shared>>
      %dma_start3A_281 = arith.constant 0 : i32
      %dma_start3A_282 = tpu.memref_slice %arg11[%add3A_18, %dma_start3A_281] : memref<10240x128xf32, #tpu.memory_space<vmem_shared>> -> memref<104x128xf32, #tpu.memory_space<vmem_shared>>
      tpu.enqueue_dma source(%arg9 : memref<104x128xf32, #tpu.memory_space<vmem>>) target(%dma_start3A_282 : memref<104x128xf32, #tpu.memory_space<vmem_shared>>) target_semaphore(%run_scoped3A_278 : memref<!tpu.dma_semaphore, #tpu.memory_space<semaphore_mem>>)
      %dma_wait3A_283 = arith.constant 0 : i32
      %dma_wait3A_284 = tpu.memref_slice %arg11[%add3A_18, %dma_wait3A_283] : memref<10240x128xf32, #tpu.memory_space<vmem_shared>> -> memref<104x128xf32, #tpu.memory_space<vmem_shared>>
      %dma_wait3A_285 = arith.constant 0 : i32
      %dma_wait3A_286 = tpu.memref_slice %arg11[%add3A_18, %dma_wait3A_285] : memref<10240x128xf32, #tpu.memory_space<vmem_shared>> -> memref<104x128xf32, #tpu.memory_space<vmem_shared>>
      tpu.wait_dma2 semaphore(%run_scoped3A_278 : memref<!tpu.dma_semaphore, #tpu.memory_space<semaphore_mem>>) src(%arg9 : memref<104x128xf32, #tpu.memory_space<vmem>>) dst(%dma_wait3A_286 : memref<104x128xf32, #tpu.memory_space<vmem_shared>>)
      tpu.yield
    }) : () -> ()
    %mul3A_19 = arith.constant 640 : i32
    %mul3A_20 = arith.muli %arg1, %mul3A_19 : i32
    %add3A_21 = arith.constant 416 : i32
    %add3A_22 = arith.addi %mul3A_20, %add3A_21 : i32
    "tpu.region"() ({
      %run_scoped3A_278 = tpu.sem_alloc : memref<!tpu.dma_semaphore, #tpu.memory_space<semaphore_mem>>
      %dma_start3A_279 = arith.constant 0 : i32
      %dma_start3A_280 = tpu.memref_slice %arg11[%add3A_22, %dma_start3A_279] : memref<10240x128xf32, #tpu.memory_space<vmem_shared>> -> memref<104x128xf32, #tpu.memory_space<vmem_shared>>
      %dma_start3A_281 = arith.constant 0 : i32
      %dma_start3A_282 = tpu.memref_slice %arg11[%add3A_22, %dma_start3A_281] : memref<10240x128xf32, #tpu.memory_space<vmem_shared>> -> memref<104x128xf32, #tpu.memory_space<vmem_shared>>
      tpu.enqueue_dma source(%arg9 : memref<104x128xf32, #tpu.memory_space<vmem>>) target(%dma_start3A_282 : memref<104x128xf32, #tpu.memory_space<vmem_shared>>) target_semaphore(%run_scoped3A_278 : memref<!tpu.dma_semaphore, #tpu.memory_space<semaphore_mem>>)
      %dma_wait3A_283 = arith.constant 0 : i32
      %dma_wait3A_284 = tpu.memref_slice %arg11[%add3A_22, %dma_wait3A_283] : memref<10240x128xf32, #tpu.memory_space<vmem_shared>> -> memref<104x128xf32, #tpu.memory_space<vmem_shared>>
      %dma_wait3A_285 = arith.constant 0 : i32
      %dma_wait3A_286 = tpu.memref_slice %arg11[%add3A_22, %dma_wait3A_285] : memref<10240x128xf32, #tpu.memory_space<vmem_shared>> -> memref<104x128xf32, #tpu.memory_space<vmem_shared>>
      tpu.wait_dma2 semaphore(%run_scoped3A_278 : memref<!tpu.dma_semaphore, #tpu.memory_space<semaphore_mem>>) src(%arg9 : memref<104x128xf32, #tpu.memory_space<vmem>>) dst(%dma_wait3A_286 : memref<104x128xf32, #tpu.memory_space<vmem_shared>>)
      tpu.yield
    }) : () -> ()
    %mul3A_23 = arith.constant 640 : i32
    %mul3A_24 = arith.muli %arg1, %mul3A_23 : i32
    %add3A_25 = arith.constant 520 : i32
    %add3A_26 = arith.addi %mul3A_24, %add3A_25 : i32
    "tpu.region"() ({
      %run_scoped3A_278 = tpu.sem_alloc : memref<!tpu.dma_semaphore, #tpu.memory_space<semaphore_mem>>
      %dma_start3A_279 = arith.constant 0 : i32
      %dma_start3A_280 = tpu.memref_slice %arg11[%add3A_26, %dma_start3A_279] : memref<10240x128xf32, #tpu.memory_space<vmem_shared>> -> memref<104x128xf32, #tpu.memory_space<vmem_shared>>
      %dma_start3A_281 = arith.constant 0 : i32
      %dma_start3A_282 = tpu.memref_slice %arg11[%add3A_26, %dma_start3A_281] : memref<10240x128xf32, #tpu.memory_space<vmem_shared>> -> memref<104x128xf32, #tpu.memory_space<vmem_shared>>
      tpu.enqueue_dma source(%arg9 : memref<104x128xf32, #tpu.memory_space<vmem>>) target(%dma_start3A_282 : memref<104x128xf32, #tpu.memory_space<vmem_shared>>) target_semaphore(%run_scoped3A_278 : memref<!tpu.dma_semaphore, #tpu.memory_space<semaphore_mem>>)
      %dma_wait3A_283 = arith.constant 0 : i32
      %dma_wait3A_284 = tpu.memref_slice %arg11[%add3A_26, %dma_wait3A_283] : memref<10240x128xf32, #tpu.memory_space<vmem_shared>> -> memref<104x128xf32, #tpu.memory_space<vmem_shared>>
      %dma_wait3A_285 = arith.constant 0 : i32
      %dma_wait3A_286 = tpu.memref_slice %arg11[%add3A_26, %dma_wait3A_285] : memref<10240x128xf32, #tpu.memory_space<vmem_shared>> -> memref<104x128xf32, #tpu.memory_space<vmem_shared>>
      tpu.wait_dma2 semaphore(%run_scoped3A_278 : memref<!tpu.dma_semaphore, #tpu.memory_space<semaphore_mem>>) src(%arg9 : memref<104x128xf32, #tpu.memory_space<vmem>>) dst(%dma_wait3A_286 : memref<104x128xf32, #tpu.memory_space<vmem_shared>>)
      tpu.yield
    }) : () -> ()
    %mul3A_27 = arith.constant 640 : i32
    %mul3A_28 = arith.muli %arg1, %mul3A_27 : i32
    %add3A_29 = arith.constant 624 : i32
    %add3A_30 = arith.addi %mul3A_28, %add3A_29 : i32
    "tpu.region"() ({
      %run_scoped3A_278 = tpu.sem_alloc : memref<!tpu.dma_semaphore, #tpu.memory_space<semaphore_mem>>
      %dma_start3A_279 = arith.constant 0 : i32
      %dma_start3A_280 = arith.constant 0 : i32
      %dma_start3A_281 = tpu.memref_slice %arg9[%dma_start3A_279, %dma_start3A_280] : memref<104x128xf32, #tpu.memory_space<vmem>> -> memref<16x128xf32, #tpu.memory_space<vmem>>
      %dma_start3A_282 = arith.constant 0 : i32
      %dma_start3A_283 = tpu.memref_slice %arg11[%add3A_30, %dma_start3A_282] : memref<10240x128xf32, #tpu.memory_space<vmem_shared>> -> memref<16x128xf32, #tpu.memory_space<vmem_shared>>
      %dma_start3A_284 = arith.constant 0 : i32
      %dma_start3A_285 = tpu.memref_slice %arg11[%add3A_30, %dma_start3A_284] : memref<10240x128xf32, #tpu.memory_space<vmem_shared>> -> memref<16x128xf32, #tpu.memory_space<vmem_shared>>
      %dma_start3A_286 = arith.constant 0 : i32
      %dma_start3A_287 = arith.constant 0 : i32
      %dma_start3A_288 = tpu.memref_slice %arg9[%dma_start3A_286, %dma_start3A_287] : memref<104x128xf32, #tpu.memory_space<vmem>> -> memref<16x128xf32, #tpu.memory_space<vmem>>
      tpu.enqueue_dma source(%dma_start3A_288 : memref<16x128xf32, #tpu.memory_space<vmem>>) target(%dma_start3A_285 : memref<16x128xf32, #tpu.memory_space<vmem_shared>>) target_semaphore(%run_scoped3A_278 : memref<!tpu.dma_semaphore, #tpu.memory_space<semaphore_mem>>)
      %dma_wait3A_289 = arith.constant 0 : i32
      %dma_wait3A_290 = arith.constant 0 : i32
      %dma_wait3A_291 = tpu.memref_slice %arg9[%dma_wait3A_289, %dma_wait3A_290] : memref<104x128xf32, #tpu.memory_space<vmem>> -> memref<16x128xf32, #tpu.memory_space<vmem>>
      %dma_wait3A_292 = arith.constant 0 : i32
      %dma_wait3A_293 = tpu.memref_slice %arg11[%add3A_30, %dma_wait3A_292] : memref<10240x128xf32, #tpu.memory_space<vmem_shared>> -> memref<16x128xf32, #tpu.memory_space<vmem_shared>>
      %dma_wait3A_294 = arith.constant 0 : i32
      %dma_wait3A_295 = tpu.memref_slice %arg11[%add3A_30, %dma_wait3A_294] : memref<10240x128xf32, #tpu.memory_space<vmem_shared>> -> memref<16x128xf32, #tpu.memory_space<vmem_shared>>
      %dma_wait3A_296 = arith.constant 0 : i32
      %dma_wait3A_297 = arith.constant 0 : i32
      %dma_wait3A_298 = tpu.memref_slice %arg9[%dma_wait3A_296, %dma_wait3A_297] : memref<104x128xf32, #tpu.memory_space<vmem>> -> memref<16x128xf32, #tpu.memory_space<vmem>>
      tpu.wait_dma2 semaphore(%run_scoped3A_278 : memref<!tpu.dma_semaphore, #tpu.memory_space<semaphore_mem>>) src(%dma_wait3A_298 : memref<16x128xf32, #tpu.memory_space<vmem>>) dst(%dma_wait3A_295 : memref<16x128xf32, #tpu.memory_space<vmem_shared>>)
      tpu.yield
    }) : () -> ()
    %barrier3A = arith.constant 0 : index
    tpu.barrier barrier_id(%barrier3A)
    %run_scoped3A = arith.constant 0 : i32
    %run_scoped3A_31 = arith.constant 0 : i32
    "tpu.region"() ({
      %run_scoped3A_278 = tpu.sem_alloc : memref<!tpu.dma_semaphore, #tpu.memory_space<semaphore_mem>>
      %dma_start3A_279 = arith.constant 0 : i32
      %dma_start3A_280 = arith.constant 0 : i32
      %dma_start3A_281 = tpu.memref_slice %arg5[%run_scoped3A_31, %dma_start3A_279, %dma_start3A_280] : memref<4x2x104xi32, #tpu.memory_space<vmem>> -> memref<1x2x104xi32, #tpu.memory_space<vmem>>
      %dma_start3A_282 = tpu.memref_squeeze %dma_start3A_281 : memref<1x2x104xi32, #tpu.memory_space<vmem>> -> memref<2x104xi32, #tpu.memory_space<vmem>>
      %dma_start3A_283 = arith.constant 0 : i32
      %dma_start3A_284 = arith.constant 0 : i32
      %dma_start3A_285 = tpu.memref_slice %arg3[%arg0, %arg1, %run_scoped3A, %dma_start3A_283, %dma_start3A_284] : memref<2x16x196x2x104xi32, #tpu.memory_space<hbm>> -> memref<1x1x1x2x104xi32, #tpu.memory_space<hbm>>
      %dma_start3A_286 = tpu.memref_squeeze %dma_start3A_285 : memref<1x1x1x2x104xi32, #tpu.memory_space<hbm>> -> memref<2x104xi32, #tpu.memory_space<hbm>>
      %dma_start3A_287 = arith.constant 0 : i32
      %dma_start3A_288 = arith.constant 0 : i32
      %dma_start3A_289 = tpu.memref_slice %arg5[%run_scoped3A_31, %dma_start3A_287, %dma_start3A_288] : memref<4x2x104xi32, #tpu.memory_space<vmem>> -> memref<1x2x104xi32, #tpu.memory_space<vmem>>
      %dma_start3A_290 = tpu.memref_squeeze %dma_start3A_289 : memref<1x2x104xi32, #tpu.memory_space<vmem>> -> memref<2x104xi32, #tpu.memory_space<vmem>>
      %dma_start3A_291 = arith.constant 0 : i32
      %dma_start3A_292 = arith.constant 0 : i32
      %dma_start3A_293 = tpu.memref_slice %arg3[%arg0, %arg1, %run_scoped3A, %dma_start3A_291, %dma_start3A_292] : memref<2x16x196x2x104xi32, #tpu.memory_space<hbm>> -> memref<1x1x1x2x104xi32, #tpu.memory_space<hbm>>
      %dma_start3A_294 = tpu.memref_squeeze %dma_start3A_293 : memref<1x1x1x2x104xi32, #tpu.memory_space<hbm>> -> memref<2x104xi32, #tpu.memory_space<hbm>>
      tpu.enqueue_dma source(%dma_start3A_294 : memref<2x104xi32, #tpu.memory_space<hbm>>) target(%dma_start3A_290 : memref<2x104xi32, #tpu.memory_space<vmem>>) target_semaphore(%run_scoped3A_278 : memref<!tpu.dma_semaphore, #tpu.memory_space<semaphore_mem>>)
      %dma_wait3A_295 = arith.constant 0 : i32
      %dma_wait3A_296 = arith.constant 0 : i32
      %dma_wait3A_297 = tpu.memref_slice %arg5[%run_scoped3A_31, %dma_wait3A_295, %dma_wait3A_296] : memref<4x2x104xi32, #tpu.memory_space<vmem>> -> memref<1x2x104xi32, #tpu.memory_space<vmem>>
      %dma_wait3A_298 = tpu.memref_squeeze %dma_wait3A_297 : memref<1x2x104xi32, #tpu.memory_space<vmem>> -> memref<2x104xi32, #tpu.memory_space<vmem>>
      %dma_wait3A_299 = arith.constant 0 : i32
      %dma_wait3A_300 = arith.constant 0 : i32
      %dma_wait3A_301 = tpu.memref_slice %arg3[%arg0, %arg1, %run_scoped3A, %dma_wait3A_299, %dma_wait3A_300] : memref<2x16x196x2x104xi32, #tpu.memory_space<hbm>> -> memref<1x1x1x2x104xi32, #tpu.memory_space<hbm>>
      %dma_wait3A_302 = tpu.memref_squeeze %dma_wait3A_301 : memref<1x1x1x2x104xi32, #tpu.memory_space<hbm>> -> memref<2x104xi32, #tpu.memory_space<hbm>>
      %dma_wait3A_303 = arith.constant 0 : i32
      %dma_wait3A_304 = arith.constant 0 : i32
      %dma_wait3A_305 = tpu.memref_slice %arg5[%run_scoped3A_31, %dma_wait3A_303, %dma_wait3A_304] : memref<4x2x104xi32, #tpu.memory_space<vmem>> -> memref<1x2x104xi32, #tpu.memory_space<vmem>>
      %dma_wait3A_306 = tpu.memref_squeeze %dma_wait3A_305 : memref<1x2x104xi32, #tpu.memory_space<vmem>> -> memref<2x104xi32, #tpu.memory_space<vmem>>
      %dma_wait3A_307 = arith.constant 0 : i32
      %dma_wait3A_308 = arith.constant 0 : i32
      %dma_wait3A_309 = tpu.memref_slice %arg3[%arg0, %arg1, %run_scoped3A, %dma_wait3A_307, %dma_wait3A_308] : memref<2x16x196x2x104xi32, #tpu.memory_space<hbm>> -> memref<1x1x1x2x104xi32, #tpu.memory_space<hbm>>
      %dma_wait3A_310 = tpu.memref_squeeze %dma_wait3A_309 : memref<1x1x1x2x104xi32, #tpu.memory_space<hbm>> -> memref<2x104xi32, #tpu.memory_space<hbm>>
      tpu.wait_dma2 semaphore(%run_scoped3A_278 : memref<!tpu.dma_semaphore, #tpu.memory_space<semaphore_mem>>) src(%dma_wait3A_310 : memref<2x104xi32, #tpu.memory_space<hbm>>) dst(%dma_wait3A_306 : memref<2x104xi32, #tpu.memory_space<vmem>>)
      tpu.yield
    }) : () -> ()
    %dma_start3A = arith.constant 0 : i32
    %dma_start3A_32 = arith.constant 0 : i32
    %dma_start3A_33 = arith.constant 0 : i32
    %dma_start3A_34 = arith.constant 0 : i32
    %dma_start3A_35 = tpu.memref_slice %arg5[%dma_start3A, %dma_start3A_33, %dma_start3A_34] : memref<4x2x104xi32, #tpu.memory_space<vmem>> -> memref<1x2x104xi32, #tpu.memory_space<vmem>>
    %dma_start3A_36 = tpu.memref_squeeze %dma_start3A_35 : memref<1x2x104xi32, #tpu.memory_space<vmem>> -> memref<2x104xi32, #tpu.memory_space<vmem>>
    %dma_start3A_37 = arith.constant 0 : i32
    %dma_start3A_38 = tpu.memref_slice %dma_start3A_36[%dma_start3A_32, %dma_start3A_37] : memref<2x104xi32, #tpu.memory_space<vmem>> -> memref<1x104xi32, #tpu.memory_space<vmem>>
    %dma_start3A_39 = tpu.memref_squeeze %dma_start3A_38 : memref<1x104xi32, #tpu.memory_space<vmem>> -> memref<104xi32, #tpu.memory_space<vmem>>
    %dma_start3A_40 = arith.constant 0 : i32
    %dma_start3A_41 = arith.constant 0 : i32
    %dma_start3A_42 = tpu.memref_slice %arg2[%dma_start3A_40, %dma_start3A_41] : memref<20000x64xi32, #tpu.memory_space<hbm>> -> memref<20000x64xi32, #tpu.memory_space<hbm>>
    tpu.enqueue_indirect_dma source(%dma_start3A_42 : memref<20000x64xi32, #tpu.memory_space<hbm>>) target(%arg6 : memref<104x64xi32, #tpu.memory_space<vmem>>) offsets(%dma_start3A_39 : memref<104xi32, #tpu.memory_space<vmem>>) semaphore(%arg12 : memref<!tpu.dma_semaphore, #tpu.memory_space<semaphore_mem>>)
    %run_scoped3A_43 = arith.constant 1 : i32
    %run_scoped3A_44 = arith.constant 1 : i32
    "tpu.region"() ({
      %run_scoped3A_278 = tpu.sem_alloc : memref<!tpu.dma_semaphore, #tpu.memory_space<semaphore_mem>>
      %dma_start3A_279 = arith.constant 0 : i32
      %dma_start3A_280 = arith.constant 0 : i32
      %dma_start3A_281 = tpu.memref_slice %arg5[%run_scoped3A_44, %dma_start3A_279, %dma_start3A_280] : memref<4x2x104xi32, #tpu.memory_space<vmem>> -> memref<1x2x104xi32, #tpu.memory_space<vmem>>
      %dma_start3A_282 = tpu.memref_squeeze %dma_start3A_281 : memref<1x2x104xi32, #tpu.memory_space<vmem>> -> memref<2x104xi32, #tpu.memory_space<vmem>>
      %dma_start3A_283 = arith.constant 0 : i32
      %dma_start3A_284 = arith.constant 0 : i32
      %dma_start3A_285 = tpu.memref_slice %arg3[%arg0, %arg1, %run_scoped3A_43, %dma_start3A_283, %dma_start3A_284] : memref<2x16x196x2x104xi32, #tpu.memory_space<hbm>> -> memref<1x1x1x2x104xi32, #tpu.memory_space<hbm>>
      %dma_start3A_286 = tpu.memref_squeeze %dma_start3A_285 : memref<1x1x1x2x104xi32, #tpu.memory_space<hbm>> -> memref<2x104xi32, #tpu.memory_space<hbm>>
      %dma_start3A_287 = arith.constant 0 : i32
      %dma_start3A_288 = arith.constant 0 : i32
      %dma_start3A_289 = tpu.memref_slice %arg5[%run_scoped3A_44, %dma_start3A_287, %dma_start3A_288] : memref<4x2x104xi32, #tpu.memory_space<vmem>> -> memref<1x2x104xi32, #tpu.memory_space<vmem>>
      %dma_start3A_290 = tpu.memref_squeeze %dma_start3A_289 : memref<1x2x104xi32, #tpu.memory_space<vmem>> -> memref<2x104xi32, #tpu.memory_space<vmem>>
      %dma_start3A_291 = arith.constant 0 : i32
      %dma_start3A_292 = arith.constant 0 : i32
      %dma_start3A_293 = tpu.memref_slice %arg3[%arg0, %arg1, %run_scoped3A_43, %dma_start3A_291, %dma_start3A_292] : memref<2x16x196x2x104xi32, #tpu.memory_space<hbm>> -> memref<1x1x1x2x104xi32, #tpu.memory_space<hbm>>
      %dma_start3A_294 = tpu.memref_squeeze %dma_start3A_293 : memref<1x1x1x2x104xi32, #tpu.memory_space<hbm>> -> memref<2x104xi32, #tpu.memory_space<hbm>>
      tpu.enqueue_dma source(%dma_start3A_294 : memref<2x104xi32, #tpu.memory_space<hbm>>) target(%dma_start3A_290 : memref<2x104xi32, #tpu.memory_space<vmem>>) target_semaphore(%run_scoped3A_278 : memref<!tpu.dma_semaphore, #tpu.memory_space<semaphore_mem>>)
      %dma_wait3A_295 = arith.constant 0 : i32
      %dma_wait3A_296 = arith.constant 0 : i32
      %dma_wait3A_297 = tpu.memref_slice %arg5[%run_scoped3A_44, %dma_wait3A_295, %dma_wait3A_296] : memref<4x2x104xi32, #tpu.memory_space<vmem>> -> memref<1x2x104xi32, #tpu.memory_space<vmem>>
      %dma_wait3A_298 = tpu.memref_squeeze %dma_wait3A_297 : memref<1x2x104xi32, #tpu.memory_space<vmem>> -> memref<2x104xi32, #tpu.memory_space<vmem>>
      %dma_wait3A_299 = arith.constant 0 : i32
      %dma_wait3A_300 = arith.constant 0 : i32
      %dma_wait3A_301 = tpu.memref_slice %arg3[%arg0, %arg1, %run_scoped3A_43, %dma_wait3A_299, %dma_wait3A_300] : memref<2x16x196x2x104xi32, #tpu.memory_space<hbm>> -> memref<1x1x1x2x104xi32, #tpu.memory_space<hbm>>
      %dma_wait3A_302 = tpu.memref_squeeze %dma_wait3A_301 : memref<1x1x1x2x104xi32, #tpu.memory_space<hbm>> -> memref<2x104xi32, #tpu.memory_space<hbm>>
      %dma_wait3A_303 = arith.constant 0 : i32
      %dma_wait3A_304 = arith.constant 0 : i32
      %dma_wait3A_305 = tpu.memref_slice %arg5[%run_scoped3A_44, %dma_wait3A_303, %dma_wait3A_304] : memref<4x2x104xi32, #tpu.memory_space<vmem>> -> memref<1x2x104xi32, #tpu.memory_space<vmem>>
      %dma_wait3A_306 = tpu.memref_squeeze %dma_wait3A_305 : memref<1x2x104xi32, #tpu.memory_space<vmem>> -> memref<2x104xi32, #tpu.memory_space<vmem>>
      %dma_wait3A_307 = arith.constant 0 : i32
      %dma_wait3A_308 = arith.constant 0 : i32
      %dma_wait3A_309 = tpu.memref_slice %arg3[%arg0, %arg1, %run_scoped3A_43, %dma_wait3A_307, %dma_wait3A_308] : memref<2x16x196x2x104xi32, #tpu.memory_space<hbm>> -> memref<1x1x1x2x104xi32, #tpu.memory_space<hbm>>
      %dma_wait3A_310 = tpu.memref_squeeze %dma_wait3A_309 : memref<1x1x1x2x104xi32, #tpu.memory_space<hbm>> -> memref<2x104xi32, #tpu.memory_space<hbm>>
      tpu.wait_dma2 semaphore(%run_scoped3A_278 : memref<!tpu.dma_semaphore, #tpu.memory_space<semaphore_mem>>) src(%dma_wait3A_310 : memref<2x104xi32, #tpu.memory_space<hbm>>) dst(%dma_wait3A_306 : memref<2x104xi32, #tpu.memory_space<vmem>>)
      tpu.yield
    }) : () -> ()
    %dma_start3A_45 = arith.constant 1 : i32
    %dma_start3A_46 = arith.constant 0 : i32
    %dma_start3A_47 = arith.constant 0 : i32
    %dma_start3A_48 = arith.constant 0 : i32
    %dma_start3A_49 = tpu.memref_slice %arg5[%dma_start3A_45, %dma_start3A_47, %dma_start3A_48] : memref<4x2x104xi32, #tpu.memory_space<vmem>> -> memref<1x2x104xi32, #tpu.memory_space<vmem>>
    %dma_start3A_50 = tpu.memref_squeeze %dma_start3A_49 : memref<1x2x104xi32, #tpu.memory_space<vmem>> -> memref<2x104xi32, #tpu.memory_space<vmem>>
    %dma_start3A_51 = arith.constant 0 : i32
    %dma_start3A_52 = tpu.memref_slice %dma_start3A_50[%dma_start3A_46, %dma_start3A_51] : memref<2x104xi32, #tpu.memory_space<vmem>> -> memref<1x104xi32, #tpu.memory_space<vmem>>
    %dma_start3A_53 = tpu.memref_squeeze %dma_start3A_52 : memref<1x104xi32, #tpu.memory_space<vmem>> -> memref<104xi32, #tpu.memory_space<vmem>>
    %dma_start3A_54 = arith.constant 0 : i32
    %dma_start3A_55 = arith.constant 0 : i32
    %dma_start3A_56 = tpu.memref_slice %arg2[%dma_start3A_54, %dma_start3A_55] : memref<20000x64xi32, #tpu.memory_space<hbm>> -> memref<20000x64xi32, #tpu.memory_space<hbm>>
    tpu.enqueue_indirect_dma source(%dma_start3A_56 : memref<20000x64xi32, #tpu.memory_space<hbm>>) target(%arg7 : memref<104x64xi32, #tpu.memory_space<vmem>>) offsets(%dma_start3A_53 : memref<104xi32, #tpu.memory_space<vmem>>) semaphore(%arg13 : memref<!tpu.dma_semaphore, #tpu.memory_space<semaphore_mem>>)
    %dma_wait3A = arith.constant 0 : i32
    %dma_wait3A_57 = arith.constant 0 : i32
    %dma_wait3A_58 = arith.constant 0 : i32
    %dma_wait3A_59 = arith.constant 0 : i32
    %dma_wait3A_60 = tpu.memref_slice %arg5[%dma_wait3A, %dma_wait3A_58, %dma_wait3A_59] : memref<4x2x104xi32, #tpu.memory_space<vmem>> -> memref<1x2x104xi32, #tpu.memory_space<vmem>>
    %dma_wait3A_61 = tpu.memref_squeeze %dma_wait3A_60 : memref<1x2x104xi32, #tpu.memory_space<vmem>> -> memref<2x104xi32, #tpu.memory_space<vmem>>
    %dma_wait3A_62 = arith.constant 0 : i32
    %dma_wait3A_63 = tpu.memref_slice %dma_wait3A_61[%dma_wait3A_57, %dma_wait3A_62] : memref<2x104xi32, #tpu.memory_space<vmem>> -> memref<1x104xi32, #tpu.memory_space<vmem>>
    %dma_wait3A_64 = tpu.memref_squeeze %dma_wait3A_63 : memref<1x104xi32, #tpu.memory_space<vmem>> -> memref<104xi32, #tpu.memory_space<vmem>>
    %dma_wait3A_65 = arith.constant 0 : i32
    %dma_wait3A_66 = arith.constant 0 : i32
    %dma_wait3A_67 = tpu.memref_slice %arg2[%dma_wait3A_65, %dma_wait3A_66] : memref<20000x64xi32, #tpu.memory_space<hbm>> -> memref<20000x64xi32, #tpu.memory_space<hbm>>
    tpu.wait_indirect_dma semaphore(%arg12 : memref<!tpu.dma_semaphore, #tpu.memory_space<semaphore_mem>>) src(%dma_wait3A_67 : memref<20000x64xi32, #tpu.memory_space<hbm>>) dst(%arg6 : memref<104x64xi32, #tpu.memory_space<vmem>>)
    %run_scoped3A_68 = arith.constant 2 : i32
    %run_scoped3A_69 = arith.constant 2 : i32
    "tpu.region"() ({
      %run_scoped3A_278 = tpu.sem_alloc : memref<!tpu.dma_semaphore, #tpu.memory_space<semaphore_mem>>
      %dma_start3A_279 = arith.constant 0 : i32
      %dma_start3A_280 = arith.constant 0 : i32
      %dma_start3A_281 = tpu.memref_slice %arg5[%run_scoped3A_69, %dma_start3A_279, %dma_start3A_280] : memref<4x2x104xi32, #tpu.memory_space<vmem>> -> memref<1x2x104xi32, #tpu.memory_space<vmem>>
      %dma_start3A_282 = tpu.memref_squeeze %dma_start3A_281 : memref<1x2x104xi32, #tpu.memory_space<vmem>> -> memref<2x104xi32, #tpu.memory_space<vmem>>
      %dma_start3A_283 = arith.constant 0 : i32
      %dma_start3A_284 = arith.constant 0 : i32
      %dma_start3A_285 = tpu.memref_slice %arg3[%arg0, %arg1, %run_scoped3A_68, %dma_start3A_283, %dma_start3A_284] : memref<2x16x196x2x104xi32, #tpu.memory_space<hbm>> -> memref<1x1x1x2x104xi32, #tpu.memory_space<hbm>>
      %dma_start3A_286 = tpu.memref_squeeze %dma_start3A_285 : memref<1x1x1x2x104xi32, #tpu.memory_space<hbm>> -> memref<2x104xi32, #tpu.memory_space<hbm>>
      %dma_start3A_287 = arith.constant 0 : i32
      %dma_start3A_288 = arith.constant 0 : i32
      %dma_start3A_289 = tpu.memref_slice %arg5[%run_scoped3A_69, %dma_start3A_287, %dma_start3A_288] : memref<4x2x104xi32, #tpu.memory_space<vmem>> -> memref<1x2x104xi32, #tpu.memory_space<vmem>>
      %dma_start3A_290 = tpu.memref_squeeze %dma_start3A_289 : memref<1x2x104xi32, #tpu.memory_space<vmem>> -> memref<2x104xi32, #tpu.memory_space<vmem>>
      %dma_start3A_291 = arith.constant 0 : i32
      %dma_start3A_292 = arith.constant 0 : i32
      %dma_start3A_293 = tpu.memref_slice %arg3[%arg0, %arg1, %run_scoped3A_68, %dma_start3A_291, %dma_start3A_292] : memref<2x16x196x2x104xi32, #tpu.memory_space<hbm>> -> memref<1x1x1x2x104xi32, #tpu.memory_space<hbm>>
      %dma_start3A_294 = tpu.memref_squeeze %dma_start3A_293 : memref<1x1x1x2x104xi32, #tpu.memory_space<hbm>> -> memref<2x104xi32, #tpu.memory_space<hbm>>
      tpu.enqueue_dma source(%dma_start3A_294 : memref<2x104xi32, #tpu.memory_space<hbm>>) target(%dma_start3A_290 : memref<2x104xi32, #tpu.memory_space<vmem>>) target_semaphore(%run_scoped3A_278 : memref<!tpu.dma_semaphore, #tpu.memory_space<semaphore_mem>>)
      %dma_wait3A_295 = arith.constant 0 : i32
      %dma_wait3A_296 = arith.constant 0 : i32
      %dma_wait3A_297 = tpu.memref_slice %arg5[%run_scoped3A_69, %dma_wait3A_295, %dma_wait3A_296] : memref<4x2x104xi32, #tpu.memory_space<vmem>> -> memref<1x2x104xi32, #tpu.memory_space<vmem>>
      %dma_wait3A_298 = tpu.memref_squeeze %dma_wait3A_297 : memref<1x2x104xi32, #tpu.memory_space<vmem>> -> memref<2x104xi32, #tpu.memory_space<vmem>>
      %dma_wait3A_299 = arith.constant 0 : i32
      %dma_wait3A_300 = arith.constant 0 : i32
      %dma_wait3A_301 = tpu.memref_slice %arg3[%arg0, %arg1, %run_scoped3A_68, %dma_wait3A_299, %dma_wait3A_300] : memref<2x16x196x2x104xi32, #tpu.memory_space<hbm>> -> memref<1x1x1x2x104xi32, #tpu.memory_space<hbm>>
      %dma_wait3A_302 = tpu.memref_squeeze %dma_wait3A_301 : memref<1x1x1x2x104xi32, #tpu.memory_space<hbm>> -> memref<2x104xi32, #tpu.memory_space<hbm>>
      %dma_wait3A_303 = arith.constant 0 : i32
      %dma_wait3A_304 = arith.constant 0 : i32
      %dma_wait3A_305 = tpu.memref_slice %arg5[%run_scoped3A_69, %dma_wait3A_303, %dma_wait3A_304] : memref<4x2x104xi32, #tpu.memory_space<vmem>> -> memref<1x2x104xi32, #tpu.memory_space<vmem>>
      %dma_wait3A_306 = tpu.memref_squeeze %dma_wait3A_305 : memref<1x2x104xi32, #tpu.memory_space<vmem>> -> memref<2x104xi32, #tpu.memory_space<vmem>>
      %dma_wait3A_307 = arith.constant 0 : i32
      %dma_wait3A_308 = arith.constant 0 : i32
      %dma_wait3A_309 = tpu.memref_slice %arg3[%arg0, %arg1, %run_scoped3A_68, %dma_wait3A_307, %dma_wait3A_308] : memref<2x16x196x2x104xi32, #tpu.memory_space<hbm>> -> memref<1x1x1x2x104xi32, #tpu.memory_space<hbm>>
      %dma_wait3A_310 = tpu.memref_squeeze %dma_wait3A_309 : memref<1x1x1x2x104xi32, #tpu.memory_space<hbm>> -> memref<2x104xi32, #tpu.memory_space<hbm>>
      tpu.wait_dma2 semaphore(%run_scoped3A_278 : memref<!tpu.dma_semaphore, #tpu.memory_space<semaphore_mem>>) src(%dma_wait3A_310 : memref<2x104xi32, #tpu.memory_space<hbm>>) dst(%dma_wait3A_306 : memref<2x104xi32, #tpu.memory_space<vmem>>)
      tpu.yield
    }) : () -> ()
    %dma_start3A_70 = arith.constant 2 : i32
    %dma_start3A_71 = arith.constant 0 : i32
    %dma_start3A_72 = arith.constant 0 : i32
    %dma_start3A_73 = arith.constant 0 : i32
    %dma_start3A_74 = tpu.memref_slice %arg5[%dma_start3A_70, %dma_start3A_72, %dma_start3A_73] : memref<4x2x104xi32, #tpu.memory_space<vmem>> -> memref<1x2x104xi32, #tpu.memory_space<vmem>>
    %dma_start3A_75 = tpu.memref_squeeze %dma_start3A_74 : memref<1x2x104xi32, #tpu.memory_space<vmem>> -> memref<2x104xi32, #tpu.memory_space<vmem>>
    %dma_start3A_76 = arith.constant 0 : i32
    %dma_start3A_77 = tpu.memref_slice %dma_start3A_75[%dma_start3A_71, %dma_start3A_76] : memref<2x104xi32, #tpu.memory_space<vmem>> -> memref<1x104xi32, #tpu.memory_space<vmem>>
    %dma_start3A_78 = tpu.memref_squeeze %dma_start3A_77 : memref<1x104xi32, #tpu.memory_space<vmem>> -> memref<104xi32, #tpu.memory_space<vmem>>
    %dma_start3A_79 = arith.constant 0 : i32
    %dma_start3A_80 = arith.constant 0 : i32
    %dma_start3A_81 = tpu.memref_slice %arg2[%dma_start3A_79, %dma_start3A_80] : memref<20000x64xi32, #tpu.memory_space<hbm>> -> memref<20000x64xi32, #tpu.memory_space<hbm>>
    tpu.enqueue_indirect_dma source(%dma_start3A_81 : memref<20000x64xi32, #tpu.memory_space<hbm>>) target(%arg8 : memref<104x64xi32, #tpu.memory_space<vmem>>) offsets(%dma_start3A_78 : memref<104xi32, #tpu.memory_space<vmem>>) semaphore(%arg14 : memref<!tpu.dma_semaphore, #tpu.memory_space<semaphore_mem>>)
    %broadcast_in_dim3A = arith.constant 16 : i32
    %broadcast_in_dim3A_82 = vector.broadcast %broadcast_in_dim3A : i32 to vector<16xi32>
    %broadcast_in_dim3A_83 = arith.constant -65536 : i32
    %broadcast_in_dim3A_84 = vector.broadcast %broadcast_in_dim3A_83 : i32 to vector<16xi32>
    %scan3A_85 = arith.constant 0 : i32
    %scan3A_86 = arith.constant 0 : i32
    %scan3A_87 = arith.constant 104 : i32
    %scan3A_88 = arith.addi %scan3A_86, %scan3A_87 : i32
    %scan3A_89 = arith.constant 1 : i32
    scf.for %scan3A_278 = %scan3A_86 to %scan3A_88 step %scan3A_89  : i32 {
      %get3A = arith.index_cast %scan3A_278 : i32 to index
      %get3A_279 = arith.constant 0 : index
      %get3A_280 = tpu.vector_load %arg6[%get3A, %get3A_279] {strides = array<i32>} : memref<104x64xi32, #tpu.memory_space<vmem>>, vector<1x16xi32>,
      %get3A_281 = vector.shape_cast %get3A_280 : vector<1x16xi32> to vector<16xi32>
      %shift_left3A = arith.shli %get3A_281, %broadcast_in_dim3A_82 : vector<16xi32>
      %bitcast_convert_type3A = tpu.bitcast %shift_left3A : vector<16xi32> -> vector<16xf32>
      %swap3A = arith.index_cast %scan3A_278 : i32 to index
      %swap3A_282 = arith.constant 0 : index
      %swap3A_283 = tpu.vector_load %arg9[%swap3A, %swap3A_282] {strides = array<i32>} : memref<104x128xf32, #tpu.memory_space<vmem>>, vector<1x16xf32>,
      %swap3A_284 = vector.shape_cast %swap3A_283 : vector<1x16xf32> to vector<16xf32>
      %swap3A_285 = vector.shape_cast %bitcast_convert_type3A : vector<16xf32> to vector<1x16xf32>
      tpu.vector_store %arg9[%swap3A, %swap3A_282], %swap3A_285 {strides = array<i32>} : memref<104x128xf32, #tpu.memory_space<vmem>>, vector<1x16xf32>,
      %and3A = arith.andi %get3A_281, %broadcast_in_dim3A_84 : vector<16xi32>
      %bitcast_convert_type3A_286 = tpu.bitcast %and3A : vector<16xi32> -> vector<16xf32>
      %swap3A_287 = arith.index_cast %scan3A_278 : i32 to index
      %swap3A_288 = arith.constant 16 : index
      %swap3A_289 = tpu.vector_load %arg9[%swap3A_287, %swap3A_288] {strides = array<i32>} : memref<104x128xf32, #tpu.memory_space<vmem>>, vector<1x16xf32>,
      %swap3A_290 = vector.shape_cast %swap3A_289 : vector<1x16xf32> to vector<16xf32>
      %swap3A_291 = vector.shape_cast %bitcast_convert_type3A_286 : vector<16xf32> to vector<1x16xf32>
      tpu.vector_store %arg9[%swap3A_287, %swap3A_288], %swap3A_291 {strides = array<i32>} : memref<104x128xf32, #tpu.memory_space<vmem>>, vector<1x16xf32>,
      %get3A_292 = arith.index_cast %scan3A_278 : i32 to index
      %get3A_293 = arith.constant 16 : index
      %get3A_294 = tpu.vector_load %arg6[%get3A_292, %get3A_293] {strides = array<i32>} : memref<104x64xi32, #tpu.memory_space<vmem>>, vector<1x16xi32>,
      %get3A_295 = vector.shape_cast %get3A_294 : vector<1x16xi32> to vector<16xi32>
      %shift_left3A_296 = arith.shli %get3A_295, %broadcast_in_dim3A_82 : vector<16xi32>
      %bitcast_convert_type3A_297 = tpu.bitcast %shift_left3A_296 : vector<16xi32> -> vector<16xf32>
      %swap3A_298 = arith.index_cast %scan3A_278 : i32 to index
      %swap3A_299 = arith.constant 32 : index
      %swap3A_300 = tpu.vector_load %arg9[%swap3A_298, %swap3A_299] {strides = array<i32>} : memref<104x128xf32, #tpu.memory_space<vmem>>, vector<1x16xf32>,
      %swap3A_301 = vector.shape_cast %swap3A_300 : vector<1x16xf32> to vector<16xf32>
      %swap3A_302 = vector.shape_cast %bitcast_convert_type3A_297 : vector<16xf32> to vector<1x16xf32>
      tpu.vector_store %arg9[%swap3A_298, %swap3A_299], %swap3A_302 {strides = array<i32>} : memref<104x128xf32, #tpu.memory_space<vmem>>, vector<1x16xf32>,
      %and3A_303 = arith.andi %get3A_295, %broadcast_in_dim3A_84 : vector<16xi32>
      %bitcast_convert_type3A_304 = tpu.bitcast %and3A_303 : vector<16xi32> -> vector<16xf32>
      %swap3A_305 = arith.index_cast %scan3A_278 : i32 to index
      %swap3A_306 = arith.constant 48 : index
      %swap3A_307 = tpu.vector_load %arg9[%swap3A_305, %swap3A_306] {strides = array<i32>} : memref<104x128xf32, #tpu.memory_space<vmem>>, vector<1x16xf32>,
      %swap3A_308 = vector.shape_cast %swap3A_307 : vector<1x16xf32> to vector<16xf32>
      %swap3A_309 = vector.shape_cast %bitcast_convert_type3A_304 : vector<16xf32> to vector<1x16xf32>
      tpu.vector_store %arg9[%swap3A_305, %swap3A_306], %swap3A_309 {strides = array<i32>} : memref<104x128xf32, #tpu.memory_space<vmem>>, vector<1x16xf32>,
      %get3A_310 = arith.index_cast %scan3A_278 : i32 to index
      %get3A_311 = arith.constant 32 : index
      %get3A_312 = tpu.vector_load %arg6[%get3A_310, %get3A_311] {strides = array<i32>} : memref<104x64xi32, #tpu.memory_space<vmem>>, vector<1x16xi32>,
      %get3A_313 = vector.shape_cast %get3A_312 : vector<1x16xi32> to vector<16xi32>
      %shift_left3A_314 = arith.shli %get3A_313, %broadcast_in_dim3A_82 : vector<16xi32>
      %bitcast_convert_type3A_315 = tpu.bitcast %shift_left3A_314 : vector<16xi32> -> vector<16xf32>
      %swap3A_316 = arith.index_cast %scan3A_278 : i32 to index
      %swap3A_317 = arith.constant 64 : index
      %swap3A_318 = tpu.vector_load %arg9[%swap3A_316, %swap3A_317] {strides = array<i32>} : memref<104x128xf32, #tpu.memory_space<vmem>>, vector<1x16xf32>,
      %swap3A_319 = vector.shape_cast %swap3A_318 : vector<1x16xf32> to vector<16xf32>
      %swap3A_320 = vector.shape_cast %bitcast_convert_type3A_315 : vector<16xf32> to vector<1x16xf32>
      tpu.vector_store %arg9[%swap3A_316, %swap3A_317], %swap3A_320 {strides = array<i32>} : memref<104x128xf32, #tpu.memory_space<vmem>>, vector<1x16xf32>,
      %and3A_321 = arith.andi %get3A_313, %broadcast_in_dim3A_84 : vector<16xi32>
      %bitcast_convert_type3A_322 = tpu.bitcast %and3A_321 : vector<16xi32> -> vector<16xf32>
      %swap3A_323 = arith.index_cast %scan3A_278 : i32 to index
      %swap3A_324 = arith.constant 80 : index
      %swap3A_325 = tpu.vector_load %arg9[%swap3A_323, %swap3A_324] {strides = array<i32>} : memref<104x128xf32, #tpu.memory_space<vmem>>, vector<1x16xf32>,
      %swap3A_326 = vector.shape_cast %swap3A_325 : vector<1x16xf32> to vector<16xf32>
      %swap3A_327 = vector.shape_cast %bitcast_convert_type3A_322 : vector<16xf32> to vector<1x16xf32>
      tpu.vector_store %arg9[%swap3A_323, %swap3A_324], %swap3A_327 {strides = array<i32>} : memref<104x128xf32, #tpu.memory_space<vmem>>, vector<1x16xf32>,
      %get3A_328 = arith.index_cast %scan3A_278 : i32 to index
      %get3A_329 = arith.constant 48 : index
      %get3A_330 = tpu.vector_load %arg6[%get3A_328, %get3A_329] {strides = array<i32>} : memref<104x64xi32, #tpu.memory_space<vmem>>, vector<1x16xi32>,
      %get3A_331 = vector.shape_cast %get3A_330 : vector<1x16xi32> to vector<16xi32>
      %shift_left3A_332 = arith.shli %get3A_331, %broadcast_in_dim3A_82 : vector<16xi32>
      %bitcast_convert_type3A_333 = tpu.bitcast %shift_left3A_332 : vector<16xi32> -> vector<16xf32>
      %swap3A_334 = arith.index_cast %scan3A_278 : i32 to index
      %swap3A_335 = arith.constant 96 : index
      %swap3A_336 = tpu.vector_load %arg9[%swap3A_334, %swap3A_335] {strides = array<i32>} : memref<104x128xf32, #tpu.memory_space<vmem>>, vector<1x16xf32>,
      %swap3A_337 = vector.shape_cast %swap3A_336 : vector<1x16xf32> to vector<16xf32>
      %swap3A_338 = vector.shape_cast %bitcast_convert_type3A_333 : vector<16xf32> to vector<1x16xf32>
      tpu.vector_store %arg9[%swap3A_334, %swap3A_335], %swap3A_338 {strides = array<i32>} : memref<104x128xf32, #tpu.memory_space<vmem>>, vector<1x16xf32>,
      %and3A_339 = arith.andi %get3A_331, %broadcast_in_dim3A_84 : vector<16xi32>
      %bitcast_convert_type3A_340 = tpu.bitcast %and3A_339 : vector<16xi32> -> vector<16xf32>
      %swap3A_341 = arith.index_cast %scan3A_278 : i32 to index
      %swap3A_342 = arith.constant 112 : index
      %swap3A_343 = tpu.vector_load %arg9[%swap3A_341, %swap3A_342] {strides = array<i32>} : memref<104x128xf32, #tpu.memory_space<vmem>>, vector<1x16xf32>,
      %swap3A_344 = vector.shape_cast %swap3A_343 : vector<1x16xf32> to vector<16xf32>
      %swap3A_345 = vector.shape_cast %bitcast_convert_type3A_340 : vector<16xf32> to vector<1x16xf32>
      tpu.vector_store %arg9[%swap3A_341, %swap3A_342], %swap3A_345 {strides = array<i32>} : memref<104x128xf32, #tpu.memory_space<vmem>>, vector<1x16xf32>,
    }
    %scan3A_90 = arith.constant 104 : i32
    %dma_start3A_91 = arith.constant 0 : i32
    %dma_start3A_92 = arith.constant 1 : i32
    %dma_start3A_93 = arith.constant 0 : i32
    %dma_start3A_94 = arith.constant 0 : i32
    %dma_start3A_95 = tpu.memref_slice %arg5[%dma_start3A_91, %dma_start3A_93, %dma_start3A_94] : memref<4x2x104xi32, #tpu.memory_space<vmem>> -> memref<1x2x104xi32, #tpu.memory_space<vmem>>
    %dma_start3A_96 = tpu.memref_squeeze %dma_start3A_95 : memref<1x2x104xi32, #tpu.memory_space<vmem>> -> memref<2x104xi32, #tpu.memory_space<vmem>>
    %dma_start3A_97 = arith.constant 0 : i32
    %dma_start3A_98 = tpu.memref_slice %dma_start3A_96[%dma_start3A_92, %dma_start3A_97] : memref<2x104xi32, #tpu.memory_space<vmem>> -> memref<1x104xi32, #tpu.memory_space<vmem>>
    %dma_start3A_99 = tpu.memref_squeeze %dma_start3A_98 : memref<1x104xi32, #tpu.memory_space<vmem>> -> memref<104xi32, #tpu.memory_space<vmem>>
    %dma_start3A_100 = arith.constant 0 : i32
    %dma_start3A_101 = arith.constant 0 : i32
    %dma_start3A_102 = tpu.memref_slice %arg11[%dma_start3A_100, %dma_start3A_101] : memref<10240x128xf32, #tpu.memory_space<vmem_shared>> -> memref<10240x128xf32, #tpu.memory_space<vmem_shared>>
    tpu.enqueue_indirect_dma source(%arg9 : memref<104x128xf32, #tpu.memory_space<vmem>>) target(%dma_start3A_102 : memref<10240x128xf32, #tpu.memory_space<vmem_shared>>) offsets(%dma_start3A_99 : memref<104xi32, #tpu.memory_space<vmem>>) semaphore(%arg15 : memref<!tpu.dma_semaphore, #tpu.memory_space<semaphore_mem>>) {add = true}
    %dma_wait3A_103 = arith.constant 1 : i32
    %dma_wait3A_104 = arith.constant 0 : i32
    %dma_wait3A_105 = arith.constant 0 : i32
    %dma_wait3A_106 = arith.constant 0 : i32
    %dma_wait3A_107 = tpu.memref_slice %arg5[%dma_wait3A_103, %dma_wait3A_105, %dma_wait3A_106] : memref<4x2x104xi32, #tpu.memory_space<vmem>> -> memref<1x2x104xi32, #tpu.memory_space<vmem>>
    %dma_wait3A_108 = tpu.memref_squeeze %dma_wait3A_107 : memref<1x2x104xi32, #tpu.memory_space<vmem>> -> memref<2x104xi32, #tpu.memory_space<vmem>>
    %dma_wait3A_109 = arith.constant 0 : i32
    %dma_wait3A_110 = tpu.memref_slice %dma_wait3A_108[%dma_wait3A_104, %dma_wait3A_109] : memref<2x104xi32, #tpu.memory_space<vmem>> -> memref<1x104xi32, #tpu.memory_space<vmem>>
    %dma_wait3A_111 = tpu.memref_squeeze %dma_wait3A_110 : memref<1x104xi32, #tpu.memory_space<vmem>> -> memref<104xi32, #tpu.memory_space<vmem>>
    %dma_wait3A_112 = arith.constant 0 : i32
    %dma_wait3A_113 = arith.constant 0 : i32
    %dma_wait3A_114 = tpu.memref_slice %arg2[%dma_wait3A_112, %dma_wait3A_113] : memref<20000x64xi32, #tpu.memory_space<hbm>> -> memref<20000x64xi32, #tpu.memory_space<hbm>>
    tpu.wait_indirect_dma semaphore(%arg13 : memref<!tpu.dma_semaphore, #tpu.memory_space<semaphore_mem>>) src(%dma_wait3A_114 : memref<20000x64xi32, #tpu.memory_space<hbm>>) dst(%arg7 : memref<104x64xi32, #tpu.memory_space<vmem>>)
    %run_scoped3A_115 = arith.constant 3 : i32
    %run_scoped3A_116 = arith.constant 3 : i32
    "tpu.region"() ({
      %run_scoped3A_278 = tpu.sem_alloc : memref<!tpu.dma_semaphore, #tpu.memory_space<semaphore_mem>>
      %dma_start3A_279 = arith.constant 0 : i32
      %dma_start3A_280 = arith.constant 0 : i32
      %dma_start3A_281 = tpu.memref_slice %arg5[%run_scoped3A_116, %dma_start3A_279, %dma_start3A_280] : memref<4x2x104xi32, #tpu.memory_space<vmem>> -> memref<1x2x104xi32, #tpu.memory_space<vmem>>
      %dma_start3A_282 = tpu.memref_squeeze %dma_start3A_281 : memref<1x2x104xi32, #tpu.memory_space<vmem>> -> memref<2x104xi32, #tpu.memory_space<vmem>>
      %dma_start3A_283 = arith.constant 0 : i32
      %dma_start3A_284 = arith.constant 0 : i32
      %dma_start3A_285 = tpu.memref_slice %arg3[%arg0, %arg1, %run_scoped3A_115, %dma_start3A_283, %dma_start3A_284] : memref<2x16x196x2x104xi32, #tpu.memory_space<hbm>> -> memref<1x1x1x2x104xi32, #tpu.memory_space<hbm>>
      %dma_start3A_286 = tpu.memref_squeeze %dma_start3A_285 : memref<1x1x1x2x104xi32, #tpu.memory_space<hbm>> -> memref<2x104xi32, #tpu.memory_space<hbm>>
      %dma_start3A_287 = arith.constant 0 : i32
      %dma_start3A_288 = arith.constant 0 : i32
      %dma_start3A_289 = tpu.memref_slice %arg5[%run_scoped3A_116, %dma_start3A_287, %dma_start3A_288] : memref<4x2x104xi32, #tpu.memory_space<vmem>> -> memref<1x2x104xi32, #tpu.memory_space<vmem>>
      %dma_start3A_290 = tpu.memref_squeeze %dma_start3A_289 : memref<1x2x104xi32, #tpu.memory_space<vmem>> -> memref<2x104xi32, #tpu.memory_space<vmem>>
      %dma_start3A_291 = arith.constant 0 : i32
      %dma_start3A_292 = arith.constant 0 : i32
      %dma_start3A_293 = tpu.memref_slice %arg3[%arg0, %arg1, %run_scoped3A_115, %dma_start3A_291, %dma_start3A_292] : memref<2x16x196x2x104xi32, #tpu.memory_space<hbm>> -> memref<1x1x1x2x104xi32, #tpu.memory_space<hbm>>
      %dma_start3A_294 = tpu.memref_squeeze %dma_start3A_293 : memref<1x1x1x2x104xi32, #tpu.memory_space<hbm>> -> memref<2x104xi32, #tpu.memory_space<hbm>>
      tpu.enqueue_dma source(%dma_start3A_294 : memref<2x104xi32, #tpu.memory_space<hbm>>) target(%dma_start3A_290 : memref<2x104xi32, #tpu.memory_space<vmem>>) target_semaphore(%run_scoped3A_278 : memref<!tpu.dma_semaphore, #tpu.memory_space<semaphore_mem>>)
      %dma_wait3A_295 = arith.constant 0 : i32
      %dma_wait3A_296 = arith.constant 0 : i32
      %dma_wait3A_297 = tpu.memref_slice %arg5[%run_scoped3A_116, %dma_wait3A_295, %dma_wait3A_296] : memref<4x2x104xi32, #tpu.memory_space<vmem>> -> memref<1x2x104xi32, #tpu.memory_space<vmem>>
      %dma_wait3A_298 = tpu.memref_squeeze %dma_wait3A_297 : memref<1x2x104xi32, #tpu.memory_space<vmem>> -> memref<2x104xi32, #tpu.memory_space<vmem>>
      %dma_wait3A_299 = arith.constant 0 : i32
      %dma_wait3A_300 = arith.constant 0 : i32
      %dma_wait3A_301 = tpu.memref_slice %arg3[%arg0, %arg1, %run_scoped3A_115, %dma_wait3A_299, %dma_wait3A_300] : memref<2x16x196x2x104xi32, #tpu.memory_space<hbm>> -> memref<1x1x1x2x104xi32, #tpu.memory_space<hbm>>
      %dma_wait3A_302 = tpu.memref_squeeze %dma_wait3A_301 : memref<1x1x1x2x104xi32, #tpu.memory_space<hbm>> -> memref<2x104xi32, #tpu.memory_space<hbm>>
      %dma_wait3A_303 = arith.constant 0 : i32
      %dma_wait3A_304 = arith.constant 0 : i32
      %dma_wait3A_305 = tpu.memref_slice %arg5[%run_scoped3A_116, %dma_wait3A_303, %dma_wait3A_304] : memref<4x2x104xi32, #tpu.memory_space<vmem>> -> memref<1x2x104xi32, #tpu.memory_space<vmem>>
      %dma_wait3A_306 = tpu.memref_squeeze %dma_wait3A_305 : memref<1x2x104xi32, #tpu.memory_space<vmem>> -> memref<2x104xi32, #tpu.memory_space<vmem>>
      %dma_wait3A_307 = arith.constant 0 : i32
      %dma_wait3A_308 = arith.constant 0 : i32
      %dma_wait3A_309 = tpu.memref_slice %arg3[%arg0, %arg1, %run_scoped3A_115, %dma_wait3A_307, %dma_wait3A_308] : memref<2x16x196x2x104xi32, #tpu.memory_space<hbm>> -> memref<1x1x1x2x104xi32, #tpu.memory_space<hbm>>
      %dma_wait3A_310 = tpu.memref_squeeze %dma_wait3A_309 : memref<1x1x1x2x104xi32, #tpu.memory_space<hbm>> -> memref<2x104xi32, #tpu.memory_space<hbm>>
      tpu.wait_dma2 semaphore(%run_scoped3A_278 : memref<!tpu.dma_semaphore, #tpu.memory_space<semaphore_mem>>) src(%dma_wait3A_310 : memref<2x104xi32, #tpu.memory_space<hbm>>) dst(%dma_wait3A_306 : memref<2x104xi32, #tpu.memory_space<vmem>>)
      tpu.yield
    }) : () -> ()
    %dma_start3A_117 = arith.constant 3 : i32
    %dma_start3A_118 = arith.constant 0 : i32
    %dma_start3A_119 = arith.constant 0 : i32
    %dma_start3A_120 = arith.constant 0 : i32
    %dma_start3A_121 = tpu.memref_slice %arg5[%dma_start3A_117, %dma_start3A_119, %dma_start3A_120] : memref<4x2x104xi32, #tpu.memory_space<vmem>> -> memref<1x2x104xi32, #tpu.memory_space<vmem>>
    %dma_start3A_122 = tpu.memref_squeeze %dma_start3A_121 : memref<1x2x104xi32, #tpu.memory_space<vmem>> -> memref<2x104xi32, #tpu.memory_space<vmem>>
    %dma_start3A_123 = arith.constant 0 : i32
    %dma_start3A_124 = tpu.memref_slice %dma_start3A_122[%dma_start3A_118, %dma_start3A_123] : memref<2x104xi32, #tpu.memory_space<vmem>> -> memref<1x104xi32, #tpu.memory_space<vmem>>
    %dma_start3A_125 = tpu.memref_squeeze %dma_start3A_124 : memref<1x104xi32, #tpu.memory_space<vmem>> -> memref<104xi32, #tpu.memory_space<vmem>>
    %dma_start3A_126 = arith.constant 0 : i32
    %dma_start3A_127 = arith.constant 0 : i32
    %dma_start3A_128 = tpu.memref_slice %arg2[%dma_start3A_126, %dma_start3A_127] : memref<20000x64xi32, #tpu.memory_space<hbm>> -> memref<20000x64xi32, #tpu.memory_space<hbm>>
    tpu.enqueue_indirect_dma source(%dma_start3A_128 : memref<20000x64xi32, #tpu.memory_space<hbm>>) target(%arg6 : memref<104x64xi32, #tpu.memory_space<vmem>>) offsets(%dma_start3A_125 : memref<104xi32, #tpu.memory_space<vmem>>) semaphore(%arg12 : memref<!tpu.dma_semaphore, #tpu.memory_space<semaphore_mem>>)
    %broadcast_in_dim3A_129 = arith.constant 16 : i32
    %broadcast_in_dim3A_130 = vector.broadcast %broadcast_in_dim3A_129 : i32 to vector<16xi32>
    %broadcast_in_dim3A_131 = arith.constant -65536 : i32
    %broadcast_in_dim3A_132 = vector.broadcast %broadcast_in_dim3A_131 : i32 to vector<16xi32>
    %scan3A_133 = arith.constant 0 : i32
    %scan3A_134 = arith.constant 0 : i32
    %scan3A_135 = arith.constant 104 : i32
    %scan3A_136 = arith.addi %scan3A_134, %scan3A_135 : i32
    %scan3A_137 = arith.constant 1 : i32
    scf.for %scan3A_278 = %scan3A_134 to %scan3A_136 step %scan3A_137  : i32 {
      %get3A = arith.index_cast %scan3A_278 : i32 to index
      %get3A_279 = arith.constant 0 : index
      %get3A_280 = tpu.vector_load %arg7[%get3A, %get3A_279] {strides = array<i32>} : memref<104x64xi32, #tpu.memory_space<vmem>>, vector<1x16xi32>,
      %get3A_281 = vector.shape_cast %get3A_280 : vector<1x16xi32> to vector<16xi32>
      %shift_left3A = arith.shli %get3A_281, %broadcast_in_dim3A_130 : vector<16xi32>
      %bitcast_convert_type3A = tpu.bitcast %shift_left3A : vector<16xi32> -> vector<16xf32>
      %swap3A = arith.index_cast %scan3A_278 : i32 to index
      %swap3A_282 = arith.constant 0 : index
      %swap3A_283 = tpu.vector_load %arg10[%swap3A, %swap3A_282] {strides = array<i32>} : memref<104x128xf32, #tpu.memory_space<vmem>>, vector<1x16xf32>,
      %swap3A_284 = vector.shape_cast %swap3A_283 : vector<1x16xf32> to vector<16xf32>
      %swap3A_285 = vector.shape_cast %bitcast_convert_type3A : vector<16xf32> to vector<1x16xf32>
      tpu.vector_store %arg10[%swap3A, %swap3A_282], %swap3A_285 {strides = array<i32>} : memref<104x128xf32, #tpu.memory_space<vmem>>, vector<1x16xf32>,
      %and3A = arith.andi %get3A_281, %broadcast_in_dim3A_132 : vector<16xi32>
      %bitcast_convert_type3A_286 = tpu.bitcast %and3A : vector<16xi32> -> vector<16xf32>
      %swap3A_287 = arith.index_cast %scan3A_278 : i32 to index
      %swap3A_288 = arith.constant 16 : index
      %swap3A_289 = tpu.vector_load %arg10[%swap3A_287, %swap3A_288] {strides = array<i32>} : memref<104x128xf32, #tpu.memory_space<vmem>>, vector<1x16xf32>,
      %swap3A_290 = vector.shape_cast %swap3A_289 : vector<1x16xf32> to vector<16xf32>
      %swap3A_291 = vector.shape_cast %bitcast_convert_type3A_286 : vector<16xf32> to vector<1x16xf32>
      tpu.vector_store %arg10[%swap3A_287, %swap3A_288], %swap3A_291 {strides = array<i32>} : memref<104x128xf32, #tpu.memory_space<vmem>>, vector<1x16xf32>,
      %get3A_292 = arith.index_cast %scan3A_278 : i32 to index
      %get3A_293 = arith.constant 16 : index
      %get3A_294 = tpu.vector_load %arg7[%get3A_292, %get3A_293] {strides = array<i32>} : memref<104x64xi32, #tpu.memory_space<vmem>>, vector<1x16xi32>,
      %get3A_295 = vector.shape_cast %get3A_294 : vector<1x16xi32> to vector<16xi32>
      %shift_left3A_296 = arith.shli %get3A_295, %broadcast_in_dim3A_130 : vector<16xi32>
      %bitcast_convert_type3A_297 = tpu.bitcast %shift_left3A_296 : vector<16xi32> -> vector<16xf32>
      %swap3A_298 = arith.index_cast %scan3A_278 : i32 to index
      %swap3A_299 = arith.constant 32 : index
      %swap3A_300 = tpu.vector_load %arg10[%swap3A_298, %swap3A_299] {strides = array<i32>} : memref<104x128xf32, #tpu.memory_space<vmem>>, vector<1x16xf32>,
      %swap3A_301 = vector.shape_cast %swap3A_300 : vector<1x16xf32> to vector<16xf32>
      %swap3A_302 = vector.shape_cast %bitcast_convert_type3A_297 : vector<16xf32> to vector<1x16xf32>
      tpu.vector_store %arg10[%swap3A_298, %swap3A_299], %swap3A_302 {strides = array<i32>} : memref<104x128xf32, #tpu.memory_space<vmem>>, vector<1x16xf32>,
      %and3A_303 = arith.andi %get3A_295, %broadcast_in_dim3A_132 : vector<16xi32>
      %bitcast_convert_type3A_304 = tpu.bitcast %and3A_303 : vector<16xi32> -> vector<16xf32>
      %swap3A_305 = arith.index_cast %scan3A_278 : i32 to index
      %swap3A_306 = arith.constant 48 : index
      %swap3A_307 = tpu.vector_load %arg10[%swap3A_305, %swap3A_306] {strides = array<i32>} : memref<104x128xf32, #tpu.memory_space<vmem>>, vector<1x16xf32>,
      %swap3A_308 = vector.shape_cast %swap3A_307 : vector<1x16xf32> to vector<16xf32>
      %swap3A_309 = vector.shape_cast %bitcast_convert_type3A_304 : vector<16xf32> to vector<1x16xf32>
      tpu.vector_store %arg10[%swap3A_305, %swap3A_306], %swap3A_309 {strides = array<i32>} : memref<104x128xf32, #tpu.memory_space<vmem>>, vector<1x16xf32>,
      %get3A_310 = arith.index_cast %scan3A_278 : i32 to index
      %get3A_311 = arith.constant 32 : index
      %get3A_312 = tpu.vector_load %arg7[%get3A_310, %get3A_311] {strides = array<i32>} : memref<104x64xi32, #tpu.memory_space<vmem>>, vector<1x16xi32>,
      %get3A_313 = vector.shape_cast %get3A_312 : vector<1x16xi32> to vector<16xi32>
      %shift_left3A_314 = arith.shli %get3A_313, %broadcast_in_dim3A_130 : vector<16xi32>
      %bitcast_convert_type3A_315 = tpu.bitcast %shift_left3A_314 : vector<16xi32> -> vector<16xf32>
      %swap3A_316 = arith.index_cast %scan3A_278 : i32 to index
      %swap3A_317 = arith.constant 64 : index
      %swap3A_318 = tpu.vector_load %arg10[%swap3A_316, %swap3A_317] {strides = array<i32>} : memref<104x128xf32, #tpu.memory_space<vmem>>, vector<1x16xf32>,
      %swap3A_319 = vector.shape_cast %swap3A_318 : vector<1x16xf32> to vector<16xf32>
      %swap3A_320 = vector.shape_cast %bitcast_convert_type3A_315 : vector<16xf32> to vector<1x16xf32>
      tpu.vector_store %arg10[%swap3A_316, %swap3A_317], %swap3A_320 {strides = array<i32>} : memref<104x128xf32, #tpu.memory_space<vmem>>, vector<1x16xf32>,
      %and3A_321 = arith.andi %get3A_313, %broadcast_in_dim3A_132 : vector<16xi32>
      %bitcast_convert_type3A_322 = tpu.bitcast %and3A_321 : vector<16xi32> -> vector<16xf32>
      %swap3A_323 = arith.index_cast %scan3A_278 : i32 to index
      %swap3A_324 = arith.constant 80 : index
      %swap3A_325 = tpu.vector_load %arg10[%swap3A_323, %swap3A_324] {strides = array<i32>} : memref<104x128xf32, #tpu.memory_space<vmem>>, vector<1x16xf32>,
      %swap3A_326 = vector.shape_cast %swap3A_325 : vector<1x16xf32> to vector<16xf32>
      %swap3A_327 = vector.shape_cast %bitcast_convert_type3A_322 : vector<16xf32> to vector<1x16xf32>
      tpu.vector_store %arg10[%swap3A_323, %swap3A_324], %swap3A_327 {strides = array<i32>} : memref<104x128xf32, #tpu.memory_space<vmem>>, vector<1x16xf32>,
      %get3A_328 = arith.index_cast %scan3A_278 : i32 to index
      %get3A_329 = arith.constant 48 : index
      %get3A_330 = tpu.vector_load %arg7[%get3A_328, %get3A_329] {strides = array<i32>} : memref<104x64xi32, #tpu.memory_space<vmem>>, vector<1x16xi32>,
      %get3A_331 = vector.shape_cast %get3A_330 : vector<1x16xi32> to vector<16xi32>
      %shift_left3A_332 = arith.shli %get3A_331, %broadcast_in_dim3A_130 : vector<16xi32>
      %bitcast_convert_type3A_333 = tpu.bitcast %shift_left3A_332 : vector<16xi32> -> vector<16xf32>
      %swap3A_334 = arith.index_cast %scan3A_278 : i32 to index
      %swap3A_335 = arith.constant 96 : index
      %swap3A_336 = tpu.vector_load %arg10[%swap3A_334, %swap3A_335] {strides = array<i32>} : memref<104x128xf32, #tpu.memory_space<vmem>>, vector<1x16xf32>,
      %swap3A_337 = vector.shape_cast %swap3A_336 : vector<1x16xf32> to vector<16xf32>
      %swap3A_338 = vector.shape_cast %bitcast_convert_type3A_333 : vector<16xf32> to vector<1x16xf32>
      tpu.vector_store %arg10[%swap3A_334, %swap3A_335], %swap3A_338 {strides = array<i32>} : memref<104x128xf32, #tpu.memory_space<vmem>>, vector<1x16xf32>,
      %and3A_339 = arith.andi %get3A_331, %broadcast_in_dim3A_132 : vector<16xi32>
      %bitcast_convert_type3A_340 = tpu.bitcast %and3A_339 : vector<16xi32> -> vector<16xf32>
      %swap3A_341 = arith.index_cast %scan3A_278 : i32 to index
      %swap3A_342 = arith.constant 112 : index
      %swap3A_343 = tpu.vector_load %arg10[%swap3A_341, %swap3A_342] {strides = array<i32>} : memref<104x128xf32, #tpu.memory_space<vmem>>, vector<1x16xf32>,
      %swap3A_344 = vector.shape_cast %swap3A_343 : vector<1x16xf32> to vector<16xf32>
      %swap3A_345 = vector.shape_cast %bitcast_convert_type3A_340 : vector<16xf32> to vector<1x16xf32>
      tpu.vector_store %arg10[%swap3A_341, %swap3A_342], %swap3A_345 {strides = array<i32>} : memref<104x128xf32, #tpu.memory_space<vmem>>, vector<1x16xf32>,
    }
    %scan3A_138 = arith.constant 104 : i32
    %dma_start3A_139 = arith.constant 1 : i32
    %dma_start3A_140 = arith.constant 1 : i32
    %dma_start3A_141 = arith.constant 0 : i32
    %dma_start3A_142 = arith.constant 0 : i32
    %dma_start3A_143 = tpu.memref_slice %arg5[%dma_start3A_139, %dma_start3A_141, %dma_start3A_142] : memref<4x2x104xi32, #tpu.memory_space<vmem>> -> memref<1x2x104xi32, #tpu.memory_space<vmem>>
    %dma_start3A_144 = tpu.memref_squeeze %dma_start3A_143 : memref<1x2x104xi32, #tpu.memory_space<vmem>> -> memref<2x104xi32, #tpu.memory_space<vmem>>
    %dma_start3A_145 = arith.constant 0 : i32
    %dma_start3A_146 = tpu.memref_slice %dma_start3A_144[%dma_start3A_140, %dma_start3A_145] : memref<2x104xi32, #tpu.memory_space<vmem>> -> memref<1x104xi32, #tpu.memory_space<vmem>>
    %dma_start3A_147 = tpu.memref_squeeze %dma_start3A_146 : memref<1x104xi32, #tpu.memory_space<vmem>> -> memref<104xi32, #tpu.memory_space<vmem>>
    %dma_start3A_148 = arith.constant 0 : i32
    %dma_start3A_149 = arith.constant 0 : i32
    %dma_start3A_150 = tpu.memref_slice %arg11[%dma_start3A_148, %dma_start3A_149] : memref<10240x128xf32, #tpu.memory_space<vmem_shared>> -> memref<10240x128xf32, #tpu.memory_space<vmem_shared>>
    tpu.enqueue_indirect_dma source(%arg10 : memref<104x128xf32, #tpu.memory_space<vmem>>) target(%dma_start3A_150 : memref<10240x128xf32, #tpu.memory_space<vmem_shared>>) offsets(%dma_start3A_147 : memref<104xi32, #tpu.memory_space<vmem>>) semaphore(%arg16 : memref<!tpu.dma_semaphore, #tpu.memory_space<semaphore_mem>>) {add = true}
    %scan3A_151 = arith.constant 0 : i32
    %scan3A_152 = arith.constant 0 : i32
    %scan3A_153 = arith.constant 16 : i32
    %scan3A_154 = arith.addi %scan3A_152, %scan3A_153 : i32
    %scan3A_155 = arith.constant 1 : i32
    scf.for %scan3A_278 = %scan3A_152 to %scan3A_154 step %scan3A_155  : i32 {
      %mul3A_279 = arith.constant 12 : i32
      %mul3A_280 = arith.muli %mul3A_279, %scan3A_278 : i32
      %add3A_281 = arith.constant 2 : i32
      %add3A_282 = arith.addi %mul3A_280, %add3A_281 : i32
      %add3A_283 = arith.constant 0 : i32
      %add3A_284 = arith.addi %add3A_282, %add3A_283 : i32
      %dma_wait3A_285 = arith.constant 2 : i32
      %dma_wait3A_286 = arith.constant 0 : i32
      %dma_wait3A_287 = arith.constant 0 : i32
      %dma_wait3A_288 = arith.constant 0 : i32
      %dma_wait3A_289 = tpu.memref_slice %arg5[%dma_wait3A_285, %dma_wait3A_287, %dma_wait3A_288] : memref<4x2x104xi32, #tpu.memory_space<vmem>> -> memref<1x2x104xi32, #tpu.memory_space<vmem>>
      %dma_wait3A_290 = tpu.memref_squeeze %dma_wait3A_289 : memref<1x2x104xi32, #tpu.memory_space<vmem>> -> memref<2x104xi32, #tpu.memory_space<vmem>>
      %dma_wait3A_291 = arith.constant 0 : i32
      %dma_wait3A_292 = tpu.memref_slice %dma_wait3A_290[%dma_wait3A_286, %dma_wait3A_291] : memref<2x104xi32, #tpu.memory_space<vmem>> -> memref<1x104xi32, #tpu.memory_space<vmem>>
      %dma_wait3A_293 = tpu.memref_squeeze %dma_wait3A_292 : memref<1x104xi32, #tpu.memory_space<vmem>> -> memref<104xi32, #tpu.memory_space<vmem>>
      %dma_wait3A_294 = arith.constant 0 : i32
      %dma_wait3A_295 = arith.constant 0 : i32
      %dma_wait3A_296 = tpu.memref_slice %arg2[%dma_wait3A_294, %dma_wait3A_295] : memref<20000x64xi32, #tpu.memory_space<hbm>> -> memref<20000x64xi32, #tpu.memory_space<hbm>>
      tpu.wait_indirect_dma semaphore(%arg14 : memref<!tpu.dma_semaphore, #tpu.memory_space<semaphore_mem>>) src(%dma_wait3A_296 : memref<20000x64xi32, #tpu.memory_space<hbm>>) dst(%arg8 : memref<104x64xi32, #tpu.memory_space<vmem>>)
      %dma_wait3A_297 = arith.constant 0 : i32
      %dma_wait3A_298 = arith.constant 1 : i32
      %dma_wait3A_299 = arith.constant 0 : i32
      %dma_wait3A_300 = arith.constant 0 : i32
      %dma_wait3A_301 = tpu.memref_slice %arg5[%dma_wait3A_297, %dma_wait3A_299, %dma_wait3A_300] : memref<4x2x104xi32, #tpu.memory_space<vmem>> -> memref<1x2x104xi32, #tpu.memory_space<vmem>>
      %dma_wait3A_302 = tpu.memref_squeeze %dma_wait3A_301 : memref<1x2x104xi32, #tpu.memory_space<vmem>> -> memref<2x104xi32, #tpu.memory_space<vmem>>
      %dma_wait3A_303 = arith.constant 0 : i32
      %dma_wait3A_304 = tpu.memref_slice %dma_wait3A_302[%dma_wait3A_298, %dma_wait3A_303] : memref<2x104xi32, #tpu.memory_space<vmem>> -> memref<1x104xi32, #tpu.memory_space<vmem>>
      %dma_wait3A_305 = tpu.memref_squeeze %dma_wait3A_304 : memref<1x104xi32, #tpu.memory_space<vmem>> -> memref<104xi32, #tpu.memory_space<vmem>>
      %dma_wait3A_306 = arith.constant 0 : i32
      %dma_wait3A_307 = arith.constant 0 : i32
      %dma_wait3A_308 = tpu.memref_slice %arg11[%dma_wait3A_306, %dma_wait3A_307] : memref<10240x128xf32, #tpu.memory_space<vmem_shared>> -> memref<10240x128xf32, #tpu.memory_space<vmem_shared>>
      tpu.wait_indirect_dma semaphore(%arg15 : memref<!tpu.dma_semaphore, #tpu.memory_space<semaphore_mem>>) src(%arg9 : memref<104x128xf32, #tpu.memory_space<vmem>>) dst(%dma_wait3A_308 : memref<10240x128xf32, #tpu.memory_space<vmem_shared>>)
      %add3A_309 = arith.constant 2 : i32
      %add3A_310 = arith.addi %add3A_284, %add3A_309 : i32
      %run_scoped3A_311 = arith.constant 0 : i32
      "tpu.region"() ({
        %run_scoped3A_1083 = tpu.sem_alloc : memref<!tpu.dma_semaphore, #tpu.memory_space<semaphore_mem>>
        %dma_start3A_1084 = arith.constant 0 : i32
        %dma_start3A_1085 = arith.constant 0 : i32
        %dma_start3A_1086 = tpu.memref_slice %arg5[%run_scoped3A_311, %dma_start3A_1084, %dma_start3A_1085] : memref<4x2x104xi32, #tpu.memory_space<vmem>> -> memref<1x2x104xi32, #tpu.memory_space<vmem>>
        %dma_start3A_1087 = tpu.memref_squeeze %dma_start3A_1086 : memref<1x2x104xi32, #tpu.memory_space<vmem>> -> memref<2x104xi32, #tpu.memory_space<vmem>>
        %dma_start3A_1088 = arith.constant 0 : i32
        %dma_start3A_1089 = arith.constant 0 : i32
        %dma_start3A_1090 = tpu.memref_slice %arg3[%arg0, %arg1, %add3A_310, %dma_start3A_1088, %dma_start3A_1089] : memref<2x16x196x2x104xi32, #tpu.memory_space<hbm>> -> memref<1x1x1x2x104xi32, #tpu.memory_space<hbm>>
        %dma_start3A_1091 = tpu.memref_squeeze %dma_start3A_1090 : memref<1x1x1x2x104xi32, #tpu.memory_space<hbm>> -> memref<2x104xi32, #tpu.memory_space<hbm>>
        %dma_start3A_1092 = arith.constant 0 : i32
        %dma_start3A_1093 = arith.constant 0 : i32
        %dma_start3A_1094 = tpu.memref_slice %arg5[%run_scoped3A_311, %dma_start3A_1092, %dma_start3A_1093] : memref<4x2x104xi32, #tpu.memory_space<vmem>> -> memref<1x2x104xi32, #tpu.memory_space<vmem>>
        %dma_start3A_1095 = tpu.memref_squeeze %dma_start3A_1094 : memref<1x2x104xi32, #tpu.memory_space<vmem>> -> memref<2x104xi32, #tpu.memory_space<vmem>>
        %dma_start3A_1096 = arith.constant 0 : i32
        %dma_start3A_1097 = arith.constant 0 : i32
        %dma_start3A_1098 = tpu.memref_slice %arg3[%arg0, %arg1, %add3A_310, %dma_start3A_1096, %dma_start3A_1097] : memref<2x16x196x2x104xi32, #tpu.memory_space<hbm>> -> memref<1x1x1x2x104xi32, #tpu.memory_space<hbm>>
        %dma_start3A_1099 = tpu.memref_squeeze %dma_start3A_1098 : memref<1x1x1x2x104xi32, #tpu.memory_space<hbm>> -> memref<2x104xi32, #tpu.memory_space<hbm>>
        tpu.enqueue_dma source(%dma_start3A_1099 : memref<2x104xi32, #tpu.memory_space<hbm>>) target(%dma_start3A_1095 : memref<2x104xi32, #tpu.memory_space<vmem>>) target_semaphore(%run_scoped3A_1083 : memref<!tpu.dma_semaphore, #tpu.memory_space<semaphore_mem>>)
        %dma_wait3A_1100 = arith.constant 0 : i32
        %dma_wait3A_1101 = arith.constant 0 : i32
        %dma_wait3A_1102 = tpu.memref_slice %arg5[%run_scoped3A_311, %dma_wait3A_1100, %dma_wait3A_1101] : memref<4x2x104xi32, #tpu.memory_space<vmem>> -> memref<1x2x104xi32, #tpu.memory_space<vmem>>
        %dma_wait3A_1103 = tpu.memref_squeeze %dma_wait3A_1102 : memref<1x2x104xi32, #tpu.memory_space<vmem>> -> memref<2x104xi32, #tpu.memory_space<vmem>>
        %dma_wait3A_1104 = arith.constant 0 : i32
        %dma_wait3A_1105 = arith.constant 0 : i32
        %dma_wait3A_1106 = tpu.memref_slice %arg3[%arg0, %arg1, %add3A_310, %dma_wait3A_1104, %dma_wait3A_1105] : memref<2x16x196x2x104xi32, #tpu.memory_space<hbm>> -> memref<1x1x1x2x104xi32, #tpu.memory_space<hbm>>
        %dma_wait3A_1107 = tpu.memref_squeeze %dma_wait3A_1106 : memref<1x1x1x2x104xi32, #tpu.memory_space<hbm>> -> memref<2x104xi32, #tpu.memory_space<hbm>>
        %dma_wait3A_1108 = arith.constant 0 : i32
        %dma_wait3A_1109 = arith.constant 0 : i32
        %dma_wait3A_1110 = tpu.memref_slice %arg5[%run_scoped3A_311, %dma_wait3A_1108, %dma_wait3A_1109] : memref<4x2x104xi32, #tpu.memory_space<vmem>> -> memref<1x2x104xi32, #tpu.memory_space<vmem>>
        %dma_wait3A_1111 = tpu.memref_squeeze %dma_wait3A_1110 : memref<1x2x104xi32, #tpu.memory_space<vmem>> -> memref<2x104xi32, #tpu.memory_space<vmem>>
        %dma_wait3A_1112 = arith.constant 0 : i32
        %dma_wait3A_1113 = arith.constant 0 : i32
        %dma_wait3A_1114 = tpu.memref_slice %arg3[%arg0, %arg1, %add3A_310, %dma_wait3A_1112, %dma_wait3A_1113] : memref<2x16x196x2x104xi32, #tpu.memory_space<hbm>> -> memref<1x1x1x2x104xi32, #tpu.memory_space<hbm>>
        %dma_wait3A_1115 = tpu.memref_squeeze %dma_wait3A_1114 : memref<1x1x1x2x104xi32, #tpu.memory_space<hbm>> -> memref<2x104xi32, #tpu.memory_space<hbm>>
        tpu.wait_dma2 semaphore(%run_scoped3A_1083 : memref<!tpu.dma_semaphore, #tpu.memory_space<semaphore_mem>>) src(%dma_wait3A_1115 : memref<2x104xi32, #tpu.memory_space<hbm>>) dst(%dma_wait3A_1111 : memref<2x104xi32, #tpu.memory_space<vmem>>)
        tpu.yield
      }) : () -> ()
      %dma_start3A_312 = arith.constant 0 : i32
      %dma_start3A_313 = arith.constant 0 : i32
      %dma_start3A_314 = arith.constant 0 : i32
      %dma_start3A_315 = arith.constant 0 : i32
      %dma_start3A_316 = tpu.memref_slice %arg5[%dma_start3A_312, %dma_start3A_314, %dma_start3A_315] : memref<4x2x104xi32, #tpu.memory_space<vmem>> -> memref<1x2x104xi32, #tpu.memory_space<vmem>>
      %dma_start3A_317 = tpu.memref_squeeze %dma_start3A_316 : memref<1x2x104xi32, #tpu.memory_space<vmem>> -> memref<2x104xi32, #tpu.memory_space<vmem>>
      %dma_start3A_318 = arith.constant 0 : i32
      %dma_start3A_319 = tpu.memref_slice %dma_start3A_317[%dma_start3A_313, %dma_start3A_318] : memref<2x104xi32, #tpu.memory_space<vmem>> -> memref<1x104xi32, #tpu.memory_space<vmem>>
      %dma_start3A_320 = tpu.memref_squeeze %dma_start3A_319 : memref<1x104xi32, #tpu.memory_space<vmem>> -> memref<104xi32, #tpu.memory_space<vmem>>
      %dma_start3A_321 = arith.constant 0 : i32
      %dma_start3A_322 = arith.constant 0 : i32
      %dma_start3A_323 = tpu.memref_slice %arg2[%dma_start3A_321, %dma_start3A_322] : memref<20000x64xi32, #tpu.memory_space<hbm>> -> memref<20000x64xi32, #tpu.memory_space<hbm>>
      tpu.enqueue_indirect_dma source(%dma_start3A_323 : memref<20000x64xi32, #tpu.memory_space<hbm>>) target(%arg7 : memref<104x64xi32, #tpu.memory_space<vmem>>) offsets(%dma_start3A_320 : memref<104xi32, #tpu.memory_space<vmem>>) semaphore(%arg13 : memref<!tpu.dma_semaphore, #tpu.memory_space<semaphore_mem>>)
      %broadcast_in_dim3A_324 = arith.constant 16 : i32
      %broadcast_in_dim3A_325 = vector.broadcast %broadcast_in_dim3A_324 : i32 to vector<16xi32>
      %broadcast_in_dim3A_326 = arith.constant -65536 : i32
      %broadcast_in_dim3A_327 = vector.broadcast %broadcast_in_dim3A_326 : i32 to vector<16xi32>
      %scan3A_328 = arith.constant 0 : i32
      %scan3A_329 = arith.constant 0 : i32
      %scan3A_330 = arith.constant 104 : i32
      %scan3A_331 = arith.addi %scan3A_329, %scan3A_330 : i32
      %scan3A_332 = arith.constant 1 : i32
      scf.for %scan3A_1083 = %scan3A_329 to %scan3A_331 step %scan3A_332  : i32 {
        %get3A = arith.index_cast %scan3A_1083 : i32 to index
        %get3A_1084 = arith.constant 0 : index
        %get3A_1085 = tpu.vector_load %arg8[%get3A, %get3A_1084] {strides = array<i32>} : memref<104x64xi32, #tpu.memory_space<vmem>>, vector<1x16xi32>,
        %get3A_1086 = vector.shape_cast %get3A_1085 : vector<1x16xi32> to vector<16xi32>
        %shift_left3A = arith.shli %get3A_1086, %broadcast_in_dim3A_325 : vector<16xi32>
        %bitcast_convert_type3A = tpu.bitcast %shift_left3A : vector<16xi32> -> vector<16xf32>
        %swap3A = arith.index_cast %scan3A_1083 : i32 to index
        %swap3A_1087 = arith.constant 0 : index
        %swap3A_1088 = tpu.vector_load %arg9[%swap3A, %swap3A_1087] {strides = array<i32>} : memref<104x128xf32, #tpu.memory_space<vmem>>, vector<1x16xf32>,
        %swap3A_1089 = vector.shape_cast %swap3A_1088 : vector<1x16xf32> to vector<16xf32>
        %swap3A_1090 = vector.shape_cast %bitcast_convert_type3A : vector<16xf32> to vector<1x16xf32>
        tpu.vector_store %arg9[%swap3A, %swap3A_1087], %swap3A_1090 {strides = array<i32>} : memref<104x128xf32, #tpu.memory_space<vmem>>, vector<1x16xf32>,
        %and3A = arith.andi %get3A_1086, %broadcast_in_dim3A_327 : vector<16xi32>
        %bitcast_convert_type3A_1091 = tpu.bitcast %and3A : vector<16xi32> -> vector<16xf32>
        %swap3A_1092 = arith.index_cast %scan3A_1083 : i32 to index
        %swap3A_1093 = arith.constant 16 : index
        %swap3A_1094 = tpu.vector_load %arg9[%swap3A_1092, %swap3A_1093] {strides = array<i32>} : memref<104x128xf32, #tpu.memory_space<vmem>>, vector<1x16xf32>,
        %swap3A_1095 = vector.shape_cast %swap3A_1094 : vector<1x16xf32> to vector<16xf32>
        %swap3A_1096 = vector.shape_cast %bitcast_convert_type3A_1091 : vector<16xf32> to vector<1x16xf32>
        tpu.vector_store %arg9[%swap3A_1092, %swap3A_1093], %swap3A_1096 {strides = array<i32>} : memref<104x128xf32, #tpu.memory_space<vmem>>, vector<1x16xf32>,
        %get3A_1097 = arith.index_cast %scan3A_1083 : i32 to index
        %get3A_1098 = arith.constant 16 : index
        %get3A_1099 = tpu.vector_load %arg8[%get3A_1097, %get3A_1098] {strides = array<i32>} : memref<104x64xi32, #tpu.memory_space<vmem>>, vector<1x16xi32>,
        %get3A_1100 = vector.shape_cast %get3A_1099 : vector<1x16xi32> to vector<16xi32>
        %shift_left3A_1101 = arith.shli %get3A_1100, %broadcast_in_dim3A_325 : vector<16xi32>
        %bitcast_convert_type3A_1102 = tpu.bitcast %shift_left3A_1101 : vector<16xi32> -> vector<16xf32>
        %swap3A_1103 = arith.index_cast %scan3A_1083 : i32 to index
        %swap3A_1104 = arith.constant 32 : index
        %swap3A_1105 = tpu.vector_load %arg9[%swap3A_1103, %swap3A_1104] {strides = array<i32>} : memref<104x128xf32, #tpu.memory_space<vmem>>, vector<1x16xf32>,
        %swap3A_1106 = vector.shape_cast %swap3A_1105 : vector<1x16xf32> to vector<16xf32>
        %swap3A_1107 = vector.shape_cast %bitcast_convert_type3A_1102 : vector<16xf32> to vector<1x16xf32>
        tpu.vector_store %arg9[%swap3A_1103, %swap3A_1104], %swap3A_1107 {strides = array<i32>} : memref<104x128xf32, #tpu.memory_space<vmem>>, vector<1x16xf32>,
        %and3A_1108 = arith.andi %get3A_1100, %broadcast_in_dim3A_327 : vector<16xi32>
        %bitcast_convert_type3A_1109 = tpu.bitcast %and3A_1108 : vector<16xi32> -> vector<16xf32>
        %swap3A_1110 = arith.index_cast %scan3A_1083 : i32 to index
        %swap3A_1111 = arith.constant 48 : index
        %swap3A_1112 = tpu.vector_load %arg9[%swap3A_1110, %swap3A_1111] {strides = array<i32>} : memref<104x128xf32, #tpu.memory_space<vmem>>, vector<1x16xf32>,
        %swap3A_1113 = vector.shape_cast %swap3A_1112 : vector<1x16xf32> to vector<16xf32>
        %swap3A_1114 = vector.shape_cast %bitcast_convert_type3A_1109 : vector<16xf32> to vector<1x16xf32>
        tpu.vector_store %arg9[%swap3A_1110, %swap3A_1111], %swap3A_1114 {strides = array<i32>} : memref<104x128xf32, #tpu.memory_space<vmem>>, vector<1x16xf32>,
        %get3A_1115 = arith.index_cast %scan3A_1083 : i32 to index
        %get3A_1116 = arith.constant 32 : index
        %get3A_1117 = tpu.vector_load %arg8[%get3A_1115, %get3A_1116] {strides = array<i32>} : memref<104x64xi32, #tpu.memory_space<vmem>>, vector<1x16xi32>,
        %get3A_1118 = vector.shape_cast %get3A_1117 : vector<1x16xi32> to vector<16xi32>
        %shift_left3A_1119 = arith.shli %get3A_1118, %broadcast_in_dim3A_325 : vector<16xi32>
        %bitcast_convert_type3A_1120 = tpu.bitcast %shift_left3A_1119 : vector<16xi32> -> vector<16xf32>
        %swap3A_1121 = arith.index_cast %scan3A_1083 : i32 to index
        %swap3A_1122 = arith.constant 64 : index
        %swap3A_1123 = tpu.vector_load %arg9[%swap3A_1121, %swap3A_1122] {strides = array<i32>} : memref<104x128xf32, #tpu.memory_space<vmem>>, vector<1x16xf32>,
        %swap3A_1124 = vector.shape_cast %swap3A_1123 : vector<1x16xf32> to vector<16xf32>
        %swap3A_1125 = vector.shape_cast %bitcast_convert_type3A_1120 : vector<16xf32> to vector<1x16xf32>
        tpu.vector_store %arg9[%swap3A_1121, %swap3A_1122], %swap3A_1125 {strides = array<i32>} : memref<104x128xf32, #tpu.memory_space<vmem>>, vector<1x16xf32>,
        %and3A_1126 = arith.andi %get3A_1118, %broadcast_in_dim3A_327 : vector<16xi32>
        %bitcast_convert_type3A_1127 = tpu.bitcast %and3A_1126 : vector<16xi32> -> vector<16xf32>
        %swap3A_1128 = arith.index_cast %scan3A_1083 : i32 to index
        %swap3A_1129 = arith.constant 80 : index
        %swap3A_1130 = tpu.vector_load %arg9[%swap3A_1128, %swap3A_1129] {strides = array<i32>} : memref<104x128xf32, #tpu.memory_space<vmem>>, vector<1x16xf32>,
        %swap3A_1131 = vector.shape_cast %swap3A_1130 : vector<1x16xf32> to vector<16xf32>
        %swap3A_1132 = vector.shape_cast %bitcast_convert_type3A_1127 : vector<16xf32> to vector<1x16xf32>
        tpu.vector_store %arg9[%swap3A_1128, %swap3A_1129], %swap3A_1132 {strides = array<i32>} : memref<104x128xf32, #tpu.memory_space<vmem>>, vector<1x16xf32>,
        %get3A_1133 = arith.index_cast %scan3A_1083 : i32 to index
        %get3A_1134 = arith.constant 48 : index
        %get3A_1135 = tpu.vector_load %arg8[%get3A_1133, %get3A_1134] {strides = array<i32>} : memref<104x64xi32, #tpu.memory_space<vmem>>, vector<1x16xi32>,
        %get3A_1136 = vector.shape_cast %get3A_1135 : vector<1x16xi32> to vector<16xi32>
        %shift_left3A_1137 = arith.shli %get3A_1136, %broadcast_in_dim3A_325 : vector<16xi32>
        %bitcast_convert_type3A_1138 = tpu.bitcast %shift_left3A_1137 : vector<16xi32> -> vector<16xf32>
        %swap3A_1139 = arith.index_cast %scan3A_1083 : i32 to index
        %swap3A_1140 = arith.constant 96 : index
        %swap3A_1141 = tpu.vector_load %arg9[%swap3A_1139, %swap3A_1140] {strides = array<i32>} : memref<104x128xf32, #tpu.memory_space<vmem>>, vector<1x16xf32>,
        %swap3A_1142 = vector.shape_cast %swap3A_1141 : vector<1x16xf32> to vector<16xf32>
        %swap3A_1143 = vector.shape_cast %bitcast_convert_type3A_1138 : vector<16xf32> to vector<1x16xf32>
        tpu.vector_store %arg9[%swap3A_1139, %swap3A_1140], %swap3A_1143 {strides = array<i32>} : memref<104x128xf32, #tpu.memory_space<vmem>>, vector<1x16xf32>,
        %and3A_1144 = arith.andi %get3A_1136, %broadcast_in_dim3A_327 : vector<16xi32>
        %bitcast_convert_type3A_1145 = tpu.bitcast %and3A_1144 : vector<16xi32> -> vector<16xf32>
        %swap3A_1146 = arith.index_cast %scan3A_1083 : i32 to index
        %swap3A_1147 = arith.constant 112 : index
        %swap3A_1148 = tpu.vector_load %arg9[%swap3A_1146, %swap3A_1147] {strides = array<i32>} : memref<104x128xf32, #tpu.memory_space<vmem>>, vector<1x16xf32>,
        %swap3A_1149 = vector.shape_cast %swap3A_1148 : vector<1x16xf32> to vector<16xf32>
        %swap3A_1150 = vector.shape_cast %bitcast_convert_type3A_1145 : vector<16xf32> to vector<1x16xf32>
        tpu.vector_store %arg9[%swap3A_1146, %swap3A_1147], %swap3A_1150 {strides = array<i32>} : memref<104x128xf32, #tpu.memory_space<vmem>>, vector<1x16xf32>,
      }
      %scan3A_333 = arith.constant 104 : i32
      %dma_start3A_334 = arith.constant 2 : i32
      %dma_start3A_335 = arith.constant 1 : i32
      %dma_start3A_336 = arith.constant 0 : i32
      %dma_start3A_337 = arith.constant 0 : i32
      %dma_start3A_338 = tpu.memref_slice %arg5[%dma_start3A_334, %dma_start3A_336, %dma_start3A_337] : memref<4x2x104xi32, #tpu.memory_space<vmem>> -> memref<1x2x104xi32, #tpu.memory_space<vmem>>
      %dma_start3A_339 = tpu.memref_squeeze %dma_start3A_338 : memref<1x2x104xi32, #tpu.memory_space<vmem>> -> memref<2x104xi32, #tpu.memory_space<vmem>>
      %dma_start3A_340 = arith.constant 0 : i32
      %dma_start3A_341 = tpu.memref_slice %dma_start3A_339[%dma_start3A_335, %dma_start3A_340] : memref<2x104xi32, #tpu.memory_space<vmem>> -> memref<1x104xi32, #tpu.memory_space<vmem>>
      %dma_start3A_342 = tpu.memref_squeeze %dma_start3A_341 : memref<1x104xi32, #tpu.memory_space<vmem>> -> memref<104xi32, #tpu.memory_space<vmem>>
      %dma_start3A_343 = arith.constant 0 : i32
      %dma_start3A_344 = arith.constant 0 : i32
      %dma_start3A_345 = tpu.memref_slice %arg11[%dma_start3A_343, %dma_start3A_344] : memref<10240x128xf32, #tpu.memory_space<vmem_shared>> -> memref<10240x128xf32, #tpu.memory_space<vmem_shared>>
      tpu.enqueue_indirect_dma source(%arg9 : memref<104x128xf32, #tpu.memory_space<vmem>>) target(%dma_start3A_345 : memref<10240x128xf32, #tpu.memory_space<vmem_shared>>) offsets(%dma_start3A_342 : memref<104xi32, #tpu.memory_space<vmem>>) semaphore(%arg15 : memref<!tpu.dma_semaphore, #tpu.memory_space<semaphore_mem>>) {add = true}
      %mul3A_346 = arith.constant 12 : i32
      %mul3A_347 = arith.muli %mul3A_346, %scan3A_278 : i32
      %add3A_348 = arith.constant 2 : i32
      %add3A_349 = arith.addi %mul3A_347, %add3A_348 : i32
      %add3A_350 = arith.constant 1 : i32
      %add3A_351 = arith.addi %add3A_349, %add3A_350 : i32
      %dma_wait3A_352 = arith.constant 3 : i32
      %dma_wait3A_353 = arith.constant 0 : i32
      %dma_wait3A_354 = arith.constant 0 : i32
      %dma_wait3A_355 = arith.constant 0 : i32
      %dma_wait3A_356 = tpu.memref_slice %arg5[%dma_wait3A_352, %dma_wait3A_354, %dma_wait3A_355] : memref<4x2x104xi32, #tpu.memory_space<vmem>> -> memref<1x2x104xi32, #tpu.memory_space<vmem>>
      %dma_wait3A_357 = tpu.memref_squeeze %dma_wait3A_356 : memref<1x2x104xi32, #tpu.memory_space<vmem>> -> memref<2x104xi32, #tpu.memory_space<vmem>>
      %dma_wait3A_358 = arith.constant 0 : i32
      %dma_wait3A_359 = tpu.memref_slice %dma_wait3A_357[%dma_wait3A_353, %dma_wait3A_358] : memref<2x104xi32, #tpu.memory_space<vmem>> -> memref<1x104xi32, #tpu.memory_space<vmem>>
      %dma_wait3A_360 = tpu.memref_squeeze %dma_wait3A_359 : memref<1x104xi32, #tpu.memory_space<vmem>> -> memref<104xi32, #tpu.memory_space<vmem>>
      %dma_wait3A_361 = arith.constant 0 : i32
      %dma_wait3A_362 = arith.constant 0 : i32
      %dma_wait3A_363 = tpu.memref_slice %arg2[%dma_wait3A_361, %dma_wait3A_362] : memref<20000x64xi32, #tpu.memory_space<hbm>> -> memref<20000x64xi32, #tpu.memory_space<hbm>>
      tpu.wait_indirect_dma semaphore(%arg12 : memref<!tpu.dma_semaphore, #tpu.memory_space<semaphore_mem>>) src(%dma_wait3A_363 : memref<20000x64xi32, #tpu.memory_space<hbm>>) dst(%arg6 : memref<104x64xi32, #tpu.memory_space<vmem>>)
      %dma_wait3A_364 = arith.constant 1 : i32
      %dma_wait3A_365 = arith.constant 1 : i32
      %dma_wait3A_366 = arith.constant 0 : i32
      %dma_wait3A_367 = arith.constant 0 : i32
      %dma_wait3A_368 = tpu.memref_slice %arg5[%dma_wait3A_364, %dma_wait3A_366, %dma_wait3A_367] : memref<4x2x104xi32, #tpu.memory_space<vmem>> -> memref<1x2x104xi32, #tpu.memory_space<vmem>>
      %dma_wait3A_369 = tpu.memref_squeeze %dma_wait3A_368 : memref<1x2x104xi32, #tpu.memory_space<vmem>> -> memref<2x104xi32, #tpu.memory_space<vmem>>
      %dma_wait3A_370 = arith.constant 0 : i32
      %dma_wait3A_371 = tpu.memref_slice %dma_wait3A_369[%dma_wait3A_365, %dma_wait3A_370] : memref<2x104xi32, #tpu.memory_space<vmem>> -> memref<1x104xi32, #tpu.memory_space<vmem>>
      %dma_wait3A_372 = tpu.memref_squeeze %dma_wait3A_371 : memref<1x104xi32, #tpu.memory_space<vmem>> -> memref<104xi32, #tpu.memory_space<vmem>>
      %dma_wait3A_373 = arith.constant 0 : i32
      %dma_wait3A_374 = arith.constant 0 : i32
      %dma_wait3A_375 = tpu.memref_slice %arg11[%dma_wait3A_373, %dma_wait3A_374] : memref<10240x128xf32, #tpu.memory_space<vmem_shared>> -> memref<10240x128xf32, #tpu.memory_space<vmem_shared>>
      tpu.wait_indirect_dma semaphore(%arg16 : memref<!tpu.dma_semaphore, #tpu.memory_space<semaphore_mem>>) src(%arg10 : memref<104x128xf32, #tpu.memory_space<vmem>>) dst(%dma_wait3A_375 : memref<10240x128xf32, #tpu.memory_space<vmem_shared>>)
      %add3A_376 = arith.constant 2 : i32
      %add3A_377 = arith.addi %add3A_351, %add3A_376 : i32
      %run_scoped3A_378 = arith.constant 1 : i32
      "tpu.region"() ({
        %run_scoped3A_1083 = tpu.sem_alloc : memref<!tpu.dma_semaphore, #tpu.memory_space<semaphore_mem>>
        %dma_start3A_1084 = arith.constant 0 : i32
        %dma_start3A_1085 = arith.constant 0 : i32
        %dma_start3A_1086 = tpu.memref_slice %arg5[%run_scoped3A_378, %dma_start3A_1084, %dma_start3A_1085] : memref<4x2x104xi32, #tpu.memory_space<vmem>> -> memref<1x2x104xi32, #tpu.memory_space<vmem>>
        %dma_start3A_1087 = tpu.memref_squeeze %dma_start3A_1086 : memref<1x2x104xi32, #tpu.memory_space<vmem>> -> memref<2x104xi32, #tpu.memory_space<vmem>>
        %dma_start3A_1088 = arith.constant 0 : i32
        %dma_start3A_1089 = arith.constant 0 : i32
        %dma_start3A_1090 = tpu.memref_slice %arg3[%arg0, %arg1, %add3A_377, %dma_start3A_1088, %dma_start3A_1089] : memref<2x16x196x2x104xi32, #tpu.memory_space<hbm>> -> memref<1x1x1x2x104xi32, #tpu.memory_space<hbm>>
        %dma_start3A_1091 = tpu.memref_squeeze %dma_start3A_1090 : memref<1x1x1x2x104xi32, #tpu.memory_space<hbm>> -> memref<2x104xi32, #tpu.memory_space<hbm>>
        %dma_start3A_1092 = arith.constant 0 : i32
        %dma_start3A_1093 = arith.constant 0 : i32
        %dma_start3A_1094 = tpu.memref_slice %arg5[%run_scoped3A_378, %dma_start3A_1092, %dma_start3A_1093] : memref<4x2x104xi32, #tpu.memory_space<vmem>> -> memref<1x2x104xi32, #tpu.memory_space<vmem>>
        %dma_start3A_1095 = tpu.memref_squeeze %dma_start3A_1094 : memref<1x2x104xi32, #tpu.memory_space<vmem>> -> memref<2x104xi32, #tpu.memory_space<vmem>>
        %dma_start3A_1096 = arith.constant 0 : i32
        %dma_start3A_1097 = arith.constant 0 : i32
        %dma_start3A_1098 = tpu.memref_slice %arg3[%arg0, %arg1, %add3A_377, %dma_start3A_1096, %dma_start3A_1097] : memref<2x16x196x2x104xi32, #tpu.memory_space<hbm>> -> memref<1x1x1x2x104xi32, #tpu.memory_space<hbm>>
        %dma_start3A_1099 = tpu.memref_squeeze %dma_start3A_1098 : memref<1x1x1x2x104xi32, #tpu.memory_space<hbm>> -> memref<2x104xi32, #tpu.memory_space<hbm>>
        tpu.enqueue_dma source(%dma_start3A_1099 : memref<2x104xi32, #tpu.memory_space<hbm>>) target(%dma_start3A_1095 : memref<2x104xi32, #tpu.memory_space<vmem>>) target_semaphore(%run_scoped3A_1083 : memref<!tpu.dma_semaphore, #tpu.memory_space<semaphore_mem>>)
        %dma_wait3A_1100 = arith.constant 0 : i32
        %dma_wait3A_1101 = arith.constant 0 : i32
        %dma_wait3A_1102 = tpu.memref_slice %arg5[%run_scoped3A_378, %dma_wait3A_1100, %dma_wait3A_1101] : memref<4x2x104xi32, #tpu.memory_space<vmem>> -> memref<1x2x104xi32, #tpu.memory_space<vmem>>
        %dma_wait3A_1103 = tpu.memref_squeeze %dma_wait3A_1102 : memref<1x2x104xi32, #tpu.memory_space<vmem>> -> memref<2x104xi32, #tpu.memory_space<vmem>>
        %dma_wait3A_1104 = arith.constant 0 : i32
        %dma_wait3A_1105 = arith.constant 0 : i32
        %dma_wait3A_1106 = tpu.memref_slice %arg3[%arg0, %arg1, %add3A_377, %dma_wait3A_1104, %dma_wait3A_1105] : memref<2x16x196x2x104xi32, #tpu.memory_space<hbm>> -> memref<1x1x1x2x104xi32, #tpu.memory_space<hbm>>
        %dma_wait3A_1107 = tpu.memref_squeeze %dma_wait3A_1106 : memref<1x1x1x2x104xi32, #tpu.memory_space<hbm>> -> memref<2x104xi32, #tpu.memory_space<hbm>>
        %dma_wait3A_1108 = arith.constant 0 : i32
        %dma_wait3A_1109 = arith.constant 0 : i32
        %dma_wait3A_1110 = tpu.memref_slice %arg5[%run_scoped3A_378, %dma_wait3A_1108, %dma_wait3A_1109] : memref<4x2x104xi32, #tpu.memory_space<vmem>> -> memref<1x2x104xi32, #tpu.memory_space<vmem>>
        %dma_wait3A_1111 = tpu.memref_squeeze %dma_wait3A_1110 : memref<1x2x104xi32, #tpu.memory_space<vmem>> -> memref<2x104xi32, #tpu.memory_space<vmem>>
        %dma_wait3A_1112 = arith.constant 0 : i32
        %dma_wait3A_1113 = arith.constant 0 : i32
        %dma_wait3A_1114 = tpu.memref_slice %arg3[%arg0, %arg1, %add3A_377, %dma_wait3A_1112, %dma_wait3A_1113] : memref<2x16x196x2x104xi32, #tpu.memory_space<hbm>> -> memref<1x1x1x2x104xi32, #tpu.memory_space<hbm>>
        %dma_wait3A_1115 = tpu.memref_squeeze %dma_wait3A_1114 : memref<1x1x1x2x104xi32, #tpu.memory_space<hbm>> -> memref<2x104xi32, #tpu.memory_space<hbm>>
        tpu.wait_dma2 semaphore(%run_scoped3A_1083 : memref<!tpu.dma_semaphore, #tpu.memory_space<semaphore_mem>>) src(%dma_wait3A_1115 : memref<2x104xi32, #tpu.memory_space<hbm>>) dst(%dma_wait3A_1111 : memref<2x104xi32, #tpu.memory_space<vmem>>)
        tpu.yield
      }) : () -> ()
      %dma_start3A_379 = arith.constant 1 : i32
      %dma_start3A_380 = arith.constant 0 : i32
      %dma_start3A_381 = arith.constant 0 : i32
      %dma_start3A_382 = arith.constant 0 : i32
      %dma_start3A_383 = tpu.memref_slice %arg5[%dma_start3A_379, %dma_start3A_381, %dma_start3A_382] : memref<4x2x104xi32, #tpu.memory_space<vmem>> -> memref<1x2x104xi32, #tpu.memory_space<vmem>>
      %dma_start3A_384 = tpu.memref_squeeze %dma_start3A_383 : memref<1x2x104xi32, #tpu.memory_space<vmem>> -> memref<2x104xi32, #tpu.memory_space<vmem>>
      %dma_start3A_385 = arith.constant 0 : i32
      %dma_start3A_386 = tpu.memref_slice %dma_start3A_384[%dma_start3A_380, %dma_start3A_385] : memref<2x104xi32, #tpu.memory_space<vmem>> -> memref<1x104xi32, #tpu.memory_space<vmem>>
      %dma_start3A_387 = tpu.memref_squeeze %dma_start3A_386 : memref<1x104xi32, #tpu.memory_space<vmem>> -> memref<104xi32, #tpu.memory_space<vmem>>
      %dma_start3A_388 = arith.constant 0 : i32
      %dma_start3A_389 = arith.constant 0 : i32
      %dma_start3A_390 = tpu.memref_slice %arg2[%dma_start3A_388, %dma_start3A_389] : memref<20000x64xi32, #tpu.memory_space<hbm>> -> memref<20000x64xi32, #tpu.memory_space<hbm>>
      tpu.enqueue_indirect_dma source(%dma_start3A_390 : memref<20000x64xi32, #tpu.memory_space<hbm>>) target(%arg8 : memref<104x64xi32, #tpu.memory_space<vmem>>) offsets(%dma_start3A_387 : memref<104xi32, #tpu.memory_space<vmem>>) semaphore(%arg14 : memref<!tpu.dma_semaphore, #tpu.memory_space<semaphore_mem>>)
      %broadcast_in_dim3A_391 = arith.constant 16 : i32
      %broadcast_in_dim3A_392 = vector.broadcast %broadcast_in_dim3A_391 : i32 to vector<16xi32>
      %broadcast_in_dim3A_393 = arith.constant -65536 : i32
      %broadcast_in_dim3A_394 = vector.broadcast %broadcast_in_dim3A_393 : i32 to vector<16xi32>
      %scan3A_395 = arith.constant 0 : i32
      %scan3A_396 = arith.constant 0 : i32
      %scan3A_397 = arith.constant 104 : i32
      %scan3A_398 = arith.addi %scan3A_396, %scan3A_397 : i32
      %scan3A_399 = arith.constant 1 : i32
      scf.for %scan3A_1083 = %scan3A_396 to %scan3A_398 step %scan3A_399  : i32 {
        %get3A = arith.index_cast %scan3A_1083 : i32 to index
        %get3A_1084 = arith.constant 0 : index
        %get3A_1085 = tpu.vector_load %arg6[%get3A, %get3A_1084] {strides = array<i32>} : memref<104x64xi32, #tpu.memory_space<vmem>>, vector<1x16xi32>,
        %get3A_1086 = vector.shape_cast %get3A_1085 : vector<1x16xi32> to vector<16xi32>
        %shift_left3A = arith.shli %get3A_1086, %broadcast_in_dim3A_392 : vector<16xi32>
        %bitcast_convert_type3A = tpu.bitcast %shift_left3A : vector<16xi32> -> vector<16xf32>
        %swap3A = arith.index_cast %scan3A_1083 : i32 to index
        %swap3A_1087 = arith.constant 0 : index
        %swap3A_1088 = tpu.vector_load %arg10[%swap3A, %swap3A_1087] {strides = array<i32>} : memref<104x128xf32, #tpu.memory_space<vmem>>, vector<1x16xf32>,
        %swap3A_1089 = vector.shape_cast %swap3A_1088 : vector<1x16xf32> to vector<16xf32>
        %swap3A_1090 = vector.shape_cast %bitcast_convert_type3A : vector<16xf32> to vector<1x16xf32>
        tpu.vector_store %arg10[%swap3A, %swap3A_1087], %swap3A_1090 {strides = array<i32>} : memref<104x128xf32, #tpu.memory_space<vmem>>, vector<1x16xf32>,
        %and3A = arith.andi %get3A_1086, %broadcast_in_dim3A_394 : vector<16xi32>
        %bitcast_convert_type3A_1091 = tpu.bitcast %and3A : vector<16xi32> -> vector<16xf32>
        %swap3A_1092 = arith.index_cast %scan3A_1083 : i32 to index
        %swap3A_1093 = arith.constant 16 : index
        %swap3A_1094 = tpu.vector_load %arg10[%swap3A_1092, %swap3A_1093] {strides = array<i32>} : memref<104x128xf32, #tpu.memory_space<vmem>>, vector<1x16xf32>,
        %swap3A_1095 = vector.shape_cast %swap3A_1094 : vector<1x16xf32> to vector<16xf32>
        %swap3A_1096 = vector.shape_cast %bitcast_convert_type3A_1091 : vector<16xf32> to vector<1x16xf32>
        tpu.vector_store %arg10[%swap3A_1092, %swap3A_1093], %swap3A_1096 {strides = array<i32>} : memref<104x128xf32, #tpu.memory_space<vmem>>, vector<1x16xf32>,
        %get3A_1097 = arith.index_cast %scan3A_1083 : i32 to index
        %get3A_1098 = arith.constant 16 : index
        %get3A_1099 = tpu.vector_load %arg6[%get3A_1097, %get3A_1098] {strides = array<i32>} : memref<104x64xi32, #tpu.memory_space<vmem>>, vector<1x16xi32>,
        %get3A_1100 = vector.shape_cast %get3A_1099 : vector<1x16xi32> to vector<16xi32>
        %shift_left3A_1101 = arith.shli %get3A_1100, %broadcast_in_dim3A_392 : vector<16xi32>
        %bitcast_convert_type3A_1102 = tpu.bitcast %shift_left3A_1101 : vector<16xi32> -> vector<16xf32>
        %swap3A_1103 = arith.index_cast %scan3A_1083 : i32 to index
        %swap3A_1104 = arith.constant 32 : index
        %swap3A_1105 = tpu.vector_load %arg10[%swap3A_1103, %swap3A_1104] {strides = array<i32>} : memref<104x128xf32, #tpu.memory_space<vmem>>, vector<1x16xf32>,
        %swap3A_1106 = vector.shape_cast %swap3A_1105 : vector<1x16xf32> to vector<16xf32>
        %swap3A_1107 = vector.shape_cast %bitcast_convert_type3A_1102 : vector<16xf32> to vector<1x16xf32>
        tpu.vector_store %arg10[%swap3A_1103, %swap3A_1104], %swap3A_1107 {strides = array<i32>} : memref<104x128xf32, #tpu.memory_space<vmem>>, vector<1x16xf32>,
        %and3A_1108 = arith.andi %get3A_1100, %broadcast_in_dim3A_394 : vector<16xi32>
        %bitcast_convert_type3A_1109 = tpu.bitcast %and3A_1108 : vector<16xi32> -> vector<16xf32>
        %swap3A_1110 = arith.index_cast %scan3A_1083 : i32 to index
        %swap3A_1111 = arith.constant 48 : index
        %swap3A_1112 = tpu.vector_load %arg10[%swap3A_1110, %swap3A_1111] {strides = array<i32>} : memref<104x128xf32, #tpu.memory_space<vmem>>, vector<1x16xf32>,
        %swap3A_1113 = vector.shape_cast %swap3A_1112 : vector<1x16xf32> to vector<16xf32>
        %swap3A_1114 = vector.shape_cast %bitcast_convert_type3A_1109 : vector<16xf32> to vector<1x16xf32>
        tpu.vector_store %arg10[%swap3A_1110, %swap3A_1111], %swap3A_1114 {strides = array<i32>} : memref<104x128xf32, #tpu.memory_space<vmem>>, vector<1x16xf32>,
        %get3A_1115 = arith.index_cast %scan3A_1083 : i32 to index
        %get3A_1116 = arith.constant 32 : index
        %get3A_1117 = tpu.vector_load %arg6[%get3A_1115, %get3A_1116] {strides = array<i32>} : memref<104x64xi32, #tpu.memory_space<vmem>>, vector<1x16xi32>,
        %get3A_1118 = vector.shape_cast %get3A_1117 : vector<1x16xi32> to vector<16xi32>
        %shift_left3A_1119 = arith.shli %get3A_1118, %broadcast_in_dim3A_392 : vector<16xi32>
        %bitcast_convert_type3A_1120 = tpu.bitcast %shift_left3A_1119 : vector<16xi32> -> vector<16xf32>
        %swap3A_1121 = arith.index_cast %scan3A_1083 : i32 to index
        %swap3A_1122 = arith.constant 64 : index
        %swap3A_1123 = tpu.vector_load %arg10[%swap3A_1121, %swap3A_1122] {strides = array<i32>} : memref<104x128xf32, #tpu.memory_space<vmem>>, vector<1x16xf32>,
        %swap3A_1124 = vector.shape_cast %swap3A_1123 : vector<1x16xf32> to vector<16xf32>
        %swap3A_1125 = vector.shape_cast %bitcast_convert_type3A_1120 : vector<16xf32> to vector<1x16xf32>
        tpu.vector_store %arg10[%swap3A_1121, %swap3A_1122], %swap3A_1125 {strides = array<i32>} : memref<104x128xf32, #tpu.memory_space<vmem>>, vector<1x16xf32>,
        %and3A_1126 = arith.andi %get3A_1118, %broadcast_in_dim3A_394 : vector<16xi32>
        %bitcast_convert_type3A_1127 = tpu.bitcast %and3A_1126 : vector<16xi32> -> vector<16xf32>
        %swap3A_1128 = arith.index_cast %scan3A_1083 : i32 to index
        %swap3A_1129 = arith.constant 80 : index
        %swap3A_1130 = tpu.vector_load %arg10[%swap3A_1128, %swap3A_1129] {strides = array<i32>} : memref<104x128xf32, #tpu.memory_space<vmem>>, vector<1x16xf32>,
        %swap3A_1131 = vector.shape_cast %swap3A_1130 : vector<1x16xf32> to vector<16xf32>
        %swap3A_1132 = vector.shape_cast %bitcast_convert_type3A_1127 : vector<16xf32> to vector<1x16xf32>
        tpu.vector_store %arg10[%swap3A_1128, %swap3A_1129], %swap3A_1132 {strides = array<i32>} : memref<104x128xf32, #tpu.memory_space<vmem>>, vector<1x16xf32>,
        %get3A_1133 = arith.index_cast %scan3A_1083 : i32 to index
        %get3A_1134 = arith.constant 48 : index
        %get3A_1135 = tpu.vector_load %arg6[%get3A_1133, %get3A_1134] {strides = array<i32>} : memref<104x64xi32, #tpu.memory_space<vmem>>, vector<1x16xi32>,
        %get3A_1136 = vector.shape_cast %get3A_1135 : vector<1x16xi32> to vector<16xi32>
        %shift_left3A_1137 = arith.shli %get3A_1136, %broadcast_in_dim3A_392 : vector<16xi32>
        %bitcast_convert_type3A_1138 = tpu.bitcast %shift_left3A_1137 : vector<16xi32> -> vector<16xf32>
        %swap3A_1139 = arith.index_cast %scan3A_1083 : i32 to index
        %swap3A_1140 = arith.constant 96 : index
        %swap3A_1141 = tpu.vector_load %arg10[%swap3A_1139, %swap3A_1140] {strides = array<i32>} : memref<104x128xf32, #tpu.memory_space<vmem>>, vector<1x16xf32>,
        %swap3A_1142 = vector.shape_cast %swap3A_1141 : vector<1x16xf32> to vector<16xf32>
        %swap3A_1143 = vector.shape_cast %bitcast_convert_type3A_1138 : vector<16xf32> to vector<1x16xf32>
        tpu.vector_store %arg10[%swap3A_1139, %swap3A_1140], %swap3A_1143 {strides = array<i32>} : memref<104x128xf32, #tpu.memory_space<vmem>>, vector<1x16xf32>,
        %and3A_1144 = arith.andi %get3A_1136, %broadcast_in_dim3A_394 : vector<16xi32>
        %bitcast_convert_type3A_1145 = tpu.bitcast %and3A_1144 : vector<16xi32> -> vector<16xf32>
        %swap3A_1146 = arith.index_cast %scan3A_1083 : i32 to index
        %swap3A_1147 = arith.constant 112 : index
        %swap3A_1148 = tpu.vector_load %arg10[%swap3A_1146, %swap3A_1147] {strides = array<i32>} : memref<104x128xf32, #tpu.memory_space<vmem>>, vector<1x16xf32>,
        %swap3A_1149 = vector.shape_cast %swap3A_1148 : vector<1x16xf32> to vector<16xf32>
        %swap3A_1150 = vector.shape_cast %bitcast_convert_type3A_1145 : vector<16xf32> to vector<1x16xf32>
        tpu.vector_store %arg10[%swap3A_1146, %swap3A_1147], %swap3A_1150 {strides = array<i32>} : memref<104x128xf32, #tpu.memory_space<vmem>>, vector<1x16xf32>,
      }
      %scan3A_400 = arith.constant 104 : i32
      %dma_start3A_401 = arith.constant 3 : i32
      %dma_start3A_402 = arith.constant 1 : i32
      %dma_start3A_403 = arith.constant 0 : i32
      %dma_start3A_404 = arith.constant 0 : i32
      %dma_start3A_405 = tpu.memref_slice %arg5[%dma_start3A_401, %dma_start3A_403, %dma_start3A_404] : memref<4x2x104xi32, #tpu.memory_space<vmem>> -> memref<1x2x104xi32, #tpu.memory_space<vmem>>
      %dma_start3A_406 = tpu.memref_squeeze %dma_start3A_405 : memref<1x2x104xi32, #tpu.memory_space<vmem>> -> memref<2x104xi32, #tpu.memory_space<vmem>>
      %dma_start3A_407 = arith.constant 0 : i32
      %dma_start3A_408 = tpu.memref_slice %dma_start3A_406[%dma_start3A_402, %dma_start3A_407] : memref<2x104xi32, #tpu.memory_space<vmem>> -> memref<1x104xi32, #tpu.memory_space<vmem>>
      %dma_start3A_409 = tpu.memref_squeeze %dma_start3A_408 : memref<1x104xi32, #tpu.memory_space<vmem>> -> memref<104xi32, #tpu.memory_space<vmem>>
      %dma_start3A_410 = arith.constant 0 : i32
      %dma_start3A_411 = arith.constant 0 : i32
      %dma_start3A_412 = tpu.memref_slice %arg11[%dma_start3A_410, %dma_start3A_411] : memref<10240x128xf32, #tpu.memory_space<vmem_shared>> -> memref<10240x128xf32, #tpu.memory_space<vmem_shared>>
      tpu.enqueue_indirect_dma source(%arg10 : memref<104x128xf32, #tpu.memory_space<vmem>>) target(%dma_start3A_412 : memref<10240x128xf32, #tpu.memory_space<vmem_shared>>) offsets(%dma_start3A_409 : memref<104xi32, #tpu.memory_space<vmem>>) semaphore(%arg16 : memref<!tpu.dma_semaphore, #tpu.memory_space<semaphore_mem>>) {add = true}
      %mul3A_413 = arith.constant 12 : i32
      %mul3A_414 = arith.muli %mul3A_413, %scan3A_278 : i32
      %add3A_415 = arith.constant 2 : i32
      %add3A_416 = arith.addi %mul3A_414, %add3A_415 : i32
      %add3A_417 = arith.constant 2 : i32
      %add3A_418 = arith.addi %add3A_416, %add3A_417 : i32
      %dma_wait3A_419 = arith.constant 0 : i32
      %dma_wait3A_420 = arith.constant 0 : i32
      %dma_wait3A_421 = arith.constant 0 : i32
      %dma_wait3A_422 = arith.constant 0 : i32
      %dma_wait3A_423 = tpu.memref_slice %arg5[%dma_wait3A_419, %dma_wait3A_421, %dma_wait3A_422] : memref<4x2x104xi32, #tpu.memory_space<vmem>> -> memref<1x2x104xi32, #tpu.memory_space<vmem>>
      %dma_wait3A_424 = tpu.memref_squeeze %dma_wait3A_423 : memref<1x2x104xi32, #tpu.memory_space<vmem>> -> memref<2x104xi32, #tpu.memory_space<vmem>>
      %dma_wait3A_425 = arith.constant 0 : i32
      %dma_wait3A_426 = tpu.memref_slice %dma_wait3A_424[%dma_wait3A_420, %dma_wait3A_425] : memref<2x104xi32, #tpu.memory_space<vmem>> -> memref<1x104xi32, #tpu.memory_space<vmem>>
      %dma_wait3A_427 = tpu.memref_squeeze %dma_wait3A_426 : memref<1x104xi32, #tpu.memory_space<vmem>> -> memref<104xi32, #tpu.memory_space<vmem>>
      %dma_wait3A_428 = arith.constant 0 : i32
      %dma_wait3A_429 = arith.constant 0 : i32
      %dma_wait3A_430 = tpu.memref_slice %arg2[%dma_wait3A_428, %dma_wait3A_429] : memref<20000x64xi32, #tpu.memory_space<hbm>> -> memref<20000x64xi32, #tpu.memory_space<hbm>>
      tpu.wait_indirect_dma semaphore(%arg13 : memref<!tpu.dma_semaphore, #tpu.memory_space<semaphore_mem>>) src(%dma_wait3A_430 : memref<20000x64xi32, #tpu.memory_space<hbm>>) dst(%arg7 : memref<104x64xi32, #tpu.memory_space<vmem>>)
      %dma_wait3A_431 = arith.constant 2 : i32
      %dma_wait3A_432 = arith.constant 1 : i32
      %dma_wait3A_433 = arith.constant 0 : i32
      %dma_wait3A_434 = arith.constant 0 : i32
      %dma_wait3A_435 = tpu.memref_slice %arg5[%dma_wait3A_431, %dma_wait3A_433, %dma_wait3A_434] : memref<4x2x104xi32, #tpu.memory_space<vmem>> -> memref<1x2x104xi32, #tpu.memory_space<vmem>>
      %dma_wait3A_436 = tpu.memref_squeeze %dma_wait3A_435 : memref<1x2x104xi32, #tpu.memory_space<vmem>> -> memref<2x104xi32, #tpu.memory_space<vmem>>
      %dma_wait3A_437 = arith.constant 0 : i32
      %dma_wait3A_438 = tpu.memref_slice %dma_wait3A_436[%dma_wait3A_432, %dma_wait3A_437] : memref<2x104xi32, #tpu.memory_space<vmem>> -> memref<1x104xi32, #tpu.memory_space<vmem>>
      %dma_wait3A_439 = tpu.memref_squeeze %dma_wait3A_438 : memref<1x104xi32, #tpu.memory_space<vmem>> -> memref<104xi32, #tpu.memory_space<vmem>>
      %dma_wait3A_440 = arith.constant 0 : i32
      %dma_wait3A_441 = arith.constant 0 : i32
      %dma_wait3A_442 = tpu.memref_slice %arg11[%dma_wait3A_440, %dma_wait3A_441] : memref<10240x128xf32, #tpu.memory_space<vmem_shared>> -> memref<10240x128xf32, #tpu.memory_space<vmem_shared>>
      tpu.wait_indirect_dma semaphore(%arg15 : memref<!tpu.dma_semaphore, #tpu.memory_space<semaphore_mem>>) src(%arg9 : memref<104x128xf32, #tpu.memory_space<vmem>>) dst(%dma_wait3A_442 : memref<10240x128xf32, #tpu.memory_space<vmem_shared>>)
      %add3A_443 = arith.constant 2 : i32
      %add3A_444 = arith.addi %add3A_418, %add3A_443 : i32
      %run_scoped3A_445 = arith.constant 2 : i32
      "tpu.region"() ({
        %run_scoped3A_1083 = tpu.sem_alloc : memref<!tpu.dma_semaphore, #tpu.memory_space<semaphore_mem>>
        %dma_start3A_1084 = arith.constant 0 : i32
        %dma_start3A_1085 = arith.constant 0 : i32
        %dma_start3A_1086 = tpu.memref_slice %arg5[%run_scoped3A_445, %dma_start3A_1084, %dma_start3A_1085] : memref<4x2x104xi32, #tpu.memory_space<vmem>> -> memref<1x2x104xi32, #tpu.memory_space<vmem>>
        %dma_start3A_1087 = tpu.memref_squeeze %dma_start3A_1086 : memref<1x2x104xi32, #tpu.memory_space<vmem>> -> memref<2x104xi32, #tpu.memory_space<vmem>>
        %dma_start3A_1088 = arith.constant 0 : i32
        %dma_start3A_1089 = arith.constant 0 : i32
        %dma_start3A_1090 = tpu.memref_slice %arg3[%arg0, %arg1, %add3A_444, %dma_start3A_1088, %dma_start3A_1089] : memref<2x16x196x2x104xi32, #tpu.memory_space<hbm>> -> memref<1x1x1x2x104xi32, #tpu.memory_space<hbm>>
        %dma_start3A_1091 = tpu.memref_squeeze %dma_start3A_1090 : memref<1x1x1x2x104xi32, #tpu.memory_space<hbm>> -> memref<2x104xi32, #tpu.memory_space<hbm>>
        %dma_start3A_1092 = arith.constant 0 : i32
        %dma_start3A_1093 = arith.constant 0 : i32
        %dma_start3A_1094 = tpu.memref_slice %arg5[%run_scoped3A_445, %dma_start3A_1092, %dma_start3A_1093] : memref<4x2x104xi32, #tpu.memory_space<vmem>> -> memref<1x2x104xi32, #tpu.memory_space<vmem>>
        %dma_start3A_1095 = tpu.memref_squeeze %dma_start3A_1094 : memref<1x2x104xi32, #tpu.memory_space<vmem>> -> memref<2x104xi32, #tpu.memory_space<vmem>>
        %dma_start3A_1096 = arith.constant 0 : i32
        %dma_start3A_1097 = arith.constant 0 : i32
        %dma_start3A_1098 = tpu.memref_slice %arg3[%arg0, %arg1, %add3A_444, %dma_start3A_1096, %dma_start3A_1097] : memref<2x16x196x2x104xi32, #tpu.memory_space<hbm>> -> memref<1x1x1x2x104xi32, #tpu.memory_space<hbm>>
        %dma_start3A_1099 = tpu.memref_squeeze %dma_start3A_1098 : memref<1x1x1x2x104xi32, #tpu.memory_space<hbm>> -> memref<2x104xi32, #tpu.memory_space<hbm>>
        tpu.enqueue_dma source(%dma_start3A_1099 : memref<2x104xi32, #tpu.memory_space<hbm>>) target(%dma_start3A_1095 : memref<2x104xi32, #tpu.memory_space<vmem>>) target_semaphore(%run_scoped3A_1083 : memref<!tpu.dma_semaphore, #tpu.memory_space<semaphore_mem>>)
        %dma_wait3A_1100 = arith.constant 0 : i32
        %dma_wait3A_1101 = arith.constant 0 : i32
        %dma_wait3A_1102 = tpu.memref_slice %arg5[%run_scoped3A_445, %dma_wait3A_1100, %dma_wait3A_1101] : memref<4x2x104xi32, #tpu.memory_space<vmem>> -> memref<1x2x104xi32, #tpu.memory_space<vmem>>
        %dma_wait3A_1103 = tpu.memref_squeeze %dma_wait3A_1102 : memref<1x2x104xi32, #tpu.memory_space<vmem>> -> memref<2x104xi32, #tpu.memory_space<vmem>>
        %dma_wait3A_1104 = arith.constant 0 : i32
        %dma_wait3A_1105 = arith.constant 0 : i32
        %dma_wait3A_1106 = tpu.memref_slice %arg3[%arg0, %arg1, %add3A_444, %dma_wait3A_1104, %dma_wait3A_1105] : memref<2x16x196x2x104xi32, #tpu.memory_space<hbm>> -> memref<1x1x1x2x104xi32, #tpu.memory_space<hbm>>
        %dma_wait3A_1107 = tpu.memref_squeeze %dma_wait3A_1106 : memref<1x1x1x2x104xi32, #tpu.memory_space<hbm>> -> memref<2x104xi32, #tpu.memory_space<hbm>>
        %dma_wait3A_1108 = arith.constant 0 : i32
        %dma_wait3A_1109 = arith.constant 0 : i32
        %dma_wait3A_1110 = tpu.memref_slice %arg5[%run_scoped3A_445, %dma_wait3A_1108, %dma_wait3A_1109] : memref<4x2x104xi32, #tpu.memory_space<vmem>> -> memref<1x2x104xi32, #tpu.memory_space<vmem>>
        %dma_wait3A_1111 = tpu.memref_squeeze %dma_wait3A_1110 : memref<1x2x104xi32, #tpu.memory_space<vmem>> -> memref<2x104xi32, #tpu.memory_space<vmem>>
        %dma_wait3A_1112 = arith.constant 0 : i32
        %dma_wait3A_1113 = arith.constant 0 : i32
        %dma_wait3A_1114 = tpu.memref_slice %arg3[%arg0, %arg1, %add3A_444, %dma_wait3A_1112, %dma_wait3A_1113] : memref<2x16x196x2x104xi32, #tpu.memory_space<hbm>> -> memref<1x1x1x2x104xi32, #tpu.memory_space<hbm>>
        %dma_wait3A_1115 = tpu.memref_squeeze %dma_wait3A_1114 : memref<1x1x1x2x104xi32, #tpu.memory_space<hbm>> -> memref<2x104xi32, #tpu.memory_space<hbm>>
        tpu.wait_dma2 semaphore(%run_scoped3A_1083 : memref<!tpu.dma_semaphore, #tpu.memory_space<semaphore_mem>>) src(%dma_wait3A_1115 : memref<2x104xi32, #tpu.memory_space<hbm>>) dst(%dma_wait3A_1111 : memref<2x104xi32, #tpu.memory_space<vmem>>)
        tpu.yield
      }) : () -> ()
      %dma_start3A_446 = arith.constant 2 : i32
      %dma_start3A_447 = arith.constant 0 : i32
      %dma_start3A_448 = arith.constant 0 : i32
      %dma_start3A_449 = arith.constant 0 : i32
      %dma_start3A_450 = tpu.memref_slice %arg5[%dma_start3A_446, %dma_start3A_448, %dma_start3A_449] : memref<4x2x104xi32, #tpu.memory_space<vmem>> -> memref<1x2x104xi32, #tpu.memory_space<vmem>>
      %dma_start3A_451 = tpu.memref_squeeze %dma_start3A_450 : memref<1x2x104xi32, #tpu.memory_space<vmem>> -> memref<2x104xi32, #tpu.memory_space<vmem>>
      %dma_start3A_452 = arith.constant 0 : i32
      %dma_start3A_453 = tpu.memref_slice %dma_start3A_451[%dma_start3A_447, %dma_start3A_452] : memref<2x104xi32, #tpu.memory_space<vmem>> -> memref<1x104xi32, #tpu.memory_space<vmem>>
      %dma_start3A_454 = tpu.memref_squeeze %dma_start3A_453 : memref<1x104xi32, #tpu.memory_space<vmem>> -> memref<104xi32, #tpu.memory_space<vmem>>
      %dma_start3A_455 = arith.constant 0 : i32
      %dma_start3A_456 = arith.constant 0 : i32
      %dma_start3A_457 = tpu.memref_slice %arg2[%dma_start3A_455, %dma_start3A_456] : memref<20000x64xi32, #tpu.memory_space<hbm>> -> memref<20000x64xi32, #tpu.memory_space<hbm>>
      tpu.enqueue_indirect_dma source(%dma_start3A_457 : memref<20000x64xi32, #tpu.memory_space<hbm>>) target(%arg6 : memref<104x64xi32, #tpu.memory_space<vmem>>) offsets(%dma_start3A_454 : memref<104xi32, #tpu.memory_space<vmem>>) semaphore(%arg12 : memref<!tpu.dma_semaphore, #tpu.memory_space<semaphore_mem>>)
      %broadcast_in_dim3A_458 = arith.constant 16 : i32
      %broadcast_in_dim3A_459 = vector.broadcast %broadcast_in_dim3A_458 : i32 to vector<16xi32>
      %broadcast_in_dim3A_460 = arith.constant -65536 : i32
      %broadcast_in_dim3A_461 = vector.broadcast %broadcast_in_dim3A_460 : i32 to vector<16xi32>
      %scan3A_462 = arith.constant 0 : i32
      %scan3A_463 = arith.constant 0 : i32
      %scan3A_464 = arith.constant 104 : i32
      %scan3A_465 = arith.addi %scan3A_463, %scan3A_464 : i32
      %scan3A_466 = arith.constant 1 : i32
      scf.for %scan3A_1083 = %scan3A_463 to %scan3A_465 step %scan3A_466  : i32 {
        %get3A = arith.index_cast %scan3A_1083 : i32 to index
        %get3A_1084 = arith.constant 0 : index
        %get3A_1085 = tpu.vector_load %arg7[%get3A, %get3A_1084] {strides = array<i32>} : memref<104x64xi32, #tpu.memory_space<vmem>>, vector<1x16xi32>,
        %get3A_1086 = vector.shape_cast %get3A_1085 : vector<1x16xi32> to vector<16xi32>
        %shift_left3A = arith.shli %get3A_1086, %broadcast_in_dim3A_459 : vector<16xi32>
        %bitcast_convert_type3A = tpu.bitcast %shift_left3A : vector<16xi32> -> vector<16xf32>
        %swap3A = arith.index_cast %scan3A_1083 : i32 to index
        %swap3A_1087 = arith.constant 0 : index
        %swap3A_1088 = tpu.vector_load %arg9[%swap3A, %swap3A_1087] {strides = array<i32>} : memref<104x128xf32, #tpu.memory_space<vmem>>, vector<1x16xf32>,
        %swap3A_1089 = vector.shape_cast %swap3A_1088 : vector<1x16xf32> to vector<16xf32>
        %swap3A_1090 = vector.shape_cast %bitcast_convert_type3A : vector<16xf32> to vector<1x16xf32>
        tpu.vector_store %arg9[%swap3A, %swap3A_1087], %swap3A_1090 {strides = array<i32>} : memref<104x128xf32, #tpu.memory_space<vmem>>, vector<1x16xf32>,
        %and3A = arith.andi %get3A_1086, %broadcast_in_dim3A_461 : vector<16xi32>
        %bitcast_convert_type3A_1091 = tpu.bitcast %and3A : vector<16xi32> -> vector<16xf32>
        %swap3A_1092 = arith.index_cast %scan3A_1083 : i32 to index
        %swap3A_1093 = arith.constant 16 : index
        %swap3A_1094 = tpu.vector_load %arg9[%swap3A_1092, %swap3A_1093] {strides = array<i32>} : memref<104x128xf32, #tpu.memory_space<vmem>>, vector<1x16xf32>,
        %swap3A_1095 = vector.shape_cast %swap3A_1094 : vector<1x16xf32> to vector<16xf32>
        %swap3A_1096 = vector.shape_cast %bitcast_convert_type3A_1091 : vector<16xf32> to vector<1x16xf32>
        tpu.vector_store %arg9[%swap3A_1092, %swap3A_1093], %swap3A_1096 {strides = array<i32>} : memref<104x128xf32, #tpu.memory_space<vmem>>, vector<1x16xf32>,
        %get3A_1097 = arith.index_cast %scan3A_1083 : i32 to index
        %get3A_1098 = arith.constant 16 : index
        %get3A_1099 = tpu.vector_load %arg7[%get3A_1097, %get3A_1098] {strides = array<i32>} : memref<104x64xi32, #tpu.memory_space<vmem>>, vector<1x16xi32>,
        %get3A_1100 = vector.shape_cast %get3A_1099 : vector<1x16xi32> to vector<16xi32>
        %shift_left3A_1101 = arith.shli %get3A_1100, %broadcast_in_dim3A_459 : vector<16xi32>
        %bitcast_convert_type3A_1102 = tpu.bitcast %shift_left3A_1101 : vector<16xi32> -> vector<16xf32>
        %swap3A_1103 = arith.index_cast %scan3A_1083 : i32 to index
        %swap3A_1104 = arith.constant 32 : index
        %swap3A_1105 = tpu.vector_load %arg9[%swap3A_1103, %swap3A_1104] {strides = array<i32>} : memref<104x128xf32, #tpu.memory_space<vmem>>, vector<1x16xf32>,
        %swap3A_1106 = vector.shape_cast %swap3A_1105 : vector<1x16xf32> to vector<16xf32>
        %swap3A_1107 = vector.shape_cast %bitcast_convert_type3A_1102 : vector<16xf32> to vector<1x16xf32>
        tpu.vector_store %arg9[%swap3A_1103, %swap3A_1104], %swap3A_1107 {strides = array<i32>} : memref<104x128xf32, #tpu.memory_space<vmem>>, vector<1x16xf32>,
        %and3A_1108 = arith.andi %get3A_1100, %broadcast_in_dim3A_461 : vector<16xi32>
        %bitcast_convert_type3A_1109 = tpu.bitcast %and3A_1108 : vector<16xi32> -> vector<16xf32>
        %swap3A_1110 = arith.index_cast %scan3A_1083 : i32 to index
        %swap3A_1111 = arith.constant 48 : index
        %swap3A_1112 = tpu.vector_load %arg9[%swap3A_1110, %swap3A_1111] {strides = array<i32>} : memref<104x128xf32, #tpu.memory_space<vmem>>, vector<1x16xf32>,
        %swap3A_1113 = vector.shape_cast %swap3A_1112 : vector<1x16xf32> to vector<16xf32>
        %swap3A_1114 = vector.shape_cast %bitcast_convert_type3A_1109 : vector<16xf32> to vector<1x16xf32>
        tpu.vector_store %arg9[%swap3A_1110, %swap3A_1111], %swap3A_1114 {strides = array<i32>} : memref<104x128xf32, #tpu.memory_space<vmem>>, vector<1x16xf32>,
        %get3A_1115 = arith.index_cast %scan3A_1083 : i32 to index
        %get3A_1116 = arith.constant 32 : index
        %get3A_1117 = tpu.vector_load %arg7[%get3A_1115, %get3A_1116] {strides = array<i32>} : memref<104x64xi32, #tpu.memory_space<vmem>>, vector<1x16xi32>,
        %get3A_1118 = vector.shape_cast %get3A_1117 : vector<1x16xi32> to vector<16xi32>
        %shift_left3A_1119 = arith.shli %get3A_1118, %broadcast_in_dim3A_459 : vector<16xi32>
        %bitcast_convert_type3A_1120 = tpu.bitcast %shift_left3A_1119 : vector<16xi32> -> vector<16xf32>
        %swap3A_1121 = arith.index_cast %scan3A_1083 : i32 to index
        %swap3A_1122 = arith.constant 64 : index
        %swap3A_1123 = tpu.vector_load %arg9[%swap3A_1121, %swap3A_1122] {strides = array<i32>} : memref<104x128xf32, #tpu.memory_space<vmem>>, vector<1x16xf32>,
        %swap3A_1124 = vector.shape_cast %swap3A_1123 : vector<1x16xf32> to vector<16xf32>
        %swap3A_1125 = vector.shape_cast %bitcast_convert_type3A_1120 : vector<16xf32> to vector<1x16xf32>
        tpu.vector_store %arg9[%swap3A_1121, %swap3A_1122], %swap3A_1125 {strides = array<i32>} : memref<104x128xf32, #tpu.memory_space<vmem>>, vector<1x16xf32>,
        %and3A_1126 = arith.andi %get3A_1118, %broadcast_in_dim3A_461 : vector<16xi32>
        %bitcast_convert_type3A_1127 = tpu.bitcast %and3A_1126 : vector<16xi32> -> vector<16xf32>
        %swap3A_1128 = arith.index_cast %scan3A_1083 : i32 to index
        %swap3A_1129 = arith.constant 80 : index
        %swap3A_1130 = tpu.vector_load %arg9[%swap3A_1128, %swap3A_1129] {strides = array<i32>} : memref<104x128xf32, #tpu.memory_space<vmem>>, vector<1x16xf32>,
        %swap3A_1131 = vector.shape_cast %swap3A_1130 : vector<1x16xf32> to vector<16xf32>
        %swap3A_1132 = vector.shape_cast %bitcast_convert_type3A_1127 : vector<16xf32> to vector<1x16xf32>
        tpu.vector_store %arg9[%swap3A_1128, %swap3A_1129], %swap3A_1132 {strides = array<i32>} : memref<104x128xf32, #tpu.memory_space<vmem>>, vector<1x16xf32>,
        %get3A_1133 = arith.index_cast %scan3A_1083 : i32 to index
        %get3A_1134 = arith.constant 48 : index
        %get3A_1135 = tpu.vector_load %arg7[%get3A_1133, %get3A_1134] {strides = array<i32>} : memref<104x64xi32, #tpu.memory_space<vmem>>, vector<1x16xi32>,
        %get3A_1136 = vector.shape_cast %get3A_1135 : vector<1x16xi32> to vector<16xi32>
        %shift_left3A_1137 = arith.shli %get3A_1136, %broadcast_in_dim3A_459 : vector<16xi32>
        %bitcast_convert_type3A_1138 = tpu.bitcast %shift_left3A_1137 : vector<16xi32> -> vector<16xf32>
        %swap3A_1139 = arith.index_cast %scan3A_1083 : i32 to index
        %swap3A_1140 = arith.constant 96 : index
        %swap3A_1141 = tpu.vector_load %arg9[%swap3A_1139, %swap3A_1140] {strides = array<i32>} : memref<104x128xf32, #tpu.memory_space<vmem>>, vector<1x16xf32>,
        %swap3A_1142 = vector.shape_cast %swap3A_1141 : vector<1x16xf32> to vector<16xf32>
        %swap3A_1143 = vector.shape_cast %bitcast_convert_type3A_1138 : vector<16xf32> to vector<1x16xf32>
        tpu.vector_store %arg9[%swap3A_1139, %swap3A_1140], %swap3A_1143 {strides = array<i32>} : memref<104x128xf32, #tpu.memory_space<vmem>>, vector<1x16xf32>,
        %and3A_1144 = arith.andi %get3A_1136, %broadcast_in_dim3A_461 : vector<16xi32>
        %bitcast_convert_type3A_1145 = tpu.bitcast %and3A_1144 : vector<16xi32> -> vector<16xf32>
        %swap3A_1146 = arith.index_cast %scan3A_1083 : i32 to index
        %swap3A_1147 = arith.constant 112 : index
        %swap3A_1148 = tpu.vector_load %arg9[%swap3A_1146, %swap3A_1147] {strides = array<i32>} : memref<104x128xf32, #tpu.memory_space<vmem>>, vector<1x16xf32>,
        %swap3A_1149 = vector.shape_cast %swap3A_1148 : vector<1x16xf32> to vector<16xf32>
        %swap3A_1150 = vector.shape_cast %bitcast_convert_type3A_1145 : vector<16xf32> to vector<1x16xf32>
        tpu.vector_store %arg9[%swap3A_1146, %swap3A_1147], %swap3A_1150 {strides = array<i32>} : memref<104x128xf32, #tpu.memory_space<vmem>>, vector<1x16xf32>,
      }
      %scan3A_467 = arith.constant 104 : i32
      %dma_start3A_468 = arith.constant 0 : i32
      %dma_start3A_469 = arith.constant 1 : i32
      %dma_start3A_470 = arith.constant 0 : i32
      %dma_start3A_471 = arith.constant 0 : i32
      %dma_start3A_472 = tpu.memref_slice %arg5[%dma_start3A_468, %dma_start3A_470, %dma_start3A_471] : memref<4x2x104xi32, #tpu.memory_space<vmem>> -> memref<1x2x104xi32, #tpu.memory_space<vmem>>
      %dma_start3A_473 = tpu.memref_squeeze %dma_start3A_472 : memref<1x2x104xi32, #tpu.memory_space<vmem>> -> memref<2x104xi32, #tpu.memory_space<vmem>>
      %dma_start3A_474 = arith.constant 0 : i32
      %dma_start3A_475 = tpu.memref_slice %dma_start3A_473[%dma_start3A_469, %dma_start3A_474] : memref<2x104xi32, #tpu.memory_space<vmem>> -> memref<1x104xi32, #tpu.memory_space<vmem>>
      %dma_start3A_476 = tpu.memref_squeeze %dma_start3A_475 : memref<1x104xi32, #tpu.memory_space<vmem>> -> memref<104xi32, #tpu.memory_space<vmem>>
      %dma_start3A_477 = arith.constant 0 : i32
      %dma_start3A_478 = arith.constant 0 : i32
      %dma_start3A_479 = tpu.memref_slice %arg11[%dma_start3A_477, %dma_start3A_478] : memref<10240x128xf32, #tpu.memory_space<vmem_shared>> -> memref<10240x128xf32, #tpu.memory_space<vmem_shared>>
      tpu.enqueue_indirect_dma source(%arg9 : memref<104x128xf32, #tpu.memory_space<vmem>>) target(%dma_start3A_479 : memref<10240x128xf32, #tpu.memory_space<vmem_shared>>) offsets(%dma_start3A_476 : memref<104xi32, #tpu.memory_space<vmem>>) semaphore(%arg15 : memref<!tpu.dma_semaphore, #tpu.memory_space<semaphore_mem>>) {add = true}
      %mul3A_480 = arith.constant 12 : i32
      %mul3A_481 = arith.muli %mul3A_480, %scan3A_278 : i32
      %add3A_482 = arith.constant 2 : i32
      %add3A_483 = arith.addi %mul3A_481, %add3A_482 : i32
      %add3A_484 = arith.constant 3 : i32
      %add3A_485 = arith.addi %add3A_483, %add3A_484 : i32
      %dma_wait3A_486 = arith.constant 1 : i32
      %dma_wait3A_487 = arith.constant 0 : i32
      %dma_wait3A_488 = arith.constant 0 : i32
      %dma_wait3A_489 = arith.constant 0 : i32
      %dma_wait3A_490 = tpu.memref_slice %arg5[%dma_wait3A_486, %dma_wait3A_488, %dma_wait3A_489] : memref<4x2x104xi32, #tpu.memory_space<vmem>> -> memref<1x2x104xi32, #tpu.memory_space<vmem>>
      %dma_wait3A_491 = tpu.memref_squeeze %dma_wait3A_490 : memref<1x2x104xi32, #tpu.memory_space<vmem>> -> memref<2x104xi32, #tpu.memory_space<vmem>>
      %dma_wait3A_492 = arith.constant 0 : i32
      %dma_wait3A_493 = tpu.memref_slice %dma_wait3A_491[%dma_wait3A_487, %dma_wait3A_492] : memref<2x104xi32, #tpu.memory_space<vmem>> -> memref<1x104xi32, #tpu.memory_space<vmem>>
      %dma_wait3A_494 = tpu.memref_squeeze %dma_wait3A_493 : memref<1x104xi32, #tpu.memory_space<vmem>> -> memref<104xi32, #tpu.memory_space<vmem>>
      %dma_wait3A_495 = arith.constant 0 : i32
      %dma_wait3A_496 = arith.constant 0 : i32
      %dma_wait3A_497 = tpu.memref_slice %arg2[%dma_wait3A_495, %dma_wait3A_496] : memref<20000x64xi32, #tpu.memory_space<hbm>> -> memref<20000x64xi32, #tpu.memory_space<hbm>>
      tpu.wait_indirect_dma semaphore(%arg14 : memref<!tpu.dma_semaphore, #tpu.memory_space<semaphore_mem>>) src(%dma_wait3A_497 : memref<20000x64xi32, #tpu.memory_space<hbm>>) dst(%arg8 : memref<104x64xi32, #tpu.memory_space<vmem>>)
      %dma_wait3A_498 = arith.constant 3 : i32
      %dma_wait3A_499 = arith.constant 1 : i32
      %dma_wait3A_500 = arith.constant 0 : i32
      %dma_wait3A_501 = arith.constant 0 : i32
      %dma_wait3A_502 = tpu.memref_slice %arg5[%dma_wait3A_498, %dma_wait3A_500, %dma_wait3A_501] : memref<4x2x104xi32, #tpu.memory_space<vmem>> -> memref<1x2x104xi32, #tpu.memory_space<vmem>>
      %dma_wait3A_503 = tpu.memref_squeeze %dma_wait3A_502 : memref<1x2x104xi32, #tpu.memory_space<vmem>> -> memref<2x104xi32, #tpu.memory_space<vmem>>
      %dma_wait3A_504 = arith.constant 0 : i32
      %dma_wait3A_505 = tpu.memref_slice %dma_wait3A_503[%dma_wait3A_499, %dma_wait3A_504] : memref<2x104xi32, #tpu.memory_space<vmem>> -> memref<1x104xi32, #tpu.memory_space<vmem>>
      %dma_wait3A_506 = tpu.memref_squeeze %dma_wait3A_505 : memref<1x104xi32, #tpu.memory_space<vmem>> -> memref<104xi32, #tpu.memory_space<vmem>>
      %dma_wait3A_507 = arith.constant 0 : i32
      %dma_wait3A_508 = arith.constant 0 : i32
      %dma_wait3A_509 = tpu.memref_slice %arg11[%dma_wait3A_507, %dma_wait3A_508] : memref<10240x128xf32, #tpu.memory_space<vmem_shared>> -> memref<10240x128xf32, #tpu.memory_space<vmem_shared>>
      tpu.wait_indirect_dma semaphore(%arg16 : memref<!tpu.dma_semaphore, #tpu.memory_space<semaphore_mem>>) src(%arg10 : memref<104x128xf32, #tpu.memory_space<vmem>>) dst(%dma_wait3A_509 : memref<10240x128xf32, #tpu.memory_space<vmem_shared>>)
      %add3A_510 = arith.constant 2 : i32
      %add3A_511 = arith.addi %add3A_485, %add3A_510 : i32
      %run_scoped3A_512 = arith.constant 3 : i32
      "tpu.region"() ({
        %run_scoped3A_1083 = tpu.sem_alloc : memref<!tpu.dma_semaphore, #tpu.memory_space<semaphore_mem>>
        %dma_start3A_1084 = arith.constant 0 : i32
        %dma_start3A_1085 = arith.constant 0 : i32
        %dma_start3A_1086 = tpu.memref_slice %arg5[%run_scoped3A_512, %dma_start3A_1084, %dma_start3A_1085] : memref<4x2x104xi32, #tpu.memory_space<vmem>> -> memref<1x2x104xi32, #tpu.memory_space<vmem>>
        %dma_start3A_1087 = tpu.memref_squeeze %dma_start3A_1086 : memref<1x2x104xi32, #tpu.memory_space<vmem>> -> memref<2x104xi32, #tpu.memory_space<vmem>>
        %dma_start3A_1088 = arith.constant 0 : i32
        %dma_start3A_1089 = arith.constant 0 : i32
        %dma_start3A_1090 = tpu.memref_slice %arg3[%arg0, %arg1, %add3A_511, %dma_start3A_1088, %dma_start3A_1089] : memref<2x16x196x2x104xi32, #tpu.memory_space<hbm>> -> memref<1x1x1x2x104xi32, #tpu.memory_space<hbm>>
        %dma_start3A_1091 = tpu.memref_squeeze %dma_start3A_1090 : memref<1x1x1x2x104xi32, #tpu.memory_space<hbm>> -> memref<2x104xi32, #tpu.memory_space<hbm>>
        %dma_start3A_1092 = arith.constant 0 : i32
        %dma_start3A_1093 = arith.constant 0 : i32
        %dma_start3A_1094 = tpu.memref_slice %arg5[%run_scoped3A_512, %dma_start3A_1092, %dma_start3A_1093] : memref<4x2x104xi32, #tpu.memory_space<vmem>> -> memref<1x2x104xi32, #tpu.memory_space<vmem>>
        %dma_start3A_1095 = tpu.memref_squeeze %dma_start3A_1094 : memref<1x2x104xi32, #tpu.memory_space<vmem>> -> memref<2x104xi32, #tpu.memory_space<vmem>>
        %dma_start3A_1096 = arith.constant 0 : i32
        %dma_start3A_1097 = arith.constant 0 : i32
        %dma_start3A_1098 = tpu.memref_slice %arg3[%arg0, %arg1, %add3A_511, %dma_start3A_1096, %dma_start3A_1097] : memref<2x16x196x2x104xi32, #tpu.memory_space<hbm>> -> memref<1x1x1x2x104xi32, #tpu.memory_space<hbm>>
        %dma_start3A_1099 = tpu.memref_squeeze %dma_start3A_1098 : memref<1x1x1x2x104xi32, #tpu.memory_space<hbm>> -> memref<2x104xi32, #tpu.memory_space<hbm>>
        tpu.enqueue_dma source(%dma_start3A_1099 : memref<2x104xi32, #tpu.memory_space<hbm>>) target(%dma_start3A_1095 : memref<2x104xi32, #tpu.memory_space<vmem>>) target_semaphore(%run_scoped3A_1083 : memref<!tpu.dma_semaphore, #tpu.memory_space<semaphore_mem>>)
        %dma_wait3A_1100 = arith.constant 0 : i32
        %dma_wait3A_1101 = arith.constant 0 : i32
        %dma_wait3A_1102 = tpu.memref_slice %arg5[%run_scoped3A_512, %dma_wait3A_1100, %dma_wait3A_1101] : memref<4x2x104xi32, #tpu.memory_space<vmem>> -> memref<1x2x104xi32, #tpu.memory_space<vmem>>
        %dma_wait3A_1103 = tpu.memref_squeeze %dma_wait3A_1102 : memref<1x2x104xi32, #tpu.memory_space<vmem>> -> memref<2x104xi32, #tpu.memory_space<vmem>>
        %dma_wait3A_1104 = arith.constant 0 : i32
        %dma_wait3A_1105 = arith.constant 0 : i32
        %dma_wait3A_1106 = tpu.memref_slice %arg3[%arg0, %arg1, %add3A_511, %dma_wait3A_1104, %dma_wait3A_1105] : memref<2x16x196x2x104xi32, #tpu.memory_space<hbm>> -> memref<1x1x1x2x104xi32, #tpu.memory_space<hbm>>
        %dma_wait3A_1107 = tpu.memref_squeeze %dma_wait3A_1106 : memref<1x1x1x2x104xi32, #tpu.memory_space<hbm>> -> memref<2x104xi32, #tpu.memory_space<hbm>>
        %dma_wait3A_1108 = arith.constant 0 : i32
        %dma_wait3A_1109 = arith.constant 0 : i32
        %dma_wait3A_1110 = tpu.memref_slice %arg5[%run_scoped3A_512, %dma_wait3A_1108, %dma_wait3A_1109] : memref<4x2x104xi32, #tpu.memory_space<vmem>> -> memref<1x2x104xi32, #tpu.memory_space<vmem>>
        %dma_wait3A_1111 = tpu.memref_squeeze %dma_wait3A_1110 : memref<1x2x104xi32, #tpu.memory_space<vmem>> -> memref<2x104xi32, #tpu.memory_space<vmem>>
        %dma_wait3A_1112 = arith.constant 0 : i32
        %dma_wait3A_1113 = arith.constant 0 : i32
        %dma_wait3A_1114 = tpu.memref_slice %arg3[%arg0, %arg1, %add3A_511, %dma_wait3A_1112, %dma_wait3A_1113] : memref<2x16x196x2x104xi32, #tpu.memory_space<hbm>> -> memref<1x1x1x2x104xi32, #tpu.memory_space<hbm>>
        %dma_wait3A_1115 = tpu.memref_squeeze %dma_wait3A_1114 : memref<1x1x1x2x104xi32, #tpu.memory_space<hbm>> -> memref<2x104xi32, #tpu.memory_space<hbm>>
        tpu.wait_dma2 semaphore(%run_scoped3A_1083 : memref<!tpu.dma_semaphore, #tpu.memory_space<semaphore_mem>>) src(%dma_wait3A_1115 : memref<2x104xi32, #tpu.memory_space<hbm>>) dst(%dma_wait3A_1111 : memref<2x104xi32, #tpu.memory_space<vmem>>)
        tpu.yield
      }) : () -> ()
      %dma_start3A_513 = arith.constant 3 : i32
      %dma_start3A_514 = arith.constant 0 : i32
      %dma_start3A_515 = arith.constant 0 : i32
      %dma_start3A_516 = arith.constant 0 : i32
      %dma_start3A_517 = tpu.memref_slice %arg5[%dma_start3A_513, %dma_start3A_515, %dma_start3A_516] : memref<4x2x104xi32, #tpu.memory_space<vmem>> -> memref<1x2x104xi32, #tpu.memory_space<vmem>>
      %dma_start3A_518 = tpu.memref_squeeze %dma_start3A_517 : memref<1x2x104xi32, #tpu.memory_space<vmem>> -> memref<2x104xi32, #tpu.memory_space<vmem>>
      %dma_start3A_519 = arith.constant 0 : i32
      %dma_start3A_520 = tpu.memref_slice %dma_start3A_518[%dma_start3A_514, %dma_start3A_519] : memref<2x104xi32, #tpu.memory_space<vmem>> -> memref<1x104xi32, #tpu.memory_space<vmem>>
      %dma_start3A_521 = tpu.memref_squeeze %dma_start3A_520 : memref<1x104xi32, #tpu.memory_space<vmem>> -> memref<104xi32, #tpu.memory_space<vmem>>
      %dma_start3A_522 = arith.constant 0 : i32
      %dma_start3A_523 = arith.constant 0 : i32
      %dma_start3A_524 = tpu.memref_slice %arg2[%dma_start3A_522, %dma_start3A_523] : memref<20000x64xi32, #tpu.memory_space<hbm>> -> memref<20000x64xi32, #tpu.memory_space<hbm>>
      tpu.enqueue_indirect_dma source(%dma_start3A_524 : memref<20000x64xi32, #tpu.memory_space<hbm>>) target(%arg7 : memref<104x64xi32, #tpu.memory_space<vmem>>) offsets(%dma_start3A_521 : memref<104xi32, #tpu.memory_space<vmem>>) semaphore(%arg13 : memref<!tpu.dma_semaphore, #tpu.memory_space<semaphore_mem>>)
      %broadcast_in_dim3A_525 = arith.constant 16 : i32
      %broadcast_in_dim3A_526 = vector.broadcast %broadcast_in_dim3A_525 : i32 to vector<16xi32>
      %broadcast_in_dim3A_527 = arith.constant -65536 : i32
      %broadcast_in_dim3A_528 = vector.broadcast %broadcast_in_dim3A_527 : i32 to vector<16xi32>
      %scan3A_529 = arith.constant 0 : i32
      %scan3A_530 = arith.constant 0 : i32
      %scan3A_531 = arith.constant 104 : i32
      %scan3A_532 = arith.addi %scan3A_530, %scan3A_531 : i32
      %scan3A_533 = arith.constant 1 : i32
      scf.for %scan3A_1083 = %scan3A_530 to %scan3A_532 step %scan3A_533  : i32 {
        %get3A = arith.index_cast %scan3A_1083 : i32 to index
        %get3A_1084 = arith.constant 0 : index
        %get3A_1085 = tpu.vector_load %arg8[%get3A, %get3A_1084] {strides = array<i32>} : memref<104x64xi32, #tpu.memory_space<vmem>>, vector<1x16xi32>,
        %get3A_1086 = vector.shape_cast %get3A_1085 : vector<1x16xi32> to vector<16xi32>
        %shift_left3A = arith.shli %get3A_1086, %broadcast_in_dim3A_526 : vector<16xi32>
        %bitcast_convert_type3A = tpu.bitcast %shift_left3A : vector<16xi32> -> vector<16xf32>
        %swap3A = arith.index_cast %scan3A_1083 : i32 to index
        %swap3A_1087 = arith.constant 0 : index
        %swap3A_1088 = tpu.vector_load %arg10[%swap3A, %swap3A_1087] {strides = array<i32>} : memref<104x128xf32, #tpu.memory_space<vmem>>, vector<1x16xf32>,
        %swap3A_1089 = vector.shape_cast %swap3A_1088 : vector<1x16xf32> to vector<16xf32>
        %swap3A_1090 = vector.shape_cast %bitcast_convert_type3A : vector<16xf32> to vector<1x16xf32>
        tpu.vector_store %arg10[%swap3A, %swap3A_1087], %swap3A_1090 {strides = array<i32>} : memref<104x128xf32, #tpu.memory_space<vmem>>, vector<1x16xf32>,
        %and3A = arith.andi %get3A_1086, %broadcast_in_dim3A_528 : vector<16xi32>
        %bitcast_convert_type3A_1091 = tpu.bitcast %and3A : vector<16xi32> -> vector<16xf32>
        %swap3A_1092 = arith.index_cast %scan3A_1083 : i32 to index
        %swap3A_1093 = arith.constant 16 : index
        %swap3A_1094 = tpu.vector_load %arg10[%swap3A_1092, %swap3A_1093] {strides = array<i32>} : memref<104x128xf32, #tpu.memory_space<vmem>>, vector<1x16xf32>,
        %swap3A_1095 = vector.shape_cast %swap3A_1094 : vector<1x16xf32> to vector<16xf32>
        %swap3A_1096 = vector.shape_cast %bitcast_convert_type3A_1091 : vector<16xf32> to vector<1x16xf32>
        tpu.vector_store %arg10[%swap3A_1092, %swap3A_1093], %swap3A_1096 {strides = array<i32>} : memref<104x128xf32, #tpu.memory_space<vmem>>, vector<1x16xf32>,
        %get3A_1097 = arith.index_cast %scan3A_1083 : i32 to index
        %get3A_1098 = arith.constant 16 : index
        %get3A_1099 = tpu.vector_load %arg8[%get3A_1097, %get3A_1098] {strides = array<i32>} : memref<104x64xi32, #tpu.memory_space<vmem>>, vector<1x16xi32>,
        %get3A_1100 = vector.shape_cast %get3A_1099 : vector<1x16xi32> to vector<16xi32>
        %shift_left3A_1101 = arith.shli %get3A_1100, %broadcast_in_dim3A_526 : vector<16xi32>
        %bitcast_convert_type3A_1102 = tpu.bitcast %shift_left3A_1101 : vector<16xi32> -> vector<16xf32>
        %swap3A_1103 = arith.index_cast %scan3A_1083 : i32 to index
        %swap3A_1104 = arith.constant 32 : index
        %swap3A_1105 = tpu.vector_load %arg10[%swap3A_1103, %swap3A_1104] {strides = array<i32>} : memref<104x128xf32, #tpu.memory_space<vmem>>, vector<1x16xf32>,
        %swap3A_1106 = vector.shape_cast %swap3A_1105 : vector<1x16xf32> to vector<16xf32>
        %swap3A_1107 = vector.shape_cast %bitcast_convert_type3A_1102 : vector<16xf32> to vector<1x16xf32>
        tpu.vector_store %arg10[%swap3A_1103, %swap3A_1104], %swap3A_1107 {strides = array<i32>} : memref<104x128xf32, #tpu.memory_space<vmem>>, vector<1x16xf32>,
        %and3A_1108 = arith.andi %get3A_1100, %broadcast_in_dim3A_528 : vector<16xi32>
        %bitcast_convert_type3A_1109 = tpu.bitcast %and3A_1108 : vector<16xi32> -> vector<16xf32>
        %swap3A_1110 = arith.index_cast %scan3A_1083 : i32 to index
        %swap3A_1111 = arith.constant 48 : index
        %swap3A_1112 = tpu.vector_load %arg10[%swap3A_1110, %swap3A_1111] {strides = array<i32>} : memref<104x128xf32, #tpu.memory_space<vmem>>, vector<1x16xf32>,
        %swap3A_1113 = vector.shape_cast %swap3A_1112 : vector<1x16xf32> to vector<16xf32>
        %swap3A_1114 = vector.shape_cast %bitcast_convert_type3A_1109 : vector<16xf32> to vector<1x16xf32>
        tpu.vector_store %arg10[%swap3A_1110, %swap3A_1111], %swap3A_1114 {strides = array<i32>} : memref<104x128xf32, #tpu.memory_space<vmem>>, vector<1x16xf32>,
        %get3A_1115 = arith.index_cast %scan3A_1083 : i32 to index
        %get3A_1116 = arith.constant 32 : index
        %get3A_1117 = tpu.vector_load %arg8[%get3A_1115, %get3A_1116] {strides = array<i32>} : memref<104x64xi32, #tpu.memory_space<vmem>>, vector<1x16xi32>,
        %get3A_1118 = vector.shape_cast %get3A_1117 : vector<1x16xi32> to vector<16xi32>
        %shift_left3A_1119 = arith.shli %get3A_1118, %broadcast_in_dim3A_526 : vector<16xi32>
        %bitcast_convert_type3A_1120 = tpu.bitcast %shift_left3A_1119 : vector<16xi32> -> vector<16xf32>
        %swap3A_1121 = arith.index_cast %scan3A_1083 : i32 to index
        %swap3A_1122 = arith.constant 64 : index
        %swap3A_1123 = tpu.vector_load %arg10[%swap3A_1121, %swap3A_1122] {strides = array<i32>} : memref<104x128xf32, #tpu.memory_space<vmem>>, vector<1x16xf32>,
        %swap3A_1124 = vector.shape_cast %swap3A_1123 : vector<1x16xf32> to vector<16xf32>
        %swap3A_1125 = vector.shape_cast %bitcast_convert_type3A_1120 : vector<16xf32> to vector<1x16xf32>
        tpu.vector_store %arg10[%swap3A_1121, %swap3A_1122], %swap3A_1125 {strides = array<i32>} : memref<104x128xf32, #tpu.memory_space<vmem>>, vector<1x16xf32>,
        %and3A_1126 = arith.andi %get3A_1118, %broadcast_in_dim3A_528 : vector<16xi32>
        %bitcast_convert_type3A_1127 = tpu.bitcast %and3A_1126 : vector<16xi32> -> vector<16xf32>
        %swap3A_1128 = arith.index_cast %scan3A_1083 : i32 to index
        %swap3A_1129 = arith.constant 80 : index
        %swap3A_1130 = tpu.vector_load %arg10[%swap3A_1128, %swap3A_1129] {strides = array<i32>} : memref<104x128xf32, #tpu.memory_space<vmem>>, vector<1x16xf32>,
        %swap3A_1131 = vector.shape_cast %swap3A_1130 : vector<1x16xf32> to vector<16xf32>
        %swap3A_1132 = vector.shape_cast %bitcast_convert_type3A_1127 : vector<16xf32> to vector<1x16xf32>
        tpu.vector_store %arg10[%swap3A_1128, %swap3A_1129], %swap3A_1132 {strides = array<i32>} : memref<104x128xf32, #tpu.memory_space<vmem>>, vector<1x16xf32>,
        %get3A_1133 = arith.index_cast %scan3A_1083 : i32 to index
        %get3A_1134 = arith.constant 48 : index
        %get3A_1135 = tpu.vector_load %arg8[%get3A_1133, %get3A_1134] {strides = array<i32>} : memref<104x64xi32, #tpu.memory_space<vmem>>, vector<1x16xi32>,
        %get3A_1136 = vector.shape_cast %get3A_1135 : vector<1x16xi32> to vector<16xi32>
        %shift_left3A_1137 = arith.shli %get3A_1136, %broadcast_in_dim3A_526 : vector<16xi32>
        %bitcast_convert_type3A_1138 = tpu.bitcast %shift_left3A_1137 : vector<16xi32> -> vector<16xf32>
        %swap3A_1139 = arith.index_cast %scan3A_1083 : i32 to index
        %swap3A_1140 = arith.constant 96 : index
        %swap3A_1141 = tpu.vector_load %arg10[%swap3A_1139, %swap3A_1140] {strides = array<i32>} : memref<104x128xf32, #tpu.memory_space<vmem>>, vector<1x16xf32>,
        %swap3A_1142 = vector.shape_cast %swap3A_1141 : vector<1x16xf32> to vector<16xf32>
        %swap3A_1143 = vector.shape_cast %bitcast_convert_type3A_1138 : vector<16xf32> to vector<1x16xf32>
        tpu.vector_store %arg10[%swap3A_1139, %swap3A_1140], %swap3A_1143 {strides = array<i32>} : memref<104x128xf32, #tpu.memory_space<vmem>>, vector<1x16xf32>,
        %and3A_1144 = arith.andi %get3A_1136, %broadcast_in_dim3A_528 : vector<16xi32>
        %bitcast_convert_type3A_1145 = tpu.bitcast %and3A_1144 : vector<16xi32> -> vector<16xf32>
        %swap3A_1146 = arith.index_cast %scan3A_1083 : i32 to index
        %swap3A_1147 = arith.constant 112 : index
        %swap3A_1148 = tpu.vector_load %arg10[%swap3A_1146, %swap3A_1147] {strides = array<i32>} : memref<104x128xf32, #tpu.memory_space<vmem>>, vector<1x16xf32>,
        %swap3A_1149 = vector.shape_cast %swap3A_1148 : vector<1x16xf32> to vector<16xf32>
        %swap3A_1150 = vector.shape_cast %bitcast_convert_type3A_1145 : vector<16xf32> to vector<1x16xf32>
        tpu.vector_store %arg10[%swap3A_1146, %swap3A_1147], %swap3A_1150 {strides = array<i32>} : memref<104x128xf32, #tpu.memory_space<vmem>>, vector<1x16xf32>,
      }
      %scan3A_534 = arith.constant 104 : i32
      %dma_start3A_535 = arith.constant 1 : i32
      %dma_start3A_536 = arith.constant 1 : i32
      %dma_start3A_537 = arith.constant 0 : i32
      %dma_start3A_538 = arith.constant 0 : i32
      %dma_start3A_539 = tpu.memref_slice %arg5[%dma_start3A_535, %dma_start3A_537, %dma_start3A_538] : memref<4x2x104xi32, #tpu.memory_space<vmem>> -> memref<1x2x104xi32, #tpu.memory_space<vmem>>
      %dma_start3A_540 = tpu.memref_squeeze %dma_start3A_539 : memref<1x2x104xi32, #tpu.memory_space<vmem>> -> memref<2x104xi32, #tpu.memory_space<vmem>>
      %dma_start3A_541 = arith.constant 0 : i32
      %dma_start3A_542 = tpu.memref_slice %dma_start3A_540[%dma_start3A_536, %dma_start3A_541] : memref<2x104xi32, #tpu.memory_space<vmem>> -> memref<1x104xi32, #tpu.memory_space<vmem>>
      %dma_start3A_543 = tpu.memref_squeeze %dma_start3A_542 : memref<1x104xi32, #tpu.memory_space<vmem>> -> memref<104xi32, #tpu.memory_space<vmem>>
      %dma_start3A_544 = arith.constant 0 : i32
      %dma_start3A_545 = arith.constant 0 : i32
      %dma_start3A_546 = tpu.memref_slice %arg11[%dma_start3A_544, %dma_start3A_545] : memref<10240x128xf32, #tpu.memory_space<vmem_shared>> -> memref<10240x128xf32, #tpu.memory_space<vmem_shared>>
      tpu.enqueue_indirect_dma source(%arg10 : memref<104x128xf32, #tpu.memory_space<vmem>>) target(%dma_start3A_546 : memref<10240x128xf32, #tpu.memory_space<vmem_shared>>) offsets(%dma_start3A_543 : memref<104xi32, #tpu.memory_space<vmem>>) semaphore(%arg16 : memref<!tpu.dma_semaphore, #tpu.memory_space<semaphore_mem>>) {add = true}
      %mul3A_547 = arith.constant 12 : i32
      %mul3A_548 = arith.muli %mul3A_547, %scan3A_278 : i32
      %add3A_549 = arith.constant 2 : i32
      %add3A_550 = arith.addi %mul3A_548, %add3A_549 : i32
      %add3A_551 = arith.constant 4 : i32
      %add3A_552 = arith.addi %add3A_550, %add3A_551 : i32
      %dma_wait3A_553 = arith.constant 2 : i32
      %dma_wait3A_554 = arith.constant 0 : i32
      %dma_wait3A_555 = arith.constant 0 : i32
      %dma_wait3A_556 = arith.constant 0 : i32
      %dma_wait3A_557 = tpu.memref_slice %arg5[%dma_wait3A_553, %dma_wait3A_555, %dma_wait3A_556] : memref<4x2x104xi32, #tpu.memory_space<vmem>> -> memref<1x2x104xi32, #tpu.memory_space<vmem>>
      %dma_wait3A_558 = tpu.memref_squeeze %dma_wait3A_557 : memref<1x2x104xi32, #tpu.memory_space<vmem>> -> memref<2x104xi32, #tpu.memory_space<vmem>>
      %dma_wait3A_559 = arith.constant 0 : i32
      %dma_wait3A_560 = tpu.memref_slice %dma_wait3A_558[%dma_wait3A_554, %dma_wait3A_559] : memref<2x104xi32, #tpu.memory_space<vmem>> -> memref<1x104xi32, #tpu.memory_space<vmem>>
      %dma_wait3A_561 = tpu.memref_squeeze %dma_wait3A_560 : memref<1x104xi32, #tpu.memory_space<vmem>> -> memref<104xi32, #tpu.memory_space<vmem>>
      %dma_wait3A_562 = arith.constant 0 : i32
      %dma_wait3A_563 = arith.constant 0 : i32
      %dma_wait3A_564 = tpu.memref_slice %arg2[%dma_wait3A_562, %dma_wait3A_563] : memref<20000x64xi32, #tpu.memory_space<hbm>> -> memref<20000x64xi32, #tpu.memory_space<hbm>>
      tpu.wait_indirect_dma semaphore(%arg12 : memref<!tpu.dma_semaphore, #tpu.memory_space<semaphore_mem>>) src(%dma_wait3A_564 : memref<20000x64xi32, #tpu.memory_space<hbm>>) dst(%arg6 : memref<104x64xi32, #tpu.memory_space<vmem>>)
      %dma_wait3A_565 = arith.constant 0 : i32
      %dma_wait3A_566 = arith.constant 1 : i32
      %dma_wait3A_567 = arith.constant 0 : i32
      %dma_wait3A_568 = arith.constant 0 : i32
      %dma_wait3A_569 = tpu.memref_slice %arg5[%dma_wait3A_565, %dma_wait3A_567, %dma_wait3A_568] : memref<4x2x104xi32, #tpu.memory_space<vmem>> -> memref<1x2x104xi32, #tpu.memory_space<vmem>>
      %dma_wait3A_570 = tpu.memref_squeeze %dma_wait3A_569 : memref<1x2x104xi32, #tpu.memory_space<vmem>> -> memref<2x104xi32, #tpu.memory_space<vmem>>
      %dma_wait3A_571 = arith.constant 0 : i32
      %dma_wait3A_572 = tpu.memref_slice %dma_wait3A_570[%dma_wait3A_566, %dma_wait3A_571] : memref<2x104xi32, #tpu.memory_space<vmem>> -> memref<1x104xi32, #tpu.memory_space<vmem>>
      %dma_wait3A_573 = tpu.memref_squeeze %dma_wait3A_572 : memref<1x104xi32, #tpu.memory_space<vmem>> -> memref<104xi32, #tpu.memory_space<vmem>>
      %dma_wait3A_574 = arith.constant 0 : i32
      %dma_wait3A_575 = arith.constant 0 : i32
      %dma_wait3A_576 = tpu.memref_slice %arg11[%dma_wait3A_574, %dma_wait3A_575] : memref<10240x128xf32, #tpu.memory_space<vmem_shared>> -> memref<10240x128xf32, #tpu.memory_space<vmem_shared>>
      tpu.wait_indirect_dma semaphore(%arg15 : memref<!tpu.dma_semaphore, #tpu.memory_space<semaphore_mem>>) src(%arg9 : memref<104x128xf32, #tpu.memory_space<vmem>>) dst(%dma_wait3A_576 : memref<10240x128xf32, #tpu.memory_space<vmem_shared>>)
      %add3A_577 = arith.constant 2 : i32
      %add3A_578 = arith.addi %add3A_552, %add3A_577 : i32
      %run_scoped3A_579 = arith.constant 0 : i32
      "tpu.region"() ({
        %run_scoped3A_1083 = tpu.sem_alloc : memref<!tpu.dma_semaphore, #tpu.memory_space<semaphore_mem>>
        %dma_start3A_1084 = arith.constant 0 : i32
        %dma_start3A_1085 = arith.constant 0 : i32
        %dma_start3A_1086 = tpu.memref_slice %arg5[%run_scoped3A_579, %dma_start3A_1084, %dma_start3A_1085] : memref<4x2x104xi32, #tpu.memory_space<vmem>> -> memref<1x2x104xi32, #tpu.memory_space<vmem>>
        %dma_start3A_1087 = tpu.memref_squeeze %dma_start3A_1086 : memref<1x2x104xi32, #tpu.memory_space<vmem>> -> memref<2x104xi32, #tpu.memory_space<vmem>>
        %dma_start3A_1088 = arith.constant 0 : i32
        %dma_start3A_1089 = arith.constant 0 : i32
        %dma_start3A_1090 = tpu.memref_slice %arg3[%arg0, %arg1, %add3A_578, %dma_start3A_1088, %dma_start3A_1089] : memref<2x16x196x2x104xi32, #tpu.memory_space<hbm>> -> memref<1x1x1x2x104xi32, #tpu.memory_space<hbm>>
        %dma_start3A_1091 = tpu.memref_squeeze %dma_start3A_1090 : memref<1x1x1x2x104xi32, #tpu.memory_space<hbm>> -> memref<2x104xi32, #tpu.memory_space<hbm>>
        %dma_start3A_1092 = arith.constant 0 : i32
        %dma_start3A_1093 = arith.constant 0 : i32
        %dma_start3A_1094 = tpu.memref_slice %arg5[%run_scoped3A_579, %dma_start3A_1092, %dma_start3A_1093] : memref<4x2x104xi32, #tpu.memory_space<vmem>> -> memref<1x2x104xi32, #tpu.memory_space<vmem>>
        %dma_start3A_1095 = tpu.memref_squeeze %dma_start3A_1094 : memref<1x2x104xi32, #tpu.memory_space<vmem>> -> memref<2x104xi32, #tpu.memory_space<vmem>>
        %dma_start3A_1096 = arith.constant 0 : i32
        %dma_start3A_1097 = arith.constant 0 : i32
        %dma_start3A_1098 = tpu.memref_slice %arg3[%arg0, %arg1, %add3A_578, %dma_start3A_1096, %dma_start3A_1097] : memref<2x16x196x2x104xi32, #tpu.memory_space<hbm>> -> memref<1x1x1x2x104xi32, #tpu.memory_space<hbm>>
        %dma_start3A_1099 = tpu.memref_squeeze %dma_start3A_1098 : memref<1x1x1x2x104xi32, #tpu.memory_space<hbm>> -> memref<2x104xi32, #tpu.memory_space<hbm>>
        tpu.enqueue_dma source(%dma_start3A_1099 : memref<2x104xi32, #tpu.memory_space<hbm>>) target(%dma_start3A_1095 : memref<2x104xi32, #tpu.memory_space<vmem>>) target_semaphore(%run_scoped3A_1083 : memref<!tpu.dma_semaphore, #tpu.memory_space<semaphore_mem>>)
        %dma_wait3A_1100 = arith.constant 0 : i32
        %dma_wait3A_1101 = arith.constant 0 : i32
        %dma_wait3A_1102 = tpu.memref_slice %arg5[%run_scoped3A_579, %dma_wait3A_1100, %dma_wait3A_1101] : memref<4x2x104xi32, #tpu.memory_space<vmem>> -> memref<1x2x104xi32, #tpu.memory_space<vmem>>
        %dma_wait3A_1103 = tpu.memref_squeeze %dma_wait3A_1102 : memref<1x2x104xi32, #tpu.memory_space<vmem>> -> memref<2x104xi32, #tpu.memory_space<vmem>>
        %dma_wait3A_1104 = arith.constant 0 : i32
        %dma_wait3A_1105 = arith.constant 0 : i32
        %dma_wait3A_1106 = tpu.memref_slice %arg3[%arg0, %arg1, %add3A_578, %dma_wait3A_1104, %dma_wait3A_1105] : memref<2x16x196x2x104xi32, #tpu.memory_space<hbm>> -> memref<1x1x1x2x104xi32, #tpu.memory_space<hbm>>
        %dma_wait3A_1107 = tpu.memref_squeeze %dma_wait3A_1106 : memref<1x1x1x2x104xi32, #tpu.memory_space<hbm>> -> memref<2x104xi32, #tpu.memory_space<hbm>>
        %dma_wait3A_1108 = arith.constant 0 : i32
        %dma_wait3A_1109 = arith.constant 0 : i32
        %dma_wait3A_1110 = tpu.memref_slice %arg5[%run_scoped3A_579, %dma_wait3A_1108, %dma_wait3A_1109] : memref<4x2x104xi32, #tpu.memory_space<vmem>> -> memref<1x2x104xi32, #tpu.memory_space<vmem>>
        %dma_wait3A_1111 = tpu.memref_squeeze %dma_wait3A_1110 : memref<1x2x104xi32, #tpu.memory_space<vmem>> -> memref<2x104xi32, #tpu.memory_space<vmem>>
        %dma_wait3A_1112 = arith.constant 0 : i32
        %dma_wait3A_1113 = arith.constant 0 : i32
        %dma_wait3A_1114 = tpu.memref_slice %arg3[%arg0, %arg1, %add3A_578, %dma_wait3A_1112, %dma_wait3A_1113] : memref<2x16x196x2x104xi32, #tpu.memory_space<hbm>> -> memref<1x1x1x2x104xi32, #tpu.memory_space<hbm>>
        %dma_wait3A_1115 = tpu.memref_squeeze %dma_wait3A_1114 : memref<1x1x1x2x104xi32, #tpu.memory_space<hbm>> -> memref<2x104xi32, #tpu.memory_space<hbm>>
        tpu.wait_dma2 semaphore(%run_scoped3A_1083 : memref<!tpu.dma_semaphore, #tpu.memory_space<semaphore_mem>>) src(%dma_wait3A_1115 : memref<2x104xi32, #tpu.memory_space<hbm>>) dst(%dma_wait3A_1111 : memref<2x104xi32, #tpu.memory_space<vmem>>)
        tpu.yield
      }) : () -> ()
      %dma_start3A_580 = arith.constant 0 : i32
      %dma_start3A_581 = arith.constant 0 : i32
      %dma_start3A_582 = arith.constant 0 : i32
      %dma_start3A_583 = arith.constant 0 : i32
      %dma_start3A_584 = tpu.memref_slice %arg5[%dma_start3A_580, %dma_start3A_582, %dma_start3A_583] : memref<4x2x104xi32, #tpu.memory_space<vmem>> -> memref<1x2x104xi32, #tpu.memory_space<vmem>>
      %dma_start3A_585 = tpu.memref_squeeze %dma_start3A_584 : memref<1x2x104xi32, #tpu.memory_space<vmem>> -> memref<2x104xi32, #tpu.memory_space<vmem>>
      %dma_start3A_586 = arith.constant 0 : i32
      %dma_start3A_587 = tpu.memref_slice %dma_start3A_585[%dma_start3A_581, %dma_start3A_586] : memref<2x104xi32, #tpu.memory_space<vmem>> -> memref<1x104xi32, #tpu.memory_space<vmem>>
      %dma_start3A_588 = tpu.memref_squeeze %dma_start3A_587 : memref<1x104xi32, #tpu.memory_space<vmem>> -> memref<104xi32, #tpu.memory_space<vmem>>
      %dma_start3A_589 = arith.constant 0 : i32
      %dma_start3A_590 = arith.constant 0 : i32
      %dma_start3A_591 = tpu.memref_slice %arg2[%dma_start3A_589, %dma_start3A_590] : memref<20000x64xi32, #tpu.memory_space<hbm>> -> memref<20000x64xi32, #tpu.memory_space<hbm>>
      tpu.enqueue_indirect_dma source(%dma_start3A_591 : memref<20000x64xi32, #tpu.memory_space<hbm>>) target(%arg8 : memref<104x64xi32, #tpu.memory_space<vmem>>) offsets(%dma_start3A_588 : memref<104xi32, #tpu.memory_space<vmem>>) semaphore(%arg14 : memref<!tpu.dma_semaphore, #tpu.memory_space<semaphore_mem>>)
      %broadcast_in_dim3A_592 = arith.constant 16 : i32
      %broadcast_in_dim3A_593 = vector.broadcast %broadcast_in_dim3A_592 : i32 to vector<16xi32>
      %broadcast_in_dim3A_594 = arith.constant -65536 : i32
      %broadcast_in_dim3A_595 = vector.broadcast %broadcast_in_dim3A_594 : i32 to vector<16xi32>
      %scan3A_596 = arith.constant 0 : i32
      %scan3A_597 = arith.constant 0 : i32
      %scan3A_598 = arith.constant 104 : i32
      %scan3A_599 = arith.addi %scan3A_597, %scan3A_598 : i32
      %scan3A_600 = arith.constant 1 : i32
      scf.for %scan3A_1083 = %scan3A_597 to %scan3A_599 step %scan3A_600  : i32 {
        %get3A = arith.index_cast %scan3A_1083 : i32 to index
        %get3A_1084 = arith.constant 0 : index
        %get3A_1085 = tpu.vector_load %arg6[%get3A, %get3A_1084] {strides = array<i32>} : memref<104x64xi32, #tpu.memory_space<vmem>>, vector<1x16xi32>,
        %get3A_1086 = vector.shape_cast %get3A_1085 : vector<1x16xi32> to vector<16xi32>
        %shift_left3A = arith.shli %get3A_1086, %broadcast_in_dim3A_593 : vector<16xi32>
        %bitcast_convert_type3A = tpu.bitcast %shift_left3A : vector<16xi32> -> vector<16xf32>
        %swap3A = arith.index_cast %scan3A_1083 : i32 to index
        %swap3A_1087 = arith.constant 0 : index
        %swap3A_1088 = tpu.vector_load %arg9[%swap3A, %swap3A_1087] {strides = array<i32>} : memref<104x128xf32, #tpu.memory_space<vmem>>, vector<1x16xf32>,
        %swap3A_1089 = vector.shape_cast %swap3A_1088 : vector<1x16xf32> to vector<16xf32>
        %swap3A_1090 = vector.shape_cast %bitcast_convert_type3A : vector<16xf32> to vector<1x16xf32>
        tpu.vector_store %arg9[%swap3A, %swap3A_1087], %swap3A_1090 {strides = array<i32>} : memref<104x128xf32, #tpu.memory_space<vmem>>, vector<1x16xf32>,
        %and3A = arith.andi %get3A_1086, %broadcast_in_dim3A_595 : vector<16xi32>
        %bitcast_convert_type3A_1091 = tpu.bitcast %and3A : vector<16xi32> -> vector<16xf32>
        %swap3A_1092 = arith.index_cast %scan3A_1083 : i32 to index
        %swap3A_1093 = arith.constant 16 : index
        %swap3A_1094 = tpu.vector_load %arg9[%swap3A_1092, %swap3A_1093] {strides = array<i32>} : memref<104x128xf32, #tpu.memory_space<vmem>>, vector<1x16xf32>,
        %swap3A_1095 = vector.shape_cast %swap3A_1094 : vector<1x16xf32> to vector<16xf32>
        %swap3A_1096 = vector.shape_cast %bitcast_convert_type3A_1091 : vector<16xf32> to vector<1x16xf32>
        tpu.vector_store %arg9[%swap3A_1092, %swap3A_1093], %swap3A_1096 {strides = array<i32>} : memref<104x128xf32, #tpu.memory_space<vmem>>, vector<1x16xf32>,
        %get3A_1097 = arith.index_cast %scan3A_1083 : i32 to index
        %get3A_1098 = arith.constant 16 : index
        %get3A_1099 = tpu.vector_load %arg6[%get3A_1097, %get3A_1098] {strides = array<i32>} : memref<104x64xi32, #tpu.memory_space<vmem>>, vector<1x16xi32>,
        %get3A_1100 = vector.shape_cast %get3A_1099 : vector<1x16xi32> to vector<16xi32>
        %shift_left3A_1101 = arith.shli %get3A_1100, %broadcast_in_dim3A_593 : vector<16xi32>
        %bitcast_convert_type3A_1102 = tpu.bitcast %shift_left3A_1101 : vector<16xi32> -> vector<16xf32>
        %swap3A_1103 = arith.index_cast %scan3A_1083 : i32 to index
        %swap3A_1104 = arith.constant 32 : index
        %swap3A_1105 = tpu.vector_load %arg9[%swap3A_1103, %swap3A_1104] {strides = array<i32>} : memref<104x128xf32, #tpu.memory_space<vmem>>, vector<1x16xf32>,
        %swap3A_1106 = vector.shape_cast %swap3A_1105 : vector<1x16xf32> to vector<16xf32>
        %swap3A_1107 = vector.shape_cast %bitcast_convert_type3A_1102 : vector<16xf32> to vector<1x16xf32>
        tpu.vector_store %arg9[%swap3A_1103, %swap3A_1104], %swap3A_1107 {strides = array<i32>} : memref<104x128xf32, #tpu.memory_space<vmem>>, vector<1x16xf32>,
        %and3A_1108 = arith.andi %get3A_1100, %broadcast_in_dim3A_595 : vector<16xi32>
        %bitcast_convert_type3A_1109 = tpu.bitcast %and3A_1108 : vector<16xi32> -> vector<16xf32>
        %swap3A_1110 = arith.index_cast %scan3A_1083 : i32 to index
        %swap3A_1111 = arith.constant 48 : index
        %swap3A_1112 = tpu.vector_load %arg9[%swap3A_1110, %swap3A_1111] {strides = array<i32>} : memref<104x128xf32, #tpu.memory_space<vmem>>, vector<1x16xf32>,
        %swap3A_1113 = vector.shape_cast %swap3A_1112 : vector<1x16xf32> to vector<16xf32>
        %swap3A_1114 = vector.shape_cast %bitcast_convert_type3A_1109 : vector<16xf32> to vector<1x16xf32>
        tpu.vector_store %arg9[%swap3A_1110, %swap3A_1111], %swap3A_1114 {strides = array<i32>} : memref<104x128xf32, #tpu.memory_space<vmem>>, vector<1x16xf32>,
        %get3A_1115 = arith.index_cast %scan3A_1083 : i32 to index
        %get3A_1116 = arith.constant 32 : index
        %get3A_1117 = tpu.vector_load %arg6[%get3A_1115, %get3A_1116] {strides = array<i32>} : memref<104x64xi32, #tpu.memory_space<vmem>>, vector<1x16xi32>,
        %get3A_1118 = vector.shape_cast %get3A_1117 : vector<1x16xi32> to vector<16xi32>
        %shift_left3A_1119 = arith.shli %get3A_1118, %broadcast_in_dim3A_593 : vector<16xi32>
        %bitcast_convert_type3A_1120 = tpu.bitcast %shift_left3A_1119 : vector<16xi32> -> vector<16xf32>
        %swap3A_1121 = arith.index_cast %scan3A_1083 : i32 to index
        %swap3A_1122 = arith.constant 64 : index
        %swap3A_1123 = tpu.vector_load %arg9[%swap3A_1121, %swap3A_1122] {strides = array<i32>} : memref<104x128xf32, #tpu.memory_space<vmem>>, vector<1x16xf32>,
        %swap3A_1124 = vector.shape_cast %swap3A_1123 : vector<1x16xf32> to vector<16xf32>
        %swap3A_1125 = vector.shape_cast %bitcast_convert_type3A_1120 : vector<16xf32> to vector<1x16xf32>
        tpu.vector_store %arg9[%swap3A_1121, %swap3A_1122], %swap3A_1125 {strides = array<i32>} : memref<104x128xf32, #tpu.memory_space<vmem>>, vector<1x16xf32>,
        %and3A_1126 = arith.andi %get3A_1118, %broadcast_in_dim3A_595 : vector<16xi32>
        %bitcast_convert_type3A_1127 = tpu.bitcast %and3A_1126 : vector<16xi32> -> vector<16xf32>
        %swap3A_1128 = arith.index_cast %scan3A_1083 : i32 to index
        %swap3A_1129 = arith.constant 80 : index
        %swap3A_1130 = tpu.vector_load %arg9[%swap3A_1128, %swap3A_1129] {strides = array<i32>} : memref<104x128xf32, #tpu.memory_space<vmem>>, vector<1x16xf32>,
        %swap3A_1131 = vector.shape_cast %swap3A_1130 : vector<1x16xf32> to vector<16xf32>
        %swap3A_1132 = vector.shape_cast %bitcast_convert_type3A_1127 : vector<16xf32> to vector<1x16xf32>
        tpu.vector_store %arg9[%swap3A_1128, %swap3A_1129], %swap3A_1132 {strides = array<i32>} : memref<104x128xf32, #tpu.memory_space<vmem>>, vector<1x16xf32>,
        %get3A_1133 = arith.index_cast %scan3A_1083 : i32 to index
        %get3A_1134 = arith.constant 48 : index
        %get3A_1135 = tpu.vector_load %arg6[%get3A_1133, %get3A_1134] {strides = array<i32>} : memref<104x64xi32, #tpu.memory_space<vmem>>, vector<1x16xi32>,
        %get3A_1136 = vector.shape_cast %get3A_1135 : vector<1x16xi32> to vector<16xi32>
        %shift_left3A_1137 = arith.shli %get3A_1136, %broadcast_in_dim3A_593 : vector<16xi32>
        %bitcast_convert_type3A_1138 = tpu.bitcast %shift_left3A_1137 : vector<16xi32> -> vector<16xf32>
        %swap3A_1139 = arith.index_cast %scan3A_1083 : i32 to index
        %swap3A_1140 = arith.constant 96 : index
        %swap3A_1141 = tpu.vector_load %arg9[%swap3A_1139, %swap3A_1140] {strides = array<i32>} : memref<104x128xf32, #tpu.memory_space<vmem>>, vector<1x16xf32>,
        %swap3A_1142 = vector.shape_cast %swap3A_1141 : vector<1x16xf32> to vector<16xf32>
        %swap3A_1143 = vector.shape_cast %bitcast_convert_type3A_1138 : vector<16xf32> to vector<1x16xf32>
        tpu.vector_store %arg9[%swap3A_1139, %swap3A_1140], %swap3A_1143 {strides = array<i32>} : memref<104x128xf32, #tpu.memory_space<vmem>>, vector<1x16xf32>,
        %and3A_1144 = arith.andi %get3A_1136, %broadcast_in_dim3A_595 : vector<16xi32>
        %bitcast_convert_type3A_1145 = tpu.bitcast %and3A_1144 : vector<16xi32> -> vector<16xf32>
        %swap3A_1146 = arith.index_cast %scan3A_1083 : i32 to index
        %swap3A_1147 = arith.constant 112 : index
        %swap3A_1148 = tpu.vector_load %arg9[%swap3A_1146, %swap3A_1147] {strides = array<i32>} : memref<104x128xf32, #tpu.memory_space<vmem>>, vector<1x16xf32>,
        %swap3A_1149 = vector.shape_cast %swap3A_1148 : vector<1x16xf32> to vector<16xf32>
        %swap3A_1150 = vector.shape_cast %bitcast_convert_type3A_1145 : vector<16xf32> to vector<1x16xf32>
        tpu.vector_store %arg9[%swap3A_1146, %swap3A_1147], %swap3A_1150 {strides = array<i32>} : memref<104x128xf32, #tpu.memory_space<vmem>>, vector<1x16xf32>,
      }
      %scan3A_601 = arith.constant 104 : i32
      %dma_start3A_602 = arith.constant 2 : i32
      %dma_start3A_603 = arith.constant 1 : i32
      %dma_start3A_604 = arith.constant 0 : i32
      %dma_start3A_605 = arith.constant 0 : i32
      %dma_start3A_606 = tpu.memref_slice %arg5[%dma_start3A_602, %dma_start3A_604, %dma_start3A_605] : memref<4x2x104xi32, #tpu.memory_space<vmem>> -> memref<1x2x104xi32, #tpu.memory_space<vmem>>
      %dma_start3A_607 = tpu.memref_squeeze %dma_start3A_606 : memref<1x2x104xi32, #tpu.memory_space<vmem>> -> memref<2x104xi32, #tpu.memory_space<vmem>>
      %dma_start3A_608 = arith.constant 0 : i32
      %dma_start3A_609 = tpu.memref_slice %dma_start3A_607[%dma_start3A_603, %dma_start3A_608] : memref<2x104xi32, #tpu.memory_space<vmem>> -> memref<1x104xi32, #tpu.memory_space<vmem>>
      %dma_start3A_610 = tpu.memref_squeeze %dma_start3A_609 : memref<1x104xi32, #tpu.memory_space<vmem>> -> memref<104xi32, #tpu.memory_space<vmem>>
      %dma_start3A_611 = arith.constant 0 : i32
      %dma_start3A_612 = arith.constant 0 : i32
      %dma_start3A_613 = tpu.memref_slice %arg11[%dma_start3A_611, %dma_start3A_612] : memref<10240x128xf32, #tpu.memory_space<vmem_shared>> -> memref<10240x128xf32, #tpu.memory_space<vmem_shared>>
      tpu.enqueue_indirect_dma source(%arg9 : memref<104x128xf32, #tpu.memory_space<vmem>>) target(%dma_start3A_613 : memref<10240x128xf32, #tpu.memory_space<vmem_shared>>) offsets(%dma_start3A_610 : memref<104xi32, #tpu.memory_space<vmem>>) semaphore(%arg15 : memref<!tpu.dma_semaphore, #tpu.memory_space<semaphore_mem>>) {add = true}
      %mul3A_614 = arith.constant 12 : i32
      %mul3A_615 = arith.muli %mul3A_614, %scan3A_278 : i32
      %add3A_616 = arith.constant 2 : i32
      %add3A_617 = arith.addi %mul3A_615, %add3A_616 : i32
      %add3A_618 = arith.constant 5 : i32
      %add3A_619 = arith.addi %add3A_617, %add3A_618 : i32
      %dma_wait3A_620 = arith.constant 3 : i32
      %dma_wait3A_621 = arith.constant 0 : i32
      %dma_wait3A_622 = arith.constant 0 : i32
      %dma_wait3A_623 = arith.constant 0 : i32
      %dma_wait3A_624 = tpu.memref_slice %arg5[%dma_wait3A_620, %dma_wait3A_622, %dma_wait3A_623] : memref<4x2x104xi32, #tpu.memory_space<vmem>> -> memref<1x2x104xi32, #tpu.memory_space<vmem>>
      %dma_wait3A_625 = tpu.memref_squeeze %dma_wait3A_624 : memref<1x2x104xi32, #tpu.memory_space<vmem>> -> memref<2x104xi32, #tpu.memory_space<vmem>>
      %dma_wait3A_626 = arith.constant 0 : i32
      %dma_wait3A_627 = tpu.memref_slice %dma_wait3A_625[%dma_wait3A_621, %dma_wait3A_626] : memref<2x104xi32, #tpu.memory_space<vmem>> -> memref<1x104xi32, #tpu.memory_space<vmem>>
      %dma_wait3A_628 = tpu.memref_squeeze %dma_wait3A_627 : memref<1x104xi32, #tpu.memory_space<vmem>> -> memref<104xi32, #tpu.memory_space<vmem>>
      %dma_wait3A_629 = arith.constant 0 : i32
      %dma_wait3A_630 = arith.constant 0 : i32
      %dma_wait3A_631 = tpu.memref_slice %arg2[%dma_wait3A_629, %dma_wait3A_630] : memref<20000x64xi32, #tpu.memory_space<hbm>> -> memref<20000x64xi32, #tpu.memory_space<hbm>>
      tpu.wait_indirect_dma semaphore(%arg13 : memref<!tpu.dma_semaphore, #tpu.memory_space<semaphore_mem>>) src(%dma_wait3A_631 : memref<20000x64xi32, #tpu.memory_space<hbm>>) dst(%arg7 : memref<104x64xi32, #tpu.memory_space<vmem>>)
      %dma_wait3A_632 = arith.constant 1 : i32
      %dma_wait3A_633 = arith.constant 1 : i32
      %dma_wait3A_634 = arith.constant 0 : i32
      %dma_wait3A_635 = arith.constant 0 : i32
      %dma_wait3A_636 = tpu.memref_slice %arg5[%dma_wait3A_632, %dma_wait3A_634, %dma_wait3A_635] : memref<4x2x104xi32, #tpu.memory_space<vmem>> -> memref<1x2x104xi32, #tpu.memory_space<vmem>>
      %dma_wait3A_637 = tpu.memref_squeeze %dma_wait3A_636 : memref<1x2x104xi32, #tpu.memory_space<vmem>> -> memref<2x104xi32, #tpu.memory_space<vmem>>
      %dma_wait3A_638 = arith.constant 0 : i32
      %dma_wait3A_639 = tpu.memref_slice %dma_wait3A_637[%dma_wait3A_633, %dma_wait3A_638] : memref<2x104xi32, #tpu.memory_space<vmem>> -> memref<1x104xi32, #tpu.memory_space<vmem>>
      %dma_wait3A_640 = tpu.memref_squeeze %dma_wait3A_639 : memref<1x104xi32, #tpu.memory_space<vmem>> -> memref<104xi32, #tpu.memory_space<vmem>>
      %dma_wait3A_641 = arith.constant 0 : i32
      %dma_wait3A_642 = arith.constant 0 : i32
      %dma_wait3A_643 = tpu.memref_slice %arg11[%dma_wait3A_641, %dma_wait3A_642] : memref<10240x128xf32, #tpu.memory_space<vmem_shared>> -> memref<10240x128xf32, #tpu.memory_space<vmem_shared>>
      tpu.wait_indirect_dma semaphore(%arg16 : memref<!tpu.dma_semaphore, #tpu.memory_space<semaphore_mem>>) src(%arg10 : memref<104x128xf32, #tpu.memory_space<vmem>>) dst(%dma_wait3A_643 : memref<10240x128xf32, #tpu.memory_space<vmem_shared>>)
      %add3A_644 = arith.constant 2 : i32
      %add3A_645 = arith.addi %add3A_619, %add3A_644 : i32
      %run_scoped3A_646 = arith.constant 1 : i32
      "tpu.region"() ({
        %run_scoped3A_1083 = tpu.sem_alloc : memref<!tpu.dma_semaphore, #tpu.memory_space<semaphore_mem>>
        %dma_start3A_1084 = arith.constant 0 : i32
        %dma_start3A_1085 = arith.constant 0 : i32
        %dma_start3A_1086 = tpu.memref_slice %arg5[%run_scoped3A_646, %dma_start3A_1084, %dma_start3A_1085] : memref<4x2x104xi32, #tpu.memory_space<vmem>> -> memref<1x2x104xi32, #tpu.memory_space<vmem>>
        %dma_start3A_1087 = tpu.memref_squeeze %dma_start3A_1086 : memref<1x2x104xi32, #tpu.memory_space<vmem>> -> memref<2x104xi32, #tpu.memory_space<vmem>>
        %dma_start3A_1088 = arith.constant 0 : i32
        %dma_start3A_1089 = arith.constant 0 : i32
        %dma_start3A_1090 = tpu.memref_slice %arg3[%arg0, %arg1, %add3A_645, %dma_start3A_1088, %dma_start3A_1089] : memref<2x16x196x2x104xi32, #tpu.memory_space<hbm>> -> memref<1x1x1x2x104xi32, #tpu.memory_space<hbm>>
        %dma_start3A_1091 = tpu.memref_squeeze %dma_start3A_1090 : memref<1x1x1x2x104xi32, #tpu.memory_space<hbm>> -> memref<2x104xi32, #tpu.memory_space<hbm>>
        %dma_start3A_1092 = arith.constant 0 : i32
        %dma_start3A_1093 = arith.constant 0 : i32
        %dma_start3A_1094 = tpu.memref_slice %arg5[%run_scoped3A_646, %dma_start3A_1092, %dma_start3A_1093] : memref<4x2x104xi32, #tpu.memory_space<vmem>> -> memref<1x2x104xi32, #tpu.memory_space<vmem>>
        %dma_start3A_1095 = tpu.memref_squeeze %dma_start3A_1094 : memref<1x2x104xi32, #tpu.memory_space<vmem>> -> memref<2x104xi32, #tpu.memory_space<vmem>>
        %dma_start3A_1096 = arith.constant 0 : i32
        %dma_start3A_1097 = arith.constant 0 : i32
        %dma_start3A_1098 = tpu.memref_slice %arg3[%arg0, %arg1, %add3A_645, %dma_start3A_1096, %dma_start3A_1097] : memref<2x16x196x2x104xi32, #tpu.memory_space<hbm>> -> memref<1x1x1x2x104xi32, #tpu.memory_space<hbm>>
        %dma_start3A_1099 = tpu.memref_squeeze %dma_start3A_1098 : memref<1x1x1x2x104xi32, #tpu.memory_space<hbm>> -> memref<2x104xi32, #tpu.memory_space<hbm>>
        tpu.enqueue_dma source(%dma_start3A_1099 : memref<2x104xi32, #tpu.memory_space<hbm>>) target(%dma_start3A_1095 : memref<2x104xi32, #tpu.memory_space<vmem>>) target_semaphore(%run_scoped3A_1083 : memref<!tpu.dma_semaphore, #tpu.memory_space<semaphore_mem>>)
        %dma_wait3A_1100 = arith.constant 0 : i32
        %dma_wait3A_1101 = arith.constant 0 : i32
        %dma_wait3A_1102 = tpu.memref_slice %arg5[%run_scoped3A_646, %dma_wait3A_1100, %dma_wait3A_1101] : memref<4x2x104xi32, #tpu.memory_space<vmem>> -> memref<1x2x104xi32, #tpu.memory_space<vmem>>
        %dma_wait3A_1103 = tpu.memref_squeeze %dma_wait3A_1102 : memref<1x2x104xi32, #tpu.memory_space<vmem>> -> memref<2x104xi32, #tpu.memory_space<vmem>>
        %dma_wait3A_1104 = arith.constant 0 : i32
        %dma_wait3A_1105 = arith.constant 0 : i32
        %dma_wait3A_1106 = tpu.memref_slice %arg3[%arg0, %arg1, %add3A_645, %dma_wait3A_1104, %dma_wait3A_1105] : memref<2x16x196x2x104xi32, #tpu.memory_space<hbm>> -> memref<1x1x1x2x104xi32, #tpu.memory_space<hbm>>
        %dma_wait3A_1107 = tpu.memref_squeeze %dma_wait3A_1106 : memref<1x1x1x2x104xi32, #tpu.memory_space<hbm>> -> memref<2x104xi32, #tpu.memory_space<hbm>>
        %dma_wait3A_1108 = arith.constant 0 : i32
        %dma_wait3A_1109 = arith.constant 0 : i32
        %dma_wait3A_1110 = tpu.memref_slice %arg5[%run_scoped3A_646, %dma_wait3A_1108, %dma_wait3A_1109] : memref<4x2x104xi32, #tpu.memory_space<vmem>> -> memref<1x2x104xi32, #tpu.memory_space<vmem>>
        %dma_wait3A_1111 = tpu.memref_squeeze %dma_wait3A_1110 : memref<1x2x104xi32, #tpu.memory_space<vmem>> -> memref<2x104xi32, #tpu.memory_space<vmem>>
        %dma_wait3A_1112 = arith.constant 0 : i32
        %dma_wait3A_1113 = arith.constant 0 : i32
        %dma_wait3A_1114 = tpu.memref_slice %arg3[%arg0, %arg1, %add3A_645, %dma_wait3A_1112, %dma_wait3A_1113] : memref<2x16x196x2x104xi32, #tpu.memory_space<hbm>> -> memref<1x1x1x2x104xi32, #tpu.memory_space<hbm>>
        %dma_wait3A_1115 = tpu.memref_squeeze %dma_wait3A_1114 : memref<1x1x1x2x104xi32, #tpu.memory_space<hbm>> -> memref<2x104xi32, #tpu.memory_space<hbm>>
        tpu.wait_dma2 semaphore(%run_scoped3A_1083 : memref<!tpu.dma_semaphore, #tpu.memory_space<semaphore_mem>>) src(%dma_wait3A_1115 : memref<2x104xi32, #tpu.memory_space<hbm>>) dst(%dma_wait3A_1111 : memref<2x104xi32, #tpu.memory_space<vmem>>)
        tpu.yield
      }) : () -> ()
      %dma_start3A_647 = arith.constant 1 : i32
      %dma_start3A_648 = arith.constant 0 : i32
      %dma_start3A_649 = arith.constant 0 : i32
      %dma_start3A_650 = arith.constant 0 : i32
      %dma_start3A_651 = tpu.memref_slice %arg5[%dma_start3A_647, %dma_start3A_649, %dma_start3A_650] : memref<4x2x104xi32, #tpu.memory_space<vmem>> -> memref<1x2x104xi32, #tpu.memory_space<vmem>>
      %dma_start3A_652 = tpu.memref_squeeze %dma_start3A_651 : memref<1x2x104xi32, #tpu.memory_space<vmem>> -> memref<2x104xi32, #tpu.memory_space<vmem>>
      %dma_start3A_653 = arith.constant 0 : i32
      %dma_start3A_654 = tpu.memref_slice %dma_start3A_652[%dma_start3A_648, %dma_start3A_653] : memref<2x104xi32, #tpu.memory_space<vmem>> -> memref<1x104xi32, #tpu.memory_space<vmem>>
      %dma_start3A_655 = tpu.memref_squeeze %dma_start3A_654 : memref<1x104xi32, #tpu.memory_space<vmem>> -> memref<104xi32, #tpu.memory_space<vmem>>
      %dma_start3A_656 = arith.constant 0 : i32
      %dma_start3A_657 = arith.constant 0 : i32
      %dma_start3A_658 = tpu.memref_slice %arg2[%dma_start3A_656, %dma_start3A_657] : memref<20000x64xi32, #tpu.memory_space<hbm>> -> memref<20000x64xi32, #tpu.memory_space<hbm>>
      tpu.enqueue_indirect_dma source(%dma_start3A_658 : memref<20000x64xi32, #tpu.memory_space<hbm>>) target(%arg6 : memref<104x64xi32, #tpu.memory_space<vmem>>) offsets(%dma_start3A_655 : memref<104xi32, #tpu.memory_space<vmem>>) semaphore(%arg12 : memref<!tpu.dma_semaphore, #tpu.memory_space<semaphore_mem>>)
      %broadcast_in_dim3A_659 = arith.constant 16 : i32
      %broadcast_in_dim3A_660 = vector.broadcast %broadcast_in_dim3A_659 : i32 to vector<16xi32>
      %broadcast_in_dim3A_661 = arith.constant -65536 : i32
      %broadcast_in_dim3A_662 = vector.broadcast %broadcast_in_dim3A_661 : i32 to vector<16xi32>
      %scan3A_663 = arith.constant 0 : i32
      %scan3A_664 = arith.constant 0 : i32
      %scan3A_665 = arith.constant 104 : i32
      %scan3A_666 = arith.addi %scan3A_664, %scan3A_665 : i32
      %scan3A_667 = arith.constant 1 : i32
      scf.for %scan3A_1083 = %scan3A_664 to %scan3A_666 step %scan3A_667  : i32 {
        %get3A = arith.index_cast %scan3A_1083 : i32 to index
        %get3A_1084 = arith.constant 0 : index
        %get3A_1085 = tpu.vector_load %arg7[%get3A, %get3A_1084] {strides = array<i32>} : memref<104x64xi32, #tpu.memory_space<vmem>>, vector<1x16xi32>,
        %get3A_1086 = vector.shape_cast %get3A_1085 : vector<1x16xi32> to vector<16xi32>
        %shift_left3A = arith.shli %get3A_1086, %broadcast_in_dim3A_660 : vector<16xi32>
        %bitcast_convert_type3A = tpu.bitcast %shift_left3A : vector<16xi32> -> vector<16xf32>
        %swap3A = arith.index_cast %scan3A_1083 : i32 to index
        %swap3A_1087 = arith.constant 0 : index
        %swap3A_1088 = tpu.vector_load %arg10[%swap3A, %swap3A_1087] {strides = array<i32>} : memref<104x128xf32, #tpu.memory_space<vmem>>, vector<1x16xf32>,
        %swap3A_1089 = vector.shape_cast %swap3A_1088 : vector<1x16xf32> to vector<16xf32>
        %swap3A_1090 = vector.shape_cast %bitcast_convert_type3A : vector<16xf32> to vector<1x16xf32>
        tpu.vector_store %arg10[%swap3A, %swap3A_1087], %swap3A_1090 {strides = array<i32>} : memref<104x128xf32, #tpu.memory_space<vmem>>, vector<1x16xf32>,
        %and3A = arith.andi %get3A_1086, %broadcast_in_dim3A_662 : vector<16xi32>
        %bitcast_convert_type3A_1091 = tpu.bitcast %and3A : vector<16xi32> -> vector<16xf32>
        %swap3A_1092 = arith.index_cast %scan3A_1083 : i32 to index
        %swap3A_1093 = arith.constant 16 : index
        %swap3A_1094 = tpu.vector_load %arg10[%swap3A_1092, %swap3A_1093] {strides = array<i32>} : memref<104x128xf32, #tpu.memory_space<vmem>>, vector<1x16xf32>,
        %swap3A_1095 = vector.shape_cast %swap3A_1094 : vector<1x16xf32> to vector<16xf32>
        %swap3A_1096 = vector.shape_cast %bitcast_convert_type3A_1091 : vector<16xf32> to vector<1x16xf32>
        tpu.vector_store %arg10[%swap3A_1092, %swap3A_1093], %swap3A_1096 {strides = array<i32>} : memref<104x128xf32, #tpu.memory_space<vmem>>, vector<1x16xf32>,
        %get3A_1097 = arith.index_cast %scan3A_1083 : i32 to index
        %get3A_1098 = arith.constant 16 : index
        %get3A_1099 = tpu.vector_load %arg7[%get3A_1097, %get3A_1098] {strides = array<i32>} : memref<104x64xi32, #tpu.memory_space<vmem>>, vector<1x16xi32>,
        %get3A_1100 = vector.shape_cast %get3A_1099 : vector<1x16xi32> to vector<16xi32>
        %shift_left3A_1101 = arith.shli %get3A_1100, %broadcast_in_dim3A_660 : vector<16xi32>
        %bitcast_convert_type3A_1102 = tpu.bitcast %shift_left3A_1101 : vector<16xi32> -> vector<16xf32>
        %swap3A_1103 = arith.index_cast %scan3A_1083 : i32 to index
        %swap3A_1104 = arith.constant 32 : index
        %swap3A_1105 = tpu.vector_load %arg10[%swap3A_1103, %swap3A_1104] {strides = array<i32>} : memref<104x128xf32, #tpu.memory_space<vmem>>, vector<1x16xf32>,
        %swap3A_1106 = vector.shape_cast %swap3A_1105 : vector<1x16xf32> to vector<16xf32>
        %swap3A_1107 = vector.shape_cast %bitcast_convert_type3A_1102 : vector<16xf32> to vector<1x16xf32>
        tpu.vector_store %arg10[%swap3A_1103, %swap3A_1104], %swap3A_1107 {strides = array<i32>} : memref<104x128xf32, #tpu.memory_space<vmem>>, vector<1x16xf32>,
        %and3A_1108 = arith.andi %get3A_1100, %broadcast_in_dim3A_662 : vector<16xi32>
        %bitcast_convert_type3A_1109 = tpu.bitcast %and3A_1108 : vector<16xi32> -> vector<16xf32>
        %swap3A_1110 = arith.index_cast %scan3A_1083 : i32 to index
        %swap3A_1111 = arith.constant 48 : index
        %swap3A_1112 = tpu.vector_load %arg10[%swap3A_1110, %swap3A_1111] {strides = array<i32>} : memref<104x128xf32, #tpu.memory_space<vmem>>, vector<1x16xf32>,
        %swap3A_1113 = vector.shape_cast %swap3A_1112 : vector<1x16xf32> to vector<16xf32>
        %swap3A_1114 = vector.shape_cast %bitcast_convert_type3A_1109 : vector<16xf32> to vector<1x16xf32>
        tpu.vector_store %arg10[%swap3A_1110, %swap3A_1111], %swap3A_1114 {strides = array<i32>} : memref<104x128xf32, #tpu.memory_space<vmem>>, vector<1x16xf32>,
        %get3A_1115 = arith.index_cast %scan3A_1083 : i32 to index
        %get3A_1116 = arith.constant 32 : index
        %get3A_1117 = tpu.vector_load %arg7[%get3A_1115, %get3A_1116] {strides = array<i32>} : memref<104x64xi32, #tpu.memory_space<vmem>>, vector<1x16xi32>,
        %get3A_1118 = vector.shape_cast %get3A_1117 : vector<1x16xi32> to vector<16xi32>
        %shift_left3A_1119 = arith.shli %get3A_1118, %broadcast_in_dim3A_660 : vector<16xi32>
        %bitcast_convert_type3A_1120 = tpu.bitcast %shift_left3A_1119 : vector<16xi32> -> vector<16xf32>
        %swap3A_1121 = arith.index_cast %scan3A_1083 : i32 to index
        %swap3A_1122 = arith.constant 64 : index
        %swap3A_1123 = tpu.vector_load %arg10[%swap3A_1121, %swap3A_1122] {strides = array<i32>} : memref<104x128xf32, #tpu.memory_space<vmem>>, vector<1x16xf32>,
        %swap3A_1124 = vector.shape_cast %swap3A_1123 : vector<1x16xf32> to vector<16xf32>
        %swap3A_1125 = vector.shape_cast %bitcast_convert_type3A_1120 : vector<16xf32> to vector<1x16xf32>
        tpu.vector_store %arg10[%swap3A_1121, %swap3A_1122], %swap3A_1125 {strides = array<i32>} : memref<104x128xf32, #tpu.memory_space<vmem>>, vector<1x16xf32>,
        %and3A_1126 = arith.andi %get3A_1118, %broadcast_in_dim3A_662 : vector<16xi32>
        %bitcast_convert_type3A_1127 = tpu.bitcast %and3A_1126 : vector<16xi32> -> vector<16xf32>
        %swap3A_1128 = arith.index_cast %scan3A_1083 : i32 to index
        %swap3A_1129 = arith.constant 80 : index
        %swap3A_1130 = tpu.vector_load %arg10[%swap3A_1128, %swap3A_1129] {strides = array<i32>} : memref<104x128xf32, #tpu.memory_space<vmem>>, vector<1x16xf32>,
        %swap3A_1131 = vector.shape_cast %swap3A_1130 : vector<1x16xf32> to vector<16xf32>
        %swap3A_1132 = vector.shape_cast %bitcast_convert_type3A_1127 : vector<16xf32> to vector<1x16xf32>
        tpu.vector_store %arg10[%swap3A_1128, %swap3A_1129], %swap3A_1132 {strides = array<i32>} : memref<104x128xf32, #tpu.memory_space<vmem>>, vector<1x16xf32>,
        %get3A_1133 = arith.index_cast %scan3A_1083 : i32 to index
        %get3A_1134 = arith.constant 48 : index
        %get3A_1135 = tpu.vector_load %arg7[%get3A_1133, %get3A_1134] {strides = array<i32>} : memref<104x64xi32, #tpu.memory_space<vmem>>, vector<1x16xi32>,
        %get3A_1136 = vector.shape_cast %get3A_1135 : vector<1x16xi32> to vector<16xi32>
        %shift_left3A_1137 = arith.shli %get3A_1136, %broadcast_in_dim3A_660 : vector<16xi32>
        %bitcast_convert_type3A_1138 = tpu.bitcast %shift_left3A_1137 : vector<16xi32> -> vector<16xf32>
        %swap3A_1139 = arith.index_cast %scan3A_1083 : i32 to index
        %swap3A_1140 = arith.constant 96 : index
        %swap3A_1141 = tpu.vector_load %arg10[%swap3A_1139, %swap3A_1140] {strides = array<i32>} : memref<104x128xf32, #tpu.memory_space<vmem>>, vector<1x16xf32>,
        %swap3A_1142 = vector.shape_cast %swap3A_1141 : vector<1x16xf32> to vector<16xf32>
        %swap3A_1143 = vector.shape_cast %bitcast_convert_type3A_1138 : vector<16xf32> to vector<1x16xf32>
        tpu.vector_store %arg10[%swap3A_1139, %swap3A_1140], %swap3A_1143 {strides = array<i32>} : memref<104x128xf32, #tpu.memory_space<vmem>>, vector<1x16xf32>,
        %and3A_1144 = arith.andi %get3A_1136, %broadcast_in_dim3A_662 : vector<16xi32>
        %bitcast_convert_type3A_1145 = tpu.bitcast %and3A_1144 : vector<16xi32> -> vector<16xf32>
        %swap3A_1146 = arith.index_cast %scan3A_1083 : i32 to index
        %swap3A_1147 = arith.constant 112 : index
        %swap3A_1148 = tpu.vector_load %arg10[%swap3A_1146, %swap3A_1147] {strides = array<i32>} : memref<104x128xf32, #tpu.memory_space<vmem>>, vector<1x16xf32>,
        %swap3A_1149 = vector.shape_cast %swap3A_1148 : vector<1x16xf32> to vector<16xf32>
        %swap3A_1150 = vector.shape_cast %bitcast_convert_type3A_1145 : vector<16xf32> to vector<1x16xf32>
        tpu.vector_store %arg10[%swap3A_1146, %swap3A_1147], %swap3A_1150 {strides = array<i32>} : memref<104x128xf32, #tpu.memory_space<vmem>>, vector<1x16xf32>,
      }
      %scan3A_668 = arith.constant 104 : i32
      %dma_start3A_669 = arith.constant 3 : i32
      %dma_start3A_670 = arith.constant 1 : i32
      %dma_start3A_671 = arith.constant 0 : i32
      %dma_start3A_672 = arith.constant 0 : i32
      %dma_start3A_673 = tpu.memref_slice %arg5[%dma_start3A_669, %dma_start3A_671, %dma_start3A_672] : memref<4x2x104xi32, #tpu.memory_space<vmem>> -> memref<1x2x104xi32, #tpu.memory_space<vmem>>
      %dma_start3A_674 = tpu.memref_squeeze %dma_start3A_673 : memref<1x2x104xi32, #tpu.memory_space<vmem>> -> memref<2x104xi32, #tpu.memory_space<vmem>>
      %dma_start3A_675 = arith.constant 0 : i32
      %dma_start3A_676 = tpu.memref_slice %dma_start3A_674[%dma_start3A_670, %dma_start3A_675] : memref<2x104xi32, #tpu.memory_space<vmem>> -> memref<1x104xi32, #tpu.memory_space<vmem>>
      %dma_start3A_677 = tpu.memref_squeeze %dma_start3A_676 : memref<1x104xi32, #tpu.memory_space<vmem>> -> memref<104xi32, #tpu.memory_space<vmem>>
      %dma_start3A_678 = arith.constant 0 : i32
      %dma_start3A_679 = arith.constant 0 : i32
      %dma_start3A_680 = tpu.memref_slice %arg11[%dma_start3A_678, %dma_start3A_679] : memref<10240x128xf32, #tpu.memory_space<vmem_shared>> -> memref<10240x128xf32, #tpu.memory_space<vmem_shared>>
      tpu.enqueue_indirect_dma source(%arg10 : memref<104x128xf32, #tpu.memory_space<vmem>>) target(%dma_start3A_680 : memref<10240x128xf32, #tpu.memory_space<vmem_shared>>) offsets(%dma_start3A_677 : memref<104xi32, #tpu.memory_space<vmem>>) semaphore(%arg16 : memref<!tpu.dma_semaphore, #tpu.memory_space<semaphore_mem>>) {add = true}
      %mul3A_681 = arith.constant 12 : i32
      %mul3A_682 = arith.muli %mul3A_681, %scan3A_278 : i32
      %add3A_683 = arith.constant 2 : i32
      %add3A_684 = arith.addi %mul3A_682, %add3A_683 : i32
      %add3A_685 = arith.constant 6 : i32
      %add3A_686 = arith.addi %add3A_684, %add3A_685 : i32
      %dma_wait3A_687 = arith.constant 0 : i32
      %dma_wait3A_688 = arith.constant 0 : i32
      %dma_wait3A_689 = arith.constant 0 : i32
      %dma_wait3A_690 = arith.constant 0 : i32
      %dma_wait3A_691 = tpu.memref_slice %arg5[%dma_wait3A_687, %dma_wait3A_689, %dma_wait3A_690] : memref<4x2x104xi32, #tpu.memory_space<vmem>> -> memref<1x2x104xi32, #tpu.memory_space<vmem>>
      %dma_wait3A_692 = tpu.memref_squeeze %dma_wait3A_691 : memref<1x2x104xi32, #tpu.memory_space<vmem>> -> memref<2x104xi32, #tpu.memory_space<vmem>>
      %dma_wait3A_693 = arith.constant 0 : i32
      %dma_wait3A_694 = tpu.memref_slice %dma_wait3A_692[%dma_wait3A_688, %dma_wait3A_693] : memref<2x104xi32, #tpu.memory_space<vmem>> -> memref<1x104xi32, #tpu.memory_space<vmem>>
      %dma_wait3A_695 = tpu.memref_squeeze %dma_wait3A_694 : memref<1x104xi32, #tpu.memory_space<vmem>> -> memref<104xi32, #tpu.memory_space<vmem>>
      %dma_wait3A_696 = arith.constant 0 : i32
      %dma_wait3A_697 = arith.constant 0 : i32
      %dma_wait3A_698 = tpu.memref_slice %arg2[%dma_wait3A_696, %dma_wait3A_697] : memref<20000x64xi32, #tpu.memory_space<hbm>> -> memref<20000x64xi32, #tpu.memory_space<hbm>>
      tpu.wait_indirect_dma semaphore(%arg14 : memref<!tpu.dma_semaphore, #tpu.memory_space<semaphore_mem>>) src(%dma_wait3A_698 : memref<20000x64xi32, #tpu.memory_space<hbm>>) dst(%arg8 : memref<104x64xi32, #tpu.memory_space<vmem>>)
      %dma_wait3A_699 = arith.constant 2 : i32
      %dma_wait3A_700 = arith.constant 1 : i32
      %dma_wait3A_701 = arith.constant 0 : i32
      %dma_wait3A_702 = arith.constant 0 : i32
      %dma_wait3A_703 = tpu.memref_slice %arg5[%dma_wait3A_699, %dma_wait3A_701, %dma_wait3A_702] : memref<4x2x104xi32, #tpu.memory_space<vmem>> -> memref<1x2x104xi32, #tpu.memory_space<vmem>>
      %dma_wait3A_704 = tpu.memref_squeeze %dma_wait3A_703 : memref<1x2x104xi32, #tpu.memory_space<vmem>> -> memref<2x104xi32, #tpu.memory_space<vmem>>
      %dma_wait3A_705 = arith.constant 0 : i32
      %dma_wait3A_706 = tpu.memref_slice %dma_wait3A_704[%dma_wait3A_700, %dma_wait3A_705] : memref<2x104xi32, #tpu.memory_space<vmem>> -> memref<1x104xi32, #tpu.memory_space<vmem>>
      %dma_wait3A_707 = tpu.memref_squeeze %dma_wait3A_706 : memref<1x104xi32, #tpu.memory_space<vmem>> -> memref<104xi32, #tpu.memory_space<vmem>>
      %dma_wait3A_708 = arith.constant 0 : i32
      %dma_wait3A_709 = arith.constant 0 : i32
      %dma_wait3A_710 = tpu.memref_slice %arg11[%dma_wait3A_708, %dma_wait3A_709] : memref<10240x128xf32, #tpu.memory_space<vmem_shared>> -> memref<10240x128xf32, #tpu.memory_space<vmem_shared>>
      tpu.wait_indirect_dma semaphore(%arg15 : memref<!tpu.dma_semaphore, #tpu.memory_space<semaphore_mem>>) src(%arg9 : memref<104x128xf32, #tpu.memory_space<vmem>>) dst(%dma_wait3A_710 : memref<10240x128xf32, #tpu.memory_space<vmem_shared>>)
      %add3A_711 = arith.constant 2 : i32
      %add3A_712 = arith.addi %add3A_686, %add3A_711 : i32
      %run_scoped3A_713 = arith.constant 2 : i32
      "tpu.region"() ({
        %run_scoped3A_1083 = tpu.sem_alloc : memref<!tpu.dma_semaphore, #tpu.memory_space<semaphore_mem>>
        %dma_start3A_1084 = arith.constant 0 : i32
        %dma_start3A_1085 = arith.constant 0 : i32
        %dma_start3A_1086 = tpu.memref_slice %arg5[%run_scoped3A_713, %dma_start3A_1084, %dma_start3A_1085] : memref<4x2x104xi32, #tpu.memory_space<vmem>> -> memref<1x2x104xi32, #tpu.memory_space<vmem>>
        %dma_start3A_1087 = tpu.memref_squeeze %dma_start3A_1086 : memref<1x2x104xi32, #tpu.memory_space<vmem>> -> memref<2x104xi32, #tpu.memory_space<vmem>>
        %dma_start3A_1088 = arith.constant 0 : i32
        %dma_start3A_1089 = arith.constant 0 : i32
        %dma_start3A_1090 = tpu.memref_slice %arg3[%arg0, %arg1, %add3A_712, %dma_start3A_1088, %dma_start3A_1089] : memref<2x16x196x2x104xi32, #tpu.memory_space<hbm>> -> memref<1x1x1x2x104xi32, #tpu.memory_space<hbm>>
        %dma_start3A_1091 = tpu.memref_squeeze %dma_start3A_1090 : memref<1x1x1x2x104xi32, #tpu.memory_space<hbm>> -> memref<2x104xi32, #tpu.memory_space<hbm>>
        %dma_start3A_1092 = arith.constant 0 : i32
        %dma_start3A_1093 = arith.constant 0 : i32
        %dma_start3A_1094 = tpu.memref_slice %arg5[%run_scoped3A_713, %dma_start3A_1092, %dma_start3A_1093] : memref<4x2x104xi32, #tpu.memory_space<vmem>> -> memref<1x2x104xi32, #tpu.memory_space<vmem>>
        %dma_start3A_1095 = tpu.memref_squeeze %dma_start3A_1094 : memref<1x2x104xi32, #tpu.memory_space<vmem>> -> memref<2x104xi32, #tpu.memory_space<vmem>>
        %dma_start3A_1096 = arith.constant 0 : i32
        %dma_start3A_1097 = arith.constant 0 : i32
        %dma_start3A_1098 = tpu.memref_slice %arg3[%arg0, %arg1, %add3A_712, %dma_start3A_1096, %dma_start3A_1097] : memref<2x16x196x2x104xi32, #tpu.memory_space<hbm>> -> memref<1x1x1x2x104xi32, #tpu.memory_space<hbm>>
        %dma_start3A_1099 = tpu.memref_squeeze %dma_start3A_1098 : memref<1x1x1x2x104xi32, #tpu.memory_space<hbm>> -> memref<2x104xi32, #tpu.memory_space<hbm>>
        tpu.enqueue_dma source(%dma_start3A_1099 : memref<2x104xi32, #tpu.memory_space<hbm>>) target(%dma_start3A_1095 : memref<2x104xi32, #tpu.memory_space<vmem>>) target_semaphore(%run_scoped3A_1083 : memref<!tpu.dma_semaphore, #tpu.memory_space<semaphore_mem>>)
        %dma_wait3A_1100 = arith.constant 0 : i32
        %dma_wait3A_1101 = arith.constant 0 : i32
        %dma_wait3A_1102 = tpu.memref_slice %arg5[%run_scoped3A_713, %dma_wait3A_1100, %dma_wait3A_1101] : memref<4x2x104xi32, #tpu.memory_space<vmem>> -> memref<1x2x104xi32, #tpu.memory_space<vmem>>
        %dma_wait3A_1103 = tpu.memref_squeeze %dma_wait3A_1102 : memref<1x2x104xi32, #tpu.memory_space<vmem>> -> memref<2x104xi32, #tpu.memory_space<vmem>>
        %dma_wait3A_1104 = arith.constant 0 : i32
        %dma_wait3A_1105 = arith.constant 0 : i32
        %dma_wait3A_1106 = tpu.memref_slice %arg3[%arg0, %arg1, %add3A_712, %dma_wait3A_1104, %dma_wait3A_1105] : memref<2x16x196x2x104xi32, #tpu.memory_space<hbm>> -> memref<1x1x1x2x104xi32, #tpu.memory_space<hbm>>
        %dma_wait3A_1107 = tpu.memref_squeeze %dma_wait3A_1106 : memref<1x1x1x2x104xi32, #tpu.memory_space<hbm>> -> memref<2x104xi32, #tpu.memory_space<hbm>>
        %dma_wait3A_1108 = arith.constant 0 : i32
        %dma_wait3A_1109 = arith.constant 0 : i32
        %dma_wait3A_1110 = tpu.memref_slice %arg5[%run_scoped3A_713, %dma_wait3A_1108, %dma_wait3A_1109] : memref<4x2x104xi32, #tpu.memory_space<vmem>> -> memref<1x2x104xi32, #tpu.memory_space<vmem>>
        %dma_wait3A_1111 = tpu.memref_squeeze %dma_wait3A_1110 : memref<1x2x104xi32, #tpu.memory_space<vmem>> -> memref<2x104xi32, #tpu.memory_space<vmem>>
        %dma_wait3A_1112 = arith.constant 0 : i32
        %dma_wait3A_1113 = arith.constant 0 : i32
        %dma_wait3A_1114 = tpu.memref_slice %arg3[%arg0, %arg1, %add3A_712, %dma_wait3A_1112, %dma_wait3A_1113] : memref<2x16x196x2x104xi32, #tpu.memory_space<hbm>> -> memref<1x1x1x2x104xi32, #tpu.memory_space<hbm>>
        %dma_wait3A_1115 = tpu.memref_squeeze %dma_wait3A_1114 : memref<1x1x1x2x104xi32, #tpu.memory_space<hbm>> -> memref<2x104xi32, #tpu.memory_space<hbm>>
        tpu.wait_dma2 semaphore(%run_scoped3A_1083 : memref<!tpu.dma_semaphore, #tpu.memory_space<semaphore_mem>>) src(%dma_wait3A_1115 : memref<2x104xi32, #tpu.memory_space<hbm>>) dst(%dma_wait3A_1111 : memref<2x104xi32, #tpu.memory_space<vmem>>)
        tpu.yield
      }) : () -> ()
      %dma_start3A_714 = arith.constant 2 : i32
      %dma_start3A_715 = arith.constant 0 : i32
      %dma_start3A_716 = arith.constant 0 : i32
      %dma_start3A_717 = arith.constant 0 : i32
      %dma_start3A_718 = tpu.memref_slice %arg5[%dma_start3A_714, %dma_start3A_716, %dma_start3A_717] : memref<4x2x104xi32, #tpu.memory_space<vmem>> -> memref<1x2x104xi32, #tpu.memory_space<vmem>>
      %dma_start3A_719 = tpu.memref_squeeze %dma_start3A_718 : memref<1x2x104xi32, #tpu.memory_space<vmem>> -> memref<2x104xi32, #tpu.memory_space<vmem>>
      %dma_start3A_720 = arith.constant 0 : i32
      %dma_start3A_721 = tpu.memref_slice %dma_start3A_719[%dma_start3A_715, %dma_start3A_720] : memref<2x104xi32, #tpu.memory_space<vmem>> -> memref<1x104xi32, #tpu.memory_space<vmem>>
      %dma_start3A_722 = tpu.memref_squeeze %dma_start3A_721 : memref<1x104xi32, #tpu.memory_space<vmem>> -> memref<104xi32, #tpu.memory_space<vmem>>
      %dma_start3A_723 = arith.constant 0 : i32
      %dma_start3A_724 = arith.constant 0 : i32
      %dma_start3A_725 = tpu.memref_slice %arg2[%dma_start3A_723, %dma_start3A_724] : memref<20000x64xi32, #tpu.memory_space<hbm>> -> memref<20000x64xi32, #tpu.memory_space<hbm>>
      tpu.enqueue_indirect_dma source(%dma_start3A_725 : memref<20000x64xi32, #tpu.memory_space<hbm>>) target(%arg7 : memref<104x64xi32, #tpu.memory_space<vmem>>) offsets(%dma_start3A_722 : memref<104xi32, #tpu.memory_space<vmem>>) semaphore(%arg13 : memref<!tpu.dma_semaphore, #tpu.memory_space<semaphore_mem>>)
      %broadcast_in_dim3A_726 = arith.constant 16 : i32
      %broadcast_in_dim3A_727 = vector.broadcast %broadcast_in_dim3A_726 : i32 to vector<16xi32>
      %broadcast_in_dim3A_728 = arith.constant -65536 : i32
      %broadcast_in_dim3A_729 = vector.broadcast %broadcast_in_dim3A_728 : i32 to vector<16xi32>
      %scan3A_730 = arith.constant 0 : i32
      %scan3A_731 = arith.constant 0 : i32
      %scan3A_732 = arith.constant 104 : i32
      %scan3A_733 = arith.addi %scan3A_731, %scan3A_732 : i32
      %scan3A_734 = arith.constant 1 : i32
      scf.for %scan3A_1083 = %scan3A_731 to %scan3A_733 step %scan3A_734  : i32 {
        %get3A = arith.index_cast %scan3A_1083 : i32 to index
        %get3A_1084 = arith.constant 0 : index
        %get3A_1085 = tpu.vector_load %arg8[%get3A, %get3A_1084] {strides = array<i32>} : memref<104x64xi32, #tpu.memory_space<vmem>>, vector<1x16xi32>,
        %get3A_1086 = vector.shape_cast %get3A_1085 : vector<1x16xi32> to vector<16xi32>
        %shift_left3A = arith.shli %get3A_1086, %broadcast_in_dim3A_727 : vector<16xi32>
        %bitcast_convert_type3A = tpu.bitcast %shift_left3A : vector<16xi32> -> vector<16xf32>
        %swap3A = arith.index_cast %scan3A_1083 : i32 to index
        %swap3A_1087 = arith.constant 0 : index
        %swap3A_1088 = tpu.vector_load %arg9[%swap3A, %swap3A_1087] {strides = array<i32>} : memref<104x128xf32, #tpu.memory_space<vmem>>, vector<1x16xf32>,
        %swap3A_1089 = vector.shape_cast %swap3A_1088 : vector<1x16xf32> to vector<16xf32>
        %swap3A_1090 = vector.shape_cast %bitcast_convert_type3A : vector<16xf32> to vector<1x16xf32>
        tpu.vector_store %arg9[%swap3A, %swap3A_1087], %swap3A_1090 {strides = array<i32>} : memref<104x128xf32, #tpu.memory_space<vmem>>, vector<1x16xf32>,
        %and3A = arith.andi %get3A_1086, %broadcast_in_dim3A_729 : vector<16xi32>
        %bitcast_convert_type3A_1091 = tpu.bitcast %and3A : vector<16xi32> -> vector<16xf32>
        %swap3A_1092 = arith.index_cast %scan3A_1083 : i32 to index
        %swap3A_1093 = arith.constant 16 : index
        %swap3A_1094 = tpu.vector_load %arg9[%swap3A_1092, %swap3A_1093] {strides = array<i32>} : memref<104x128xf32, #tpu.memory_space<vmem>>, vector<1x16xf32>,
        %swap3A_1095 = vector.shape_cast %swap3A_1094 : vector<1x16xf32> to vector<16xf32>
        %swap3A_1096 = vector.shape_cast %bitcast_convert_type3A_1091 : vector<16xf32> to vector<1x16xf32>
        tpu.vector_store %arg9[%swap3A_1092, %swap3A_1093], %swap3A_1096 {strides = array<i32>} : memref<104x128xf32, #tpu.memory_space<vmem>>, vector<1x16xf32>,
        %get3A_1097 = arith.index_cast %scan3A_1083 : i32 to index
        %get3A_1098 = arith.constant 16 : index
        %get3A_1099 = tpu.vector_load %arg8[%get3A_1097, %get3A_1098] {strides = array<i32>} : memref<104x64xi32, #tpu.memory_space<vmem>>, vector<1x16xi32>,
        %get3A_1100 = vector.shape_cast %get3A_1099 : vector<1x16xi32> to vector<16xi32>
        %shift_left3A_1101 = arith.shli %get3A_1100, %broadcast_in_dim3A_727 : vector<16xi32>
        %bitcast_convert_type3A_1102 = tpu.bitcast %shift_left3A_1101 : vector<16xi32> -> vector<16xf32>
        %swap3A_1103 = arith.index_cast %scan3A_1083 : i32 to index
        %swap3A_1104 = arith.constant 32 : index
        %swap3A_1105 = tpu.vector_load %arg9[%swap3A_1103, %swap3A_1104] {strides = array<i32>} : memref<104x128xf32, #tpu.memory_space<vmem>>, vector<1x16xf32>,
        %swap3A_1106 = vector.shape_cast %swap3A_1105 : vector<1x16xf32> to vector<16xf32>
        %swap3A_1107 = vector.shape_cast %bitcast_convert_type3A_1102 : vector<16xf32> to vector<1x16xf32>
        tpu.vector_store %arg9[%swap3A_1103, %swap3A_1104], %swap3A_1107 {strides = array<i32>} : memref<104x128xf32, #tpu.memory_space<vmem>>, vector<1x16xf32>,
        %and3A_1108 = arith.andi %get3A_1100, %broadcast_in_dim3A_729 : vector<16xi32>
        %bitcast_convert_type3A_1109 = tpu.bitcast %and3A_1108 : vector<16xi32> -> vector<16xf32>
        %swap3A_1110 = arith.index_cast %scan3A_1083 : i32 to index
        %swap3A_1111 = arith.constant 48 : index
        %swap3A_1112 = tpu.vector_load %arg9[%swap3A_1110, %swap3A_1111] {strides = array<i32>} : memref<104x128xf32, #tpu.memory_space<vmem>>, vector<1x16xf32>,
        %swap3A_1113 = vector.shape_cast %swap3A_1112 : vector<1x16xf32> to vector<16xf32>
        %swap3A_1114 = vector.shape_cast %bitcast_convert_type3A_1109 : vector<16xf32> to vector<1x16xf32>
        tpu.vector_store %arg9[%swap3A_1110, %swap3A_1111], %swap3A_1114 {strides = array<i32>} : memref<104x128xf32, #tpu.memory_space<vmem>>, vector<1x16xf32>,
        %get3A_1115 = arith.index_cast %scan3A_1083 : i32 to index
        %get3A_1116 = arith.constant 32 : index
        %get3A_1117 = tpu.vector_load %arg8[%get3A_1115, %get3A_1116] {strides = array<i32>} : memref<104x64xi32, #tpu.memory_space<vmem>>, vector<1x16xi32>,
        %get3A_1118 = vector.shape_cast %get3A_1117 : vector<1x16xi32> to vector<16xi32>
        %shift_left3A_1119 = arith.shli %get3A_1118, %broadcast_in_dim3A_727 : vector<16xi32>
        %bitcast_convert_type3A_1120 = tpu.bitcast %shift_left3A_1119 : vector<16xi32> -> vector<16xf32>
        %swap3A_1121 = arith.index_cast %scan3A_1083 : i32 to index
        %swap3A_1122 = arith.constant 64 : index
        %swap3A_1123 = tpu.vector_load %arg9[%swap3A_1121, %swap3A_1122] {strides = array<i32>} : memref<104x128xf32, #tpu.memory_space<vmem>>, vector<1x16xf32>,
        %swap3A_1124 = vector.shape_cast %swap3A_1123 : vector<1x16xf32> to vector<16xf32>
        %swap3A_1125 = vector.shape_cast %bitcast_convert_type3A_1120 : vector<16xf32> to vector<1x16xf32>
        tpu.vector_store %arg9[%swap3A_1121, %swap3A_1122], %swap3A_1125 {strides = array<i32>} : memref<104x128xf32, #tpu.memory_space<vmem>>, vector<1x16xf32>,
        %and3A_1126 = arith.andi %get3A_1118, %broadcast_in_dim3A_729 : vector<16xi32>
        %bitcast_convert_type3A_1127 = tpu.bitcast %and3A_1126 : vector<16xi32> -> vector<16xf32>
        %swap3A_1128 = arith.index_cast %scan3A_1083 : i32 to index
        %swap3A_1129 = arith.constant 80 : index
        %swap3A_1130 = tpu.vector_load %arg9[%swap3A_1128, %swap3A_1129] {strides = array<i32>} : memref<104x128xf32, #tpu.memory_space<vmem>>, vector<1x16xf32>,
        %swap3A_1131 = vector.shape_cast %swap3A_1130 : vector<1x16xf32> to vector<16xf32>
        %swap3A_1132 = vector.shape_cast %bitcast_convert_type3A_1127 : vector<16xf32> to vector<1x16xf32>
        tpu.vector_store %arg9[%swap3A_1128, %swap3A_1129], %swap3A_1132 {strides = array<i32>} : memref<104x128xf32, #tpu.memory_space<vmem>>, vector<1x16xf32>,
        %get3A_1133 = arith.index_cast %scan3A_1083 : i32 to index
        %get3A_1134 = arith.constant 48 : index
        %get3A_1135 = tpu.vector_load %arg8[%get3A_1133, %get3A_1134] {strides = array<i32>} : memref<104x64xi32, #tpu.memory_space<vmem>>, vector<1x16xi32>,
        %get3A_1136 = vector.shape_cast %get3A_1135 : vector<1x16xi32> to vector<16xi32>
        %shift_left3A_1137 = arith.shli %get3A_1136, %broadcast_in_dim3A_727 : vector<16xi32>
        %bitcast_convert_type3A_1138 = tpu.bitcast %shift_left3A_1137 : vector<16xi32> -> vector<16xf32>
        %swap3A_1139 = arith.index_cast %scan3A_1083 : i32 to index
        %swap3A_1140 = arith.constant 96 : index
        %swap3A_1141 = tpu.vector_load %arg9[%swap3A_1139, %swap3A_1140] {strides = array<i32>} : memref<104x128xf32, #tpu.memory_space<vmem>>, vector<1x16xf32>,
        %swap3A_1142 = vector.shape_cast %swap3A_1141 : vector<1x16xf32> to vector<16xf32>
        %swap3A_1143 = vector.shape_cast %bitcast_convert_type3A_1138 : vector<16xf32> to vector<1x16xf32>
        tpu.vector_store %arg9[%swap3A_1139, %swap3A_1140], %swap3A_1143 {strides = array<i32>} : memref<104x128xf32, #tpu.memory_space<vmem>>, vector<1x16xf32>,
        %and3A_1144 = arith.andi %get3A_1136, %broadcast_in_dim3A_729 : vector<16xi32>
        %bitcast_convert_type3A_1145 = tpu.bitcast %and3A_1144 : vector<16xi32> -> vector<16xf32>
        %swap3A_1146 = arith.index_cast %scan3A_1083 : i32 to index
        %swap3A_1147 = arith.constant 112 : index
        %swap3A_1148 = tpu.vector_load %arg9[%swap3A_1146, %swap3A_1147] {strides = array<i32>} : memref<104x128xf32, #tpu.memory_space<vmem>>, vector<1x16xf32>,
        %swap3A_1149 = vector.shape_cast %swap3A_1148 : vector<1x16xf32> to vector<16xf32>
        %swap3A_1150 = vector.shape_cast %bitcast_convert_type3A_1145 : vector<16xf32> to vector<1x16xf32>
        tpu.vector_store %arg9[%swap3A_1146, %swap3A_1147], %swap3A_1150 {strides = array<i32>} : memref<104x128xf32, #tpu.memory_space<vmem>>, vector<1x16xf32>,
      }
      %scan3A_735 = arith.constant 104 : i32
      %dma_start3A_736 = arith.constant 0 : i32
      %dma_start3A_737 = arith.constant 1 : i32
      %dma_start3A_738 = arith.constant 0 : i32
      %dma_start3A_739 = arith.constant 0 : i32
      %dma_start3A_740 = tpu.memref_slice %arg5[%dma_start3A_736, %dma_start3A_738, %dma_start3A_739] : memref<4x2x104xi32, #tpu.memory_space<vmem>> -> memref<1x2x104xi32, #tpu.memory_space<vmem>>
      %dma_start3A_741 = tpu.memref_squeeze %dma_start3A_740 : memref<1x2x104xi32, #tpu.memory_space<vmem>> -> memref<2x104xi32, #tpu.memory_space<vmem>>
      %dma_start3A_742 = arith.constant 0 : i32
      %dma_start3A_743 = tpu.memref_slice %dma_start3A_741[%dma_start3A_737, %dma_start3A_742] : memref<2x104xi32, #tpu.memory_space<vmem>> -> memref<1x104xi32, #tpu.memory_space<vmem>>
      %dma_start3A_744 = tpu.memref_squeeze %dma_start3A_743 : memref<1x104xi32, #tpu.memory_space<vmem>> -> memref<104xi32, #tpu.memory_space<vmem>>
      %dma_start3A_745 = arith.constant 0 : i32
      %dma_start3A_746 = arith.constant 0 : i32
      %dma_start3A_747 = tpu.memref_slice %arg11[%dma_start3A_745, %dma_start3A_746] : memref<10240x128xf32, #tpu.memory_space<vmem_shared>> -> memref<10240x128xf32, #tpu.memory_space<vmem_shared>>
      tpu.enqueue_indirect_dma source(%arg9 : memref<104x128xf32, #tpu.memory_space<vmem>>) target(%dma_start3A_747 : memref<10240x128xf32, #tpu.memory_space<vmem_shared>>) offsets(%dma_start3A_744 : memref<104xi32, #tpu.memory_space<vmem>>) semaphore(%arg15 : memref<!tpu.dma_semaphore, #tpu.memory_space<semaphore_mem>>) {add = true}
      %mul3A_748 = arith.constant 12 : i32
      %mul3A_749 = arith.muli %mul3A_748, %scan3A_278 : i32
      %add3A_750 = arith.constant 2 : i32
      %add3A_751 = arith.addi %mul3A_749, %add3A_750 : i32
      %add3A_752 = arith.constant 7 : i32
      %add3A_753 = arith.addi %add3A_751, %add3A_752 : i32
      %dma_wait3A_754 = arith.constant 1 : i32
      %dma_wait3A_755 = arith.constant 0 : i32
      %dma_wait3A_756 = arith.constant 0 : i32
      %dma_wait3A_757 = arith.constant 0 : i32
      %dma_wait3A_758 = tpu.memref_slice %arg5[%dma_wait3A_754, %dma_wait3A_756, %dma_wait3A_757] : memref<4x2x104xi32, #tpu.memory_space<vmem>> -> memref<1x2x104xi32, #tpu.memory_space<vmem>>
      %dma_wait3A_759 = tpu.memref_squeeze %dma_wait3A_758 : memref<1x2x104xi32, #tpu.memory_space<vmem>> -> memref<2x104xi32, #tpu.memory_space<vmem>>
      %dma_wait3A_760 = arith.constant 0 : i32
      %dma_wait3A_761 = tpu.memref_slice %dma_wait3A_759[%dma_wait3A_755, %dma_wait3A_760] : memref<2x104xi32, #tpu.memory_space<vmem>> -> memref<1x104xi32, #tpu.memory_space<vmem>>
      %dma_wait3A_762 = tpu.memref_squeeze %dma_wait3A_761 : memref<1x104xi32, #tpu.memory_space<vmem>> -> memref<104xi32, #tpu.memory_space<vmem>>
      %dma_wait3A_763 = arith.constant 0 : i32
      %dma_wait3A_764 = arith.constant 0 : i32
      %dma_wait3A_765 = tpu.memref_slice %arg2[%dma_wait3A_763, %dma_wait3A_764] : memref<20000x64xi32, #tpu.memory_space<hbm>> -> memref<20000x64xi32, #tpu.memory_space<hbm>>
      tpu.wait_indirect_dma semaphore(%arg12 : memref<!tpu.dma_semaphore, #tpu.memory_space<semaphore_mem>>) src(%dma_wait3A_765 : memref<20000x64xi32, #tpu.memory_space<hbm>>) dst(%arg6 : memref<104x64xi32, #tpu.memory_space<vmem>>)
      %dma_wait3A_766 = arith.constant 3 : i32
      %dma_wait3A_767 = arith.constant 1 : i32
      %dma_wait3A_768 = arith.constant 0 : i32
      %dma_wait3A_769 = arith.constant 0 : i32
      %dma_wait3A_770 = tpu.memref_slice %arg5[%dma_wait3A_766, %dma_wait3A_768, %dma_wait3A_769] : memref<4x2x104xi32, #tpu.memory_space<vmem>> -> memref<1x2x104xi32, #tpu.memory_space<vmem>>
      %dma_wait3A_771 = tpu.memref_squeeze %dma_wait3A_770 : memref<1x2x104xi32, #tpu.memory_space<vmem>> -> memref<2x104xi32, #tpu.memory_space<vmem>>
      %dma_wait3A_772 = arith.constant 0 : i32
      %dma_wait3A_773 = tpu.memref_slice %dma_wait3A_771[%dma_wait3A_767, %dma_wait3A_772] : memref<2x104xi32, #tpu.memory_space<vmem>> -> memref<1x104xi32, #tpu.memory_space<vmem>>
      %dma_wait3A_774 = tpu.memref_squeeze %dma_wait3A_773 : memref<1x104xi32, #tpu.memory_space<vmem>> -> memref<104xi32, #tpu.memory_space<vmem>>
      %dma_wait3A_775 = arith.constant 0 : i32
      %dma_wait3A_776 = arith.constant 0 : i32
      %dma_wait3A_777 = tpu.memref_slice %arg11[%dma_wait3A_775, %dma_wait3A_776] : memref<10240x128xf32, #tpu.memory_space<vmem_shared>> -> memref<10240x128xf32, #tpu.memory_space<vmem_shared>>
      tpu.wait_indirect_dma semaphore(%arg16 : memref<!tpu.dma_semaphore, #tpu.memory_space<semaphore_mem>>) src(%arg10 : memref<104x128xf32, #tpu.memory_space<vmem>>) dst(%dma_wait3A_777 : memref<10240x128xf32, #tpu.memory_space<vmem_shared>>)
      %add3A_778 = arith.constant 2 : i32
      %add3A_779 = arith.addi %add3A_753, %add3A_778 : i32
      %run_scoped3A_780 = arith.constant 3 : i32
      "tpu.region"() ({
        %run_scoped3A_1083 = tpu.sem_alloc : memref<!tpu.dma_semaphore, #tpu.memory_space<semaphore_mem>>
        %dma_start3A_1084 = arith.constant 0 : i32
        %dma_start3A_1085 = arith.constant 0 : i32
        %dma_start3A_1086 = tpu.memref_slice %arg5[%run_scoped3A_780, %dma_start3A_1084, %dma_start3A_1085] : memref<4x2x104xi32, #tpu.memory_space<vmem>> -> memref<1x2x104xi32, #tpu.memory_space<vmem>>
        %dma_start3A_1087 = tpu.memref_squeeze %dma_start3A_1086 : memref<1x2x104xi32, #tpu.memory_space<vmem>> -> memref<2x104xi32, #tpu.memory_space<vmem>>
        %dma_start3A_1088 = arith.constant 0 : i32
        %dma_start3A_1089 = arith.constant 0 : i32
        %dma_start3A_1090 = tpu.memref_slice %arg3[%arg0, %arg1, %add3A_779, %dma_start3A_1088, %dma_start3A_1089] : memref<2x16x196x2x104xi32, #tpu.memory_space<hbm>> -> memref<1x1x1x2x104xi32, #tpu.memory_space<hbm>>
        %dma_start3A_1091 = tpu.memref_squeeze %dma_start3A_1090 : memref<1x1x1x2x104xi32, #tpu.memory_space<hbm>> -> memref<2x104xi32, #tpu.memory_space<hbm>>
        %dma_start3A_1092 = arith.constant 0 : i32
        %dma_start3A_1093 = arith.constant 0 : i32
        %dma_start3A_1094 = tpu.memref_slice %arg5[%run_scoped3A_780, %dma_start3A_1092, %dma_start3A_1093] : memref<4x2x104xi32, #tpu.memory_space<vmem>> -> memref<1x2x104xi32, #tpu.memory_space<vmem>>
        %dma_start3A_1095 = tpu.memref_squeeze %dma_start3A_1094 : memref<1x2x104xi32, #tpu.memory_space<vmem>> -> memref<2x104xi32, #tpu.memory_space<vmem>>
        %dma_start3A_1096 = arith.constant 0 : i32
        %dma_start3A_1097 = arith.constant 0 : i32
        %dma_start3A_1098 = tpu.memref_slice %arg3[%arg0, %arg1, %add3A_779, %dma_start3A_1096, %dma_start3A_1097] : memref<2x16x196x2x104xi32, #tpu.memory_space<hbm>> -> memref<1x1x1x2x104xi32, #tpu.memory_space<hbm>>
        %dma_start3A_1099 = tpu.memref_squeeze %dma_start3A_1098 : memref<1x1x1x2x104xi32, #tpu.memory_space<hbm>> -> memref<2x104xi32, #tpu.memory_space<hbm>>
        tpu.enqueue_dma source(%dma_start3A_1099 : memref<2x104xi32, #tpu.memory_space<hbm>>) target(%dma_start3A_1095 : memref<2x104xi32, #tpu.memory_space<vmem>>) target_semaphore(%run_scoped3A_1083 : memref<!tpu.dma_semaphore, #tpu.memory_space<semaphore_mem>>)
        %dma_wait3A_1100 = arith.constant 0 : i32
        %dma_wait3A_1101 = arith.constant 0 : i32
        %dma_wait3A_1102 = tpu.memref_slice %arg5[%run_scoped3A_780, %dma_wait3A_1100, %dma_wait3A_1101] : memref<4x2x104xi32, #tpu.memory_space<vmem>> -> memref<1x2x104xi32, #tpu.memory_space<vmem>>
        %dma_wait3A_1103 = tpu.memref_squeeze %dma_wait3A_1102 : memref<1x2x104xi32, #tpu.memory_space<vmem>> -> memref<2x104xi32, #tpu.memory_space<vmem>>
        %dma_wait3A_1104 = arith.constant 0 : i32
        %dma_wait3A_1105 = arith.constant 0 : i32
        %dma_wait3A_1106 = tpu.memref_slice %arg3[%arg0, %arg1, %add3A_779, %dma_wait3A_1104, %dma_wait3A_1105] : memref<2x16x196x2x104xi32, #tpu.memory_space<hbm>> -> memref<1x1x1x2x104xi32, #tpu.memory_space<hbm>>
        %dma_wait3A_1107 = tpu.memref_squeeze %dma_wait3A_1106 : memref<1x1x1x2x104xi32, #tpu.memory_space<hbm>> -> memref<2x104xi32, #tpu.memory_space<hbm>>
        %dma_wait3A_1108 = arith.constant 0 : i32
        %dma_wait3A_1109 = arith.constant 0 : i32
        %dma_wait3A_1110 = tpu.memref_slice %arg5[%run_scoped3A_780, %dma_wait3A_1108, %dma_wait3A_1109] : memref<4x2x104xi32, #tpu.memory_space<vmem>> -> memref<1x2x104xi32, #tpu.memory_space<vmem>>
        %dma_wait3A_1111 = tpu.memref_squeeze %dma_wait3A_1110 : memref<1x2x104xi32, #tpu.memory_space<vmem>> -> memref<2x104xi32, #tpu.memory_space<vmem>>
        %dma_wait3A_1112 = arith.constant 0 : i32
        %dma_wait3A_1113 = arith.constant 0 : i32
        %dma_wait3A_1114 = tpu.memref_slice %arg3[%arg0, %arg1, %add3A_779, %dma_wait3A_1112, %dma_wait3A_1113] : memref<2x16x196x2x104xi32, #tpu.memory_space<hbm>> -> memref<1x1x1x2x104xi32, #tpu.memory_space<hbm>>
        %dma_wait3A_1115 = tpu.memref_squeeze %dma_wait3A_1114 : memref<1x1x1x2x104xi32, #tpu.memory_space<hbm>> -> memref<2x104xi32, #tpu.memory_space<hbm>>
        tpu.wait_dma2 semaphore(%run_scoped3A_1083 : memref<!tpu.dma_semaphore, #tpu.memory_space<semaphore_mem>>) src(%dma_wait3A_1115 : memref<2x104xi32, #tpu.memory_space<hbm>>) dst(%dma_wait3A_1111 : memref<2x104xi32, #tpu.memory_space<vmem>>)
        tpu.yield
      }) : () -> ()
      %dma_start3A_781 = arith.constant 3 : i32
      %dma_start3A_782 = arith.constant 0 : i32
      %dma_start3A_783 = arith.constant 0 : i32
      %dma_start3A_784 = arith.constant 0 : i32
      %dma_start3A_785 = tpu.memref_slice %arg5[%dma_start3A_781, %dma_start3A_783, %dma_start3A_784] : memref<4x2x104xi32, #tpu.memory_space<vmem>> -> memref<1x2x104xi32, #tpu.memory_space<vmem>>
      %dma_start3A_786 = tpu.memref_squeeze %dma_start3A_785 : memref<1x2x104xi32, #tpu.memory_space<vmem>> -> memref<2x104xi32, #tpu.memory_space<vmem>>
      %dma_start3A_787 = arith.constant 0 : i32
      %dma_start3A_788 = tpu.memref_slice %dma_start3A_786[%dma_start3A_782, %dma_start3A_787] : memref<2x104xi32, #tpu.memory_space<vmem>> -> memref<1x104xi32, #tpu.memory_space<vmem>>
      %dma_start3A_789 = tpu.memref_squeeze %dma_start3A_788 : memref<1x104xi32, #tpu.memory_space<vmem>> -> memref<104xi32, #tpu.memory_space<vmem>>
      %dma_start3A_790 = arith.constant 0 : i32
      %dma_start3A_791 = arith.constant 0 : i32
      %dma_start3A_792 = tpu.memref_slice %arg2[%dma_start3A_790, %dma_start3A_791] : memref<20000x64xi32, #tpu.memory_space<hbm>> -> memref<20000x64xi32, #tpu.memory_space<hbm>>
      tpu.enqueue_indirect_dma source(%dma_start3A_792 : memref<20000x64xi32, #tpu.memory_space<hbm>>) target(%arg8 : memref<104x64xi32, #tpu.memory_space<vmem>>) offsets(%dma_start3A_789 : memref<104xi32, #tpu.memory_space<vmem>>) semaphore(%arg14 : memref<!tpu.dma_semaphore, #tpu.memory_space<semaphore_mem>>)
      %broadcast_in_dim3A_793 = arith.constant 16 : i32
      %broadcast_in_dim3A_794 = vector.broadcast %broadcast_in_dim3A_793 : i32 to vector<16xi32>
      %broadcast_in_dim3A_795 = arith.constant -65536 : i32
      %broadcast_in_dim3A_796 = vector.broadcast %broadcast_in_dim3A_795 : i32 to vector<16xi32>
      %scan3A_797 = arith.constant 0 : i32
      %scan3A_798 = arith.constant 0 : i32
      %scan3A_799 = arith.constant 104 : i32
      %scan3A_800 = arith.addi %scan3A_798, %scan3A_799 : i32
      %scan3A_801 = arith.constant 1 : i32
      scf.for %scan3A_1083 = %scan3A_798 to %scan3A_800 step %scan3A_801  : i32 {
        %get3A = arith.index_cast %scan3A_1083 : i32 to index
        %get3A_1084 = arith.constant 0 : index
        %get3A_1085 = tpu.vector_load %arg6[%get3A, %get3A_1084] {strides = array<i32>} : memref<104x64xi32, #tpu.memory_space<vmem>>, vector<1x16xi32>,
        %get3A_1086 = vector.shape_cast %get3A_1085 : vector<1x16xi32> to vector<16xi32>
        %shift_left3A = arith.shli %get3A_1086, %broadcast_in_dim3A_794 : vector<16xi32>
        %bitcast_convert_type3A = tpu.bitcast %shift_left3A : vector<16xi32> -> vector<16xf32>
        %swap3A = arith.index_cast %scan3A_1083 : i32 to index
        %swap3A_1087 = arith.constant 0 : index
        %swap3A_1088 = tpu.vector_load %arg10[%swap3A, %swap3A_1087] {strides = array<i32>} : memref<104x128xf32, #tpu.memory_space<vmem>>, vector<1x16xf32>,
        %swap3A_1089 = vector.shape_cast %swap3A_1088 : vector<1x16xf32> to vector<16xf32>
        %swap3A_1090 = vector.shape_cast %bitcast_convert_type3A : vector<16xf32> to vector<1x16xf32>
        tpu.vector_store %arg10[%swap3A, %swap3A_1087], %swap3A_1090 {strides = array<i32>} : memref<104x128xf32, #tpu.memory_space<vmem>>, vector<1x16xf32>,
        %and3A = arith.andi %get3A_1086, %broadcast_in_dim3A_796 : vector<16xi32>
        %bitcast_convert_type3A_1091 = tpu.bitcast %and3A : vector<16xi32> -> vector<16xf32>
        %swap3A_1092 = arith.index_cast %scan3A_1083 : i32 to index
        %swap3A_1093 = arith.constant 16 : index
        %swap3A_1094 = tpu.vector_load %arg10[%swap3A_1092, %swap3A_1093] {strides = array<i32>} : memref<104x128xf32, #tpu.memory_space<vmem>>, vector<1x16xf32>,
        %swap3A_1095 = vector.shape_cast %swap3A_1094 : vector<1x16xf32> to vector<16xf32>
        %swap3A_1096 = vector.shape_cast %bitcast_convert_type3A_1091 : vector<16xf32> to vector<1x16xf32>
        tpu.vector_store %arg10[%swap3A_1092, %swap3A_1093], %swap3A_1096 {strides = array<i32>} : memref<104x128xf32, #tpu.memory_space<vmem>>, vector<1x16xf32>,
        %get3A_1097 = arith.index_cast %scan3A_1083 : i32 to index
        %get3A_1098 = arith.constant 16 : index
        %get3A_1099 = tpu.vector_load %arg6[%get3A_1097, %get3A_1098] {strides = array<i32>} : memref<104x64xi32, #tpu.memory_space<vmem>>, vector<1x16xi32>,
        %get3A_1100 = vector.shape_cast %get3A_1099 : vector<1x16xi32> to vector<16xi32>
        %shift_left3A_1101 = arith.shli %get3A_1100, %broadcast_in_dim3A_794 : vector<16xi32>
        %bitcast_convert_type3A_1102 = tpu.bitcast %shift_left3A_1101 : vector<16xi32> -> vector<16xf32>
        %swap3A_1103 = arith.index_cast %scan3A_1083 : i32 to index
        %swap3A_1104 = arith.constant 32 : index
        %swap3A_1105 = tpu.vector_load %arg10[%swap3A_1103, %swap3A_1104] {strides = array<i32>} : memref<104x128xf32, #tpu.memory_space<vmem>>, vector<1x16xf32>,
        %swap3A_1106 = vector.shape_cast %swap3A_1105 : vector<1x16xf32> to vector<16xf32>
        %swap3A_1107 = vector.shape_cast %bitcast_convert_type3A_1102 : vector<16xf32> to vector<1x16xf32>
        tpu.vector_store %arg10[%swap3A_1103, %swap3A_1104], %swap3A_1107 {strides = array<i32>} : memref<104x128xf32, #tpu.memory_space<vmem>>, vector<1x16xf32>,
        %and3A_1108 = arith.andi %get3A_1100, %broadcast_in_dim3A_796 : vector<16xi32>
        %bitcast_convert_type3A_1109 = tpu.bitcast %and3A_1108 : vector<16xi32> -> vector<16xf32>
        %swap3A_1110 = arith.index_cast %scan3A_1083 : i32 to index
        %swap3A_1111 = arith.constant 48 : index
        %swap3A_1112 = tpu.vector_load %arg10[%swap3A_1110, %swap3A_1111] {strides = array<i32>} : memref<104x128xf32, #tpu.memory_space<vmem>>, vector<1x16xf32>,
        %swap3A_1113 = vector.shape_cast %swap3A_1112 : vector<1x16xf32> to vector<16xf32>
        %swap3A_1114 = vector.shape_cast %bitcast_convert_type3A_1109 : vector<16xf32> to vector<1x16xf32>
        tpu.vector_store %arg10[%swap3A_1110, %swap3A_1111], %swap3A_1114 {strides = array<i32>} : memref<104x128xf32, #tpu.memory_space<vmem>>, vector<1x16xf32>,
        %get3A_1115 = arith.index_cast %scan3A_1083 : i32 to index
        %get3A_1116 = arith.constant 32 : index
        %get3A_1117 = tpu.vector_load %arg6[%get3A_1115, %get3A_1116] {strides = array<i32>} : memref<104x64xi32, #tpu.memory_space<vmem>>, vector<1x16xi32>,
        %get3A_1118 = vector.shape_cast %get3A_1117 : vector<1x16xi32> to vector<16xi32>
        %shift_left3A_1119 = arith.shli %get3A_1118, %broadcast_in_dim3A_794 : vector<16xi32>
        %bitcast_convert_type3A_1120 = tpu.bitcast %shift_left3A_1119 : vector<16xi32> -> vector<16xf32>
        %swap3A_1121 = arith.index_cast %scan3A_1083 : i32 to index
        %swap3A_1122 = arith.constant 64 : index
        %swap3A_1123 = tpu.vector_load %arg10[%swap3A_1121, %swap3A_1122] {strides = array<i32>} : memref<104x128xf32, #tpu.memory_space<vmem>>, vector<1x16xf32>,
        %swap3A_1124 = vector.shape_cast %swap3A_1123 : vector<1x16xf32> to vector<16xf32>
        %swap3A_1125 = vector.shape_cast %bitcast_convert_type3A_1120 : vector<16xf32> to vector<1x16xf32>
        tpu.vector_store %arg10[%swap3A_1121, %swap3A_1122], %swap3A_1125 {strides = array<i32>} : memref<104x128xf32, #tpu.memory_space<vmem>>, vector<1x16xf32>,
        %and3A_1126 = arith.andi %get3A_1118, %broadcast_in_dim3A_796 : vector<16xi32>
        %bitcast_convert_type3A_1127 = tpu.bitcast %and3A_1126 : vector<16xi32> -> vector<16xf32>
        %swap3A_1128 = arith.index_cast %scan3A_1083 : i32 to index
        %swap3A_1129 = arith.constant 80 : index
        %swap3A_1130 = tpu.vector_load %arg10[%swap3A_1128, %swap3A_1129] {strides = array<i32>} : memref<104x128xf32, #tpu.memory_space<vmem>>, vector<1x16xf32>,
        %swap3A_1131 = vector.shape_cast %swap3A_1130 : vector<1x16xf32> to vector<16xf32>
        %swap3A_1132 = vector.shape_cast %bitcast_convert_type3A_1127 : vector<16xf32> to vector<1x16xf32>
        tpu.vector_store %arg10[%swap3A_1128, %swap3A_1129], %swap3A_1132 {strides = array<i32>} : memref<104x128xf32, #tpu.memory_space<vmem>>, vector<1x16xf32>,
        %get3A_1133 = arith.index_cast %scan3A_1083 : i32 to index
        %get3A_1134 = arith.constant 48 : index
        %get3A_1135 = tpu.vector_load %arg6[%get3A_1133, %get3A_1134] {strides = array<i32>} : memref<104x64xi32, #tpu.memory_space<vmem>>, vector<1x16xi32>,
        %get3A_1136 = vector.shape_cast %get3A_1135 : vector<1x16xi32> to vector<16xi32>
        %shift_left3A_1137 = arith.shli %get3A_1136, %broadcast_in_dim3A_794 : vector<16xi32>
        %bitcast_convert_type3A_1138 = tpu.bitcast %shift_left3A_1137 : vector<16xi32> -> vector<16xf32>
        %swap3A_1139 = arith.index_cast %scan3A_1083 : i32 to index
        %swap3A_1140 = arith.constant 96 : index
        %swap3A_1141 = tpu.vector_load %arg10[%swap3A_1139, %swap3A_1140] {strides = array<i32>} : memref<104x128xf32, #tpu.memory_space<vmem>>, vector<1x16xf32>,
        %swap3A_1142 = vector.shape_cast %swap3A_1141 : vector<1x16xf32> to vector<16xf32>
        %swap3A_1143 = vector.shape_cast %bitcast_convert_type3A_1138 : vector<16xf32> to vector<1x16xf32>
        tpu.vector_store %arg10[%swap3A_1139, %swap3A_1140], %swap3A_1143 {strides = array<i32>} : memref<104x128xf32, #tpu.memory_space<vmem>>, vector<1x16xf32>,
        %and3A_1144 = arith.andi %get3A_1136, %broadcast_in_dim3A_796 : vector<16xi32>
        %bitcast_convert_type3A_1145 = tpu.bitcast %and3A_1144 : vector<16xi32> -> vector<16xf32>
        %swap3A_1146 = arith.index_cast %scan3A_1083 : i32 to index
        %swap3A_1147 = arith.constant 112 : index
        %swap3A_1148 = tpu.vector_load %arg10[%swap3A_1146, %swap3A_1147] {strides = array<i32>} : memref<104x128xf32, #tpu.memory_space<vmem>>, vector<1x16xf32>,
        %swap3A_1149 = vector.shape_cast %swap3A_1148 : vector<1x16xf32> to vector<16xf32>
        %swap3A_1150 = vector.shape_cast %bitcast_convert_type3A_1145 : vector<16xf32> to vector<1x16xf32>
        tpu.vector_store %arg10[%swap3A_1146, %swap3A_1147], %swap3A_1150 {strides = array<i32>} : memref<104x128xf32, #tpu.memory_space<vmem>>, vector<1x16xf32>,
      }
      %scan3A_802 = arith.constant 104 : i32
      %dma_start3A_803 = arith.constant 1 : i32
      %dma_start3A_804 = arith.constant 1 : i32
      %dma_start3A_805 = arith.constant 0 : i32
      %dma_start3A_806 = arith.constant 0 : i32
      %dma_start3A_807 = tpu.memref_slice %arg5[%dma_start3A_803, %dma_start3A_805, %dma_start3A_806] : memref<4x2x104xi32, #tpu.memory_space<vmem>> -> memref<1x2x104xi32, #tpu.memory_space<vmem>>
      %dma_start3A_808 = tpu.memref_squeeze %dma_start3A_807 : memref<1x2x104xi32, #tpu.memory_space<vmem>> -> memref<2x104xi32, #tpu.memory_space<vmem>>
      %dma_start3A_809 = arith.constant 0 : i32
      %dma_start3A_810 = tpu.memref_slice %dma_start3A_808[%dma_start3A_804, %dma_start3A_809] : memref<2x104xi32, #tpu.memory_space<vmem>> -> memref<1x104xi32, #tpu.memory_space<vmem>>
      %dma_start3A_811 = tpu.memref_squeeze %dma_start3A_810 : memref<1x104xi32, #tpu.memory_space<vmem>> -> memref<104xi32, #tpu.memory_space<vmem>>
      %dma_start3A_812 = arith.constant 0 : i32
      %dma_start3A_813 = arith.constant 0 : i32
      %dma_start3A_814 = tpu.memref_slice %arg11[%dma_start3A_812, %dma_start3A_813] : memref<10240x128xf32, #tpu.memory_space<vmem_shared>> -> memref<10240x128xf32, #tpu.memory_space<vmem_shared>>
      tpu.enqueue_indirect_dma source(%arg10 : memref<104x128xf32, #tpu.memory_space<vmem>>) target(%dma_start3A_814 : memref<10240x128xf32, #tpu.memory_space<vmem_shared>>) offsets(%dma_start3A_811 : memref<104xi32, #tpu.memory_space<vmem>>) semaphore(%arg16 : memref<!tpu.dma_semaphore, #tpu.memory_space<semaphore_mem>>) {add = true}
      %mul3A_815 = arith.constant 12 : i32
      %mul3A_816 = arith.muli %mul3A_815, %scan3A_278 : i32
      %add3A_817 = arith.constant 2 : i32
      %add3A_818 = arith.addi %mul3A_816, %add3A_817 : i32
      %add3A_819 = arith.constant 8 : i32
      %add3A_820 = arith.addi %add3A_818, %add3A_819 : i32
      %dma_wait3A_821 = arith.constant 2 : i32
      %dma_wait3A_822 = arith.constant 0 : i32
      %dma_wait3A_823 = arith.constant 0 : i32
      %dma_wait3A_824 = arith.constant 0 : i32
      %dma_wait3A_825 = tpu.memref_slice %arg5[%dma_wait3A_821, %dma_wait3A_823, %dma_wait3A_824] : memref<4x2x104xi32, #tpu.memory_space<vmem>> -> memref<1x2x104xi32, #tpu.memory_space<vmem>>
      %dma_wait3A_826 = tpu.memref_squeeze %dma_wait3A_825 : memref<1x2x104xi32, #tpu.memory_space<vmem>> -> memref<2x104xi32, #tpu.memory_space<vmem>>
      %dma_wait3A_827 = arith.constant 0 : i32
      %dma_wait3A_828 = tpu.memref_slice %dma_wait3A_826[%dma_wait3A_822, %dma_wait3A_827] : memref<2x104xi32, #tpu.memory_space<vmem>> -> memref<1x104xi32, #tpu.memory_space<vmem>>
      %dma_wait3A_829 = tpu.memref_squeeze %dma_wait3A_828 : memref<1x104xi32, #tpu.memory_space<vmem>> -> memref<104xi32, #tpu.memory_space<vmem>>
      %dma_wait3A_830 = arith.constant 0 : i32
      %dma_wait3A_831 = arith.constant 0 : i32
      %dma_wait3A_832 = tpu.memref_slice %arg2[%dma_wait3A_830, %dma_wait3A_831] : memref<20000x64xi32, #tpu.memory_space<hbm>> -> memref<20000x64xi32, #tpu.memory_space<hbm>>
      tpu.wait_indirect_dma semaphore(%arg13 : memref<!tpu.dma_semaphore, #tpu.memory_space<semaphore_mem>>) src(%dma_wait3A_832 : memref<20000x64xi32, #tpu.memory_space<hbm>>) dst(%arg7 : memref<104x64xi32, #tpu.memory_space<vmem>>)
      %dma_wait3A_833 = arith.constant 0 : i32
      %dma_wait3A_834 = arith.constant 1 : i32
      %dma_wait3A_835 = arith.constant 0 : i32
      %dma_wait3A_836 = arith.constant 0 : i32
      %dma_wait3A_837 = tpu.memref_slice %arg5[%dma_wait3A_833, %dma_wait3A_835, %dma_wait3A_836] : memref<4x2x104xi32, #tpu.memory_space<vmem>> -> memref<1x2x104xi32, #tpu.memory_space<vmem>>
      %dma_wait3A_838 = tpu.memref_squeeze %dma_wait3A_837 : memref<1x2x104xi32, #tpu.memory_space<vmem>> -> memref<2x104xi32, #tpu.memory_space<vmem>>
      %dma_wait3A_839 = arith.constant 0 : i32
      %dma_wait3A_840 = tpu.memref_slice %dma_wait3A_838[%dma_wait3A_834, %dma_wait3A_839] : memref<2x104xi32, #tpu.memory_space<vmem>> -> memref<1x104xi32, #tpu.memory_space<vmem>>
      %dma_wait3A_841 = tpu.memref_squeeze %dma_wait3A_840 : memref<1x104xi32, #tpu.memory_space<vmem>> -> memref<104xi32, #tpu.memory_space<vmem>>
      %dma_wait3A_842 = arith.constant 0 : i32
      %dma_wait3A_843 = arith.constant 0 : i32
      %dma_wait3A_844 = tpu.memref_slice %arg11[%dma_wait3A_842, %dma_wait3A_843] : memref<10240x128xf32, #tpu.memory_space<vmem_shared>> -> memref<10240x128xf32, #tpu.memory_space<vmem_shared>>
      tpu.wait_indirect_dma semaphore(%arg15 : memref<!tpu.dma_semaphore, #tpu.memory_space<semaphore_mem>>) src(%arg9 : memref<104x128xf32, #tpu.memory_space<vmem>>) dst(%dma_wait3A_844 : memref<10240x128xf32, #tpu.memory_space<vmem_shared>>)
      %add3A_845 = arith.constant 2 : i32
      %add3A_846 = arith.addi %add3A_820, %add3A_845 : i32
      %run_scoped3A_847 = arith.constant 0 : i32
      "tpu.region"() ({
        %run_scoped3A_1083 = tpu.sem_alloc : memref<!tpu.dma_semaphore, #tpu.memory_space<semaphore_mem>>
        %dma_start3A_1084 = arith.constant 0 : i32
        %dma_start3A_1085 = arith.constant 0 : i32
        %dma_start3A_1086 = tpu.memref_slice %arg5[%run_scoped3A_847, %dma_start3A_1084, %dma_start3A_1085] : memref<4x2x104xi32, #tpu.memory_space<vmem>> -> memref<1x2x104xi32, #tpu.memory_space<vmem>>
        %dma_start3A_1087 = tpu.memref_squeeze %dma_start3A_1086 : memref<1x2x104xi32, #tpu.memory_space<vmem>> -> memref<2x104xi32, #tpu.memory_space<vmem>>
        %dma_start3A_1088 = arith.constant 0 : i32
        %dma_start3A_1089 = arith.constant 0 : i32
        %dma_start3A_1090 = tpu.memref_slice %arg3[%arg0, %arg1, %add3A_846, %dma_start3A_1088, %dma_start3A_1089] : memref<2x16x196x2x104xi32, #tpu.memory_space<hbm>> -> memref<1x1x1x2x104xi32, #tpu.memory_space<hbm>>
        %dma_start3A_1091 = tpu.memref_squeeze %dma_start3A_1090 : memref<1x1x1x2x104xi32, #tpu.memory_space<hbm>> -> memref<2x104xi32, #tpu.memory_space<hbm>>
        %dma_start3A_1092 = arith.constant 0 : i32
        %dma_start3A_1093 = arith.constant 0 : i32
        %dma_start3A_1094 = tpu.memref_slice %arg5[%run_scoped3A_847, %dma_start3A_1092, %dma_start3A_1093] : memref<4x2x104xi32, #tpu.memory_space<vmem>> -> memref<1x2x104xi32, #tpu.memory_space<vmem>>
        %dma_start3A_1095 = tpu.memref_squeeze %dma_start3A_1094 : memref<1x2x104xi32, #tpu.memory_space<vmem>> -> memref<2x104xi32, #tpu.memory_space<vmem>>
        %dma_start3A_1096 = arith.constant 0 : i32
        %dma_start3A_1097 = arith.constant 0 : i32
        %dma_start3A_1098 = tpu.memref_slice %arg3[%arg0, %arg1, %add3A_846, %dma_start3A_1096, %dma_start3A_1097] : memref<2x16x196x2x104xi32, #tpu.memory_space<hbm>> -> memref<1x1x1x2x104xi32, #tpu.memory_space<hbm>>
        %dma_start3A_1099 = tpu.memref_squeeze %dma_start3A_1098 : memref<1x1x1x2x104xi32, #tpu.memory_space<hbm>> -> memref<2x104xi32, #tpu.memory_space<hbm>>
        tpu.enqueue_dma source(%dma_start3A_1099 : memref<2x104xi32, #tpu.memory_space<hbm>>) target(%dma_start3A_1095 : memref<2x104xi32, #tpu.memory_space<vmem>>) target_semaphore(%run_scoped3A_1083 : memref<!tpu.dma_semaphore, #tpu.memory_space<semaphore_mem>>)
        %dma_wait3A_1100 = arith.constant 0 : i32
        %dma_wait3A_1101 = arith.constant 0 : i32
        %dma_wait3A_1102 = tpu.memref_slice %arg5[%run_scoped3A_847, %dma_wait3A_1100, %dma_wait3A_1101] : memref<4x2x104xi32, #tpu.memory_space<vmem>> -> memref<1x2x104xi32, #tpu.memory_space<vmem>>
        %dma_wait3A_1103 = tpu.memref_squeeze %dma_wait3A_1102 : memref<1x2x104xi32, #tpu.memory_space<vmem>> -> memref<2x104xi32, #tpu.memory_space<vmem>>
        %dma_wait3A_1104 = arith.constant 0 : i32
        %dma_wait3A_1105 = arith.constant 0 : i32
        %dma_wait3A_1106 = tpu.memref_slice %arg3[%arg0, %arg1, %add3A_846, %dma_wait3A_1104, %dma_wait3A_1105] : memref<2x16x196x2x104xi32, #tpu.memory_space<hbm>> -> memref<1x1x1x2x104xi32, #tpu.memory_space<hbm>>
        %dma_wait3A_1107 = tpu.memref_squeeze %dma_wait3A_1106 : memref<1x1x1x2x104xi32, #tpu.memory_space<hbm>> -> memref<2x104xi32, #tpu.memory_space<hbm>>
        %dma_wait3A_1108 = arith.constant 0 : i32
        %dma_wait3A_1109 = arith.constant 0 : i32
        %dma_wait3A_1110 = tpu.memref_slice %arg5[%run_scoped3A_847, %dma_wait3A_1108, %dma_wait3A_1109] : memref<4x2x104xi32, #tpu.memory_space<vmem>> -> memref<1x2x104xi32, #tpu.memory_space<vmem>>
        %dma_wait3A_1111 = tpu.memref_squeeze %dma_wait3A_1110 : memref<1x2x104xi32, #tpu.memory_space<vmem>> -> memref<2x104xi32, #tpu.memory_space<vmem>>
        %dma_wait3A_1112 = arith.constant 0 : i32
        %dma_wait3A_1113 = arith.constant 0 : i32
        %dma_wait3A_1114 = tpu.memref_slice %arg3[%arg0, %arg1, %add3A_846, %dma_wait3A_1112, %dma_wait3A_1113] : memref<2x16x196x2x104xi32, #tpu.memory_space<hbm>> -> memref<1x1x1x2x104xi32, #tpu.memory_space<hbm>>
        %dma_wait3A_1115 = tpu.memref_squeeze %dma_wait3A_1114 : memref<1x1x1x2x104xi32, #tpu.memory_space<hbm>> -> memref<2x104xi32, #tpu.memory_space<hbm>>
        tpu.wait_dma2 semaphore(%run_scoped3A_1083 : memref<!tpu.dma_semaphore, #tpu.memory_space<semaphore_mem>>) src(%dma_wait3A_1115 : memref<2x104xi32, #tpu.memory_space<hbm>>) dst(%dma_wait3A_1111 : memref<2x104xi32, #tpu.memory_space<vmem>>)
        tpu.yield
      }) : () -> ()
      %dma_start3A_848 = arith.constant 0 : i32
      %dma_start3A_849 = arith.constant 0 : i32
      %dma_start3A_850 = arith.constant 0 : i32
      %dma_start3A_851 = arith.constant 0 : i32
      %dma_start3A_852 = tpu.memref_slice %arg5[%dma_start3A_848, %dma_start3A_850, %dma_start3A_851] : memref<4x2x104xi32, #tpu.memory_space<vmem>> -> memref<1x2x104xi32, #tpu.memory_space<vmem>>
      %dma_start3A_853 = tpu.memref_squeeze %dma_start3A_852 : memref<1x2x104xi32, #tpu.memory_space<vmem>> -> memref<2x104xi32, #tpu.memory_space<vmem>>
      %dma_start3A_854 = arith.constant 0 : i32
      %dma_start3A_855 = tpu.memref_slice %dma_start3A_853[%dma_start3A_849, %dma_start3A_854] : memref<2x104xi32, #tpu.memory_space<vmem>> -> memref<1x104xi32, #tpu.memory_space<vmem>>
      %dma_start3A_856 = tpu.memref_squeeze %dma_start3A_855 : memref<1x104xi32, #tpu.memory_space<vmem>> -> memref<104xi32, #tpu.memory_space<vmem>>
      %dma_start3A_857 = arith.constant 0 : i32
      %dma_start3A_858 = arith.constant 0 : i32
      %dma_start3A_859 = tpu.memref_slice %arg2[%dma_start3A_857, %dma_start3A_858] : memref<20000x64xi32, #tpu.memory_space<hbm>> -> memref<20000x64xi32, #tpu.memory_space<hbm>>
      tpu.enqueue_indirect_dma source(%dma_start3A_859 : memref<20000x64xi32, #tpu.memory_space<hbm>>) target(%arg6 : memref<104x64xi32, #tpu.memory_space<vmem>>) offsets(%dma_start3A_856 : memref<104xi32, #tpu.memory_space<vmem>>) semaphore(%arg12 : memref<!tpu.dma_semaphore, #tpu.memory_space<semaphore_mem>>)
      %broadcast_in_dim3A_860 = arith.constant 16 : i32
      %broadcast_in_dim3A_861 = vector.broadcast %broadcast_in_dim3A_860 : i32 to vector<16xi32>
      %broadcast_in_dim3A_862 = arith.constant -65536 : i32
      %broadcast_in_dim3A_863 = vector.broadcast %broadcast_in_dim3A_862 : i32 to vector<16xi32>
      %scan3A_864 = arith.constant 0 : i32
      %scan3A_865 = arith.constant 0 : i32
      %scan3A_866 = arith.constant 104 : i32
      %scan3A_867 = arith.addi %scan3A_865, %scan3A_866 : i32
      %scan3A_868 = arith.constant 1 : i32
      scf.for %scan3A_1083 = %scan3A_865 to %scan3A_867 step %scan3A_868  : i32 {
        %get3A = arith.index_cast %scan3A_1083 : i32 to index
        %get3A_1084 = arith.constant 0 : index
        %get3A_1085 = tpu.vector_load %arg7[%get3A, %get3A_1084] {strides = array<i32>} : memref<104x64xi32, #tpu.memory_space<vmem>>, vector<1x16xi32>,
        %get3A_1086 = vector.shape_cast %get3A_1085 : vector<1x16xi32> to vector<16xi32>
        %shift_left3A = arith.shli %get3A_1086, %broadcast_in_dim3A_861 : vector<16xi32>
        %bitcast_convert_type3A = tpu.bitcast %shift_left3A : vector<16xi32> -> vector<16xf32>
        %swap3A = arith.index_cast %scan3A_1083 : i32 to index
        %swap3A_1087 = arith.constant 0 : index
        %swap3A_1088 = tpu.vector_load %arg9[%swap3A, %swap3A_1087] {strides = array<i32>} : memref<104x128xf32, #tpu.memory_space<vmem>>, vector<1x16xf32>,
        %swap3A_1089 = vector.shape_cast %swap3A_1088 : vector<1x16xf32> to vector<16xf32>
        %swap3A_1090 = vector.shape_cast %bitcast_convert_type3A : vector<16xf32> to vector<1x16xf32>
        tpu.vector_store %arg9[%swap3A, %swap3A_1087], %swap3A_1090 {strides = array<i32>} : memref<104x128xf32, #tpu.memory_space<vmem>>, vector<1x16xf32>,
        %and3A = arith.andi %get3A_1086, %broadcast_in_dim3A_863 : vector<16xi32>
        %bitcast_convert_type3A_1091 = tpu.bitcast %and3A : vector<16xi32> -> vector<16xf32>
        %swap3A_1092 = arith.index_cast %scan3A_1083 : i32 to index
        %swap3A_1093 = arith.constant 16 : index
        %swap3A_1094 = tpu.vector_load %arg9[%swap3A_1092, %swap3A_1093] {strides = array<i32>} : memref<104x128xf32, #tpu.memory_space<vmem>>, vector<1x16xf32>,
        %swap3A_1095 = vector.shape_cast %swap3A_1094 : vector<1x16xf32> to vector<16xf32>
        %swap3A_1096 = vector.shape_cast %bitcast_convert_type3A_1091 : vector<16xf32> to vector<1x16xf32>
        tpu.vector_store %arg9[%swap3A_1092, %swap3A_1093], %swap3A_1096 {strides = array<i32>} : memref<104x128xf32, #tpu.memory_space<vmem>>, vector<1x16xf32>,
        %get3A_1097 = arith.index_cast %scan3A_1083 : i32 to index
        %get3A_1098 = arith.constant 16 : index
        %get3A_1099 = tpu.vector_load %arg7[%get3A_1097, %get3A_1098] {strides = array<i32>} : memref<104x64xi32, #tpu.memory_space<vmem>>, vector<1x16xi32>,
        %get3A_1100 = vector.shape_cast %get3A_1099 : vector<1x16xi32> to vector<16xi32>
        %shift_left3A_1101 = arith.shli %get3A_1100, %broadcast_in_dim3A_861 : vector<16xi32>
        %bitcast_convert_type3A_1102 = tpu.bitcast %shift_left3A_1101 : vector<16xi32> -> vector<16xf32>
        %swap3A_1103 = arith.index_cast %scan3A_1083 : i32 to index
        %swap3A_1104 = arith.constant 32 : index
        %swap3A_1105 = tpu.vector_load %arg9[%swap3A_1103, %swap3A_1104] {strides = array<i32>} : memref<104x128xf32, #tpu.memory_space<vmem>>, vector<1x16xf32>,
        %swap3A_1106 = vector.shape_cast %swap3A_1105 : vector<1x16xf32> to vector<16xf32>
        %swap3A_1107 = vector.shape_cast %bitcast_convert_type3A_1102 : vector<16xf32> to vector<1x16xf32>
        tpu.vector_store %arg9[%swap3A_1103, %swap3A_1104], %swap3A_1107 {strides = array<i32>} : memref<104x128xf32, #tpu.memory_space<vmem>>, vector<1x16xf32>,
        %and3A_1108 = arith.andi %get3A_1100, %broadcast_in_dim3A_863 : vector<16xi32>
        %bitcast_convert_type3A_1109 = tpu.bitcast %and3A_1108 : vector<16xi32> -> vector<16xf32>
        %swap3A_1110 = arith.index_cast %scan3A_1083 : i32 to index
        %swap3A_1111 = arith.constant 48 : index
        %swap3A_1112 = tpu.vector_load %arg9[%swap3A_1110, %swap3A_1111] {strides = array<i32>} : memref<104x128xf32, #tpu.memory_space<vmem>>, vector<1x16xf32>,
        %swap3A_1113 = vector.shape_cast %swap3A_1112 : vector<1x16xf32> to vector<16xf32>
        %swap3A_1114 = vector.shape_cast %bitcast_convert_type3A_1109 : vector<16xf32> to vector<1x16xf32>
        tpu.vector_store %arg9[%swap3A_1110, %swap3A_1111], %swap3A_1114 {strides = array<i32>} : memref<104x128xf32, #tpu.memory_space<vmem>>, vector<1x16xf32>,
        %get3A_1115 = arith.index_cast %scan3A_1083 : i32 to index
        %get3A_1116 = arith.constant 32 : index
        %get3A_1117 = tpu.vector_load %arg7[%get3A_1115, %get3A_1116] {strides = array<i32>} : memref<104x64xi32, #tpu.memory_space<vmem>>, vector<1x16xi32>,
        %get3A_1118 = vector.shape_cast %get3A_1117 : vector<1x16xi32> to vector<16xi32>
        %shift_left3A_1119 = arith.shli %get3A_1118, %broadcast_in_dim3A_861 : vector<16xi32>
        %bitcast_convert_type3A_1120 = tpu.bitcast %shift_left3A_1119 : vector<16xi32> -> vector<16xf32>
        %swap3A_1121 = arith.index_cast %scan3A_1083 : i32 to index
        %swap3A_1122 = arith.constant 64 : index
        %swap3A_1123 = tpu.vector_load %arg9[%swap3A_1121, %swap3A_1122] {strides = array<i32>} : memref<104x128xf32, #tpu.memory_space<vmem>>, vector<1x16xf32>,
        %swap3A_1124 = vector.shape_cast %swap3A_1123 : vector<1x16xf32> to vector<16xf32>
        %swap3A_1125 = vector.shape_cast %bitcast_convert_type3A_1120 : vector<16xf32> to vector<1x16xf32>
        tpu.vector_store %arg9[%swap3A_1121, %swap3A_1122], %swap3A_1125 {strides = array<i32>} : memref<104x128xf32, #tpu.memory_space<vmem>>, vector<1x16xf32>,
        %and3A_1126 = arith.andi %get3A_1118, %broadcast_in_dim3A_863 : vector<16xi32>
        %bitcast_convert_type3A_1127 = tpu.bitcast %and3A_1126 : vector<16xi32> -> vector<16xf32>
        %swap3A_1128 = arith.index_cast %scan3A_1083 : i32 to index
        %swap3A_1129 = arith.constant 80 : index
        %swap3A_1130 = tpu.vector_load %arg9[%swap3A_1128, %swap3A_1129] {strides = array<i32>} : memref<104x128xf32, #tpu.memory_space<vmem>>, vector<1x16xf32>,
        %swap3A_1131 = vector.shape_cast %swap3A_1130 : vector<1x16xf32> to vector<16xf32>
        %swap3A_1132 = vector.shape_cast %bitcast_convert_type3A_1127 : vector<16xf32> to vector<1x16xf32>
        tpu.vector_store %arg9[%swap3A_1128, %swap3A_1129], %swap3A_1132 {strides = array<i32>} : memref<104x128xf32, #tpu.memory_space<vmem>>, vector<1x16xf32>,
        %get3A_1133 = arith.index_cast %scan3A_1083 : i32 to index
        %get3A_1134 = arith.constant 48 : index
        %get3A_1135 = tpu.vector_load %arg7[%get3A_1133, %get3A_1134] {strides = array<i32>} : memref<104x64xi32, #tpu.memory_space<vmem>>, vector<1x16xi32>,
        %get3A_1136 = vector.shape_cast %get3A_1135 : vector<1x16xi32> to vector<16xi32>
        %shift_left3A_1137 = arith.shli %get3A_1136, %broadcast_in_dim3A_861 : vector<16xi32>
        %bitcast_convert_type3A_1138 = tpu.bitcast %shift_left3A_1137 : vector<16xi32> -> vector<16xf32>
        %swap3A_1139 = arith.index_cast %scan3A_1083 : i32 to index
        %swap3A_1140 = arith.constant 96 : index
        %swap3A_1141 = tpu.vector_load %arg9[%swap3A_1139, %swap3A_1140] {strides = array<i32>} : memref<104x128xf32, #tpu.memory_space<vmem>>, vector<1x16xf32>,
        %swap3A_1142 = vector.shape_cast %swap3A_1141 : vector<1x16xf32> to vector<16xf32>
        %swap3A_1143 = vector.shape_cast %bitcast_convert_type3A_1138 : vector<16xf32> to vector<1x16xf32>
        tpu.vector_store %arg9[%swap3A_1139, %swap3A_1140], %swap3A_1143 {strides = array<i32>} : memref<104x128xf32, #tpu.memory_space<vmem>>, vector<1x16xf32>,
        %and3A_1144 = arith.andi %get3A_1136, %broadcast_in_dim3A_863 : vector<16xi32>
        %bitcast_convert_type3A_1145 = tpu.bitcast %and3A_1144 : vector<16xi32> -> vector<16xf32>
        %swap3A_1146 = arith.index_cast %scan3A_1083 : i32 to index
        %swap3A_1147 = arith.constant 112 : index
        %swap3A_1148 = tpu.vector_load %arg9[%swap3A_1146, %swap3A_1147] {strides = array<i32>} : memref<104x128xf32, #tpu.memory_space<vmem>>, vector<1x16xf32>,
        %swap3A_1149 = vector.shape_cast %swap3A_1148 : vector<1x16xf32> to vector<16xf32>
        %swap3A_1150 = vector.shape_cast %bitcast_convert_type3A_1145 : vector<16xf32> to vector<1x16xf32>
        tpu.vector_store %arg9[%swap3A_1146, %swap3A_1147], %swap3A_1150 {strides = array<i32>} : memref<104x128xf32, #tpu.memory_space<vmem>>, vector<1x16xf32>,
      }
      %scan3A_869 = arith.constant 104 : i32
      %dma_start3A_870 = arith.constant 2 : i32
      %dma_start3A_871 = arith.constant 1 : i32
      %dma_start3A_872 = arith.constant 0 : i32
      %dma_start3A_873 = arith.constant 0 : i32
      %dma_start3A_874 = tpu.memref_slice %arg5[%dma_start3A_870, %dma_start3A_872, %dma_start3A_873] : memref<4x2x104xi32, #tpu.memory_space<vmem>> -> memref<1x2x104xi32, #tpu.memory_space<vmem>>
      %dma_start3A_875 = tpu.memref_squeeze %dma_start3A_874 : memref<1x2x104xi32, #tpu.memory_space<vmem>> -> memref<2x104xi32, #tpu.memory_space<vmem>>
      %dma_start3A_876 = arith.constant 0 : i32
      %dma_start3A_877 = tpu.memref_slice %dma_start3A_875[%dma_start3A_871, %dma_start3A_876] : memref<2x104xi32, #tpu.memory_space<vmem>> -> memref<1x104xi32, #tpu.memory_space<vmem>>
      %dma_start3A_878 = tpu.memref_squeeze %dma_start3A_877 : memref<1x104xi32, #tpu.memory_space<vmem>> -> memref<104xi32, #tpu.memory_space<vmem>>
      %dma_start3A_879 = arith.constant 0 : i32
      %dma_start3A_880 = arith.constant 0 : i32
      %dma_start3A_881 = tpu.memref_slice %arg11[%dma_start3A_879, %dma_start3A_880] : memref<10240x128xf32, #tpu.memory_space<vmem_shared>> -> memref<10240x128xf32, #tpu.memory_space<vmem_shared>>
      tpu.enqueue_indirect_dma source(%arg9 : memref<104x128xf32, #tpu.memory_space<vmem>>) target(%dma_start3A_881 : memref<10240x128xf32, #tpu.memory_space<vmem_shared>>) offsets(%dma_start3A_878 : memref<104xi32, #tpu.memory_space<vmem>>) semaphore(%arg15 : memref<!tpu.dma_semaphore, #tpu.memory_space<semaphore_mem>>) {add = true}
      %mul3A_882 = arith.constant 12 : i32
      %mul3A_883 = arith.muli %mul3A_882, %scan3A_278 : i32
      %add3A_884 = arith.constant 2 : i32
      %add3A_885 = arith.addi %mul3A_883, %add3A_884 : i32
      %add3A_886 = arith.constant 9 : i32
      %add3A_887 = arith.addi %add3A_885, %add3A_886 : i32
      %dma_wait3A_888 = arith.constant 3 : i32
      %dma_wait3A_889 = arith.constant 0 : i32
      %dma_wait3A_890 = arith.constant 0 : i32
      %dma_wait3A_891 = arith.constant 0 : i32
      %dma_wait3A_892 = tpu.memref_slice %arg5[%dma_wait3A_888, %dma_wait3A_890, %dma_wait3A_891] : memref<4x2x104xi32, #tpu.memory_space<vmem>> -> memref<1x2x104xi32, #tpu.memory_space<vmem>>
      %dma_wait3A_893 = tpu.memref_squeeze %dma_wait3A_892 : memref<1x2x104xi32, #tpu.memory_space<vmem>> -> memref<2x104xi32, #tpu.memory_space<vmem>>
      %dma_wait3A_894 = arith.constant 0 : i32
      %dma_wait3A_895 = tpu.memref_slice %dma_wait3A_893[%dma_wait3A_889, %dma_wait3A_894] : memref<2x104xi32, #tpu.memory_space<vmem>> -> memref<1x104xi32, #tpu.memory_space<vmem>>
      %dma_wait3A_896 = tpu.memref_squeeze %dma_wait3A_895 : memref<1x104xi32, #tpu.memory_space<vmem>> -> memref<104xi32, #tpu.memory_space<vmem>>
      %dma_wait3A_897 = arith.constant 0 : i32
      %dma_wait3A_898 = arith.constant 0 : i32
      %dma_wait3A_899 = tpu.memref_slice %arg2[%dma_wait3A_897, %dma_wait3A_898] : memref<20000x64xi32, #tpu.memory_space<hbm>> -> memref<20000x64xi32, #tpu.memory_space<hbm>>
      tpu.wait_indirect_dma semaphore(%arg14 : memref<!tpu.dma_semaphore, #tpu.memory_space<semaphore_mem>>) src(%dma_wait3A_899 : memref<20000x64xi32, #tpu.memory_space<hbm>>) dst(%arg8 : memref<104x64xi32, #tpu.memory_space<vmem>>)
      %dma_wait3A_900 = arith.constant 1 : i32
      %dma_wait3A_901 = arith.constant 1 : i32
      %dma_wait3A_902 = arith.constant 0 : i32
      %dma_wait3A_903 = arith.constant 0 : i32
      %dma_wait3A_904 = tpu.memref_slice %arg5[%dma_wait3A_900, %dma_wait3A_902, %dma_wait3A_903] : memref<4x2x104xi32, #tpu.memory_space<vmem>> -> memref<1x2x104xi32, #tpu.memory_space<vmem>>
      %dma_wait3A_905 = tpu.memref_squeeze %dma_wait3A_904 : memref<1x2x104xi32, #tpu.memory_space<vmem>> -> memref<2x104xi32, #tpu.memory_space<vmem>>
      %dma_wait3A_906 = arith.constant 0 : i32
      %dma_wait3A_907 = tpu.memref_slice %dma_wait3A_905[%dma_wait3A_901, %dma_wait3A_906] : memref<2x104xi32, #tpu.memory_space<vmem>> -> memref<1x104xi32, #tpu.memory_space<vmem>>
      %dma_wait3A_908 = tpu.memref_squeeze %dma_wait3A_907 : memref<1x104xi32, #tpu.memory_space<vmem>> -> memref<104xi32, #tpu.memory_space<vmem>>
      %dma_wait3A_909 = arith.constant 0 : i32
      %dma_wait3A_910 = arith.constant 0 : i32
      %dma_wait3A_911 = tpu.memref_slice %arg11[%dma_wait3A_909, %dma_wait3A_910] : memref<10240x128xf32, #tpu.memory_space<vmem_shared>> -> memref<10240x128xf32, #tpu.memory_space<vmem_shared>>
      tpu.wait_indirect_dma semaphore(%arg16 : memref<!tpu.dma_semaphore, #tpu.memory_space<semaphore_mem>>) src(%arg10 : memref<104x128xf32, #tpu.memory_space<vmem>>) dst(%dma_wait3A_911 : memref<10240x128xf32, #tpu.memory_space<vmem_shared>>)
      %add3A_912 = arith.constant 2 : i32
      %add3A_913 = arith.addi %add3A_887, %add3A_912 : i32
      %run_scoped3A_914 = arith.constant 1 : i32
      "tpu.region"() ({
        %run_scoped3A_1083 = tpu.sem_alloc : memref<!tpu.dma_semaphore, #tpu.memory_space<semaphore_mem>>
        %dma_start3A_1084 = arith.constant 0 : i32
        %dma_start3A_1085 = arith.constant 0 : i32
        %dma_start3A_1086 = tpu.memref_slice %arg5[%run_scoped3A_914, %dma_start3A_1084, %dma_start3A_1085] : memref<4x2x104xi32, #tpu.memory_space<vmem>> -> memref<1x2x104xi32, #tpu.memory_space<vmem>>
        %dma_start3A_1087 = tpu.memref_squeeze %dma_start3A_1086 : memref<1x2x104xi32, #tpu.memory_space<vmem>> -> memref<2x104xi32, #tpu.memory_space<vmem>>
        %dma_start3A_1088 = arith.constant 0 : i32
        %dma_start3A_1089 = arith.constant 0 : i32
        %dma_start3A_1090 = tpu.memref_slice %arg3[%arg0, %arg1, %add3A_913, %dma_start3A_1088, %dma_start3A_1089] : memref<2x16x196x2x104xi32, #tpu.memory_space<hbm>> -> memref<1x1x1x2x104xi32, #tpu.memory_space<hbm>>
        %dma_start3A_1091 = tpu.memref_squeeze %dma_start3A_1090 : memref<1x1x1x2x104xi32, #tpu.memory_space<hbm>> -> memref<2x104xi32, #tpu.memory_space<hbm>>
        %dma_start3A_1092 = arith.constant 0 : i32
        %dma_start3A_1093 = arith.constant 0 : i32
        %dma_start3A_1094 = tpu.memref_slice %arg5[%run_scoped3A_914, %dma_start3A_1092, %dma_start3A_1093] : memref<4x2x104xi32, #tpu.memory_space<vmem>> -> memref<1x2x104xi32, #tpu.memory_space<vmem>>
        %dma_start3A_1095 = tpu.memref_squeeze %dma_start3A_1094 : memref<1x2x104xi32, #tpu.memory_space<vmem>> -> memref<2x104xi32, #tpu.memory_space<vmem>>
        %dma_start3A_1096 = arith.constant 0 : i32
        %dma_start3A_1097 = arith.constant 0 : i32
        %dma_start3A_1098 = tpu.memref_slice %arg3[%arg0, %arg1, %add3A_913, %dma_start3A_1096, %dma_start3A_1097] : memref<2x16x196x2x104xi32, #tpu.memory_space<hbm>> -> memref<1x1x1x2x104xi32, #tpu.memory_space<hbm>>
        %dma_start3A_1099 = tpu.memref_squeeze %dma_start3A_1098 : memref<1x1x1x2x104xi32, #tpu.memory_space<hbm>> -> memref<2x104xi32, #tpu.memory_space<hbm>>
        tpu.enqueue_dma source(%dma_start3A_1099 : memref<2x104xi32, #tpu.memory_space<hbm>>) target(%dma_start3A_1095 : memref<2x104xi32, #tpu.memory_space<vmem>>) target_semaphore(%run_scoped3A_1083 : memref<!tpu.dma_semaphore, #tpu.memory_space<semaphore_mem>>)
        %dma_wait3A_1100 = arith.constant 0 : i32
        %dma_wait3A_1101 = arith.constant 0 : i32
        %dma_wait3A_1102 = tpu.memref_slice %arg5[%run_scoped3A_914, %dma_wait3A_1100, %dma_wait3A_1101] : memref<4x2x104xi32, #tpu.memory_space<vmem>> -> memref<1x2x104xi32, #tpu.memory_space<vmem>>
        %dma_wait3A_1103 = tpu.memref_squeeze %dma_wait3A_1102 : memref<1x2x104xi32, #tpu.memory_space<vmem>> -> memref<2x104xi32, #tpu.memory_space<vmem>>
        %dma_wait3A_1104 = arith.constant 0 : i32
        %dma_wait3A_1105 = arith.constant 0 : i32
        %dma_wait3A_1106 = tpu.memref_slice %arg3[%arg0, %arg1, %add3A_913, %dma_wait3A_1104, %dma_wait3A_1105] : memref<2x16x196x2x104xi32, #tpu.memory_space<hbm>> -> memref<1x1x1x2x104xi32, #tpu.memory_space<hbm>>
        %dma_wait3A_1107 = tpu.memref_squeeze %dma_wait3A_1106 : memref<1x1x1x2x104xi32, #tpu.memory_space<hbm>> -> memref<2x104xi32, #tpu.memory_space<hbm>>
        %dma_wait3A_1108 = arith.constant 0 : i32
        %dma_wait3A_1109 = arith.constant 0 : i32
        %dma_wait3A_1110 = tpu.memref_slice %arg5[%run_scoped3A_914, %dma_wait3A_1108, %dma_wait3A_1109] : memref<4x2x104xi32, #tpu.memory_space<vmem>> -> memref<1x2x104xi32, #tpu.memory_space<vmem>>
        %dma_wait3A_1111 = tpu.memref_squeeze %dma_wait3A_1110 : memref<1x2x104xi32, #tpu.memory_space<vmem>> -> memref<2x104xi32, #tpu.memory_space<vmem>>
        %dma_wait3A_1112 = arith.constant 0 : i32
        %dma_wait3A_1113 = arith.constant 0 : i32
        %dma_wait3A_1114 = tpu.memref_slice %arg3[%arg0, %arg1, %add3A_913, %dma_wait3A_1112, %dma_wait3A_1113] : memref<2x16x196x2x104xi32, #tpu.memory_space<hbm>> -> memref<1x1x1x2x104xi32, #tpu.memory_space<hbm>>
        %dma_wait3A_1115 = tpu.memref_squeeze %dma_wait3A_1114 : memref<1x1x1x2x104xi32, #tpu.memory_space<hbm>> -> memref<2x104xi32, #tpu.memory_space<hbm>>
        tpu.wait_dma2 semaphore(%run_scoped3A_1083 : memref<!tpu.dma_semaphore, #tpu.memory_space<semaphore_mem>>) src(%dma_wait3A_1115 : memref<2x104xi32, #tpu.memory_space<hbm>>) dst(%dma_wait3A_1111 : memref<2x104xi32, #tpu.memory_space<vmem>>)
        tpu.yield
      }) : () -> ()
      %dma_start3A_915 = arith.constant 1 : i32
      %dma_start3A_916 = arith.constant 0 : i32
      %dma_start3A_917 = arith.constant 0 : i32
      %dma_start3A_918 = arith.constant 0 : i32
      %dma_start3A_919 = tpu.memref_slice %arg5[%dma_start3A_915, %dma_start3A_917, %dma_start3A_918] : memref<4x2x104xi32, #tpu.memory_space<vmem>> -> memref<1x2x104xi32, #tpu.memory_space<vmem>>
      %dma_start3A_920 = tpu.memref_squeeze %dma_start3A_919 : memref<1x2x104xi32, #tpu.memory_space<vmem>> -> memref<2x104xi32, #tpu.memory_space<vmem>>
      %dma_start3A_921 = arith.constant 0 : i32
      %dma_start3A_922 = tpu.memref_slice %dma_start3A_920[%dma_start3A_916, %dma_start3A_921] : memref<2x104xi32, #tpu.memory_space<vmem>> -> memref<1x104xi32, #tpu.memory_space<vmem>>
      %dma_start3A_923 = tpu.memref_squeeze %dma_start3A_922 : memref<1x104xi32, #tpu.memory_space<vmem>> -> memref<104xi32, #tpu.memory_space<vmem>>
      %dma_start3A_924 = arith.constant 0 : i32
      %dma_start3A_925 = arith.constant 0 : i32
      %dma_start3A_926 = tpu.memref_slice %arg2[%dma_start3A_924, %dma_start3A_925] : memref<20000x64xi32, #tpu.memory_space<hbm>> -> memref<20000x64xi32, #tpu.memory_space<hbm>>
      tpu.enqueue_indirect_dma source(%dma_start3A_926 : memref<20000x64xi32, #tpu.memory_space<hbm>>) target(%arg7 : memref<104x64xi32, #tpu.memory_space<vmem>>) offsets(%dma_start3A_923 : memref<104xi32, #tpu.memory_space<vmem>>) semaphore(%arg13 : memref<!tpu.dma_semaphore, #tpu.memory_space<semaphore_mem>>)
      %broadcast_in_dim3A_927 = arith.constant 16 : i32
      %broadcast_in_dim3A_928 = vector.broadcast %broadcast_in_dim3A_927 : i32 to vector<16xi32>
      %broadcast_in_dim3A_929 = arith.constant -65536 : i32
      %broadcast_in_dim3A_930 = vector.broadcast %broadcast_in_dim3A_929 : i32 to vector<16xi32>
      %scan3A_931 = arith.constant 0 : i32
      %scan3A_932 = arith.constant 0 : i32
      %scan3A_933 = arith.constant 104 : i32
      %scan3A_934 = arith.addi %scan3A_932, %scan3A_933 : i32
      %scan3A_935 = arith.constant 1 : i32
      scf.for %scan3A_1083 = %scan3A_932 to %scan3A_934 step %scan3A_935  : i32 {
        %get3A = arith.index_cast %scan3A_1083 : i32 to index
        %get3A_1084 = arith.constant 0 : index
        %get3A_1085 = tpu.vector_load %arg8[%get3A, %get3A_1084] {strides = array<i32>} : memref<104x64xi32, #tpu.memory_space<vmem>>, vector<1x16xi32>,
        %get3A_1086 = vector.shape_cast %get3A_1085 : vector<1x16xi32> to vector<16xi32>
        %shift_left3A = arith.shli %get3A_1086, %broadcast_in_dim3A_928 : vector<16xi32>
        %bitcast_convert_type3A = tpu.bitcast %shift_left3A : vector<16xi32> -> vector<16xf32>
        %swap3A = arith.index_cast %scan3A_1083 : i32 to index
        %swap3A_1087 = arith.constant 0 : index
        %swap3A_1088 = tpu.vector_load %arg10[%swap3A, %swap3A_1087] {strides = array<i32>} : memref<104x128xf32, #tpu.memory_space<vmem>>, vector<1x16xf32>,
        %swap3A_1089 = vector.shape_cast %swap3A_1088 : vector<1x16xf32> to vector<16xf32>
        %swap3A_1090 = vector.shape_cast %bitcast_convert_type3A : vector<16xf32> to vector<1x16xf32>
        tpu.vector_store %arg10[%swap3A, %swap3A_1087], %swap3A_1090 {strides = array<i32>} : memref<104x128xf32, #tpu.memory_space<vmem>>, vector<1x16xf32>,
        %and3A = arith.andi %get3A_1086, %broadcast_in_dim3A_930 : vector<16xi32>
        %bitcast_convert_type3A_1091 = tpu.bitcast %and3A : vector<16xi32> -> vector<16xf32>
        %swap3A_1092 = arith.index_cast %scan3A_1083 : i32 to index
        %swap3A_1093 = arith.constant 16 : index
        %swap3A_1094 = tpu.vector_load %arg10[%swap3A_1092, %swap3A_1093] {strides = array<i32>} : memref<104x128xf32, #tpu.memory_space<vmem>>, vector<1x16xf32>,
        %swap3A_1095 = vector.shape_cast %swap3A_1094 : vector<1x16xf32> to vector<16xf32>
        %swap3A_1096 = vector.shape_cast %bitcast_convert_type3A_1091 : vector<16xf32> to vector<1x16xf32>
        tpu.vector_store %arg10[%swap3A_1092, %swap3A_1093], %swap3A_1096 {strides = array<i32>} : memref<104x128xf32, #tpu.memory_space<vmem>>, vector<1x16xf32>,
        %get3A_1097 = arith.index_cast %scan3A_1083 : i32 to index
        %get3A_1098 = arith.constant 16 : index
        %get3A_1099 = tpu.vector_load %arg8[%get3A_1097, %get3A_1098] {strides = array<i32>} : memref<104x64xi32, #tpu.memory_space<vmem>>, vector<1x16xi32>,
        %get3A_1100 = vector.shape_cast %get3A_1099 : vector<1x16xi32> to vector<16xi32>
        %shift_left3A_1101 = arith.shli %get3A_1100, %broadcast_in_dim3A_928 : vector<16xi32>
        %bitcast_convert_type3A_1102 = tpu.bitcast %shift_left3A_1101 : vector<16xi32> -> vector<16xf32>
        %swap3A_1103 = arith.index_cast %scan3A_1083 : i32 to index
        %swap3A_1104 = arith.constant 32 : index
        %swap3A_1105 = tpu.vector_load %arg10[%swap3A_1103, %swap3A_1104] {strides = array<i32>} : memref<104x128xf32, #tpu.memory_space<vmem>>, vector<1x16xf32>,
        %swap3A_1106 = vector.shape_cast %swap3A_1105 : vector<1x16xf32> to vector<16xf32>
        %swap3A_1107 = vector.shape_cast %bitcast_convert_type3A_1102 : vector<16xf32> to vector<1x16xf32>
        tpu.vector_store %arg10[%swap3A_1103, %swap3A_1104], %swap3A_1107 {strides = array<i32>} : memref<104x128xf32, #tpu.memory_space<vmem>>, vector<1x16xf32>,
        %and3A_1108 = arith.andi %get3A_1100, %broadcast_in_dim3A_930 : vector<16xi32>
        %bitcast_convert_type3A_1109 = tpu.bitcast %and3A_1108 : vector<16xi32> -> vector<16xf32>
        %swap3A_1110 = arith.index_cast %scan3A_1083 : i32 to index
        %swap3A_1111 = arith.constant 48 : index
        %swap3A_1112 = tpu.vector_load %arg10[%swap3A_1110, %swap3A_1111] {strides = array<i32>} : memref<104x128xf32, #tpu.memory_space<vmem>>, vector<1x16xf32>,
        %swap3A_1113 = vector.shape_cast %swap3A_1112 : vector<1x16xf32> to vector<16xf32>
        %swap3A_1114 = vector.shape_cast %bitcast_convert_type3A_1109 : vector<16xf32> to vector<1x16xf32>
        tpu.vector_store %arg10[%swap3A_1110, %swap3A_1111], %swap3A_1114 {strides = array<i32>} : memref<104x128xf32, #tpu.memory_space<vmem>>, vector<1x16xf32>,
        %get3A_1115 = arith.index_cast %scan3A_1083 : i32 to index
        %get3A_1116 = arith.constant 32 : index
        %get3A_1117 = tpu.vector_load %arg8[%get3A_1115, %get3A_1116] {strides = array<i32>} : memref<104x64xi32, #tpu.memory_space<vmem>>, vector<1x16xi32>,
        %get3A_1118 = vector.shape_cast %get3A_1117 : vector<1x16xi32> to vector<16xi32>
        %shift_left3A_1119 = arith.shli %get3A_1118, %broadcast_in_dim3A_928 : vector<16xi32>
        %bitcast_convert_type3A_1120 = tpu.bitcast %shift_left3A_1119 : vector<16xi32> -> vector<16xf32>
        %swap3A_1121 = arith.index_cast %scan3A_1083 : i32 to index
        %swap3A_1122 = arith.constant 64 : index
        %swap3A_1123 = tpu.vector_load %arg10[%swap3A_1121, %swap3A_1122] {strides = array<i32>} : memref<104x128xf32, #tpu.memory_space<vmem>>, vector<1x16xf32>,
        %swap3A_1124 = vector.shape_cast %swap3A_1123 : vector<1x16xf32> to vector<16xf32>
        %swap3A_1125 = vector.shape_cast %bitcast_convert_type3A_1120 : vector<16xf32> to vector<1x16xf32>
        tpu.vector_store %arg10[%swap3A_1121, %swap3A_1122], %swap3A_1125 {strides = array<i32>} : memref<104x128xf32, #tpu.memory_space<vmem>>, vector<1x16xf32>,
        %and3A_1126 = arith.andi %get3A_1118, %broadcast_in_dim3A_930 : vector<16xi32>
        %bitcast_convert_type3A_1127 = tpu.bitcast %and3A_1126 : vector<16xi32> -> vector<16xf32>
        %swap3A_1128 = arith.index_cast %scan3A_1083 : i32 to index
        %swap3A_1129 = arith.constant 80 : index
        %swap3A_1130 = tpu.vector_load %arg10[%swap3A_1128, %swap3A_1129] {strides = array<i32>} : memref<104x128xf32, #tpu.memory_space<vmem>>, vector<1x16xf32>,
        %swap3A_1131 = vector.shape_cast %swap3A_1130 : vector<1x16xf32> to vector<16xf32>
        %swap3A_1132 = vector.shape_cast %bitcast_convert_type3A_1127 : vector<16xf32> to vector<1x16xf32>
        tpu.vector_store %arg10[%swap3A_1128, %swap3A_1129], %swap3A_1132 {strides = array<i32>} : memref<104x128xf32, #tpu.memory_space<vmem>>, vector<1x16xf32>,
        %get3A_1133 = arith.index_cast %scan3A_1083 : i32 to index
        %get3A_1134 = arith.constant 48 : index
        %get3A_1135 = tpu.vector_load %arg8[%get3A_1133, %get3A_1134] {strides = array<i32>} : memref<104x64xi32, #tpu.memory_space<vmem>>, vector<1x16xi32>,
        %get3A_1136 = vector.shape_cast %get3A_1135 : vector<1x16xi32> to vector<16xi32>
        %shift_left3A_1137 = arith.shli %get3A_1136, %broadcast_in_dim3A_928 : vector<16xi32>
        %bitcast_convert_type3A_1138 = tpu.bitcast %shift_left3A_1137 : vector<16xi32> -> vector<16xf32>
        %swap3A_1139 = arith.index_cast %scan3A_1083 : i32 to index
        %swap3A_1140 = arith.constant 96 : index
        %swap3A_1141 = tpu.vector_load %arg10[%swap3A_1139, %swap3A_1140] {strides = array<i32>} : memref<104x128xf32, #tpu.memory_space<vmem>>, vector<1x16xf32>,
        %swap3A_1142 = vector.shape_cast %swap3A_1141 : vector<1x16xf32> to vector<16xf32>
        %swap3A_1143 = vector.shape_cast %bitcast_convert_type3A_1138 : vector<16xf32> to vector<1x16xf32>
        tpu.vector_store %arg10[%swap3A_1139, %swap3A_1140], %swap3A_1143 {strides = array<i32>} : memref<104x128xf32, #tpu.memory_space<vmem>>, vector<1x16xf32>,
        %and3A_1144 = arith.andi %get3A_1136, %broadcast_in_dim3A_930 : vector<16xi32>
        %bitcast_convert_type3A_1145 = tpu.bitcast %and3A_1144 : vector<16xi32> -> vector<16xf32>
        %swap3A_1146 = arith.index_cast %scan3A_1083 : i32 to index
        %swap3A_1147 = arith.constant 112 : index
        %swap3A_1148 = tpu.vector_load %arg10[%swap3A_1146, %swap3A_1147] {strides = array<i32>} : memref<104x128xf32, #tpu.memory_space<vmem>>, vector<1x16xf32>,
        %swap3A_1149 = vector.shape_cast %swap3A_1148 : vector<1x16xf32> to vector<16xf32>
        %swap3A_1150 = vector.shape_cast %bitcast_convert_type3A_1145 : vector<16xf32> to vector<1x16xf32>
        tpu.vector_store %arg10[%swap3A_1146, %swap3A_1147], %swap3A_1150 {strides = array<i32>} : memref<104x128xf32, #tpu.memory_space<vmem>>, vector<1x16xf32>,
      }
      %scan3A_936 = arith.constant 104 : i32
      %dma_start3A_937 = arith.constant 3 : i32
      %dma_start3A_938 = arith.constant 1 : i32
      %dma_start3A_939 = arith.constant 0 : i32
      %dma_start3A_940 = arith.constant 0 : i32
      %dma_start3A_941 = tpu.memref_slice %arg5[%dma_start3A_937, %dma_start3A_939, %dma_start3A_940] : memref<4x2x104xi32, #tpu.memory_space<vmem>> -> memref<1x2x104xi32, #tpu.memory_space<vmem>>
      %dma_start3A_942 = tpu.memref_squeeze %dma_start3A_941 : memref<1x2x104xi32, #tpu.memory_space<vmem>> -> memref<2x104xi32, #tpu.memory_space<vmem>>
      %dma_start3A_943 = arith.constant 0 : i32
      %dma_start3A_944 = tpu.memref_slice %dma_start3A_942[%dma_start3A_938, %dma_start3A_943] : memref<2x104xi32, #tpu.memory_space<vmem>> -> memref<1x104xi32, #tpu.memory_space<vmem>>
      %dma_start3A_945 = tpu.memref_squeeze %dma_start3A_944 : memref<1x104xi32, #tpu.memory_space<vmem>> -> memref<104xi32, #tpu.memory_space<vmem>>
      %dma_start3A_946 = arith.constant 0 : i32
      %dma_start3A_947 = arith.constant 0 : i32
      %dma_start3A_948 = tpu.memref_slice %arg11[%dma_start3A_946, %dma_start3A_947] : memref<10240x128xf32, #tpu.memory_space<vmem_shared>> -> memref<10240x128xf32, #tpu.memory_space<vmem_shared>>
      tpu.enqueue_indirect_dma source(%arg10 : memref<104x128xf32, #tpu.memory_space<vmem>>) target(%dma_start3A_948 : memref<10240x128xf32, #tpu.memory_space<vmem_shared>>) offsets(%dma_start3A_945 : memref<104xi32, #tpu.memory_space<vmem>>) semaphore(%arg16 : memref<!tpu.dma_semaphore, #tpu.memory_space<semaphore_mem>>) {add = true}
      %mul3A_949 = arith.constant 12 : i32
      %mul3A_950 = arith.muli %mul3A_949, %scan3A_278 : i32
      %add3A_951 = arith.constant 2 : i32
      %add3A_952 = arith.addi %mul3A_950, %add3A_951 : i32
      %add3A_953 = arith.constant 10 : i32
      %add3A_954 = arith.addi %add3A_952, %add3A_953 : i32
      %dma_wait3A_955 = arith.constant 0 : i32
      %dma_wait3A_956 = arith.constant 0 : i32
      %dma_wait3A_957 = arith.constant 0 : i32
      %dma_wait3A_958 = arith.constant 0 : i32
      %dma_wait3A_959 = tpu.memref_slice %arg5[%dma_wait3A_955, %dma_wait3A_957, %dma_wait3A_958] : memref<4x2x104xi32, #tpu.memory_space<vmem>> -> memref<1x2x104xi32, #tpu.memory_space<vmem>>
      %dma_wait3A_960 = tpu.memref_squeeze %dma_wait3A_959 : memref<1x2x104xi32, #tpu.memory_space<vmem>> -> memref<2x104xi32, #tpu.memory_space<vmem>>
      %dma_wait3A_961 = arith.constant 0 : i32
      %dma_wait3A_962 = tpu.memref_slice %dma_wait3A_960[%dma_wait3A_956, %dma_wait3A_961] : memref<2x104xi32, #tpu.memory_space<vmem>> -> memref<1x104xi32, #tpu.memory_space<vmem>>
      %dma_wait3A_963 = tpu.memref_squeeze %dma_wait3A_962 : memref<1x104xi32, #tpu.memory_space<vmem>> -> memref<104xi32, #tpu.memory_space<vmem>>
      %dma_wait3A_964 = arith.constant 0 : i32
      %dma_wait3A_965 = arith.constant 0 : i32
      %dma_wait3A_966 = tpu.memref_slice %arg2[%dma_wait3A_964, %dma_wait3A_965] : memref<20000x64xi32, #tpu.memory_space<hbm>> -> memref<20000x64xi32, #tpu.memory_space<hbm>>
      tpu.wait_indirect_dma semaphore(%arg12 : memref<!tpu.dma_semaphore, #tpu.memory_space<semaphore_mem>>) src(%dma_wait3A_966 : memref<20000x64xi32, #tpu.memory_space<hbm>>) dst(%arg6 : memref<104x64xi32, #tpu.memory_space<vmem>>)
      %dma_wait3A_967 = arith.constant 2 : i32
      %dma_wait3A_968 = arith.constant 1 : i32
      %dma_wait3A_969 = arith.constant 0 : i32
      %dma_wait3A_970 = arith.constant 0 : i32
      %dma_wait3A_971 = tpu.memref_slice %arg5[%dma_wait3A_967, %dma_wait3A_969, %dma_wait3A_970] : memref<4x2x104xi32, #tpu.memory_space<vmem>> -> memref<1x2x104xi32, #tpu.memory_space<vmem>>
      %dma_wait3A_972 = tpu.memref_squeeze %dma_wait3A_971 : memref<1x2x104xi32, #tpu.memory_space<vmem>> -> memref<2x104xi32, #tpu.memory_space<vmem>>
      %dma_wait3A_973 = arith.constant 0 : i32
      %dma_wait3A_974 = tpu.memref_slice %dma_wait3A_972[%dma_wait3A_968, %dma_wait3A_973] : memref<2x104xi32, #tpu.memory_space<vmem>> -> memref<1x104xi32, #tpu.memory_space<vmem>>
      %dma_wait3A_975 = tpu.memref_squeeze %dma_wait3A_974 : memref<1x104xi32, #tpu.memory_space<vmem>> -> memref<104xi32, #tpu.memory_space<vmem>>
      %dma_wait3A_976 = arith.constant 0 : i32
      %dma_wait3A_977 = arith.constant 0 : i32
      %dma_wait3A_978 = tpu.memref_slice %arg11[%dma_wait3A_976, %dma_wait3A_977] : memref<10240x128xf32, #tpu.memory_space<vmem_shared>> -> memref<10240x128xf32, #tpu.memory_space<vmem_shared>>
      tpu.wait_indirect_dma semaphore(%arg15 : memref<!tpu.dma_semaphore, #tpu.memory_space<semaphore_mem>>) src(%arg9 : memref<104x128xf32, #tpu.memory_space<vmem>>) dst(%dma_wait3A_978 : memref<10240x128xf32, #tpu.memory_space<vmem_shared>>)
      %add3A_979 = arith.constant 2 : i32
      %add3A_980 = arith.addi %add3A_954, %add3A_979 : i32
      %run_scoped3A_981 = arith.constant 2 : i32
      "tpu.region"() ({
        %run_scoped3A_1083 = tpu.sem_alloc : memref<!tpu.dma_semaphore, #tpu.memory_space<semaphore_mem>>
        %dma_start3A_1084 = arith.constant 0 : i32
        %dma_start3A_1085 = arith.constant 0 : i32
        %dma_start3A_1086 = tpu.memref_slice %arg5[%run_scoped3A_981, %dma_start3A_1084, %dma_start3A_1085] : memref<4x2x104xi32, #tpu.memory_space<vmem>> -> memref<1x2x104xi32, #tpu.memory_space<vmem>>
        %dma_start3A_1087 = tpu.memref_squeeze %dma_start3A_1086 : memref<1x2x104xi32, #tpu.memory_space<vmem>> -> memref<2x104xi32, #tpu.memory_space<vmem>>
        %dma_start3A_1088 = arith.constant 0 : i32
        %dma_start3A_1089 = arith.constant 0 : i32
        %dma_start3A_1090 = tpu.memref_slice %arg3[%arg0, %arg1, %add3A_980, %dma_start3A_1088, %dma_start3A_1089] : memref<2x16x196x2x104xi32, #tpu.memory_space<hbm>> -> memref<1x1x1x2x104xi32, #tpu.memory_space<hbm>>
        %dma_start3A_1091 = tpu.memref_squeeze %dma_start3A_1090 : memref<1x1x1x2x104xi32, #tpu.memory_space<hbm>> -> memref<2x104xi32, #tpu.memory_space<hbm>>
        %dma_start3A_1092 = arith.constant 0 : i32
        %dma_start3A_1093 = arith.constant 0 : i32
        %dma_start3A_1094 = tpu.memref_slice %arg5[%run_scoped3A_981, %dma_start3A_1092, %dma_start3A_1093] : memref<4x2x104xi32, #tpu.memory_space<vmem>> -> memref<1x2x104xi32, #tpu.memory_space<vmem>>
        %dma_start3A_1095 = tpu.memref_squeeze %dma_start3A_1094 : memref<1x2x104xi32, #tpu.memory_space<vmem>> -> memref<2x104xi32, #tpu.memory_space<vmem>>
        %dma_start3A_1096 = arith.constant 0 : i32
        %dma_start3A_1097 = arith.constant 0 : i32
        %dma_start3A_1098 = tpu.memref_slice %arg3[%arg0, %arg1, %add3A_980, %dma_start3A_1096, %dma_start3A_1097] : memref<2x16x196x2x104xi32, #tpu.memory_space<hbm>> -> memref<1x1x1x2x104xi32, #tpu.memory_space<hbm>>
        %dma_start3A_1099 = tpu.memref_squeeze %dma_start3A_1098 : memref<1x1x1x2x104xi32, #tpu.memory_space<hbm>> -> memref<2x104xi32, #tpu.memory_space<hbm>>
        tpu.enqueue_dma source(%dma_start3A_1099 : memref<2x104xi32, #tpu.memory_space<hbm>>) target(%dma_start3A_1095 : memref<2x104xi32, #tpu.memory_space<vmem>>) target_semaphore(%run_scoped3A_1083 : memref<!tpu.dma_semaphore, #tpu.memory_space<semaphore_mem>>)
        %dma_wait3A_1100 = arith.constant 0 : i32
        %dma_wait3A_1101 = arith.constant 0 : i32
        %dma_wait3A_1102 = tpu.memref_slice %arg5[%run_scoped3A_981, %dma_wait3A_1100, %dma_wait3A_1101] : memref<4x2x104xi32, #tpu.memory_space<vmem>> -> memref<1x2x104xi32, #tpu.memory_space<vmem>>
        %dma_wait3A_1103 = tpu.memref_squeeze %dma_wait3A_1102 : memref<1x2x104xi32, #tpu.memory_space<vmem>> -> memref<2x104xi32, #tpu.memory_space<vmem>>
        %dma_wait3A_1104 = arith.constant 0 : i32
        %dma_wait3A_1105 = arith.constant 0 : i32
        %dma_wait3A_1106 = tpu.memref_slice %arg3[%arg0, %arg1, %add3A_980, %dma_wait3A_1104, %dma_wait3A_1105] : memref<2x16x196x2x104xi32, #tpu.memory_space<hbm>> -> memref<1x1x1x2x104xi32, #tpu.memory_space<hbm>>
        %dma_wait3A_1107 = tpu.memref_squeeze %dma_wait3A_1106 : memref<1x1x1x2x104xi32, #tpu.memory_space<hbm>> -> memref<2x104xi32, #tpu.memory_space<hbm>>
        %dma_wait3A_1108 = arith.constant 0 : i32
        %dma_wait3A_1109 = arith.constant 0 : i32
        %dma_wait3A_1110 = tpu.memref_slice %arg5[%run_scoped3A_981, %dma_wait3A_1108, %dma_wait3A_1109] : memref<4x2x104xi32, #tpu.memory_space<vmem>> -> memref<1x2x104xi32, #tpu.memory_space<vmem>>
        %dma_wait3A_1111 = tpu.memref_squeeze %dma_wait3A_1110 : memref<1x2x104xi32, #tpu.memory_space<vmem>> -> memref<2x104xi32, #tpu.memory_space<vmem>>
        %dma_wait3A_1112 = arith.constant 0 : i32
        %dma_wait3A_1113 = arith.constant 0 : i32
        %dma_wait3A_1114 = tpu.memref_slice %arg3[%arg0, %arg1, %add3A_980, %dma_wait3A_1112, %dma_wait3A_1113] : memref<2x16x196x2x104xi32, #tpu.memory_space<hbm>> -> memref<1x1x1x2x104xi32, #tpu.memory_space<hbm>>
        %dma_wait3A_1115 = tpu.memref_squeeze %dma_wait3A_1114 : memref<1x1x1x2x104xi32, #tpu.memory_space<hbm>> -> memref<2x104xi32, #tpu.memory_space<hbm>>
        tpu.wait_dma2 semaphore(%run_scoped3A_1083 : memref<!tpu.dma_semaphore, #tpu.memory_space<semaphore_mem>>) src(%dma_wait3A_1115 : memref<2x104xi32, #tpu.memory_space<hbm>>) dst(%dma_wait3A_1111 : memref<2x104xi32, #tpu.memory_space<vmem>>)
        tpu.yield
      }) : () -> ()
      %dma_start3A_982 = arith.constant 2 : i32
      %dma_start3A_983 = arith.constant 0 : i32
      %dma_start3A_984 = arith.constant 0 : i32
      %dma_start3A_985 = arith.constant 0 : i32
      %dma_start3A_986 = tpu.memref_slice %arg5[%dma_start3A_982, %dma_start3A_984, %dma_start3A_985] : memref<4x2x104xi32, #tpu.memory_space<vmem>> -> memref<1x2x104xi32, #tpu.memory_space<vmem>>
      %dma_start3A_987 = tpu.memref_squeeze %dma_start3A_986 : memref<1x2x104xi32, #tpu.memory_space<vmem>> -> memref<2x104xi32, #tpu.memory_space<vmem>>
      %dma_start3A_988 = arith.constant 0 : i32
      %dma_start3A_989 = tpu.memref_slice %dma_start3A_987[%dma_start3A_983, %dma_start3A_988] : memref<2x104xi32, #tpu.memory_space<vmem>> -> memref<1x104xi32, #tpu.memory_space<vmem>>
      %dma_start3A_990 = tpu.memref_squeeze %dma_start3A_989 : memref<1x104xi32, #tpu.memory_space<vmem>> -> memref<104xi32, #tpu.memory_space<vmem>>
      %dma_start3A_991 = arith.constant 0 : i32
      %dma_start3A_992 = arith.constant 0 : i32
      %dma_start3A_993 = tpu.memref_slice %arg2[%dma_start3A_991, %dma_start3A_992] : memref<20000x64xi32, #tpu.memory_space<hbm>> -> memref<20000x64xi32, #tpu.memory_space<hbm>>
      tpu.enqueue_indirect_dma source(%dma_start3A_993 : memref<20000x64xi32, #tpu.memory_space<hbm>>) target(%arg8 : memref<104x64xi32, #tpu.memory_space<vmem>>) offsets(%dma_start3A_990 : memref<104xi32, #tpu.memory_space<vmem>>) semaphore(%arg14 : memref<!tpu.dma_semaphore, #tpu.memory_space<semaphore_mem>>)
      %broadcast_in_dim3A_994 = arith.constant 16 : i32
      %broadcast_in_dim3A_995 = vector.broadcast %broadcast_in_dim3A_994 : i32 to vector<16xi32>
      %broadcast_in_dim3A_996 = arith.constant -65536 : i32
      %broadcast_in_dim3A_997 = vector.broadcast %broadcast_in_dim3A_996 : i32 to vector<16xi32>
      %scan3A_998 = arith.constant 0 : i32
      %scan3A_999 = arith.constant 0 : i32
      %scan3A_1000 = arith.constant 104 : i32
      %scan3A_1001 = arith.addi %scan3A_999, %scan3A_1000 : i32
      %scan3A_1002 = arith.constant 1 : i32
      scf.for %scan3A_1083 = %scan3A_999 to %scan3A_1001 step %scan3A_1002  : i32 {
        %get3A = arith.index_cast %scan3A_1083 : i32 to index
        %get3A_1084 = arith.constant 0 : index
        %get3A_1085 = tpu.vector_load %arg6[%get3A, %get3A_1084] {strides = array<i32>} : memref<104x64xi32, #tpu.memory_space<vmem>>, vector<1x16xi32>,
        %get3A_1086 = vector.shape_cast %get3A_1085 : vector<1x16xi32> to vector<16xi32>
        %shift_left3A = arith.shli %get3A_1086, %broadcast_in_dim3A_995 : vector<16xi32>
        %bitcast_convert_type3A = tpu.bitcast %shift_left3A : vector<16xi32> -> vector<16xf32>
        %swap3A = arith.index_cast %scan3A_1083 : i32 to index
        %swap3A_1087 = arith.constant 0 : index
        %swap3A_1088 = tpu.vector_load %arg9[%swap3A, %swap3A_1087] {strides = array<i32>} : memref<104x128xf32, #tpu.memory_space<vmem>>, vector<1x16xf32>,
        %swap3A_1089 = vector.shape_cast %swap3A_1088 : vector<1x16xf32> to vector<16xf32>
        %swap3A_1090 = vector.shape_cast %bitcast_convert_type3A : vector<16xf32> to vector<1x16xf32>
        tpu.vector_store %arg9[%swap3A, %swap3A_1087], %swap3A_1090 {strides = array<i32>} : memref<104x128xf32, #tpu.memory_space<vmem>>, vector<1x16xf32>,
        %and3A = arith.andi %get3A_1086, %broadcast_in_dim3A_997 : vector<16xi32>
        %bitcast_convert_type3A_1091 = tpu.bitcast %and3A : vector<16xi32> -> vector<16xf32>
        %swap3A_1092 = arith.index_cast %scan3A_1083 : i32 to index
        %swap3A_1093 = arith.constant 16 : index
        %swap3A_1094 = tpu.vector_load %arg9[%swap3A_1092, %swap3A_1093] {strides = array<i32>} : memref<104x128xf32, #tpu.memory_space<vmem>>, vector<1x16xf32>,
        %swap3A_1095 = vector.shape_cast %swap3A_1094 : vector<1x16xf32> to vector<16xf32>
        %swap3A_1096 = vector.shape_cast %bitcast_convert_type3A_1091 : vector<16xf32> to vector<1x16xf32>
        tpu.vector_store %arg9[%swap3A_1092, %swap3A_1093], %swap3A_1096 {strides = array<i32>} : memref<104x128xf32, #tpu.memory_space<vmem>>, vector<1x16xf32>,
        %get3A_1097 = arith.index_cast %scan3A_1083 : i32 to index
        %get3A_1098 = arith.constant 16 : index
        %get3A_1099 = tpu.vector_load %arg6[%get3A_1097, %get3A_1098] {strides = array<i32>} : memref<104x64xi32, #tpu.memory_space<vmem>>, vector<1x16xi32>,
        %get3A_1100 = vector.shape_cast %get3A_1099 : vector<1x16xi32> to vector<16xi32>
        %shift_left3A_1101 = arith.shli %get3A_1100, %broadcast_in_dim3A_995 : vector<16xi32>
        %bitcast_convert_type3A_1102 = tpu.bitcast %shift_left3A_1101 : vector<16xi32> -> vector<16xf32>
        %swap3A_1103 = arith.index_cast %scan3A_1083 : i32 to index
        %swap3A_1104 = arith.constant 32 : index
        %swap3A_1105 = tpu.vector_load %arg9[%swap3A_1103, %swap3A_1104] {strides = array<i32>} : memref<104x128xf32, #tpu.memory_space<vmem>>, vector<1x16xf32>,
        %swap3A_1106 = vector.shape_cast %swap3A_1105 : vector<1x16xf32> to vector<16xf32>
        %swap3A_1107 = vector.shape_cast %bitcast_convert_type3A_1102 : vector<16xf32> to vector<1x16xf32>
        tpu.vector_store %arg9[%swap3A_1103, %swap3A_1104], %swap3A_1107 {strides = array<i32>} : memref<104x128xf32, #tpu.memory_space<vmem>>, vector<1x16xf32>,
        %and3A_1108 = arith.andi %get3A_1100, %broadcast_in_dim3A_997 : vector<16xi32>
        %bitcast_convert_type3A_1109 = tpu.bitcast %and3A_1108 : vector<16xi32> -> vector<16xf32>
        %swap3A_1110 = arith.index_cast %scan3A_1083 : i32 to index
        %swap3A_1111 = arith.constant 48 : index
        %swap3A_1112 = tpu.vector_load %arg9[%swap3A_1110, %swap3A_1111] {strides = array<i32>} : memref<104x128xf32, #tpu.memory_space<vmem>>, vector<1x16xf32>,
        %swap3A_1113 = vector.shape_cast %swap3A_1112 : vector<1x16xf32> to vector<16xf32>
        %swap3A_1114 = vector.shape_cast %bitcast_convert_type3A_1109 : vector<16xf32> to vector<1x16xf32>
        tpu.vector_store %arg9[%swap3A_1110, %swap3A_1111], %swap3A_1114 {strides = array<i32>} : memref<104x128xf32, #tpu.memory_space<vmem>>, vector<1x16xf32>,
        %get3A_1115 = arith.index_cast %scan3A_1083 : i32 to index
        %get3A_1116 = arith.constant 32 : index
        %get3A_1117 = tpu.vector_load %arg6[%get3A_1115, %get3A_1116] {strides = array<i32>} : memref<104x64xi32, #tpu.memory_space<vmem>>, vector<1x16xi32>,
        %get3A_1118 = vector.shape_cast %get3A_1117 : vector<1x16xi32> to vector<16xi32>
        %shift_left3A_1119 = arith.shli %get3A_1118, %broadcast_in_dim3A_995 : vector<16xi32>
        %bitcast_convert_type3A_1120 = tpu.bitcast %shift_left3A_1119 : vector<16xi32> -> vector<16xf32>
        %swap3A_1121 = arith.index_cast %scan3A_1083 : i32 to index
        %swap3A_1122 = arith.constant 64 : index
        %swap3A_1123 = tpu.vector_load %arg9[%swap3A_1121, %swap3A_1122] {strides = array<i32>} : memref<104x128xf32, #tpu.memory_space<vmem>>, vector<1x16xf32>,
        %swap3A_1124 = vector.shape_cast %swap3A_1123 : vector<1x16xf32> to vector<16xf32>
        %swap3A_1125 = vector.shape_cast %bitcast_convert_type3A_1120 : vector<16xf32> to vector<1x16xf32>
        tpu.vector_store %arg9[%swap3A_1121, %swap3A_1122], %swap3A_1125 {strides = array<i32>} : memref<104x128xf32, #tpu.memory_space<vmem>>, vector<1x16xf32>,
        %and3A_1126 = arith.andi %get3A_1118, %broadcast_in_dim3A_997 : vector<16xi32>
        %bitcast_convert_type3A_1127 = tpu.bitcast %and3A_1126 : vector<16xi32> -> vector<16xf32>
        %swap3A_1128 = arith.index_cast %scan3A_1083 : i32 to index
        %swap3A_1129 = arith.constant 80 : index
        %swap3A_1130 = tpu.vector_load %arg9[%swap3A_1128, %swap3A_1129] {strides = array<i32>} : memref<104x128xf32, #tpu.memory_space<vmem>>, vector<1x16xf32>,
        %swap3A_1131 = vector.shape_cast %swap3A_1130 : vector<1x16xf32> to vector<16xf32>
        %swap3A_1132 = vector.shape_cast %bitcast_convert_type3A_1127 : vector<16xf32> to vector<1x16xf32>
        tpu.vector_store %arg9[%swap3A_1128, %swap3A_1129], %swap3A_1132 {strides = array<i32>} : memref<104x128xf32, #tpu.memory_space<vmem>>, vector<1x16xf32>,
        %get3A_1133 = arith.index_cast %scan3A_1083 : i32 to index
        %get3A_1134 = arith.constant 48 : index
        %get3A_1135 = tpu.vector_load %arg6[%get3A_1133, %get3A_1134] {strides = array<i32>} : memref<104x64xi32, #tpu.memory_space<vmem>>, vector<1x16xi32>,
        %get3A_1136 = vector.shape_cast %get3A_1135 : vector<1x16xi32> to vector<16xi32>
        %shift_left3A_1137 = arith.shli %get3A_1136, %broadcast_in_dim3A_995 : vector<16xi32>
        %bitcast_convert_type3A_1138 = tpu.bitcast %shift_left3A_1137 : vector<16xi32> -> vector<16xf32>
        %swap3A_1139 = arith.index_cast %scan3A_1083 : i32 to index
        %swap3A_1140 = arith.constant 96 : index
        %swap3A_1141 = tpu.vector_load %arg9[%swap3A_1139, %swap3A_1140] {strides = array<i32>} : memref<104x128xf32, #tpu.memory_space<vmem>>, vector<1x16xf32>,
        %swap3A_1142 = vector.shape_cast %swap3A_1141 : vector<1x16xf32> to vector<16xf32>
        %swap3A_1143 = vector.shape_cast %bitcast_convert_type3A_1138 : vector<16xf32> to vector<1x16xf32>
        tpu.vector_store %arg9[%swap3A_1139, %swap3A_1140], %swap3A_1143 {strides = array<i32>} : memref<104x128xf32, #tpu.memory_space<vmem>>, vector<1x16xf32>,
        %and3A_1144 = arith.andi %get3A_1136, %broadcast_in_dim3A_997 : vector<16xi32>
        %bitcast_convert_type3A_1145 = tpu.bitcast %and3A_1144 : vector<16xi32> -> vector<16xf32>
        %swap3A_1146 = arith.index_cast %scan3A_1083 : i32 to index
        %swap3A_1147 = arith.constant 112 : index
        %swap3A_1148 = tpu.vector_load %arg9[%swap3A_1146, %swap3A_1147] {strides = array<i32>} : memref<104x128xf32, #tpu.memory_space<vmem>>, vector<1x16xf32>,
        %swap3A_1149 = vector.shape_cast %swap3A_1148 : vector<1x16xf32> to vector<16xf32>
        %swap3A_1150 = vector.shape_cast %bitcast_convert_type3A_1145 : vector<16xf32> to vector<1x16xf32>
        tpu.vector_store %arg9[%swap3A_1146, %swap3A_1147], %swap3A_1150 {strides = array<i32>} : memref<104x128xf32, #tpu.memory_space<vmem>>, vector<1x16xf32>,
      }
      %scan3A_1003 = arith.constant 104 : i32
      %dma_start3A_1004 = arith.constant 0 : i32
      %dma_start3A_1005 = arith.constant 1 : i32
      %dma_start3A_1006 = arith.constant 0 : i32
      %dma_start3A_1007 = arith.constant 0 : i32
      %dma_start3A_1008 = tpu.memref_slice %arg5[%dma_start3A_1004, %dma_start3A_1006, %dma_start3A_1007] : memref<4x2x104xi32, #tpu.memory_space<vmem>> -> memref<1x2x104xi32, #tpu.memory_space<vmem>>
      %dma_start3A_1009 = tpu.memref_squeeze %dma_start3A_1008 : memref<1x2x104xi32, #tpu.memory_space<vmem>> -> memref<2x104xi32, #tpu.memory_space<vmem>>
      %dma_start3A_1010 = arith.constant 0 : i32
      %dma_start3A_1011 = tpu.memref_slice %dma_start3A_1009[%dma_start3A_1005, %dma_start3A_1010] : memref<2x104xi32, #tpu.memory_space<vmem>> -> memref<1x104xi32, #tpu.memory_space<vmem>>
      %dma_start3A_1012 = tpu.memref_squeeze %dma_start3A_1011 : memref<1x104xi32, #tpu.memory_space<vmem>> -> memref<104xi32, #tpu.memory_space<vmem>>
      %dma_start3A_1013 = arith.constant 0 : i32
      %dma_start3A_1014 = arith.constant 0 : i32
      %dma_start3A_1015 = tpu.memref_slice %arg11[%dma_start3A_1013, %dma_start3A_1014] : memref<10240x128xf32, #tpu.memory_space<vmem_shared>> -> memref<10240x128xf32, #tpu.memory_space<vmem_shared>>
      tpu.enqueue_indirect_dma source(%arg9 : memref<104x128xf32, #tpu.memory_space<vmem>>) target(%dma_start3A_1015 : memref<10240x128xf32, #tpu.memory_space<vmem_shared>>) offsets(%dma_start3A_1012 : memref<104xi32, #tpu.memory_space<vmem>>) semaphore(%arg15 : memref<!tpu.dma_semaphore, #tpu.memory_space<semaphore_mem>>) {add = true}
      %mul3A_1016 = arith.constant 12 : i32
      %mul3A_1017 = arith.muli %mul3A_1016, %scan3A_278 : i32
      %add3A_1018 = arith.constant 2 : i32
      %add3A_1019 = arith.addi %mul3A_1017, %add3A_1018 : i32
      %add3A_1020 = arith.constant 11 : i32
      %add3A_1021 = arith.addi %add3A_1019, %add3A_1020 : i32
      %dma_wait3A_1022 = arith.constant 1 : i32
      %dma_wait3A_1023 = arith.constant 0 : i32
      %dma_wait3A_1024 = arith.constant 0 : i32
      %dma_wait3A_1025 = arith.constant 0 : i32
      %dma_wait3A_1026 = tpu.memref_slice %arg5[%dma_wait3A_1022, %dma_wait3A_1024, %dma_wait3A_1025] : memref<4x2x104xi32, #tpu.memory_space<vmem>> -> memref<1x2x104xi32, #tpu.memory_space<vmem>>
      %dma_wait3A_1027 = tpu.memref_squeeze %dma_wait3A_1026 : memref<1x2x104xi32, #tpu.memory_space<vmem>> -> memref<2x104xi32, #tpu.memory_space<vmem>>
      %dma_wait3A_1028 = arith.constant 0 : i32
      %dma_wait3A_1029 = tpu.memref_slice %dma_wait3A_1027[%dma_wait3A_1023, %dma_wait3A_1028] : memref<2x104xi32, #tpu.memory_space<vmem>> -> memref<1x104xi32, #tpu.memory_space<vmem>>
      %dma_wait3A_1030 = tpu.memref_squeeze %dma_wait3A_1029 : memref<1x104xi32, #tpu.memory_space<vmem>> -> memref<104xi32, #tpu.memory_space<vmem>>
      %dma_wait3A_1031 = arith.constant 0 : i32
      %dma_wait3A_1032 = arith.constant 0 : i32
      %dma_wait3A_1033 = tpu.memref_slice %arg2[%dma_wait3A_1031, %dma_wait3A_1032] : memref<20000x64xi32, #tpu.memory_space<hbm>> -> memref<20000x64xi32, #tpu.memory_space<hbm>>
      tpu.wait_indirect_dma semaphore(%arg13 : memref<!tpu.dma_semaphore, #tpu.memory_space<semaphore_mem>>) src(%dma_wait3A_1033 : memref<20000x64xi32, #tpu.memory_space<hbm>>) dst(%arg7 : memref<104x64xi32, #tpu.memory_space<vmem>>)
      %dma_wait3A_1034 = arith.constant 3 : i32
      %dma_wait3A_1035 = arith.constant 1 : i32
      %dma_wait3A_1036 = arith.constant 0 : i32
      %dma_wait3A_1037 = arith.constant 0 : i32
      %dma_wait3A_1038 = tpu.memref_slice %arg5[%dma_wait3A_1034, %dma_wait3A_1036, %dma_wait3A_1037] : memref<4x2x104xi32, #tpu.memory_space<vmem>> -> memref<1x2x104xi32, #tpu.memory_space<vmem>>
      %dma_wait3A_1039 = tpu.memref_squeeze %dma_wait3A_1038 : memref<1x2x104xi32, #tpu.memory_space<vmem>> -> memref<2x104xi32, #tpu.memory_space<vmem>>
      %dma_wait3A_1040 = arith.constant 0 : i32
      %dma_wait3A_1041 = tpu.memref_slice %dma_wait3A_1039[%dma_wait3A_1035, %dma_wait3A_1040] : memref<2x104xi32, #tpu.memory_space<vmem>> -> memref<1x104xi32, #tpu.memory_space<vmem>>
      %dma_wait3A_1042 = tpu.memref_squeeze %dma_wait3A_1041 : memref<1x104xi32, #tpu.memory_space<vmem>> -> memref<104xi32, #tpu.memory_space<vmem>>
      %dma_wait3A_1043 = arith.constant 0 : i32
      %dma_wait3A_1044 = arith.constant 0 : i32
      %dma_wait3A_1045 = tpu.memref_slice %arg11[%dma_wait3A_1043, %dma_wait3A_1044] : memref<10240x128xf32, #tpu.memory_space<vmem_shared>> -> memref<10240x128xf32, #tpu.memory_space<vmem_shared>>
      tpu.wait_indirect_dma semaphore(%arg16 : memref<!tpu.dma_semaphore, #tpu.memory_space<semaphore_mem>>) src(%arg10 : memref<104x128xf32, #tpu.memory_space<vmem>>) dst(%dma_wait3A_1045 : memref<10240x128xf32, #tpu.memory_space<vmem_shared>>)
      %add3A_1046 = arith.constant 2 : i32
      %add3A_1047 = arith.addi %add3A_1021, %add3A_1046 : i32
      %run_scoped3A_1048 = arith.constant 3 : i32
      "tpu.region"() ({
        %run_scoped3A_1083 = tpu.sem_alloc : memref<!tpu.dma_semaphore, #tpu.memory_space<semaphore_mem>>
        %dma_start3A_1084 = arith.constant 0 : i32
        %dma_start3A_1085 = arith.constant 0 : i32
        %dma_start3A_1086 = tpu.memref_slice %arg5[%run_scoped3A_1048, %dma_start3A_1084, %dma_start3A_1085] : memref<4x2x104xi32, #tpu.memory_space<vmem>> -> memref<1x2x104xi32, #tpu.memory_space<vmem>>
        %dma_start3A_1087 = tpu.memref_squeeze %dma_start3A_1086 : memref<1x2x104xi32, #tpu.memory_space<vmem>> -> memref<2x104xi32, #tpu.memory_space<vmem>>
        %dma_start3A_1088 = arith.constant 0 : i32
        %dma_start3A_1089 = arith.constant 0 : i32
        %dma_start3A_1090 = tpu.memref_slice %arg3[%arg0, %arg1, %add3A_1047, %dma_start3A_1088, %dma_start3A_1089] : memref<2x16x196x2x104xi32, #tpu.memory_space<hbm>> -> memref<1x1x1x2x104xi32, #tpu.memory_space<hbm>>
        %dma_start3A_1091 = tpu.memref_squeeze %dma_start3A_1090 : memref<1x1x1x2x104xi32, #tpu.memory_space<hbm>> -> memref<2x104xi32, #tpu.memory_space<hbm>>
        %dma_start3A_1092 = arith.constant 0 : i32
        %dma_start3A_1093 = arith.constant 0 : i32
        %dma_start3A_1094 = tpu.memref_slice %arg5[%run_scoped3A_1048, %dma_start3A_1092, %dma_start3A_1093] : memref<4x2x104xi32, #tpu.memory_space<vmem>> -> memref<1x2x104xi32, #tpu.memory_space<vmem>>
        %dma_start3A_1095 = tpu.memref_squeeze %dma_start3A_1094 : memref<1x2x104xi32, #tpu.memory_space<vmem>> -> memref<2x104xi32, #tpu.memory_space<vmem>>
        %dma_start3A_1096 = arith.constant 0 : i32
        %dma_start3A_1097 = arith.constant 0 : i32
        %dma_start3A_1098 = tpu.memref_slice %arg3[%arg0, %arg1, %add3A_1047, %dma_start3A_1096, %dma_start3A_1097] : memref<2x16x196x2x104xi32, #tpu.memory_space<hbm>> -> memref<1x1x1x2x104xi32, #tpu.memory_space<hbm>>
        %dma_start3A_1099 = tpu.memref_squeeze %dma_start3A_1098 : memref<1x1x1x2x104xi32, #tpu.memory_space<hbm>> -> memref<2x104xi32, #tpu.memory_space<hbm>>
        tpu.enqueue_dma source(%dma_start3A_1099 : memref<2x104xi32, #tpu.memory_space<hbm>>) target(%dma_start3A_1095 : memref<2x104xi32, #tpu.memory_space<vmem>>) target_semaphore(%run_scoped3A_1083 : memref<!tpu.dma_semaphore, #tpu.memory_space<semaphore_mem>>)
        %dma_wait3A_1100 = arith.constant 0 : i32
        %dma_wait3A_1101 = arith.constant 0 : i32
        %dma_wait3A_1102 = tpu.memref_slice %arg5[%run_scoped3A_1048, %dma_wait3A_1100, %dma_wait3A_1101] : memref<4x2x104xi32, #tpu.memory_space<vmem>> -> memref<1x2x104xi32, #tpu.memory_space<vmem>>
        %dma_wait3A_1103 = tpu.memref_squeeze %dma_wait3A_1102 : memref<1x2x104xi32, #tpu.memory_space<vmem>> -> memref<2x104xi32, #tpu.memory_space<vmem>>
        %dma_wait3A_1104 = arith.constant 0 : i32
        %dma_wait3A_1105 = arith.constant 0 : i32
        %dma_wait3A_1106 = tpu.memref_slice %arg3[%arg0, %arg1, %add3A_1047, %dma_wait3A_1104, %dma_wait3A_1105] : memref<2x16x196x2x104xi32, #tpu.memory_space<hbm>> -> memref<1x1x1x2x104xi32, #tpu.memory_space<hbm>>
        %dma_wait3A_1107 = tpu.memref_squeeze %dma_wait3A_1106 : memref<1x1x1x2x104xi32, #tpu.memory_space<hbm>> -> memref<2x104xi32, #tpu.memory_space<hbm>>
        %dma_wait3A_1108 = arith.constant 0 : i32
        %dma_wait3A_1109 = arith.constant 0 : i32
        %dma_wait3A_1110 = tpu.memref_slice %arg5[%run_scoped3A_1048, %dma_wait3A_1108, %dma_wait3A_1109] : memref<4x2x104xi32, #tpu.memory_space<vmem>> -> memref<1x2x104xi32, #tpu.memory_space<vmem>>
        %dma_wait3A_1111 = tpu.memref_squeeze %dma_wait3A_1110 : memref<1x2x104xi32, #tpu.memory_space<vmem>> -> memref<2x104xi32, #tpu.memory_space<vmem>>
        %dma_wait3A_1112 = arith.constant 0 : i32
        %dma_wait3A_1113 = arith.constant 0 : i32
        %dma_wait3A_1114 = tpu.memref_slice %arg3[%arg0, %arg1, %add3A_1047, %dma_wait3A_1112, %dma_wait3A_1113] : memref<2x16x196x2x104xi32, #tpu.memory_space<hbm>> -> memref<1x1x1x2x104xi32, #tpu.memory_space<hbm>>
        %dma_wait3A_1115 = tpu.memref_squeeze %dma_wait3A_1114 : memref<1x1x1x2x104xi32, #tpu.memory_space<hbm>> -> memref<2x104xi32, #tpu.memory_space<hbm>>
        tpu.wait_dma2 semaphore(%run_scoped3A_1083 : memref<!tpu.dma_semaphore, #tpu.memory_space<semaphore_mem>>) src(%dma_wait3A_1115 : memref<2x104xi32, #tpu.memory_space<hbm>>) dst(%dma_wait3A_1111 : memref<2x104xi32, #tpu.memory_space<vmem>>)
        tpu.yield
      }) : () -> ()
      %dma_start3A_1049 = arith.constant 3 : i32
      %dma_start3A_1050 = arith.constant 0 : i32
      %dma_start3A_1051 = arith.constant 0 : i32
      %dma_start3A_1052 = arith.constant 0 : i32
      %dma_start3A_1053 = tpu.memref_slice %arg5[%dma_start3A_1049, %dma_start3A_1051, %dma_start3A_1052] : memref<4x2x104xi32, #tpu.memory_space<vmem>> -> memref<1x2x104xi32, #tpu.memory_space<vmem>>
      %dma_start3A_1054 = tpu.memref_squeeze %dma_start3A_1053 : memref<1x2x104xi32, #tpu.memory_space<vmem>> -> memref<2x104xi32, #tpu.memory_space<vmem>>
      %dma_start3A_1055 = arith.constant 0 : i32
      %dma_start3A_1056 = tpu.memref_slice %dma_start3A_1054[%dma_start3A_1050, %dma_start3A_1055] : memref<2x104xi32, #tpu.memory_space<vmem>> -> memref<1x104xi32, #tpu.memory_space<vmem>>
      %dma_start3A_1057 = tpu.memref_squeeze %dma_start3A_1056 : memref<1x104xi32, #tpu.memory_space<vmem>> -> memref<104xi32, #tpu.memory_space<vmem>>
      %dma_start3A_1058 = arith.constant 0 : i32
      %dma_start3A_1059 = arith.constant 0 : i32
      %dma_start3A_1060 = tpu.memref_slice %arg2[%dma_start3A_1058, %dma_start3A_1059] : memref<20000x64xi32, #tpu.memory_space<hbm>> -> memref<20000x64xi32, #tpu.memory_space<hbm>>
      tpu.enqueue_indirect_dma source(%dma_start3A_1060 : memref<20000x64xi32, #tpu.memory_space<hbm>>) target(%arg6 : memref<104x64xi32, #tpu.memory_space<vmem>>) offsets(%dma_start3A_1057 : memref<104xi32, #tpu.memory_space<vmem>>) semaphore(%arg12 : memref<!tpu.dma_semaphore, #tpu.memory_space<semaphore_mem>>)
      %broadcast_in_dim3A_1061 = arith.constant 16 : i32
      %broadcast_in_dim3A_1062 = vector.broadcast %broadcast_in_dim3A_1061 : i32 to vector<16xi32>
      %broadcast_in_dim3A_1063 = arith.constant -65536 : i32
      %broadcast_in_dim3A_1064 = vector.broadcast %broadcast_in_dim3A_1063 : i32 to vector<16xi32>
      %scan3A_1065 = arith.constant 0 : i32
      %scan3A_1066 = arith.constant 0 : i32
      %scan3A_1067 = arith.constant 104 : i32
      %scan3A_1068 = arith.addi %scan3A_1066, %scan3A_1067 : i32
      %scan3A_1069 = arith.constant 1 : i32
      scf.for %scan3A_1083 = %scan3A_1066 to %scan3A_1068 step %scan3A_1069  : i32 {
        %get3A = arith.index_cast %scan3A_1083 : i32 to index
        %get3A_1084 = arith.constant 0 : index
        %get3A_1085 = tpu.vector_load %arg7[%get3A, %get3A_1084] {strides = array<i32>} : memref<104x64xi32, #tpu.memory_space<vmem>>, vector<1x16xi32>,
        %get3A_1086 = vector.shape_cast %get3A_1085 : vector<1x16xi32> to vector<16xi32>
        %shift_left3A = arith.shli %get3A_1086, %broadcast_in_dim3A_1062 : vector<16xi32>
        %bitcast_convert_type3A = tpu.bitcast %shift_left3A : vector<16xi32> -> vector<16xf32>
        %swap3A = arith.index_cast %scan3A_1083 : i32 to index
        %swap3A_1087 = arith.constant 0 : index
        %swap3A_1088 = tpu.vector_load %arg10[%swap3A, %swap3A_1087] {strides = array<i32>} : memref<104x128xf32, #tpu.memory_space<vmem>>, vector<1x16xf32>,
        %swap3A_1089 = vector.shape_cast %swap3A_1088 : vector<1x16xf32> to vector<16xf32>
        %swap3A_1090 = vector.shape_cast %bitcast_convert_type3A : vector<16xf32> to vector<1x16xf32>
        tpu.vector_store %arg10[%swap3A, %swap3A_1087], %swap3A_1090 {strides = array<i32>} : memref<104x128xf32, #tpu.memory_space<vmem>>, vector<1x16xf32>,
        %and3A = arith.andi %get3A_1086, %broadcast_in_dim3A_1064 : vector<16xi32>
        %bitcast_convert_type3A_1091 = tpu.bitcast %and3A : vector<16xi32> -> vector<16xf32>
        %swap3A_1092 = arith.index_cast %scan3A_1083 : i32 to index
        %swap3A_1093 = arith.constant 16 : index
        %swap3A_1094 = tpu.vector_load %arg10[%swap3A_1092, %swap3A_1093] {strides = array<i32>} : memref<104x128xf32, #tpu.memory_space<vmem>>, vector<1x16xf32>,
        %swap3A_1095 = vector.shape_cast %swap3A_1094 : vector<1x16xf32> to vector<16xf32>
        %swap3A_1096 = vector.shape_cast %bitcast_convert_type3A_1091 : vector<16xf32> to vector<1x16xf32>
        tpu.vector_store %arg10[%swap3A_1092, %swap3A_1093], %swap3A_1096 {strides = array<i32>} : memref<104x128xf32, #tpu.memory_space<vmem>>, vector<1x16xf32>,
        %get3A_1097 = arith.index_cast %scan3A_1083 : i32 to index
        %get3A_1098 = arith.constant 16 : index
        %get3A_1099 = tpu.vector_load %arg7[%get3A_1097, %get3A_1098] {strides = array<i32>} : memref<104x64xi32, #tpu.memory_space<vmem>>, vector<1x16xi32>,
        %get3A_1100 = vector.shape_cast %get3A_1099 : vector<1x16xi32> to vector<16xi32>
        %shift_left3A_1101 = arith.shli %get3A_1100, %broadcast_in_dim3A_1062 : vector<16xi32>
        %bitcast_convert_type3A_1102 = tpu.bitcast %shift_left3A_1101 : vector<16xi32> -> vector<16xf32>
        %swap3A_1103 = arith.index_cast %scan3A_1083 : i32 to index
        %swap3A_1104 = arith.constant 32 : index
        %swap3A_1105 = tpu.vector_load %arg10[%swap3A_1103, %swap3A_1104] {strides = array<i32>} : memref<104x128xf32, #tpu.memory_space<vmem>>, vector<1x16xf32>,
        %swap3A_1106 = vector.shape_cast %swap3A_1105 : vector<1x16xf32> to vector<16xf32>
        %swap3A_1107 = vector.shape_cast %bitcast_convert_type3A_1102 : vector<16xf32> to vector<1x16xf32>
        tpu.vector_store %arg10[%swap3A_1103, %swap3A_1104], %swap3A_1107 {strides = array<i32>} : memref<104x128xf32, #tpu.memory_space<vmem>>, vector<1x16xf32>,
        %and3A_1108 = arith.andi %get3A_1100, %broadcast_in_dim3A_1064 : vector<16xi32>
        %bitcast_convert_type3A_1109 = tpu.bitcast %and3A_1108 : vector<16xi32> -> vector<16xf32>
        %swap3A_1110 = arith.index_cast %scan3A_1083 : i32 to index
        %swap3A_1111 = arith.constant 48 : index
        %swap3A_1112 = tpu.vector_load %arg10[%swap3A_1110, %swap3A_1111] {strides = array<i32>} : memref<104x128xf32, #tpu.memory_space<vmem>>, vector<1x16xf32>,
        %swap3A_1113 = vector.shape_cast %swap3A_1112 : vector<1x16xf32> to vector<16xf32>
        %swap3A_1114 = vector.shape_cast %bitcast_convert_type3A_1109 : vector<16xf32> to vector<1x16xf32>
        tpu.vector_store %arg10[%swap3A_1110, %swap3A_1111], %swap3A_1114 {strides = array<i32>} : memref<104x128xf32, #tpu.memory_space<vmem>>, vector<1x16xf32>,
        %get3A_1115 = arith.index_cast %scan3A_1083 : i32 to index
        %get3A_1116 = arith.constant 32 : index
        %get3A_1117 = tpu.vector_load %arg7[%get3A_1115, %get3A_1116] {strides = array<i32>} : memref<104x64xi32, #tpu.memory_space<vmem>>, vector<1x16xi32>,
        %get3A_1118 = vector.shape_cast %get3A_1117 : vector<1x16xi32> to vector<16xi32>
        %shift_left3A_1119 = arith.shli %get3A_1118, %broadcast_in_dim3A_1062 : vector<16xi32>
        %bitcast_convert_type3A_1120 = tpu.bitcast %shift_left3A_1119 : vector<16xi32> -> vector<16xf32>
        %swap3A_1121 = arith.index_cast %scan3A_1083 : i32 to index
        %swap3A_1122 = arith.constant 64 : index
        %swap3A_1123 = tpu.vector_load %arg10[%swap3A_1121, %swap3A_1122] {strides = array<i32>} : memref<104x128xf32, #tpu.memory_space<vmem>>, vector<1x16xf32>,
        %swap3A_1124 = vector.shape_cast %swap3A_1123 : vector<1x16xf32> to vector<16xf32>
        %swap3A_1125 = vector.shape_cast %bitcast_convert_type3A_1120 : vector<16xf32> to vector<1x16xf32>
        tpu.vector_store %arg10[%swap3A_1121, %swap3A_1122], %swap3A_1125 {strides = array<i32>} : memref<104x128xf32, #tpu.memory_space<vmem>>, vector<1x16xf32>,
        %and3A_1126 = arith.andi %get3A_1118, %broadcast_in_dim3A_1064 : vector<16xi32>
        %bitcast_convert_type3A_1127 = tpu.bitcast %and3A_1126 : vector<16xi32> -> vector<16xf32>
        %swap3A_1128 = arith.index_cast %scan3A_1083 : i32 to index
        %swap3A_1129 = arith.constant 80 : index
        %swap3A_1130 = tpu.vector_load %arg10[%swap3A_1128, %swap3A_1129] {strides = array<i32>} : memref<104x128xf32, #tpu.memory_space<vmem>>, vector<1x16xf32>,
        %swap3A_1131 = vector.shape_cast %swap3A_1130 : vector<1x16xf32> to vector<16xf32>
        %swap3A_1132 = vector.shape_cast %bitcast_convert_type3A_1127 : vector<16xf32> to vector<1x16xf32>
        tpu.vector_store %arg10[%swap3A_1128, %swap3A_1129], %swap3A_1132 {strides = array<i32>} : memref<104x128xf32, #tpu.memory_space<vmem>>, vector<1x16xf32>,
        %get3A_1133 = arith.index_cast %scan3A_1083 : i32 to index
        %get3A_1134 = arith.constant 48 : index
        %get3A_1135 = tpu.vector_load %arg7[%get3A_1133, %get3A_1134] {strides = array<i32>} : memref<104x64xi32, #tpu.memory_space<vmem>>, vector<1x16xi32>,
        %get3A_1136 = vector.shape_cast %get3A_1135 : vector<1x16xi32> to vector<16xi32>
        %shift_left3A_1137 = arith.shli %get3A_1136, %broadcast_in_dim3A_1062 : vector<16xi32>
        %bitcast_convert_type3A_1138 = tpu.bitcast %shift_left3A_1137 : vector<16xi32> -> vector<16xf32>
        %swap3A_1139 = arith.index_cast %scan3A_1083 : i32 to index
        %swap3A_1140 = arith.constant 96 : index
        %swap3A_1141 = tpu.vector_load %arg10[%swap3A_1139, %swap3A_1140] {strides = array<i32>} : memref<104x128xf32, #tpu.memory_space<vmem>>, vector<1x16xf32>,
        %swap3A_1142 = vector.shape_cast %swap3A_1141 : vector<1x16xf32> to vector<16xf32>
        %swap3A_1143 = vector.shape_cast %bitcast_convert_type3A_1138 : vector<16xf32> to vector<1x16xf32>
        tpu.vector_store %arg10[%swap3A_1139, %swap3A_1140], %swap3A_1143 {strides = array<i32>} : memref<104x128xf32, #tpu.memory_space<vmem>>, vector<1x16xf32>,
        %and3A_1144 = arith.andi %get3A_1136, %broadcast_in_dim3A_1064 : vector<16xi32>
        %bitcast_convert_type3A_1145 = tpu.bitcast %and3A_1144 : vector<16xi32> -> vector<16xf32>
        %swap3A_1146 = arith.index_cast %scan3A_1083 : i32 to index
        %swap3A_1147 = arith.constant 112 : index
        %swap3A_1148 = tpu.vector_load %arg10[%swap3A_1146, %swap3A_1147] {strides = array<i32>} : memref<104x128xf32, #tpu.memory_space<vmem>>, vector<1x16xf32>,
        %swap3A_1149 = vector.shape_cast %swap3A_1148 : vector<1x16xf32> to vector<16xf32>
        %swap3A_1150 = vector.shape_cast %bitcast_convert_type3A_1145 : vector<16xf32> to vector<1x16xf32>
        tpu.vector_store %arg10[%swap3A_1146, %swap3A_1147], %swap3A_1150 {strides = array<i32>} : memref<104x128xf32, #tpu.memory_space<vmem>>, vector<1x16xf32>,
      }
      %scan3A_1070 = arith.constant 104 : i32
      %dma_start3A_1071 = arith.constant 1 : i32
      %dma_start3A_1072 = arith.constant 1 : i32
      %dma_start3A_1073 = arith.constant 0 : i32
      %dma_start3A_1074 = arith.constant 0 : i32
      %dma_start3A_1075 = tpu.memref_slice %arg5[%dma_start3A_1071, %dma_start3A_1073, %dma_start3A_1074] : memref<4x2x104xi32, #tpu.memory_space<vmem>> -> memref<1x2x104xi32, #tpu.memory_space<vmem>>
      %dma_start3A_1076 = tpu.memref_squeeze %dma_start3A_1075 : memref<1x2x104xi32, #tpu.memory_space<vmem>> -> memref<2x104xi32, #tpu.memory_space<vmem>>
      %dma_start3A_1077 = arith.constant 0 : i32
      %dma_start3A_1078 = tpu.memref_slice %dma_start3A_1076[%dma_start3A_1072, %dma_start3A_1077] : memref<2x104xi32, #tpu.memory_space<vmem>> -> memref<1x104xi32, #tpu.memory_space<vmem>>
      %dma_start3A_1079 = tpu.memref_squeeze %dma_start3A_1078 : memref<1x104xi32, #tpu.memory_space<vmem>> -> memref<104xi32, #tpu.memory_space<vmem>>
      %dma_start3A_1080 = arith.constant 0 : i32
      %dma_start3A_1081 = arith.constant 0 : i32
      %dma_start3A_1082 = tpu.memref_slice %arg11[%dma_start3A_1080, %dma_start3A_1081] : memref<10240x128xf32, #tpu.memory_space<vmem_shared>> -> memref<10240x128xf32, #tpu.memory_space<vmem_shared>>
      tpu.enqueue_indirect_dma source(%arg10 : memref<104x128xf32, #tpu.memory_space<vmem>>) target(%dma_start3A_1082 : memref<10240x128xf32, #tpu.memory_space<vmem_shared>>) offsets(%dma_start3A_1079 : memref<104xi32, #tpu.memory_space<vmem>>) semaphore(%arg16 : memref<!tpu.dma_semaphore, #tpu.memory_space<semaphore_mem>>) {add = true}
    }
    %scan3A_156 = arith.constant 16 : i32
    %dma_wait3A_157 = arith.constant 2 : i32
    %dma_wait3A_158 = arith.constant 0 : i32
    %dma_wait3A_159 = arith.constant 0 : i32
    %dma_wait3A_160 = arith.constant 0 : i32
    %dma_wait3A_161 = tpu.memref_slice %arg5[%dma_wait3A_157, %dma_wait3A_159, %dma_wait3A_160] : memref<4x2x104xi32, #tpu.memory_space<vmem>> -> memref<1x2x104xi32, #tpu.memory_space<vmem>>
    %dma_wait3A_162 = tpu.memref_squeeze %dma_wait3A_161 : memref<1x2x104xi32, #tpu.memory_space<vmem>> -> memref<2x104xi32, #tpu.memory_space<vmem>>
    %dma_wait3A_163 = arith.constant 0 : i32
    %dma_wait3A_164 = tpu.memref_slice %dma_wait3A_162[%dma_wait3A_158, %dma_wait3A_163] : memref<2x104xi32, #tpu.memory_space<vmem>> -> memref<1x104xi32, #tpu.memory_space<vmem>>
    %dma_wait3A_165 = tpu.memref_squeeze %dma_wait3A_164 : memref<1x104xi32, #tpu.memory_space<vmem>> -> memref<104xi32, #tpu.memory_space<vmem>>
    %dma_wait3A_166 = arith.constant 0 : i32
    %dma_wait3A_167 = arith.constant 0 : i32
    %dma_wait3A_168 = tpu.memref_slice %arg2[%dma_wait3A_166, %dma_wait3A_167] : memref<20000x64xi32, #tpu.memory_space<hbm>> -> memref<20000x64xi32, #tpu.memory_space<hbm>>
    tpu.wait_indirect_dma semaphore(%arg14 : memref<!tpu.dma_semaphore, #tpu.memory_space<semaphore_mem>>) src(%dma_wait3A_168 : memref<20000x64xi32, #tpu.memory_space<hbm>>) dst(%arg8 : memref<104x64xi32, #tpu.memory_space<vmem>>)
    %dma_wait3A_169 = arith.constant 0 : i32
    %dma_wait3A_170 = arith.constant 1 : i32
    %dma_wait3A_171 = arith.constant 0 : i32
    %dma_wait3A_172 = arith.constant 0 : i32
    %dma_wait3A_173 = tpu.memref_slice %arg5[%dma_wait3A_169, %dma_wait3A_171, %dma_wait3A_172] : memref<4x2x104xi32, #tpu.memory_space<vmem>> -> memref<1x2x104xi32, #tpu.memory_space<vmem>>
    %dma_wait3A_174 = tpu.memref_squeeze %dma_wait3A_173 : memref<1x2x104xi32, #tpu.memory_space<vmem>> -> memref<2x104xi32, #tpu.memory_space<vmem>>
    %dma_wait3A_175 = arith.constant 0 : i32
    %dma_wait3A_176 = tpu.memref_slice %dma_wait3A_174[%dma_wait3A_170, %dma_wait3A_175] : memref<2x104xi32, #tpu.memory_space<vmem>> -> memref<1x104xi32, #tpu.memory_space<vmem>>
    %dma_wait3A_177 = tpu.memref_squeeze %dma_wait3A_176 : memref<1x104xi32, #tpu.memory_space<vmem>> -> memref<104xi32, #tpu.memory_space<vmem>>
    %dma_wait3A_178 = arith.constant 0 : i32
    %dma_wait3A_179 = arith.constant 0 : i32
    %dma_wait3A_180 = tpu.memref_slice %arg11[%dma_wait3A_178, %dma_wait3A_179] : memref<10240x128xf32, #tpu.memory_space<vmem_shared>> -> memref<10240x128xf32, #tpu.memory_space<vmem_shared>>
    tpu.wait_indirect_dma semaphore(%arg15 : memref<!tpu.dma_semaphore, #tpu.memory_space<semaphore_mem>>) src(%arg9 : memref<104x128xf32, #tpu.memory_space<vmem>>) dst(%dma_wait3A_180 : memref<10240x128xf32, #tpu.memory_space<vmem_shared>>)
    %broadcast_in_dim3A_181 = arith.constant 16 : i32
    %broadcast_in_dim3A_182 = vector.broadcast %broadcast_in_dim3A_181 : i32 to vector<16xi32>
    %broadcast_in_dim3A_183 = arith.constant -65536 : i32
    %broadcast_in_dim3A_184 = vector.broadcast %broadcast_in_dim3A_183 : i32 to vector<16xi32>
    %scan3A_185 = arith.constant 0 : i32
    %scan3A_186 = arith.constant 0 : i32
    %scan3A_187 = arith.constant 104 : i32
    %scan3A_188 = arith.addi %scan3A_186, %scan3A_187 : i32
    %scan3A_189 = arith.constant 1 : i32
    scf.for %scan3A_278 = %scan3A_186 to %scan3A_188 step %scan3A_189  : i32 {
      %get3A = arith.index_cast %scan3A_278 : i32 to index
      %get3A_279 = arith.constant 0 : index
      %get3A_280 = tpu.vector_load %arg8[%get3A, %get3A_279] {strides = array<i32>} : memref<104x64xi32, #tpu.memory_space<vmem>>, vector<1x16xi32>,
      %get3A_281 = vector.shape_cast %get3A_280 : vector<1x16xi32> to vector<16xi32>
      %shift_left3A = arith.shli %get3A_281, %broadcast_in_dim3A_182 : vector<16xi32>
      %bitcast_convert_type3A = tpu.bitcast %shift_left3A : vector<16xi32> -> vector<16xf32>
      %swap3A = arith.index_cast %scan3A_278 : i32 to index
      %swap3A_282 = arith.constant 0 : index
      %swap3A_283 = tpu.vector_load %arg9[%swap3A, %swap3A_282] {strides = array<i32>} : memref<104x128xf32, #tpu.memory_space<vmem>>, vector<1x16xf32>,
      %swap3A_284 = vector.shape_cast %swap3A_283 : vector<1x16xf32> to vector<16xf32>
      %swap3A_285 = vector.shape_cast %bitcast_convert_type3A : vector<16xf32> to vector<1x16xf32>
      tpu.vector_store %arg9[%swap3A, %swap3A_282], %swap3A_285 {strides = array<i32>} : memref<104x128xf32, #tpu.memory_space<vmem>>, vector<1x16xf32>,
      %and3A = arith.andi %get3A_281, %broadcast_in_dim3A_184 : vector<16xi32>
      %bitcast_convert_type3A_286 = tpu.bitcast %and3A : vector<16xi32> -> vector<16xf32>
      %swap3A_287 = arith.index_cast %scan3A_278 : i32 to index
      %swap3A_288 = arith.constant 16 : index
      %swap3A_289 = tpu.vector_load %arg9[%swap3A_287, %swap3A_288] {strides = array<i32>} : memref<104x128xf32, #tpu.memory_space<vmem>>, vector<1x16xf32>,
      %swap3A_290 = vector.shape_cast %swap3A_289 : vector<1x16xf32> to vector<16xf32>
      %swap3A_291 = vector.shape_cast %bitcast_convert_type3A_286 : vector<16xf32> to vector<1x16xf32>
      tpu.vector_store %arg9[%swap3A_287, %swap3A_288], %swap3A_291 {strides = array<i32>} : memref<104x128xf32, #tpu.memory_space<vmem>>, vector<1x16xf32>,
      %get3A_292 = arith.index_cast %scan3A_278 : i32 to index
      %get3A_293 = arith.constant 16 : index
      %get3A_294 = tpu.vector_load %arg8[%get3A_292, %get3A_293] {strides = array<i32>} : memref<104x64xi32, #tpu.memory_space<vmem>>, vector<1x16xi32>,
      %get3A_295 = vector.shape_cast %get3A_294 : vector<1x16xi32> to vector<16xi32>
      %shift_left3A_296 = arith.shli %get3A_295, %broadcast_in_dim3A_182 : vector<16xi32>
      %bitcast_convert_type3A_297 = tpu.bitcast %shift_left3A_296 : vector<16xi32> -> vector<16xf32>
      %swap3A_298 = arith.index_cast %scan3A_278 : i32 to index
      %swap3A_299 = arith.constant 32 : index
      %swap3A_300 = tpu.vector_load %arg9[%swap3A_298, %swap3A_299] {strides = array<i32>} : memref<104x128xf32, #tpu.memory_space<vmem>>, vector<1x16xf32>,
      %swap3A_301 = vector.shape_cast %swap3A_300 : vector<1x16xf32> to vector<16xf32>
      %swap3A_302 = vector.shape_cast %bitcast_convert_type3A_297 : vector<16xf32> to vector<1x16xf32>
      tpu.vector_store %arg9[%swap3A_298, %swap3A_299], %swap3A_302 {strides = array<i32>} : memref<104x128xf32, #tpu.memory_space<vmem>>, vector<1x16xf32>,
      %and3A_303 = arith.andi %get3A_295, %broadcast_in_dim3A_184 : vector<16xi32>
      %bitcast_convert_type3A_304 = tpu.bitcast %and3A_303 : vector<16xi32> -> vector<16xf32>
      %swap3A_305 = arith.index_cast %scan3A_278 : i32 to index
      %swap3A_306 = arith.constant 48 : index
      %swap3A_307 = tpu.vector_load %arg9[%swap3A_305, %swap3A_306] {strides = array<i32>} : memref<104x128xf32, #tpu.memory_space<vmem>>, vector<1x16xf32>,
      %swap3A_308 = vector.shape_cast %swap3A_307 : vector<1x16xf32> to vector<16xf32>
      %swap3A_309 = vector.shape_cast %bitcast_convert_type3A_304 : vector<16xf32> to vector<1x16xf32>
      tpu.vector_store %arg9[%swap3A_305, %swap3A_306], %swap3A_309 {strides = array<i32>} : memref<104x128xf32, #tpu.memory_space<vmem>>, vector<1x16xf32>,
      %get3A_310 = arith.index_cast %scan3A_278 : i32 to index
      %get3A_311 = arith.constant 32 : index
      %get3A_312 = tpu.vector_load %arg8[%get3A_310, %get3A_311] {strides = array<i32>} : memref<104x64xi32, #tpu.memory_space<vmem>>, vector<1x16xi32>,
      %get3A_313 = vector.shape_cast %get3A_312 : vector<1x16xi32> to vector<16xi32>
      %shift_left3A_314 = arith.shli %get3A_313, %broadcast_in_dim3A_182 : vector<16xi32>
      %bitcast_convert_type3A_315 = tpu.bitcast %shift_left3A_314 : vector<16xi32> -> vector<16xf32>
      %swap3A_316 = arith.index_cast %scan3A_278 : i32 to index
      %swap3A_317 = arith.constant 64 : index
      %swap3A_318 = tpu.vector_load %arg9[%swap3A_316, %swap3A_317] {strides = array<i32>} : memref<104x128xf32, #tpu.memory_space<vmem>>, vector<1x16xf32>,
      %swap3A_319 = vector.shape_cast %swap3A_318 : vector<1x16xf32> to vector<16xf32>
      %swap3A_320 = vector.shape_cast %bitcast_convert_type3A_315 : vector<16xf32> to vector<1x16xf32>
      tpu.vector_store %arg9[%swap3A_316, %swap3A_317], %swap3A_320 {strides = array<i32>} : memref<104x128xf32, #tpu.memory_space<vmem>>, vector<1x16xf32>,
      %and3A_321 = arith.andi %get3A_313, %broadcast_in_dim3A_184 : vector<16xi32>
      %bitcast_convert_type3A_322 = tpu.bitcast %and3A_321 : vector<16xi32> -> vector<16xf32>
      %swap3A_323 = arith.index_cast %scan3A_278 : i32 to index
      %swap3A_324 = arith.constant 80 : index
      %swap3A_325 = tpu.vector_load %arg9[%swap3A_323, %swap3A_324] {strides = array<i32>} : memref<104x128xf32, #tpu.memory_space<vmem>>, vector<1x16xf32>,
      %swap3A_326 = vector.shape_cast %swap3A_325 : vector<1x16xf32> to vector<16xf32>
      %swap3A_327 = vector.shape_cast %bitcast_convert_type3A_322 : vector<16xf32> to vector<1x16xf32>
      tpu.vector_store %arg9[%swap3A_323, %swap3A_324], %swap3A_327 {strides = array<i32>} : memref<104x128xf32, #tpu.memory_space<vmem>>, vector<1x16xf32>,
      %get3A_328 = arith.index_cast %scan3A_278 : i32 to index
      %get3A_329 = arith.constant 48 : index
      %get3A_330 = tpu.vector_load %arg8[%get3A_328, %get3A_329] {strides = array<i32>} : memref<104x64xi32, #tpu.memory_space<vmem>>, vector<1x16xi32>,
      %get3A_331 = vector.shape_cast %get3A_330 : vector<1x16xi32> to vector<16xi32>
      %shift_left3A_332 = arith.shli %get3A_331, %broadcast_in_dim3A_182 : vector<16xi32>
      %bitcast_convert_type3A_333 = tpu.bitcast %shift_left3A_332 : vector<16xi32> -> vector<16xf32>
      %swap3A_334 = arith.index_cast %scan3A_278 : i32 to index
      %swap3A_335 = arith.constant 96 : index
      %swap3A_336 = tpu.vector_load %arg9[%swap3A_334, %swap3A_335] {strides = array<i32>} : memref<104x128xf32, #tpu.memory_space<vmem>>, vector<1x16xf32>,
      %swap3A_337 = vector.shape_cast %swap3A_336 : vector<1x16xf32> to vector<16xf32>
      %swap3A_338 = vector.shape_cast %bitcast_convert_type3A_333 : vector<16xf32> to vector<1x16xf32>
      tpu.vector_store %arg9[%swap3A_334, %swap3A_335], %swap3A_338 {strides = array<i32>} : memref<104x128xf32, #tpu.memory_space<vmem>>, vector<1x16xf32>,
      %and3A_339 = arith.andi %get3A_331, %broadcast_in_dim3A_184 : vector<16xi32>
      %bitcast_convert_type3A_340 = tpu.bitcast %and3A_339 : vector<16xi32> -> vector<16xf32>
      %swap3A_341 = arith.index_cast %scan3A_278 : i32 to index
      %swap3A_342 = arith.constant 112 : index
      %swap3A_343 = tpu.vector_load %arg9[%swap3A_341, %swap3A_342] {strides = array<i32>} : memref<104x128xf32, #tpu.memory_space<vmem>>, vector<1x16xf32>,
      %swap3A_344 = vector.shape_cast %swap3A_343 : vector<1x16xf32> to vector<16xf32>
      %swap3A_345 = vector.shape_cast %bitcast_convert_type3A_340 : vector<16xf32> to vector<1x16xf32>
      tpu.vector_store %arg9[%swap3A_341, %swap3A_342], %swap3A_345 {strides = array<i32>} : memref<104x128xf32, #tpu.memory_space<vmem>>, vector<1x16xf32>,
    }
    %scan3A_190 = arith.constant 104 : i32
    %dma_start3A_191 = arith.constant 2 : i32
    %dma_start3A_192 = arith.constant 1 : i32
    %dma_start3A_193 = arith.constant 0 : i32
    %dma_start3A_194 = arith.constant 0 : i32
    %dma_start3A_195 = tpu.memref_slice %arg5[%dma_start3A_191, %dma_start3A_193, %dma_start3A_194] : memref<4x2x104xi32, #tpu.memory_space<vmem>> -> memref<1x2x104xi32, #tpu.memory_space<vmem>>
    %dma_start3A_196 = tpu.memref_squeeze %dma_start3A_195 : memref<1x2x104xi32, #tpu.memory_space<vmem>> -> memref<2x104xi32, #tpu.memory_space<vmem>>
    %dma_start3A_197 = arith.constant 0 : i32
    %dma_start3A_198 = tpu.memref_slice %dma_start3A_196[%dma_start3A_192, %dma_start3A_197] : memref<2x104xi32, #tpu.memory_space<vmem>> -> memref<1x104xi32, #tpu.memory_space<vmem>>
    %dma_start3A_199 = tpu.memref_squeeze %dma_start3A_198 : memref<1x104xi32, #tpu.memory_space<vmem>> -> memref<104xi32, #tpu.memory_space<vmem>>
    %dma_start3A_200 = arith.constant 0 : i32
    %dma_start3A_201 = arith.constant 0 : i32
    %dma_start3A_202 = tpu.memref_slice %arg11[%dma_start3A_200, %dma_start3A_201] : memref<10240x128xf32, #tpu.memory_space<vmem_shared>> -> memref<10240x128xf32, #tpu.memory_space<vmem_shared>>
    tpu.enqueue_indirect_dma source(%arg9 : memref<104x128xf32, #tpu.memory_space<vmem>>) target(%dma_start3A_202 : memref<10240x128xf32, #tpu.memory_space<vmem_shared>>) offsets(%dma_start3A_199 : memref<104xi32, #tpu.memory_space<vmem>>) semaphore(%arg15 : memref<!tpu.dma_semaphore, #tpu.memory_space<semaphore_mem>>) {add = true}
    %dma_wait3A_203 = arith.constant 3 : i32
    %dma_wait3A_204 = arith.constant 0 : i32
    %dma_wait3A_205 = arith.constant 0 : i32
    %dma_wait3A_206 = arith.constant 0 : i32
    %dma_wait3A_207 = tpu.memref_slice %arg5[%dma_wait3A_203, %dma_wait3A_205, %dma_wait3A_206] : memref<4x2x104xi32, #tpu.memory_space<vmem>> -> memref<1x2x104xi32, #tpu.memory_space<vmem>>
    %dma_wait3A_208 = tpu.memref_squeeze %dma_wait3A_207 : memref<1x2x104xi32, #tpu.memory_space<vmem>> -> memref<2x104xi32, #tpu.memory_space<vmem>>
    %dma_wait3A_209 = arith.constant 0 : i32
    %dma_wait3A_210 = tpu.memref_slice %dma_wait3A_208[%dma_wait3A_204, %dma_wait3A_209] : memref<2x104xi32, #tpu.memory_space<vmem>> -> memref<1x104xi32, #tpu.memory_space<vmem>>
    %dma_wait3A_211 = tpu.memref_squeeze %dma_wait3A_210 : memref<1x104xi32, #tpu.memory_space<vmem>> -> memref<104xi32, #tpu.memory_space<vmem>>
    %dma_wait3A_212 = arith.constant 0 : i32
    %dma_wait3A_213 = arith.constant 0 : i32
    %dma_wait3A_214 = tpu.memref_slice %arg2[%dma_wait3A_212, %dma_wait3A_213] : memref<20000x64xi32, #tpu.memory_space<hbm>> -> memref<20000x64xi32, #tpu.memory_space<hbm>>
    tpu.wait_indirect_dma semaphore(%arg12 : memref<!tpu.dma_semaphore, #tpu.memory_space<semaphore_mem>>) src(%dma_wait3A_214 : memref<20000x64xi32, #tpu.memory_space<hbm>>) dst(%arg6 : memref<104x64xi32, #tpu.memory_space<vmem>>)
    %dma_wait3A_215 = arith.constant 1 : i32
    %dma_wait3A_216 = arith.constant 1 : i32
    %dma_wait3A_217 = arith.constant 0 : i32
    %dma_wait3A_218 = arith.constant 0 : i32
    %dma_wait3A_219 = tpu.memref_slice %arg5[%dma_wait3A_215, %dma_wait3A_217, %dma_wait3A_218] : memref<4x2x104xi32, #tpu.memory_space<vmem>> -> memref<1x2x104xi32, #tpu.memory_space<vmem>>
    %dma_wait3A_220 = tpu.memref_squeeze %dma_wait3A_219 : memref<1x2x104xi32, #tpu.memory_space<vmem>> -> memref<2x104xi32, #tpu.memory_space<vmem>>
    %dma_wait3A_221 = arith.constant 0 : i32
    %dma_wait3A_222 = tpu.memref_slice %dma_wait3A_220[%dma_wait3A_216, %dma_wait3A_221] : memref<2x104xi32, #tpu.memory_space<vmem>> -> memref<1x104xi32, #tpu.memory_space<vmem>>
    %dma_wait3A_223 = tpu.memref_squeeze %dma_wait3A_222 : memref<1x104xi32, #tpu.memory_space<vmem>> -> memref<104xi32, #tpu.memory_space<vmem>>
    %dma_wait3A_224 = arith.constant 0 : i32
    %dma_wait3A_225 = arith.constant 0 : i32
    %dma_wait3A_226 = tpu.memref_slice %arg11[%dma_wait3A_224, %dma_wait3A_225] : memref<10240x128xf32, #tpu.memory_space<vmem_shared>> -> memref<10240x128xf32, #tpu.memory_space<vmem_shared>>
    tpu.wait_indirect_dma semaphore(%arg16 : memref<!tpu.dma_semaphore, #tpu.memory_space<semaphore_mem>>) src(%arg10 : memref<104x128xf32, #tpu.memory_space<vmem>>) dst(%dma_wait3A_226 : memref<10240x128xf32, #tpu.memory_space<vmem_shared>>)
    %broadcast_in_dim3A_227 = arith.constant 16 : i32
    %broadcast_in_dim3A_228 = vector.broadcast %broadcast_in_dim3A_227 : i32 to vector<16xi32>
    %broadcast_in_dim3A_229 = arith.constant -65536 : i32
    %broadcast_in_dim3A_230 = vector.broadcast %broadcast_in_dim3A_229 : i32 to vector<16xi32>
    %scan3A_231 = arith.constant 0 : i32
    %scan3A_232 = arith.constant 0 : i32
    %scan3A_233 = arith.constant 104 : i32
    %scan3A_234 = arith.addi %scan3A_232, %scan3A_233 : i32
    %scan3A_235 = arith.constant 1 : i32
    scf.for %scan3A_278 = %scan3A_232 to %scan3A_234 step %scan3A_235  : i32 {
      %get3A = arith.index_cast %scan3A_278 : i32 to index
      %get3A_279 = arith.constant 0 : index
      %get3A_280 = tpu.vector_load %arg6[%get3A, %get3A_279] {strides = array<i32>} : memref<104x64xi32, #tpu.memory_space<vmem>>, vector<1x16xi32>,
      %get3A_281 = vector.shape_cast %get3A_280 : vector<1x16xi32> to vector<16xi32>
      %shift_left3A = arith.shli %get3A_281, %broadcast_in_dim3A_228 : vector<16xi32>
      %bitcast_convert_type3A = tpu.bitcast %shift_left3A : vector<16xi32> -> vector<16xf32>
      %swap3A = arith.index_cast %scan3A_278 : i32 to index
      %swap3A_282 = arith.constant 0 : index
      %swap3A_283 = tpu.vector_load %arg10[%swap3A, %swap3A_282] {strides = array<i32>} : memref<104x128xf32, #tpu.memory_space<vmem>>, vector<1x16xf32>,
      %swap3A_284 = vector.shape_cast %swap3A_283 : vector<1x16xf32> to vector<16xf32>
      %swap3A_285 = vector.shape_cast %bitcast_convert_type3A : vector<16xf32> to vector<1x16xf32>
      tpu.vector_store %arg10[%swap3A, %swap3A_282], %swap3A_285 {strides = array<i32>} : memref<104x128xf32, #tpu.memory_space<vmem>>, vector<1x16xf32>,
      %and3A = arith.andi %get3A_281, %broadcast_in_dim3A_230 : vector<16xi32>
      %bitcast_convert_type3A_286 = tpu.bitcast %and3A : vector<16xi32> -> vector<16xf32>
      %swap3A_287 = arith.index_cast %scan3A_278 : i32 to index
      %swap3A_288 = arith.constant 16 : index
      %swap3A_289 = tpu.vector_load %arg10[%swap3A_287, %swap3A_288] {strides = array<i32>} : memref<104x128xf32, #tpu.memory_space<vmem>>, vector<1x16xf32>,
      %swap3A_290 = vector.shape_cast %swap3A_289 : vector<1x16xf32> to vector<16xf32>
      %swap3A_291 = vector.shape_cast %bitcast_convert_type3A_286 : vector<16xf32> to vector<1x16xf32>
      tpu.vector_store %arg10[%swap3A_287, %swap3A_288], %swap3A_291 {strides = array<i32>} : memref<104x128xf32, #tpu.memory_space<vmem>>, vector<1x16xf32>,
      %get3A_292 = arith.index_cast %scan3A_278 : i32 to index
      %get3A_293 = arith.constant 16 : index
      %get3A_294 = tpu.vector_load %arg6[%get3A_292, %get3A_293] {strides = array<i32>} : memref<104x64xi32, #tpu.memory_space<vmem>>, vector<1x16xi32>,
      %get3A_295 = vector.shape_cast %get3A_294 : vector<1x16xi32> to vector<16xi32>
      %shift_left3A_296 = arith.shli %get3A_295, %broadcast_in_dim3A_228 : vector<16xi32>
      %bitcast_convert_type3A_297 = tpu.bitcast %shift_left3A_296 : vector<16xi32> -> vector<16xf32>
      %swap3A_298 = arith.index_cast %scan3A_278 : i32 to index
      %swap3A_299 = arith.constant 32 : index
      %swap3A_300 = tpu.vector_load %arg10[%swap3A_298, %swap3A_299] {strides = array<i32>} : memref<104x128xf32, #tpu.memory_space<vmem>>, vector<1x16xf32>,
      %swap3A_301 = vector.shape_cast %swap3A_300 : vector<1x16xf32> to vector<16xf32>
      %swap3A_302 = vector.shape_cast %bitcast_convert_type3A_297 : vector<16xf32> to vector<1x16xf32>
      tpu.vector_store %arg10[%swap3A_298, %swap3A_299], %swap3A_302 {strides = array<i32>} : memref<104x128xf32, #tpu.memory_space<vmem>>, vector<1x16xf32>,
      %and3A_303 = arith.andi %get3A_295, %broadcast_in_dim3A_230 : vector<16xi32>
      %bitcast_convert_type3A_304 = tpu.bitcast %and3A_303 : vector<16xi32> -> vector<16xf32>
      %swap3A_305 = arith.index_cast %scan3A_278 : i32 to index
      %swap3A_306 = arith.constant 48 : index
      %swap3A_307 = tpu.vector_load %arg10[%swap3A_305, %swap3A_306] {strides = array<i32>} : memref<104x128xf32, #tpu.memory_space<vmem>>, vector<1x16xf32>,
      %swap3A_308 = vector.shape_cast %swap3A_307 : vector<1x16xf32> to vector<16xf32>
      %swap3A_309 = vector.shape_cast %bitcast_convert_type3A_304 : vector<16xf32> to vector<1x16xf32>
      tpu.vector_store %arg10[%swap3A_305, %swap3A_306], %swap3A_309 {strides = array<i32>} : memref<104x128xf32, #tpu.memory_space<vmem>>, vector<1x16xf32>,
      %get3A_310 = arith.index_cast %scan3A_278 : i32 to index
      %get3A_311 = arith.constant 32 : index
      %get3A_312 = tpu.vector_load %arg6[%get3A_310, %get3A_311] {strides = array<i32>} : memref<104x64xi32, #tpu.memory_space<vmem>>, vector<1x16xi32>,
      %get3A_313 = vector.shape_cast %get3A_312 : vector<1x16xi32> to vector<16xi32>
      %shift_left3A_314 = arith.shli %get3A_313, %broadcast_in_dim3A_228 : vector<16xi32>
      %bitcast_convert_type3A_315 = tpu.bitcast %shift_left3A_314 : vector<16xi32> -> vector<16xf32>
      %swap3A_316 = arith.index_cast %scan3A_278 : i32 to index
      %swap3A_317 = arith.constant 64 : index
      %swap3A_318 = tpu.vector_load %arg10[%swap3A_316, %swap3A_317] {strides = array<i32>} : memref<104x128xf32, #tpu.memory_space<vmem>>, vector<1x16xf32>,
      %swap3A_319 = vector.shape_cast %swap3A_318 : vector<1x16xf32> to vector<16xf32>
      %swap3A_320 = vector.shape_cast %bitcast_convert_type3A_315 : vector<16xf32> to vector<1x16xf32>
      tpu.vector_store %arg10[%swap3A_316, %swap3A_317], %swap3A_320 {strides = array<i32>} : memref<104x128xf32, #tpu.memory_space<vmem>>, vector<1x16xf32>,
      %and3A_321 = arith.andi %get3A_313, %broadcast_in_dim3A_230 : vector<16xi32>
      %bitcast_convert_type3A_322 = tpu.bitcast %and3A_321 : vector<16xi32> -> vector<16xf32>
      %swap3A_323 = arith.index_cast %scan3A_278 : i32 to index
      %swap3A_324 = arith.constant 80 : index
      %swap3A_325 = tpu.vector_load %arg10[%swap3A_323, %swap3A_324] {strides = array<i32>} : memref<104x128xf32, #tpu.memory_space<vmem>>, vector<1x16xf32>,
      %swap3A_326 = vector.shape_cast %swap3A_325 : vector<1x16xf32> to vector<16xf32>
      %swap3A_327 = vector.shape_cast %bitcast_convert_type3A_322 : vector<16xf32> to vector<1x16xf32>
      tpu.vector_store %arg10[%swap3A_323, %swap3A_324], %swap3A_327 {strides = array<i32>} : memref<104x128xf32, #tpu.memory_space<vmem>>, vector<1x16xf32>,
      %get3A_328 = arith.index_cast %scan3A_278 : i32 to index
      %get3A_329 = arith.constant 48 : index
      %get3A_330 = tpu.vector_load %arg6[%get3A_328, %get3A_329] {strides = array<i32>} : memref<104x64xi32, #tpu.memory_space<vmem>>, vector<1x16xi32>,
      %get3A_331 = vector.shape_cast %get3A_330 : vector<1x16xi32> to vector<16xi32>
      %shift_left3A_332 = arith.shli %get3A_331, %broadcast_in_dim3A_228 : vector<16xi32>
      %bitcast_convert_type3A_333 = tpu.bitcast %shift_left3A_332 : vector<16xi32> -> vector<16xf32>
      %swap3A_334 = arith.index_cast %scan3A_278 : i32 to index
      %swap3A_335 = arith.constant 96 : index
      %swap3A_336 = tpu.vector_load %arg10[%swap3A_334, %swap3A_335] {strides = array<i32>} : memref<104x128xf32, #tpu.memory_space<vmem>>, vector<1x16xf32>,
      %swap3A_337 = vector.shape_cast %swap3A_336 : vector<1x16xf32> to vector<16xf32>
      %swap3A_338 = vector.shape_cast %bitcast_convert_type3A_333 : vector<16xf32> to vector<1x16xf32>
      tpu.vector_store %arg10[%swap3A_334, %swap3A_335], %swap3A_338 {strides = array<i32>} : memref<104x128xf32, #tpu.memory_space<vmem>>, vector<1x16xf32>,
      %and3A_339 = arith.andi %get3A_331, %broadcast_in_dim3A_230 : vector<16xi32>
      %bitcast_convert_type3A_340 = tpu.bitcast %and3A_339 : vector<16xi32> -> vector<16xf32>
      %swap3A_341 = arith.index_cast %scan3A_278 : i32 to index
      %swap3A_342 = arith.constant 112 : index
      %swap3A_343 = tpu.vector_load %arg10[%swap3A_341, %swap3A_342] {strides = array<i32>} : memref<104x128xf32, #tpu.memory_space<vmem>>, vector<1x16xf32>,
      %swap3A_344 = vector.shape_cast %swap3A_343 : vector<1x16xf32> to vector<16xf32>
      %swap3A_345 = vector.shape_cast %bitcast_convert_type3A_340 : vector<16xf32> to vector<1x16xf32>
      tpu.vector_store %arg10[%swap3A_341, %swap3A_342], %swap3A_345 {strides = array<i32>} : memref<104x128xf32, #tpu.memory_space<vmem>>, vector<1x16xf32>,
    }
    %scan3A_236 = arith.constant 104 : i32
    %dma_start3A_237 = arith.constant 3 : i32
    %dma_start3A_238 = arith.constant 1 : i32
    %dma_start3A_239 = arith.constant 0 : i32
    %dma_start3A_240 = arith.constant 0 : i32
    %dma_start3A_241 = tpu.memref_slice %arg5[%dma_start3A_237, %dma_start3A_239, %dma_start3A_240] : memref<4x2x104xi32, #tpu.memory_space<vmem>> -> memref<1x2x104xi32, #tpu.memory_space<vmem>>
    %dma_start3A_242 = tpu.memref_squeeze %dma_start3A_241 : memref<1x2x104xi32, #tpu.memory_space<vmem>> -> memref<2x104xi32, #tpu.memory_space<vmem>>
    %dma_start3A_243 = arith.constant 0 : i32
    %dma_start3A_244 = tpu.memref_slice %dma_start3A_242[%dma_start3A_238, %dma_start3A_243] : memref<2x104xi32, #tpu.memory_space<vmem>> -> memref<1x104xi32, #tpu.memory_space<vmem>>
    %dma_start3A_245 = tpu.memref_squeeze %dma_start3A_244 : memref<1x104xi32, #tpu.memory_space<vmem>> -> memref<104xi32, #tpu.memory_space<vmem>>
    %dma_start3A_246 = arith.constant 0 : i32
    %dma_start3A_247 = arith.constant 0 : i32
    %dma_start3A_248 = tpu.memref_slice %arg11[%dma_start3A_246, %dma_start3A_247] : memref<10240x128xf32, #tpu.memory_space<vmem_shared>> -> memref<10240x128xf32, #tpu.memory_space<vmem_shared>>
    tpu.enqueue_indirect_dma source(%arg10 : memref<104x128xf32, #tpu.memory_space<vmem>>) target(%dma_start3A_248 : memref<10240x128xf32, #tpu.memory_space<vmem_shared>>) offsets(%dma_start3A_245 : memref<104xi32, #tpu.memory_space<vmem>>) semaphore(%arg16 : memref<!tpu.dma_semaphore, #tpu.memory_space<semaphore_mem>>) {add = true}
    %dma_wait3A_249 = arith.constant 2 : i32
    %dma_wait3A_250 = arith.constant 1 : i32
    %dma_wait3A_251 = arith.constant 0 : i32
    %dma_wait3A_252 = arith.constant 0 : i32
    %dma_wait3A_253 = tpu.memref_slice %arg5[%dma_wait3A_249, %dma_wait3A_251, %dma_wait3A_252] : memref<4x2x104xi32, #tpu.memory_space<vmem>> -> memref<1x2x104xi32, #tpu.memory_space<vmem>>
    %dma_wait3A_254 = tpu.memref_squeeze %dma_wait3A_253 : memref<1x2x104xi32, #tpu.memory_space<vmem>> -> memref<2x104xi32, #tpu.memory_space<vmem>>
    %dma_wait3A_255 = arith.constant 0 : i32
    %dma_wait3A_256 = tpu.memref_slice %dma_wait3A_254[%dma_wait3A_250, %dma_wait3A_255] : memref<2x104xi32, #tpu.memory_space<vmem>> -> memref<1x104xi32, #tpu.memory_space<vmem>>
    %dma_wait3A_257 = tpu.memref_squeeze %dma_wait3A_256 : memref<1x104xi32, #tpu.memory_space<vmem>> -> memref<104xi32, #tpu.memory_space<vmem>>
    %dma_wait3A_258 = arith.constant 0 : i32
    %dma_wait3A_259 = arith.constant 0 : i32
    %dma_wait3A_260 = tpu.memref_slice %arg11[%dma_wait3A_258, %dma_wait3A_259] : memref<10240x128xf32, #tpu.memory_space<vmem_shared>> -> memref<10240x128xf32, #tpu.memory_space<vmem_shared>>
    tpu.wait_indirect_dma semaphore(%arg15 : memref<!tpu.dma_semaphore, #tpu.memory_space<semaphore_mem>>) src(%arg9 : memref<104x128xf32, #tpu.memory_space<vmem>>) dst(%dma_wait3A_260 : memref<10240x128xf32, #tpu.memory_space<vmem_shared>>)
    %dma_wait3A_261 = arith.constant 3 : i32
    %dma_wait3A_262 = arith.constant 1 : i32
    %dma_wait3A_263 = arith.constant 0 : i32
    %dma_wait3A_264 = arith.constant 0 : i32
    %dma_wait3A_265 = tpu.memref_slice %arg5[%dma_wait3A_261, %dma_wait3A_263, %dma_wait3A_264] : memref<4x2x104xi32, #tpu.memory_space<vmem>> -> memref<1x2x104xi32, #tpu.memory_space<vmem>>
    %dma_wait3A_266 = tpu.memref_squeeze %dma_wait3A_265 : memref<1x2x104xi32, #tpu.memory_space<vmem>> -> memref<2x104xi32, #tpu.memory_space<vmem>>
    %dma_wait3A_267 = arith.constant 0 : i32
    %dma_wait3A_268 = tpu.memref_slice %dma_wait3A_266[%dma_wait3A_262, %dma_wait3A_267] : memref<2x104xi32, #tpu.memory_space<vmem>> -> memref<1x104xi32, #tpu.memory_space<vmem>>
    %dma_wait3A_269 = tpu.memref_squeeze %dma_wait3A_268 : memref<1x104xi32, #tpu.memory_space<vmem>> -> memref<104xi32, #tpu.memory_space<vmem>>
    %dma_wait3A_270 = arith.constant 0 : i32
    %dma_wait3A_271 = arith.constant 0 : i32
    %dma_wait3A_272 = tpu.memref_slice %arg11[%dma_wait3A_270, %dma_wait3A_271] : memref<10240x128xf32, #tpu.memory_space<vmem_shared>> -> memref<10240x128xf32, #tpu.memory_space<vmem_shared>>
    tpu.wait_indirect_dma semaphore(%arg16 : memref<!tpu.dma_semaphore, #tpu.memory_space<semaphore_mem>>) src(%arg10 : memref<104x128xf32, #tpu.memory_space<vmem>>) dst(%dma_wait3A_272 : memref<10240x128xf32, #tpu.memory_space<vmem_shared>>)
    %barrier3A_273 = arith.constant 0 : index
    tpu.barrier barrier_id(%barrier3A_273)
    %mul3A_274 = arith.constant 640 : i32
    %mul3A_275 = arith.muli %arg1, %mul3A_274 : i32
    %mul3A_276 = arith.constant 640 : i32
    %mul3A_277 = arith.muli %arg1, %mul3A_276 : i32
    "tpu.region"() ({
      %run_scoped3A_278 = tpu.sem_alloc : memref<!tpu.dma_semaphore, #tpu.memory_space<semaphore_mem>>
      %dma_start3A_279 = arith.constant 0 : i32
      %dma_start3A_280 = tpu.memref_slice %arg4[%arg0, %mul3A_277, %dma_start3A_279] : memref<2x10240x128xf32, #tpu.memory_space<hbm>> -> memref<1x640x128xf32, #tpu.memory_space<hbm>>
      %dma_start3A_281 = tpu.memref_squeeze %dma_start3A_280 : memref<1x640x128xf32, #tpu.memory_space<hbm>> -> memref<640x128xf32, #tpu.memory_space<hbm>>
      %dma_start3A_282 = arith.constant 0 : i32
      %dma_start3A_283 = tpu.memref_slice %arg11[%mul3A_275, %dma_start3A_282] : memref<10240x128xf32, #tpu.memory_space<vmem_shared>> -> memref<640x128xf32, #tpu.memory_space<vmem_shared>>
      tpu.enqueue_dma source(%dma_start3A_283 : memref<640x128xf32, #tpu.memory_space<vmem_shared>>) target(%dma_start3A_281 : memref<640x128xf32, #tpu.memory_space<hbm>>) target_semaphore(%run_scoped3A_278 : memref<!tpu.dma_semaphore, #tpu.memory_space<semaphore_mem>>)
      %dma_wait3A_284 = arith.constant 0 : i32
      %dma_wait3A_285 = tpu.memref_slice %arg4[%arg0, %mul3A_277, %dma_wait3A_284] : memref<2x10240x128xf32, #tpu.memory_space<hbm>> -> memref<1x640x128xf32, #tpu.memory_space<hbm>>
      %dma_wait3A_286 = tpu.memref_squeeze %dma_wait3A_285 : memref<1x640x128xf32, #tpu.memory_space<hbm>> -> memref<640x128xf32, #tpu.memory_space<hbm>>
      %dma_wait3A_287 = arith.constant 0 : i32
      %dma_wait3A_288 = tpu.memref_slice %arg11[%mul3A_275, %dma_wait3A_287] : memref<10240x128xf32, #tpu.memory_space<vmem_shared>> -> memref<640x128xf32, #tpu.memory_space<vmem_shared>>
      tpu.wait_dma2 semaphore(%run_scoped3A_278 : memref<!tpu.dma_semaphore, #tpu.memory_space<semaphore_mem>>) src(%dma_wait3A_288 : memref<640x128xf32, #tpu.memory_space<vmem_shared>>) dst(%dma_wait3A_286 : memref<640x128xf32, #tpu.memory_space<hbm>>)
      tpu.yield
    }) : () -> ()
    return
  }
}

module attributes {stable_mosaic.version = 14 : i64} {
  func.func @_tc_body(%arg0: memref<10000x128xf32, #tpu.memory_space<vmem>>, %arg1: memref<10000x128xf32, #tpu.memory_space<vmem>>, %arg2: memref<10000x128xf32, #tpu.memory_space<vmem>>, %arg3: memref<10000x128xf32, #tpu.memory_space<vmem>>, %arg4: memref<128x128xf32, #tpu.memory_space<vmem>>, %arg5: memref<1x128xf32, #tpu.memory_space<vmem>>, %arg6: memref<128x128xf32, #tpu.memory_space<vmem>>, %arg7: memref<1x128xf32, #tpu.memory_space<vmem>>, %arg8: memref<128x128xf32, #tpu.memory_space<vmem>>, %arg9: memref<1x128xf32, #tpu.memory_space<vmem>>, %arg10: memref<1x128xf32, #tpu.memory_space<vmem>>, %arg11: memref<1x128xf32, #tpu.memory_space<vmem>>, %arg12: memref<1x1xf32, #tpu.memory_space<smem>>, %arg13: memref<128x128xf32, #tpu.memory_space<vmem>>, %arg14: memref<1x128xf32, #tpu.memory_space<vmem>>, %arg15: memref<10000x128xf32, #tpu.memory_space<vmem>>, %arg16: memref<1x1xf32, #tpu.memory_space<smem>>) attributes {dimension_semantics = [], scalar_prefetch = 0 : i64, scratch_operands = 0 : i64, tpu.core_type = #tpu.core_type<tc>} {
    %get3A = arith.constant 0 : index
    %get3A_0 = arith.constant 0 : index
    %get3A_1 = vector.load %arg2[%get3A, %get3A_0] : memref<10000x128xf32, #tpu.memory_space<vmem>>, vector<10000x128xf32>
    %get3A_2 = arith.constant 0 : index
    %get3A_3 = arith.constant 0 : index
    %get3A_4 = vector.load %arg3[%get3A_2, %get3A_3] : memref<10000x128xf32, #tpu.memory_space<vmem>>, vector<10000x128xf32>
    %add3A = arith.addf %get3A_1, %get3A_4 : vector<10000x128xf32>
    %get3A_5 = arith.constant 0 : index
    %get3A_6 = arith.constant 0 : index
    %get3A_7 = vector.load %arg4[%get3A_5, %get3A_6] : memref<128x128xf32, #tpu.memory_space<vmem>>, vector<128x128xf32>
    %get3A_8 = arith.constant 0 : index
    %get3A_9 = arith.constant 0 : index
    %get3A_10 = vector.load %arg5[%get3A_8, %get3A_9] : memref<1x128xf32, #tpu.memory_space<vmem>>, vector<1x128xf32>
    %dot_general3A = arith.constant dense<0.000000e+00> : vector<10000x128xf32>
    %dot_general3A_11 = tpu.matmul %get3A_1, %get3A_7, %dot_general3A {dimension_numbers = #tpu.dot_dimension_numbers<[1], [0], [0], [1], [0, 0, 1, 1], [], []>, transpose_lhs_hint = false} : vector<10000x128xf32>, vector<128x128xf32>, vector<10000x128xf32> -> vector<10000x128xf32>
    %add3A_12 = vector.broadcast %get3A_10 : vector<1x128xf32> to vector<10000x128xf32>
    %add3A_13 = arith.addf %dot_general3A_11, %add3A_12 : vector<10000x128xf32>
    %dot_general3A_14 = arith.constant dense<0.000000e+00> : vector<10000x128xf32>
    %dot_general3A_15 = tpu.matmul %add3A, %get3A_7, %dot_general3A_14 {dimension_numbers = #tpu.dot_dimension_numbers<[1], [0], [0], [1], [0, 0, 1, 1], [], []>, transpose_lhs_hint = false} : vector<10000x128xf32>, vector<128x128xf32>, vector<10000x128xf32> -> vector<10000x128xf32>
    %add3A_16 = vector.broadcast %get3A_10 : vector<1x128xf32> to vector<10000x128xf32>
    %add3A_17 = arith.addf %dot_general3A_15, %add3A_16 : vector<10000x128xf32>
    %get3A_18 = arith.constant 0 : index
    %get3A_19 = arith.constant 0 : index
    %get3A_20 = vector.load %arg0[%get3A_18, %get3A_19] : memref<10000x128xf32, #tpu.memory_space<vmem>>, vector<10000x128xf32>
    %get3A_21 = arith.constant 0 : index
    %get3A_22 = arith.constant 0 : index
    %get3A_23 = vector.load %arg1[%get3A_21, %get3A_22] : memref<10000x128xf32, #tpu.memory_space<vmem>>, vector<10000x128xf32>
    %add3A_24 = arith.addf %get3A_20, %get3A_23 : vector<10000x128xf32>
    %add3A_25 = arith.addf %add3A_24, %add3A_17 : vector<10000x128xf32>
    %swap3A = arith.constant 0 : index
    %swap3A_26 = arith.constant 0 : index
    %swap3A_27 = vector.load %arg15[%swap3A, %swap3A_26] : memref<10000x128xf32, #tpu.memory_space<vmem>>, vector<10000x128xf32>
    tpu.vector_store %arg15[%swap3A, %swap3A_26], %add3A_25 {strides = array<i32>} : memref<10000x128xf32, #tpu.memory_space<vmem>>, vector<10000x128xf32>,
    %get3A_28 = arith.constant 0 : index
    %get3A_29 = arith.constant 0 : index
    %get3A_30 = vector.load %arg6[%get3A_28, %get3A_29] : memref<128x128xf32, #tpu.memory_space<vmem>>, vector<128x128xf32>
    %get3A_31 = arith.constant 0 : index
    %get3A_32 = arith.constant 0 : index
    %get3A_33 = vector.load %arg7[%get3A_31, %get3A_32] : memref<1x128xf32, #tpu.memory_space<vmem>>, vector<1x128xf32>
    %dot_general3A_34 = arith.constant dense<0.000000e+00> : vector<10000x128xf32>
    %dot_general3A_35 = tpu.matmul %get3A_1, %get3A_30, %dot_general3A_34 {dimension_numbers = #tpu.dot_dimension_numbers<[1], [0], [0], [1], [0, 0, 1, 1], [], []>, transpose_lhs_hint = false} : vector<10000x128xf32>, vector<128x128xf32>, vector<10000x128xf32> -> vector<10000x128xf32>
    %add3A_36 = vector.broadcast %get3A_33 : vector<1x128xf32> to vector<10000x128xf32>
    %add3A_37 = arith.addf %dot_general3A_35, %add3A_36 : vector<10000x128xf32>
    %dot_general3A_38 = arith.constant dense<0.000000e+00> : vector<10000x128xf32>
    %dot_general3A_39 = tpu.matmul %add3A, %get3A_30, %dot_general3A_38 {dimension_numbers = #tpu.dot_dimension_numbers<[1], [0], [0], [1], [0, 0, 1, 1], [], []>, transpose_lhs_hint = false} : vector<10000x128xf32>, vector<128x128xf32>, vector<10000x128xf32> -> vector<10000x128xf32>
    %add3A_40 = vector.broadcast %get3A_33 : vector<1x128xf32> to vector<10000x128xf32>
    %add3A_41 = arith.addf %dot_general3A_39, %add3A_40 : vector<10000x128xf32>
    %get3A_42 = arith.constant 0 : index
    %get3A_43 = arith.constant 0 : index
    %get3A_44 = vector.load %arg8[%get3A_42, %get3A_43] : memref<128x128xf32, #tpu.memory_space<vmem>>, vector<128x128xf32>
    %get3A_45 = arith.constant 0 : index
    %get3A_46 = arith.constant 0 : index
    %get3A_47 = vector.load %arg13[%get3A_45, %get3A_46] : memref<128x128xf32, #tpu.memory_space<vmem>>, vector<128x128xf32>
    %get3A_48 = arith.constant 0 : index
    %get3A_49 = arith.constant 0 : index
    %get3A_50 = vector.load %arg9[%get3A_48, %get3A_49] : memref<1x128xf32, #tpu.memory_space<vmem>>, vector<1x128xf32>
    %get3A_51 = arith.constant 0 : index
    %get3A_52 = arith.constant 0 : index
    %get3A_53 = vector.load %arg14[%get3A_51, %get3A_52] : memref<1x128xf32, #tpu.memory_space<vmem>>, vector<1x128xf32>
    %get3A_54 = arith.constant 0 : index
    %get3A_55 = arith.constant 0 : index
    %get3A_56 = vector.load %arg10[%get3A_54, %get3A_55] : memref<1x128xf32, #tpu.memory_space<vmem>>, vector<1x128xf32>
    %get3A_57 = arith.constant 0 : index
    %get3A_58 = arith.constant 0 : index
    %get3A_59 = vector.load %arg11[%get3A_57, %get3A_58] : memref<1x128xf32, #tpu.memory_space<vmem>>, vector<1x128xf32>
    %get3A_60 = arith.constant 0 : index
    %get3A_61 = arith.constant 0 : index
    %get3A_62 = memref.load %arg12[%get3A_60, %get3A_61] : memref<1x1xf32, #tpu.memory_space<smem>>
    %dot_general3A_63 = arith.constant dense<0.000000e+00> : vector<10000x128xf32>
    %dot_general3A_64 = tpu.matmul %add3A_13, %get3A_44, %dot_general3A_63 {dimension_numbers = #tpu.dot_dimension_numbers<[1], [0], [0], [1], [0, 0, 1, 1], [], []>, transpose_lhs_hint = false} : vector<10000x128xf32>, vector<128x128xf32>, vector<10000x128xf32> -> vector<10000x128xf32>
    %add3A_65 = vector.broadcast %get3A_50 : vector<1x128xf32> to vector<10000x128xf32>
    %add3A_66 = arith.addf %dot_general3A_64, %add3A_65 : vector<10000x128xf32>
    %reduce_sum3A = arith.constant dense<0.000000e+00> : vector<128xf32>
    %reduce_sum3A_67 = vector.multi_reduction <add>, %add3A_66, %reduce_sum3A [0] : vector<10000x128xf32> to vector<128xf32>
    %broadcast_in_dim3A = vector.shape_cast %reduce_sum3A_67 : vector<128xf32> to vector<1x128xf32>
    %div3A = arith.constant 1.000000e+04 : f32
    %div3A_68 = vector.broadcast %div3A : f32 to vector<1x128xf32>
    %div3A_69 = arith.divf %broadcast_in_dim3A, %div3A_68 : vector<1x128xf32>
    %sub3A = vector.broadcast %div3A_69 : vector<1x128xf32> to vector<10000x128xf32>
    %sub3A_70 = arith.subf %add3A_66, %sub3A : vector<10000x128xf32>
    %mul3A = arith.mulf %sub3A_70, %sub3A_70 : vector<10000x128xf32>
    %reduce_sum3A_71 = arith.constant dense<0.000000e+00> : vector<128xf32>
    %reduce_sum3A_72 = vector.multi_reduction <add>, %mul3A, %reduce_sum3A_71 [0] : vector<10000x128xf32> to vector<128xf32>
    %broadcast_in_dim3A_73 = vector.shape_cast %reduce_sum3A_72 : vector<128xf32> to vector<1x128xf32>
    %div3A_74 = arith.constant 1.000000e+04 : f32
    %div3A_75 = vector.broadcast %div3A_74 : f32 to vector<1x128xf32>
    %div3A_76 = arith.divf %broadcast_in_dim3A_73, %div3A_75 : vector<1x128xf32>
    %mul3A_77 = vector.broadcast %get3A_56 : vector<1x128xf32> to vector<10000x128xf32>
    %mul3A_78 = arith.mulf %mul3A_77, %sub3A_70 : vector<10000x128xf32>
    %add3A_79 = arith.constant 9.99999974E-6 : f32
    %add3A_80 = vector.broadcast %add3A_79 : f32 to vector<1x128xf32>
    %add3A_81 = arith.addf %div3A_76, %add3A_80 : vector<1x128xf32>
    %rsqrt3A = math.rsqrt %add3A_81 : vector<1x128xf32>
    %mul3A_82 = vector.broadcast %rsqrt3A : vector<1x128xf32> to vector<10000x128xf32>
    %mul3A_83 = arith.mulf %mul3A_78, %mul3A_82 : vector<10000x128xf32>
    %add3A_84 = vector.broadcast %get3A_59 : vector<1x128xf32> to vector<10000x128xf32>
    %add3A_85 = arith.addf %mul3A_83, %add3A_84 : vector<10000x128xf32>
    %ge3A = arith.constant 0.000000e+00 : f32
    %ge3A_86 = vector.broadcast %ge3A : f32 to vector<10000x128xf32>
    %ge3A_87 = arith.cmpf oge, %add3A_85, %ge3A_86 : vector<10000x128xf32>
    %mul3A_88 = vector.broadcast %get3A_62 : f32 to vector<10000x128xf32>
    %mul3A_89 = arith.mulf %mul3A_88, %add3A_85 : vector<10000x128xf32>
    %select_n3A = arith.select %ge3A_87, %add3A_85, %mul3A_89 : vector<10000x128xi1>, vector<10000x128xf32>
    %dot_general3A_90 = arith.constant dense<0.000000e+00> : vector<10000x128xf32>
    %dot_general3A_91 = tpu.matmul %select_n3A, %get3A_47, %dot_general3A_90 {dimension_numbers = #tpu.dot_dimension_numbers<[1], [0], [0], [1], [0, 0, 1, 1], [], []>, transpose_lhs_hint = false} : vector<10000x128xf32>, vector<128x128xf32>, vector<10000x128xf32> -> vector<10000x128xf32>
    %add3A_92 = vector.broadcast %get3A_53 : vector<1x128xf32> to vector<10000x128xf32>
    %add3A_93 = arith.addf %dot_general3A_91, %add3A_92 : vector<10000x128xf32>
    %dot_general3A_94 = arith.constant dense<0.000000e+00> : vector<10000x128xf32>
    %dot_general3A_95 = tpu.matmul %add3A_17, %get3A_44, %dot_general3A_94 {dimension_numbers = #tpu.dot_dimension_numbers<[1], [0], [0], [1], [0, 0, 1, 1], [], []>, transpose_lhs_hint = false} : vector<10000x128xf32>, vector<128x128xf32>, vector<10000x128xf32> -> vector<10000x128xf32>
    %add3A_96 = vector.broadcast %get3A_50 : vector<1x128xf32> to vector<10000x128xf32>
    %add3A_97 = arith.addf %dot_general3A_95, %add3A_96 : vector<10000x128xf32>
    %reduce_sum3A_98 = arith.constant dense<0.000000e+00> : vector<128xf32>
    %reduce_sum3A_99 = vector.multi_reduction <add>, %add3A_97, %reduce_sum3A_98 [0] : vector<10000x128xf32> to vector<128xf32>
    %broadcast_in_dim3A_100 = vector.shape_cast %reduce_sum3A_99 : vector<128xf32> to vector<1x128xf32>
    %div3A_101 = arith.constant 1.000000e+04 : f32
    %div3A_102 = vector.broadcast %div3A_101 : f32 to vector<1x128xf32>
    %div3A_103 = arith.divf %broadcast_in_dim3A_100, %div3A_102 : vector<1x128xf32>
    %sub3A_104 = vector.broadcast %div3A_103 : vector<1x128xf32> to vector<10000x128xf32>
    %sub3A_105 = arith.subf %add3A_97, %sub3A_104 : vector<10000x128xf32>
    %mul3A_106 = arith.mulf %sub3A_105, %sub3A_105 : vector<10000x128xf32>
    %reduce_sum3A_107 = arith.constant dense<0.000000e+00> : vector<128xf32>
    %reduce_sum3A_108 = vector.multi_reduction <add>, %mul3A_106, %reduce_sum3A_107 [0] : vector<10000x128xf32> to vector<128xf32>
    %broadcast_in_dim3A_109 = vector.shape_cast %reduce_sum3A_108 : vector<128xf32> to vector<1x128xf32>
    %div3A_110 = arith.constant 1.000000e+04 : f32
    %div3A_111 = vector.broadcast %div3A_110 : f32 to vector<1x128xf32>
    %div3A_112 = arith.divf %broadcast_in_dim3A_109, %div3A_111 : vector<1x128xf32>
    %mul3A_113 = vector.broadcast %get3A_56 : vector<1x128xf32> to vector<10000x128xf32>
    %mul3A_114 = arith.mulf %mul3A_113, %sub3A_105 : vector<10000x128xf32>
    %add3A_115 = arith.constant 9.99999974E-6 : f32
    %add3A_116 = vector.broadcast %add3A_115 : f32 to vector<1x128xf32>
    %add3A_117 = arith.addf %div3A_112, %add3A_116 : vector<1x128xf32>
    %rsqrt3A_118 = math.rsqrt %add3A_117 : vector<1x128xf32>
    %mul3A_119 = vector.broadcast %rsqrt3A_118 : vector<1x128xf32> to vector<10000x128xf32>
    %mul3A_120 = arith.mulf %mul3A_114, %mul3A_119 : vector<10000x128xf32>
    %add3A_121 = vector.broadcast %get3A_59 : vector<1x128xf32> to vector<10000x128xf32>
    %add3A_122 = arith.addf %mul3A_120, %add3A_121 : vector<10000x128xf32>
    %ge3A_123 = arith.constant 0.000000e+00 : f32
    %ge3A_124 = vector.broadcast %ge3A_123 : f32 to vector<10000x128xf32>
    %ge3A_125 = arith.cmpf oge, %add3A_122, %ge3A_124 : vector<10000x128xf32>
    %mul3A_126 = vector.broadcast %get3A_62 : f32 to vector<10000x128xf32>
    %mul3A_127 = arith.mulf %mul3A_126, %add3A_122 : vector<10000x128xf32>
    %select_n3A_128 = arith.select %ge3A_125, %add3A_122, %mul3A_127 : vector<10000x128xi1>, vector<10000x128xf32>
    %dot_general3A_129 = arith.constant dense<0.000000e+00> : vector<10000x128xf32>
    %dot_general3A_130 = tpu.matmul %select_n3A_128, %get3A_47, %dot_general3A_129 {dimension_numbers = #tpu.dot_dimension_numbers<[1], [0], [0], [1], [0, 0, 1, 1], [], []>, transpose_lhs_hint = false} : vector<10000x128xf32>, vector<128x128xf32>, vector<10000x128xf32> -> vector<10000x128xf32>
    %add3A_131 = vector.broadcast %get3A_53 : vector<1x128xf32> to vector<10000x128xf32>
    %add3A_132 = arith.addf %dot_general3A_130, %add3A_131 : vector<10000x128xf32>
    %mul3A_133 = arith.mulf %add3A_93, %add3A_93 : vector<10000x128xf32>
    %reduce_sum3A_134 = arith.constant dense<0.000000e+00> : vector<10000xf32>
    %reduce_sum3A_135 = vector.multi_reduction <add>, %mul3A_133, %reduce_sum3A_134 [1] : vector<10000x128xf32> to vector<10000xf32>
    %broadcast_in_dim3A_136 = vector.shape_cast %reduce_sum3A_135 : vector<10000xf32> to vector<10000x1xf32>
    %sqrt3A = math.sqrt %broadcast_in_dim3A_136 : vector<10000x1xf32>
    %max3A = arith.constant 9.99999996E-13 : f32
    %max3A_137 = vector.broadcast %max3A : f32 to vector<10000x1xf32>
    %max3A_138 = arith.maximumf %sqrt3A, %max3A_137 : vector<10000x1xf32>
    %div3A_139 = vector.broadcast %max3A_138 : vector<10000x1xf32> to vector<10000x128xf32>
    %div3A_140 = arith.divf %add3A_93, %div3A_139 : vector<10000x128xf32>
    %mul3A_141 = arith.mulf %add3A_41, %add3A_41 : vector<10000x128xf32>
    %reduce_sum3A_142 = arith.constant dense<0.000000e+00> : vector<10000xf32>
    %reduce_sum3A_143 = vector.multi_reduction <add>, %mul3A_141, %reduce_sum3A_142 [1] : vector<10000x128xf32> to vector<10000xf32>
    %broadcast_in_dim3A_144 = vector.shape_cast %reduce_sum3A_143 : vector<10000xf32> to vector<10000x1xf32>
    %sqrt3A_145 = math.sqrt %broadcast_in_dim3A_144 : vector<10000x1xf32>
    %max3A_146 = arith.constant 9.99999996E-13 : f32
    %max3A_147 = vector.broadcast %max3A_146 : f32 to vector<10000x1xf32>
    %max3A_148 = arith.maximumf %sqrt3A_145, %max3A_147 : vector<10000x1xf32>
    %div3A_149 = vector.broadcast %max3A_148 : vector<10000x1xf32> to vector<10000x128xf32>
    %div3A_150 = arith.divf %add3A_41, %div3A_149 : vector<10000x128xf32>
    %mul3A_151 = arith.mulf %div3A_140, %div3A_150 : vector<10000x128xf32>
    %mul3A_152 = arith.mulf %add3A_132, %add3A_132 : vector<10000x128xf32>
    %reduce_sum3A_153 = arith.constant dense<0.000000e+00> : vector<10000xf32>
    %reduce_sum3A_154 = vector.multi_reduction <add>, %mul3A_152, %reduce_sum3A_153 [1] : vector<10000x128xf32> to vector<10000xf32>
    %broadcast_in_dim3A_155 = vector.shape_cast %reduce_sum3A_154 : vector<10000xf32> to vector<10000x1xf32>
    %sqrt3A_156 = math.sqrt %broadcast_in_dim3A_155 : vector<10000x1xf32>
    %max3A_157 = arith.constant 9.99999996E-13 : f32
    %max3A_158 = vector.broadcast %max3A_157 : f32 to vector<10000x1xf32>
    %max3A_159 = arith.maximumf %sqrt3A_156, %max3A_158 : vector<10000x1xf32>
    %div3A_160 = vector.broadcast %max3A_159 : vector<10000x1xf32> to vector<10000x128xf32>
    %div3A_161 = arith.divf %add3A_132, %div3A_160 : vector<10000x128xf32>
    %mul3A_162 = arith.mulf %add3A_37, %add3A_37 : vector<10000x128xf32>
    %reduce_sum3A_163 = arith.constant dense<0.000000e+00> : vector<10000xf32>
    %reduce_sum3A_164 = vector.multi_reduction <add>, %mul3A_162, %reduce_sum3A_163 [1] : vector<10000x128xf32> to vector<10000xf32>
    %broadcast_in_dim3A_165 = vector.shape_cast %reduce_sum3A_164 : vector<10000xf32> to vector<10000x1xf32>
    %sqrt3A_166 = math.sqrt %broadcast_in_dim3A_165 : vector<10000x1xf32>
    %max3A_167 = arith.constant 9.99999996E-13 : f32
    %max3A_168 = vector.broadcast %max3A_167 : f32 to vector<10000x1xf32>
    %max3A_169 = arith.maximumf %sqrt3A_166, %max3A_168 : vector<10000x1xf32>
    %div3A_170 = vector.broadcast %max3A_169 : vector<10000x1xf32> to vector<10000x128xf32>
    %div3A_171 = arith.divf %add3A_37, %div3A_170 : vector<10000x128xf32>
    %mul3A_172 = arith.mulf %div3A_161, %div3A_171 : vector<10000x128xf32>
    %add3A_173 = arith.addf %mul3A_151, %mul3A_172 : vector<10000x128xf32>
    %reduce_sum3A_174 = vector.shape_cast %add3A_173 : vector<10000x128xf32> to vector<1x10000x128xf32>
    %reduce_sum3A_175 = arith.constant dense<0.000000e+00> : vector<1xf32>
    %reduce_sum3A_176 = vector.multi_reduction <add>, %reduce_sum3A_174, %reduce_sum3A_175 [1, 2] : vector<1x10000x128xf32> to vector<1xf32>
    %reduce_sum3A_177 = vector.shape_cast %reduce_sum3A_176 : vector<1xf32> to vector<1x1x1xf32>
    %reduce_sum3A_178 = vector.extract %reduce_sum3A_177[0, 0, 0] : f32 from vector<1x1x1xf32>
    %mul3A_179 = arith.constant 2.000000e+00 : f32
    %mul3A_180 = arith.mulf %mul3A_179, %reduce_sum3A_178 : f32
    %div3A_181 = arith.constant 1.000000e+04 : f32
    %div3A_182 = arith.divf %mul3A_180, %div3A_181 : f32
    %sub3A_183 = arith.constant 4.000000e+00 : f32
    %sub3A_184 = arith.subf %sub3A_183, %div3A_182 : f32
    %swap3A_185 = arith.constant 0 : index
    %swap3A_186 = arith.constant 0 : index
    %swap3A_187 = memref.load %arg16[%swap3A_185, %swap3A_186] : memref<1x1xf32, #tpu.memory_space<smem>>
    memref.store %sub3A_184, %arg16[%swap3A_185, %swap3A_186] : memref<1x1xf32, #tpu.memory_space<smem>>
    return
  }
}

</mosaic_0001>

<sc_bundles>
// kernel: kernel.4.cloned.1.call-start
scs
__scs_entry_jumppad:
0x0: {  	(pc) =	sbr.rel $0x88, $3  }
0x1: {  	(tag) =	ssettag $0x0;
	lr =	simm.s32 $0x1  }
0x2: {  	[smem:$0x3F93] =	sst lr;
	_ =	strace $0xD0000000  }
0x3: {  	_ = 	snop  }
0x4: {  	_ = 	snop  }
0x5: {  	_ = 	snop  }
0x6: {  	_ = 	snop  }
0x7: {  	_ = 	snop  }
__scs_overlays_trampoline_lowered:
0x8: {  	[smem:$0x3FA2] =	sst s0  }
0x9: {  	[smem:$0x3FA3] =	sst s1  }
0xa: {  	[smem:$0x3FA4] =	sst s2  }
0xb: {  	[smem:$0x3FA5] =	sst s3  }
0xc: {  	[smem:$0x3FA6] =	sst s4  }
0xd: {  	[smem:$0x3FA7] =	sst s5  }
0xe: {  	[smem:$0x3FA8] =	sst s6  }
0xf: {  	[smem:$0x3FA9] =	sst s7  }
0x10: {  	[smem:$0x3FAA] =	sst s8  }
0x11: {  	[smem:$0x3FAB] =	sst s9;
	s0 =	simm.s32 @!p0 $0x0  }
0x12: {  	s1 =	sld [smem:$0x3F91];
	s0 =	simm.s32 @p0 $0x1  }
0x13: {  	[smem:$0x3FAC] =	sst s0;
	s0 =	simm.s32 @!p1 $0x0  }
0x14: {  	s2 =	sld [smem:$0x3F90];
	s0 =	simm.s32 @p1 $0x1  }
0x15: {  	[smem:$0x3FAD] =	sst s0;
	s0 =	simm.s32 @!p2 $0x0  }
0x16: {  	s3 =	sld [smem:$0x3FDB];
	s0 =	simm.s32 @p2 $0x1  }
0x17: {  	s4 =	simm.s32 $0x1BF5;
	[smem:$0x3FAF] =	sst s0  }
0x18: {  	s0 =	sld [smem:$0x3F92];
	_ =	swait.ge [sflag:s4], $0x0  }
0x19: {  	s7 =	sld [smem:$0x3F93]  }
0x1a: {  	s8 =	sadd.s32 $0xFFFFE003, lr  }
0x1b: {  	s9 =	sadd.s32 $0xFFFFFEF7, lr;
	s5 =	simm.s32 $0xFFFFFFFF;
	p2 =	slt.u32 s8, $0xFFFFF086  }
0x1c: {  	p1 =	slt.u32 s9, $0xF7A;
	s5 =	simm.s32 @!p2 $0x0  }
0x1d: {  	s5 =	simm.s32 @p1 $0x1;
	p0 =	seq.s32 s7, s2  }
0x1e: {  	s7 =	smul.u32 @!p0 $0xF7A, s2;
	p2 =	seq.s32 @!p0 s5, $0x0  }
0x1f: {  	s9 =	smul.u32 $0xF7A, s1;
	s8 =	simm.s32 @!p0 $0x1BF5;
	p2 =	por !p2, p0  }
0x20: {  	[sflag:s8] =	ssyncset.s32 @!p0 $0xFFFFF086;
	s6 =	sadd.s32 @!p0 s3, s7;
	s7 =	simm.s32 @!p0 $0x108  }
0x21: {  	s3 =	sadd.s32 s3, s9;
	s6 =	sadd.s32 @!p0 $0x88, s6;
	s7 =	simm.s32 @p2 $0x1082  }
0x22: {  	[simem:s7], [sflag:s8] =	dma.local @!p0 [hbm:s6], $0xF7A  }
0x23: {  	s9 =	sor.u32 $0xD0000000, s2;
	s6 =	simm.s32 $0x108;
	_ =	swait.ge @!p0 [sflag:s8], $0x0  }
0x24: {  	s3 =	sadd.s32 $0x88, s3;
	s6 =	simm.s32 @!p1 $0x1082;
	[sflag:s4] =	ssyncset.s32 $0xFFFFF086  }
0x25: {  	[simem:s6], [sflag:s4] =	dma.local [hbm:s3], $0xF7A  }
0x26: {  	[smem:$0x3F93] =	sst s1;
	(tag) =	ssettag s2;
	_ =	strace s9  }
0x27: {  	s1 =	sld [smem:$0x3FA3]  }
0x28: {  	s2 =	sld [smem:$0x3FA4]  }
0x29: {  	s4 =	sld [smem:$0x3FA6]  }
0x2a: {  	p0 =	seq.s32 s5, $0x0;
	s5 =	sld [smem:$0x3FA7]  }
0x2b: {  	s6 =	sld [smem:$0x3FA8]  }
0x2c: {  	s7 =	sld [smem:$0x3FA9]  }
0x2d: {  	s3 =	simm.s32 $0x108;
	s8 =	sld [smem:$0x3FAA]  }
0x2e: {  	s3 =	simm.s32 @!p0 $0x1082;
	s9 =	sld [smem:$0x3FAB]  }
0x2f: {  	lr =	sadd.s32 s0, s3;
	s0 =	sld [smem:$0x3FA2]  }
0x30: {  	s3 =	sld [smem:$0x3FA5]  }
0x31: {  	[smem:$0x3FAE] =	sst s10  }
0x32: {  	s10 =	sld [smem:$0x3FAC];
	_ =	sdelay $0x3  }
0x33: {  	p0 =	seq.s32 s10, $0x1;
	s10 =	sld [smem:$0x3FAE];
	_ =	sdelay $0x3  }
0x34: {  	[smem:$0x3FAE] =	sst s10  }
0x35: {  	s10 =	sld [smem:$0x3FAD];
	_ =	sdelay $0x3  }
0x36: {  	p1 =	seq.s32 s10, $0x1;
	s10 =	sld [smem:$0x3FAE];
	_ =	sdelay $0x3  }
0x37: {  	[smem:$0x3FAE] =	sst s10  }
0x38: {  	s10 =	sld [smem:$0x3FAF]  }
0x39: {  	_ = 	snop;
	(pc) =	sbr.ind lr, $3  }
0x3a: {  	_ = 	snop  }
0x3b: {  	_ = 	snop  }
0x3c: {  	p2 =	seq.s32 s10, $0x1;
	s10 =	sld [smem:$0x3FAE]  }
0x3d: {  	_ =	shalt  }
0x3e: {  	_ =	shalt  }
0x3f: {  	_ =	shalt  }
0x40: {  	_ =	shalt  }
0x41: {  	_ =	shalt  }
0x42: {  	_ =	shalt  }
0x43: {  	_ =	shalt  }
0x44: {  	_ =	shalt  }
0x45: {  	_ =	shalt  }
0x46: {  	_ =	shalt  }
0x47: {  	_ =	shalt  }
0x48: {  	_ =	shalt  }
0x49: {  	_ =	shalt  }
0x4a: {  	_ =	shalt  }
0x4b: {  	_ =	shalt  }
0x4c: {  	_ =	shalt  }
0x4d: {  	_ =	shalt  }
0x4e: {  	_ =	shalt  }
0x4f: {  	_ =	shalt  }
0x50: {  	_ =	shalt  }
0x51: {  	_ =	shalt  }
0x52: {  	_ =	shalt  }
0x53: {  	_ =	shalt  }
0x54: {  	_ =	shalt  }
0x55: {  	_ =	shalt  }
0x56: {  	_ =	shalt  }
0x57: {  	_ =	shalt  }
0x58: {  	_ =	shalt  }
0x59: {  	_ =	shalt  }
0x5a: {  	_ =	shalt  }
0x5b: {  	_ =	shalt  }
0x5c: {  	_ =	shalt  }
0x5d: {  	_ =	shalt  }
0x5e: {  	_ =	shalt  }
0x5f: {  	_ =	shalt  }
0x60: {  	_ =	shalt  }
0x61: {  	_ =	shalt  }
0x62: {  	_ =	shalt  }
0x63: {  	_ =	shalt  }
0x64: {  	_ =	shalt  }
0x65: {  	_ =	shalt  }
0x66: {  	_ =	shalt  }
0x67: {  	_ =	shalt  }
0x68: {  	_ =	shalt  }
0x69: {  	_ =	shalt  }
0x6a: {  	_ =	shalt  }
0x6b: {  	_ =	shalt  }
0x6c: {  	_ =	shalt  }
0x6d: {  	_ =	shalt  }
0x6e: {  	_ =	shalt  }
0x6f: {  	_ =	shalt  }
0x70: {  	_ =	shalt  }
0x71: {  	_ =	shalt  }
0x72: {  	_ =	shalt  }
0x73: {  	_ =	shalt  }
0x74: {  	_ =	shalt  }
0x75: {  	_ =	shalt  }
0x76: {  	_ =	shalt  }
0x77: {  	_ =	shalt  }
0x78: {  	_ =	shalt  }
0x79: {  	_ =	shalt  }
0x7a: {  	_ =	shalt  }
0x7b: {  	_ =	shalt  }
0x7c: {  	_ =	shalt  }
0x7d: {  	_ =	shalt  }
0x7e: {  	_ =	shalt  }
0x7f: {  	_ =	shalt  }
0x80: {  	_ =	shalt  }
0x81: {  	_ =	shalt  }
0x82: {  	_ =	shalt  }
0x83: {  	_ =	shalt  }
0x84: {  	_ =	shalt  }
0x85: {  	_ =	shalt  }
0x86: {  	_ =	shalt  }
0x87: {  	_ =	shalt  }
.Lfunc_end0:
.L_simem_size_0:
called_computation_lowered:
.L_overlay_start_0:
0x88: {  	s2 =	sld [smem:$0x3FD9]  }
0x89: {  	s3 =	sld [smem:$0x3FFE];
	_ =	sdelay $0x1  }
0x8a: {  	s1 =	srdreg.scid  }
0x8b: {  	s0 =	sand.u32 $0x1, s1  }
0x8c: {  	s14 =	sshll.u32 s0, $0xA;
	s2 =	sadd.s32 s3, s2  }
0x8d: {  	s2 =	sadd.s32 s2, s14  }
0x8e: {  	[smem:$0x3FBA] =	sst s2  }
0x8f: {  	_ = 	snop  }
0x90: {  	s2 =	sld [smem:$0x3FD0];
	_ =	sdelay $0x2  }
0x91: {  	s15 =	simm.s32 $0xA;
	s4 =	simm.s32 $0x10  }
0x92: {  	[smem:s4], [sflag:s15] =	dma.local [hbm:s2], $0x1  }
0x93: {  	_ =	swait.eq [sflag:s15], $0x1  }
0x94: {  	[sflag:s15] =	ssyncset.done $0x0  }
0x95: {  	[sflag:s15] =	ssyncadd.s32 $0xFFFFFFFF  }
0x96: {  	s16 =	sld [smem:$0x10];
	(tm) =	ssettm $0x1  }
0x97: {  	s17 =	sld [smem:$0x3FFB];
	_ =	sdelay $0x3  }
0x98: {  	_ =	strace s17  }
0x99: {  	s3 =	sld [smem:$0x3FFC];
	_ =	sdelay $0x3  }
0x9a: {  	_ =	strace s3  }
0x9b: {  	s3 =	sld [smem:$0x3FFD];
	_ =	sdelay $0x3  }
0x9c: {  	_ =	strace s3  }
0x9d: {  	_ =	strace $0x8FFFFFFF  }
0x9e: {  	s18 =	sld [smem:$0x3FDB];
	_ =	sdelay $0x1  }
0x9f: {  	s19 =	simm.s32 $_scs_section_size  }
0xa0: {  	s5 =	simm.s32 $_size__tile_overlayer_lowered;
	s6 =	simm.s32 $_tile_overlayer_lowered  }
0xa1: {  	s22 =	simm.s32 $0x1BFF;
	s21 =	sshll.u32 s6, $0x1;
	s3 =	sadd.s32 s19, s18  }
0xa2: {  	s7 =	simm.s32 $0x0;
	s20 =	sshll.u32 s5, $0x1;
	s5 =	sadd.s32 s21, s3  }
0xa3: {  	[timem:s7], [sflag:s22] =	dma.local [hbm:s5], s20  }
0xa4: {  	_ =	swait.ge [sflag:s22], s20  }
0xa5: {  	s4 =	ssub.s32 $0x0, s20;
	[sflag:s22] =	ssyncset.done $0x0  }
0xa6: {  	[sflag:s22] =	ssyncadd.s32 s4;
	_ =	sdelay $0x1  }
0xa7: {  	s23 =	simm.s32 $0x1B8B  }
0xa8: {  	_ =	swait.ge [sflag:s23], $0x1  }
0xa9: {  	[sflag:s23] =	ssyncset.done $0x0  }
0xaa: {  	s25 =	simm.s32 $0x1B8E;
	s24 =	sld [smem:$0x3FFE];
	[sflag:s23] =	ssyncadd.s32 $0xFFFFFFFF  }
0xab: {  	s26 =	simm.s32 $execute0_lowered;
	[smem:$0x3FD2] =	sst s25  }
0xac: {  	s5 =	sshll.u32 s26, $0x1;
	_ =	strace $0x80000046;
	[dreg:$0x1] =	wrdreg $0xFFFFFFFF  }
0xad: {  	s28 =	simm.s32 $_size_execute0_lowered;
	s3 =	sadd.s32 s3, s5;
	[dreg:$0x0] =	wrdreg $0x0  }
0xae: {  	s5 =	sshll.u32 s28, $0x1;
	[dreg:$0x2] =	wrdreg s3  }
0xaf: {  	[dreg:$0x3] =	wrdreg s5  }
0xb0: {  	[dreg:$0x4] =	wrdreg $0xC0  }
0xb1: {  	_ =	task [dreg:s7], $0x5FFFF  }
0xb2: {  	[dreg:$0x1] =	wrdreg $0xFFFFFFFF  }
0xb3: {  	[dreg:$0x0] =	wrdreg $0x60  }
0xb4: {  	[dreg:$0x2] =	wrdreg s16  }
0xb5: {  	[dreg:$0x3] =	wrdreg s24  }
0xb6: {  	[dreg:$0x4] =	wrdreg $0xB9400  }
0xb7: {  	[dreg:$0x5] =	wrdreg $0x9  }
0xb8: {  	_ =	task.clear_ibuf [dreg:s7], $0x6FFFF;
	_ =	strace $0x90000046  }
0xb9: {  	s29 =	simm.s32 $0x9;
	_ =	strace $0x80000048  }
0xba: {  	_ =	swait.ge [sflag:s29], $0x1  }
0xbb: {  	[sflag:s29] =	ssyncadd.s32 $0xFFFFFFFF  }
0xbc: {  	_ =	strace $0x90000048  }
0xbd: {  	_ =	sfence  }
0xbe: {  	s30 =	sld [smem:$0x0];
	_ =	sdelay $0x2  }
0xbf: {  	s31 =	sshll.u32 s1, $0xD;
	s1 =	sshrl.u32 s1, $0x2  }
0xc0: {  	s3 =	sand.u32 $0x4000, s31;
	s1 =	sadd.s32 s1, s30  }
0xc1: {  	s0 =	sor.u32 s3, s0;
	s1 =	sshll.u32 s1, $0x11  }
0xc2: {  	s0 =	sor.u32 s1, s0  }
0xc3: {  	s0 =	sadd.s32 $0x8F2B, s0  }
0xc4: {  	[sflag:s0] =	ssyncadd.remote.s32 $0x1  }
0xc5: {  	_ =	sfence.sel $0xFFFF  }
0xc6: {  	[dreg:$0x0] =	wrdreg $0xFFFFFFFF;
	(pc) =	sbr.abs _section_cstart, $3  }
0xc7: {  	[dreg:$0x1] =	wrdreg $0xFFFFFFFF  }
0xc8: {  	_ =	task.clear_ibuf [dreg:s7], $0x2FFFF;
	_ =	strace $0x9FFFFFFF  }
0xc9: {  	(tm) =	ssettm $0x7FFFFFFF  }
tec
execute0_lowered:
.L_overlay_start_1:
0x0: {  	(tag) =	ssettag $0x1  }
0x1: {  	s1 =	rddreg [dreg:$0x0]  }
0x2: {  	s0 =	srdreg.scid;
	s2 =	rddreg [dreg:$0x1]  }
0x3: {  	s9 =	stileid.u32;
	s3 =	rddreg [dreg:$0x2]  }
0x4: {  	s16 =	simm.s32 $0x0;
	s28 =	simm.s32 $0x2;
	s7 =	smul.u32 $0x50000, s9  }
0x5: {  	s29 =	simm.s32 $0x270;
	s30 =	simm.s32 $0x138;
	s4 =	smul.u32 $0x14000, s9  }
0x6: {  	s0 =	sand.u32 $0x1, s0;
	[smem:$0x7FF] =	sst s16;
	s7 =	sshrl.u32 s7, $0x2  }
0x7: {  	s20 =	smul.u32 $0x9F40, s9;
	s18 =	sadd.s32 s4, s3;
	s7 =	sadd.s32 s7, s3  }
0x8: {  	_ =	strace $0x80000047;
	[dreg:$0x5] =	wrdreg s18;
	s21 =	sadd.s32 $0x3400, s7  }
0x9: {  	s5 =	smul.u32 $0x140000, s0;
	s22 =	sadd.s32 $0x6800, s7;
	[dreg:$0x6] =	wrdreg s21  }
0xa: {  	s19 =	ssub.s32 $0x2, s0;
	s23 =	sadd.s32 $0x9C00, s7;
	[dreg:$0x7] =	wrdreg s22  }
0xb: {  	s0 =	smul.u32 $0x9F400, s0;
	s24 =	sadd.s32 $0xD000, s7;
	[dreg:$0x8] =	wrdreg s23  }
0xc: {  	s31 =	simm.s32 $0x8540;
	s25 =	sadd.s32 $0x10400, s7;
	[dreg:$0x9] =	wrdreg s24  }
0xd: {  	s0 =	sadd.s32 s20, s0;
	s26 =	sadd.s32 $0x13800, s7;
	[dreg:$0xa] =	wrdreg s25  }
0xe: {  	s8 =	sshrl.u32 s19, $0x1;
	s9 =	sadd.s32 $0x410, s0;
	[dreg:$0xb] =	wrdreg s26  }
0xf: {  	s5 =	sadd.s32 s4, s5;
	s10 =	sadd.s32 $0x4E0, s0;
	[dreg:$0xe] =	wrdreg s9  }
0x10: {  	s6 =	sshrl.u32 s5, $0x3;
	s11 =	sadd.s32 $0x5B0, s0;
	[dreg:$0xf] =	wrdreg s10  }
0x11: {  	s5 =	sadd.s32 $0x2600, s2;
	s12 =	sadd.s32 $0x680, s0;
	[dreg:$0x10] =	wrdreg s11  }
0x12: {  	s7 =	sshrl.u32 s0, $0x3;
	s13 =	sadd.s32 $0x750, s0;
	[dreg:$0x11] =	wrdreg s12  }
0x13: {  	s14 =	sadd.s32 $0x820, s0;
	s15 =	sadd.s32 $0x8F0, s0;
	[dreg:$0x12] =	wrdreg s13  }
0x14: {  	s2 =	sadd.s32 s6, s2;
	s6 =	ssub.s32 s19, s8;
	[dreg:$0x13] =	wrdreg s14  }
0x15: {  	s4 =	sadd.s32 s5, s7;
	s8 =	sadd.s32 $0x340, s0;
	[dreg:$0x14] =	wrdreg s15  }
0x16: {  	s22 =	sadd.s32 $0x9C0, s0;
	s23 =	sadd.s32 $0xA90, s0;
	s24 =	sadd.s32 $0xB60, s0  }
0x17: {  	s25 =	sadd.s32 $0xC30, s0;
	s0 =	simm.s32 $0x6;
	s7 =	simm.s32 $0x68  }
0x18: {  	s9 =	simm.s32 $0xD0;
	s10 =	simm.s32 $0x1D40;
	s11 =	simm.s32 $0x1  }
0x19: {  	s12 =	simm.s32 $0x1A0;
	s13 =	simm.s32 $0x3;
	[dreg:$0xd] =	wrdreg s8  }
0x1a: {  	s14 =	simm.s32 $0x5;
	s17 =	sadd.s32 $0x2A400, s2;
	[dreg:$0xc] =	wrdreg s4  }
0x1b: {  	s15 =	simm.s32 $0x2D8;
	s19 =	smax.u32 s6, $0x1;
	[dreg:$0x15] =	wrdreg s17  }
0x1c: {  	s20 =	sadd.s32 $0x1A, s4;
	s21 =	sadd.s32 $0x34, s4;
	[dreg:$0x16] =	wrdreg s19  }
0x1d: {  	s26 =	sadd.s32 $0x4E, s4;
	s2 =	simm.s32 $0x5140;
	[dreg:$0x17] =	wrdreg s20  }
0x1e: {  	s8 =	simm.s32 $0x340;
	s6 =	simm.s32 $0x4;
	[dreg:$0x18] =	wrdreg s21  }
0x1f: {  	v0 =	vimm.f32 $0.0e+00;
	s4 =	simm.s32 $0x208;
	[dreg:$0x19] =	wrdreg s26;
	s26 =	simm.s32 $0x3740  }
.LBB2_1:
0x20: {  	[dreg:$0x4] =	wrdreg s16;
	s16 =	simm.s32 $0x0;
	s17 =	simm.s32 $0x200  }
.LBB2_2:
0x21: {  	p0 =	sne.s32 s17, $0xCE00;
	[tilespmem:s16+$0x51B0] =	vst v0  }
0x22: {  	[tilespmem:s16+$0x5140] =	vst v0  }
0x23: {  	[tilespmem:s16+$0x5150] =	vst v0  }
.Ltmp0:
0x24: {  	[tilespmem:s16+$0x5160] =	vst v0;
	(pc) =	sbr.rel @p0 .LBB2_2-.Ltmp0, $4  }
0x25: {  	[tilespmem:s16+$0x5170] =	vst v0  }
0x26: {  	[tilespmem:s16+$0x5180] =	vst v0  }
0x27: {  	[tilespmem:s16+$0x5190] =	vst v0  }
0x28: {  	[tilespmem:s16+$0x51A0] =	vst v0;
	s16 =	sshra.s32 s17, $0x2;
	s17 =	sadd.s32 $0x200, s17  }
0x29: {  	[tilespmem:s16+$0x51B0] =	vst v0  }
0x2a: {  	[tilespmem:s16+$0x5140] =	vst v0  }
0x2b: {  	[tilespmem:s16+$0x5150] =	vst v0  }
0x2c: {  	[tilespmem:s16+$0x5160] =	vst v0  }
0x2d: {  	[tilespmem:s16+$0x5170] =	vst v0  }
0x2e: {  	[tilespmem:s16+$0x5180] =	vst v0  }
0x2f: {  	[tilespmem:s16+$0x5190] =	vst v0  }
0x30: {  	[tilespmem:s16+$0x51A0] =	vst v0  }
0x31: {  	[spmem:s18] =	stream.linear.scatter [tilespmem:s2], [sflag:$0x6], $0x3400, $0x38;
	[tilespmem:$0x1F940] =	vst v63  }
0x32: {  	_ =	swait.ge [sflag:s0], $0x3400  }
0x33: {  	[sflag:s0] =	ssyncset.done $0x0  }
0x34: {  	s17 =	rddreg [dreg:$0x6];
	[sflag:s0] =	ssyncadd.s32 $0xFFFFCC00  }
0x35: {  	[spmem:s17] =	stream.linear.scatter [tilespmem:s2], [sflag:$0x6], $0x3400, $0x38;
	[tilespmem:$0x1F940] =	vst v63  }
0x36: {  	_ =	swait.ge [sflag:s0], $0x3400  }
0x37: {  	[sflag:s0] =	ssyncset.done $0x0  }
0x38: {  	s18 =	rddreg [dreg:$0x7];
	[sflag:s0] =	ssyncadd.s32 $0xFFFFCC00  }
0x39: {  	[spmem:s18] =	stream.linear.scatter [tilespmem:s2], [sflag:$0x6], $0x3400, $0x38;
	[tilespmem:$0x1F940] =	vst v63  }
0x3a: {  	_ =	swait.ge [sflag:s0], $0x3400  }
0x3b: {  	[sflag:s0] =	ssyncset.done $0x0  }
0x3c: {  	s19 =	rddreg [dreg:$0x8];
	[sflag:s0] =	ssyncadd.s32 $0xFFFFCC00  }
0x3d: {  	[spmem:s19] =	stream.linear.scatter [tilespmem:s2], [sflag:$0x6], $0x3400, $0x38;
	[tilespmem:$0x1F940] =	vst v63  }
0x3e: {  	_ =	swait.ge [sflag:s0], $0x3400  }
0x3f: {  	[sflag:s0] =	ssyncset.done $0x0  }
0x40: {  	s20 =	rddreg [dreg:$0x9];
	[sflag:s0] =	ssyncadd.s32 $0xFFFFCC00  }
0x41: {  	[spmem:s20] =	stream.linear.scatter [tilespmem:s2], [sflag:$0x6], $0x3400, $0x38;
	[tilespmem:$0x1F940] =	vst v63  }
0x42: {  	_ =	swait.ge [sflag:s0], $0x3400  }
0x43: {  	[sflag:s0] =	ssyncset.done $0x0  }
0x44: {  	s21 =	rddreg [dreg:$0xa];
	[sflag:s0] =	ssyncadd.s32 $0xFFFFCC00  }
0x45: {  	[spmem:s21] =	stream.linear.scatter [tilespmem:s2], [sflag:$0x6], $0x3400, $0x38;
	[tilespmem:$0x1F940] =	vst v63  }
0x46: {  	_ =	swait.ge [sflag:s0], $0x3400  }
0x47: {  	[sflag:s0] =	ssyncset.done $0x0  }
0x48: {  	s17 =	rddreg [dreg:$0xb];
	[sflag:s0] =	ssyncadd.s32 $0xFFFFCC00  }
0x49: {  	[spmem:s17] =	stream.linear.scatter [tilespmem:s2], [sflag:$0x6], $0x800, $0x38;
	[tilespmem:$0x1F940] =	vst v63  }
0x4a: {  	_ =	swait.ge [sflag:s0], $0x800  }
0x4b: {  	[sflag:s0] =	ssyncset.done $0x0  }
0x4c: {  	[sflag:s0] =	ssyncadd.s32 $0xFFFFF800  }
0x4d: {  	[bflag:$0x0] =	sbarrier.arrive $0xFFFF  }
0x4e: {  	s18 =	simm.s32 $0x0;
	s17 =	rddreg [dreg:$0xc]  }
0x4f: {  	[tilespmem:s18], [sflag:$0x6] =	stream.linear.gather [hbm4b:s17+s18], $0xD0, $0x38;
	[tilespmem:$0x1F940] =	vst v63  }
0x50: {  	_ =	swait.ge [sflag:s0], $0xD0  }
0x51: {  	[sflag:s0] =	ssyncset.done $0x0  }
0x52: {  	[sflag:s0] =	ssyncadd.s32 $0xFFFFFF30  }
0x53: {  	[tilespmem:s8], [sflag:$0x1] =	stream.indirect.gather [hbm4b:s1+s7], $0x40, s18, s7, $0xb8;
	[tilespmem:$0x1F940] =	vst v63  }
0x54: {  	s19 =	rddreg [dreg:$0x17]  }
0x55: {  	[tilespmem:s9], [sflag:$0x6] =	stream.linear.gather [hbm4b:s19+s18], $0xD0, $0x38;
	[tilespmem:$0x1F940] =	vst v63  }
0x56: {  	_ =	swait.ge [sflag:s0], $0xD0  }
0x57: {  	[sflag:s0] =	ssyncset.done $0x0  }
0x58: {  	[sflag:s0] =	ssyncadd.s32 $0xFFFFFF30  }
0x59: {  	[tilespmem:s10], [sflag:$0x2] =	stream.indirect.gather [hbm4b:s1+s7], $0x40, s9, s7, $0xb8;
	[tilespmem:$0x1F940] =	vst v63  }
0x5a: {  	_ =	swait.ge [sflag:s11], $0x1A00  }
0x5b: {  	[sflag:s11] =	ssyncset.done $0x0  }
0x5c: {  	s20 =	rddreg [dreg:$0x18];
	[sflag:s11] =	ssyncadd.s32 $0xFFFFE600  }
0x5d: {  	[tilespmem:s12], [sflag:$0x6] =	stream.linear.gather [hbm4b:s20+s18], $0xD0, $0x38;
	[tilespmem:$0x1F940] =	vst v63  }
0x5e: {  	_ =	swait.ge [sflag:s0], $0xD0  }
0x5f: {  	[sflag:s0] =	ssyncset.done $0x0  }
0x60: {  	s21 =	simm.s32 $0x0;
	[sflag:s0] =	ssyncadd.s32 $0xFFFFFF30  }
0x61: {  	[tilespmem:s26], [sflag:$0x3] =	stream.indirect.gather [hbm4b:s1+s7], $0x40, s12, s7, $0xb8;
	[tilespmem:$0x1F940] =	vst v63  }
0x62: {  	v1 =	vld [tilespmem:s21+$0x340];
	_ =	sdelay $0x4  }
0x63: {  	s16 =	simm.s32 $0x5180;
	v2 =	vshll.u32 v1, $0x10  }
0x64: {  	v1 =	vand.u32 $0xFFFF0000, v1;
	[tilespmem:s16+$0xFFFFFFC0] =	vst v2  }
0x65: {  	[tilespmem:s16+$0xFFFFFFD0] =	vst v1  }
0x66: {  	v1 =	vld [tilespmem:s21+$0x350];
	_ =	sdelay $0x4  }
0x67: {  	v2 =	vshll.u32 v1, $0x10  }
0x68: {  	v1 =	vand.u32 $0xFFFF0000, v1;
	[tilespmem:s16+$0xFFFFFFE0] =	vst v2  }
0x69: {  	[tilespmem:s16+$0xFFFFFFF0] =	vst v1  }
0x6a: {  	v1 =	vld [tilespmem:s21+$0x360];
	_ =	sdelay $0x4  }
0x6b: {  	v2 =	vand.u32 $0xFFFF0000, v1  }
0x6c: {  	v1 =	vshll.u32 v1, $0x10;
	[tilespmem:s16+$0x10] =	vst v2  }
0x6d: {  	[tilespmem:s16+$0x0] =	vst v1  }
0x6e: {  	v1 =	vld [tilespmem:s21+$0x370];
	_ =	sdelay $0x4  }
0x6f: {  	v2 =	vshll.u32 v1, $0x10  }
0x70: {  	v1 =	vand.u32 $0xFFFF0000, v1;
	[tilespmem:s16+$0x20] =	vst v2  }
0x71: {  	s17 =	simm.s32 $0x40;
	[tilespmem:s16+$0x30] =	vst v1  }
0x72: {  	v1 =	vld [tilespmem:s17+$0x340]  }
0x73: {  	s18 =	simm.s32 $0x200  }
.LBB2_4:
0x74: {  	p0 =	sne.s32 s18, $0x6700;
	_ =	sdelay $0x2  }
0x75: {  	s16 =	sadd.s32 $0x80, s16;
	v2 =	vshll.u32 v1, $0x10  }
0x76: {  	v1 =	vand.u32 $0xFFFF0000, v1;
	[tilespmem:s16+$0xFFFFFFC0] =	vst v2  }
0x77: {  	[tilespmem:s16+$0xFFFFFFD0] =	vst v1  }
0x78: {  	v1 =	vld [tilespmem:s17+$0x350];
	_ =	sdelay $0x4  }
0x79: {  	v2 =	vshll.u32 v1, $0x10  }
0x7a: {  	v1 =	vand.u32 $0xFFFF0000, v1;
	[tilespmem:s16+$0xFFFFFFE0] =	vst v2  }
0x7b: {  	[tilespmem:s16+$0xFFFFFFF0] =	vst v1  }
0x7c: {  	v1 =	vld [tilespmem:s17+$0x360];
	_ =	sdelay $0x4  }
0x7d: {  	v2 =	vshll.u32 v1, $0x10;
	v1 =	vand.u32 $0xFFFF0000, v1  }
0x7e: {  	[tilespmem:s16+$0x10] =	vst v1  }
0x7f: {  	[tilespmem:s16+$0x0] =	vst v2  }
0x80: {  	v1 =	vld [tilespmem:s17+$0x370];
	_ =	sdelay $0x4  }
.Ltmp1:
0x81: {  	v2 =	vshll.u32 v1, $0x10;
	v1 =	vand.u32 $0xFFFF0000, v1;
	(pc) =	sbr.rel @p0 .LBB2_4-.Ltmp1, $4  }
0x82: {  	[tilespmem:s16+$0x20] =	vst v2  }
0x83: {  	s17 =	sshra.s32 s18, $0x2;
	[tilespmem:s16+$0x30] =	vst v1  }
0x84: {  	v1 =	vld [tilespmem:s17+$0x340]  }
0x85: {  	s18 =	sadd.s32 $0x100, s18  }
0x86: {  	_ =	sdelay $0x2  }
0x87: {  	s16 =	sadd.s32 $0x80, s16;
	v2 =	vshll.u32 v1, $0x10  }
0x88: {  	v1 =	vand.u32 $0xFFFF0000, v1;
	[tilespmem:s16+$0xFFFFFFC0] =	vst v2  }
0x89: {  	[tilespmem:s16+$0xFFFFFFD0] =	vst v1  }
0x8a: {  	v1 =	vld [tilespmem:s17+$0x350];
	_ =	sdelay $0x4  }
0x8b: {  	v2 =	vshll.u32 v1, $0x10  }
0x8c: {  	v1 =	vand.u32 $0xFFFF0000, v1;
	[tilespmem:s16+$0xFFFFFFE0] =	vst v2  }
0x8d: {  	[tilespmem:s16+$0xFFFFFFF0] =	vst v1  }
0x8e: {  	v1 =	vld [tilespmem:s17+$0x360];
	_ =	sdelay $0x4  }
0x8f: {  	v2 =	vand.u32 $0xFFFF0000, v1  }
0x90: {  	v1 =	vshll.u32 v1, $0x10;
	[tilespmem:s16+$0x10] =	vst v2  }
0x91: {  	[tilespmem:s16+$0x0] =	vst v1  }
0x92: {  	v1 =	vld [tilespmem:s17+$0x370];
	_ =	sdelay $0x4  }
0x93: {  	v2 =	vshll.u32 v1, $0x10  }
0x94: {  	v1 =	vand.u32 $0xFFFF0000, v1;
	[tilespmem:s16+$0x20] =	vst v2  }
0x95: {  	[tilespmem:s16+$0x30] =	vst v1  }
0x96: {  	[spmem:s3] =	stream.indirect.scatter.add.f32 [tilespmem:s2], [sflag:$0x4], $0x80, s7, s7, $0xb8;
	[tilespmem:$0x1F940] =	vst v63  }
0x97: {  	_ =	swait.ge [sflag:s28], $0x1A00  }
0x98: {  	[sflag:s28] =	ssyncset.done $0x0  }
0x99: {  	s19 =	simm.s32 $0x0;
	s20 =	rddreg [dreg:$0x19];
	[sflag:s28] =	ssyncadd.s32 $0xFFFFE600  }
0x9a: {  	[tilespmem:s29], [sflag:$0x6] =	stream.linear.gather [hbm4b:s20+s19], $0xD0, $0x38;
	[tilespmem:$0x1F940] =	vst v63  }
0x9b: {  	_ =	swait.ge [sflag:s0], $0xD0  }
0x9c: {  	[sflag:s0] =	ssyncset.done $0x0  }
0x9d: {  	s21 =	simm.s32 $0x0;
	[sflag:s0] =	ssyncadd.s32 $0xFFFFFF30  }
0x9e: {  	[tilespmem:s8], [sflag:$0x1] =	stream.indirect.gather [hbm4b:s1+s7], $0x40, s29, s7, $0xb8;
	[tilespmem:$0x1F940] =	vst v63  }
0x9f: {  	v1 =	vld [tilespmem:s21+$0x1D40];
	_ =	sdelay $0x4  }
0xa0: {  	s16 =	simm.s32 $0x8580;
	v2 =	vshll.u32 v1, $0x10  }
0xa1: {  	v1 =	vand.u32 $0xFFFF0000, v1;
	[tilespmem:s16+$0xFFFFFFC0] =	vst v2  }
0xa2: {  	[tilespmem:s16+$0xFFFFFFD0] =	vst v1  }
0xa3: {  	v1 =	vld [tilespmem:s21+$0x1D50];
	_ =	sdelay $0x4  }
0xa4: {  	v2 =	vshll.u32 v1, $0x10  }
0xa5: {  	v1 =	vand.u32 $0xFFFF0000, v1;
	[tilespmem:s16+$0xFFFFFFE0] =	vst v2  }
0xa6: {  	[tilespmem:s16+$0xFFFFFFF0] =	vst v1  }
0xa7: {  	v1 =	vld [tilespmem:s21+$0x1D60];
	_ =	sdelay $0x4  }
0xa8: {  	v2 =	vand.u32 $0xFFFF0000, v1  }
0xa9: {  	v1 =	vshll.u32 v1, $0x10;
	[tilespmem:s16+$0x10] =	vst v2  }
0xaa: {  	[tilespmem:s16+$0x0] =	vst v1  }
0xab: {  	v1 =	vld [tilespmem:s21+$0x1D70];
	_ =	sdelay $0x4  }
0xac: {  	v2 =	vshll.u32 v1, $0x10  }
0xad: {  	v1 =	vand.u32 $0xFFFF0000, v1;
	[tilespmem:s16+$0x20] =	vst v2  }
0xae: {  	s17 =	simm.s32 $0x40;
	[tilespmem:s16+$0x30] =	vst v1  }
0xaf: {  	v1 =	vld [tilespmem:s17+$0x1D40]  }
0xb0: {  	s18 =	simm.s32 $0x200  }
.LBB2_6:
0xb1: {  	p0 =	sne.s32 s18, $0x6700;
	_ =	sdelay $0x2  }
0xb2: {  	s16 =	sadd.s32 $0x80, s16;
	v2 =	vshll.u32 v1, $0x10  }
0xb3: {  	v1 =	vand.u32 $0xFFFF0000, v1;
	[tilespmem:s16+$0xFFFFFFC0] =	vst v2  }
0xb4: {  	[tilespmem:s16+$0xFFFFFFD0] =	vst v1  }
0xb5: {  	v1 =	vld [tilespmem:s17+$0x1D50];
	_ =	sdelay $0x4  }
0xb6: {  	v2 =	vshll.u32 v1, $0x10  }
0xb7: {  	v1 =	vand.u32 $0xFFFF0000, v1;
	[tilespmem:s16+$0xFFFFFFE0] =	vst v2  }
0xb8: {  	[tilespmem:s16+$0xFFFFFFF0] =	vst v1  }
0xb9: {  	v1 =	vld [tilespmem:s17+$0x1D60];
	_ =	sdelay $0x4  }
0xba: {  	v2 =	vshll.u32 v1, $0x10;
	v1 =	vand.u32 $0xFFFF0000, v1  }
0xbb: {  	[tilespmem:s16+$0x10] =	vst v1  }
0xbc: {  	[tilespmem:s16+$0x0] =	vst v2  }
0xbd: {  	v1 =	vld [tilespmem:s17+$0x1D70];
	_ =	sdelay $0x4  }
.Ltmp2:
0xbe: {  	v2 =	vshll.u32 v1, $0x10;
	v1 =	vand.u32 $0xFFFF0000, v1;
	(pc) =	sbr.rel @p0 .LBB2_6-.Ltmp2, $4  }
0xbf: {  	[tilespmem:s16+$0x20] =	vst v2  }
0xc0: {  	s17 =	sshra.s32 s18, $0x2;
	[tilespmem:s16+$0x30] =	vst v1  }
0xc1: {  	v1 =	vld [tilespmem:s17+$0x1D40]  }
0xc2: {  	s18 =	sadd.s32 $0x100, s18  }
0xc3: {  	_ =	sdelay $0x2  }
0xc4: {  	s16 =	sadd.s32 $0x80, s16;
	v2 =	vshll.u32 v1, $0x10  }
0xc5: {  	v1 =	vand.u32 $0xFFFF0000, v1;
	[tilespmem:s16+$0xFFFFFFC0] =	vst v2  }
0xc6: {  	[tilespmem:s16+$0xFFFFFFD0] =	vst v1  }
0xc7: {  	v1 =	vld [tilespmem:s17+$0x1D50];
	_ =	sdelay $0x4  }
0xc8: {  	v2 =	vshll.u32 v1, $0x10  }
0xc9: {  	v1 =	vand.u32 $0xFFFF0000, v1;
	[tilespmem:s16+$0xFFFFFFE0] =	vst v2  }
0xca: {  	[tilespmem:s16+$0xFFFFFFF0] =	vst v1  }
0xcb: {  	v1 =	vld [tilespmem:s17+$0x1D60];
	_ =	sdelay $0x4  }
0xcc: {  	v2 =	vand.u32 $0xFFFF0000, v1  }
0xcd: {  	v1 =	vshll.u32 v1, $0x10;
	[tilespmem:s16+$0x10] =	vst v2  }
0xce: {  	[tilespmem:s16+$0x0] =	vst v1  }
0xcf: {  	v1 =	vld [tilespmem:s17+$0x1D70];
	_ =	sdelay $0x4  }
0xd0: {  	v2 =	vshll.u32 v1, $0x10  }
0xd1: {  	v1 =	vand.u32 $0xFFFF0000, v1;
	[tilespmem:s16+$0x20] =	vst v2  }
0xd2: {  	s17 =	simm.s32 $0x0;
	[tilespmem:s16+$0x30] =	vst v1;
	s16 =	simm.s32 $0x0  }
0xd3: {  	[spmem:s3] =	stream.indirect.scatter.add.f32 [tilespmem:s31], [sflag:$0x5], $0x80, s30, s7, $0xb8;
	[tilespmem:$0x1F940] =	vst v63  }
.LBB2_8:
0xd4: {  	_ =	swait.ge [sflag:s13], $0x1A00  }
0xd5: {  	[sflag:s13] =	ssyncset.done $0x0  }
0xd6: {  	[sflag:s13] =	ssyncadd.s32 $0xFFFFE600  }
0xd7: {  	s18 =	smul.u32 $0x9C0, s17;
	_ =	swait.ge [sflag:s6], $0x3400  }
0xd8: {  	s19 =	rddreg [dreg:$0xd]  }
0xd9: {  	s19 =	sadd.s32 s18, s19  }
0xda: {  	[sflag:s6] =	ssyncset.done $0x0;
	s19 =	sshrl.u32 s19, $0x3  }
0xdb: {  	[sflag:s6] =	ssyncadd.s32 $0xFFFFCC00;
	s19 =	sadd.s32 s5, s19  }
0xdc: {  	[tilespmem:s16], [sflag:$0x6] =	stream.linear.gather [hbm4b:s19+s16], $0xD0, $0x38;
	[tilespmem:$0x1F940] =	vst v63  }
0xdd: {  	_ =	swait.ge [sflag:s0], $0xD0  }
0xde: {  	[sflag:s0] =	ssyncset.done $0x0  }
0xdf: {  	s20 =	simm.s32 $0x0;
	[sflag:s0] =	ssyncadd.s32 $0xFFFFFF30  }
0xe0: {  	[tilespmem:s10], [sflag:$0x2] =	stream.indirect.gather [hbm4b:s1+s7], $0x40, s16, s7, $0xb8;
	[tilespmem:$0x1F940] =	vst v63  }
0xe1: {  	v1 =	vld [tilespmem:s20+$0x3740];
	_ =	sdelay $0x4  }
0xe2: {  	s19 =	simm.s32 $0x5180;
	v2 =	vshll.u32 v1, $0x10  }
0xe3: {  	v1 =	vand.u32 $0xFFFF0000, v1;
	[tilespmem:s19+$0xFFFFFFC0] =	vst v2  }
0xe4: {  	[tilespmem:s19+$0xFFFFFFD0] =	vst v1  }
0xe5: {  	v1 =	vld [tilespmem:s20+$0x3750];
	_ =	sdelay $0x4  }
0xe6: {  	v2 =	vshll.u32 v1, $0x10  }
0xe7: {  	v1 =	vand.u32 $0xFFFF0000, v1;
	[tilespmem:s19+$0xFFFFFFE0] =	vst v2  }
0xe8: {  	[tilespmem:s19+$0xFFFFFFF0] =	vst v1  }
0xe9: {  	v1 =	vld [tilespmem:s20+$0x3760];
	_ =	sdelay $0x4  }
0xea: {  	v2 =	vand.u32 $0xFFFF0000, v1  }
0xeb: {  	v1 =	vshll.u32 v1, $0x10;
	[tilespmem:s19+$0x10] =	vst v2  }
0xec: {  	[tilespmem:s19+$0x0] =	vst v1  }
0xed: {  	v1 =	vld [tilespmem:s20+$0x3770];
	_ =	sdelay $0x4  }
0xee: {  	v2 =	vshll.u32 v1, $0x10  }
0xef: {  	v1 =	vand.u32 $0xFFFF0000, v1;
	[tilespmem:s19+$0x20] =	vst v2  }
0xf0: {  	s20 =	simm.s32 $0x40;
	[tilespmem:s19+$0x30] =	vst v1  }
0xf1: {  	v1 =	vld [tilespmem:s20+$0x3740]  }
0xf2: {  	s21 =	simm.s32 $0x200  }
.LBB2_9:
0xf3: {  	p0 =	sne.s32 s21, $0x6700;
	_ =	sdelay $0x2  }
0xf4: {  	s19 =	sadd.s32 $0x80, s19;
	v2 =	vshll.u32 v1, $0x10  }
0xf5: {  	v1 =	vand.u32 $0xFFFF0000, v1;
	[tilespmem:s19+$0xFFFFFFC0] =	vst v2  }
0xf6: {  	[tilespmem:s19+$0xFFFFFFD0] =	vst v1  }
0xf7: {  	v1 =	vld [tilespmem:s20+$0x3750];
	_ =	sdelay $0x4  }
0xf8: {  	v2 =	vshll.u32 v1, $0x10  }
0xf9: {  	v1 =	vand.u32 $0xFFFF0000, v1;
	[tilespmem:s19+$0xFFFFFFE0] =	vst v2  }
0xfa: {  	[tilespmem:s19+$0xFFFFFFF0] =	vst v1  }
0xfb: {  	v1 =	vld [tilespmem:s20+$0x3760];
	_ =	sdelay $0x4  }
0xfc: {  	v2 =	vshll.u32 v1, $0x10;
	v1 =	vand.u32 $0xFFFF0000, v1  }
0xfd: {  	[tilespmem:s19+$0x10] =	vst v1  }
0xfe: {  	[tilespmem:s19+$0x0] =	vst v2  }
0xff: {  	v1 =	vld [tilespmem:s20+$0x3770];
	_ =	sdelay $0x4  }
.Ltmp3:
0x100: {  	v2 =	vshll.u32 v1, $0x10;
	v1 =	vand.u32 $0xFFFF0000, v1;
	(pc) =	sbr.rel @p0 .LBB2_9-.Ltmp3, $4  }
0x101: {  	[tilespmem:s19+$0x20] =	vst v2  }
0x102: {  	s20 =	sshra.s32 s21, $0x2;
	[tilespmem:s19+$0x30] =	vst v1  }
0x103: {  	v1 =	vld [tilespmem:s20+$0x3740]  }
0x104: {  	s21 =	sadd.s32 $0x100, s21  }
0x105: {  	_ =	sdelay $0x2  }
0x106: {  	s19 =	sadd.s32 $0x80, s19;
	v2 =	vshll.u32 v1, $0x10  }
0x107: {  	v1 =	vand.u32 $0xFFFF0000, v1;
	[tilespmem:s19+$0xFFFFFFC0] =	vst v2  }
0x108: {  	[tilespmem:s19+$0xFFFFFFD0] =	vst v1  }
0x109: {  	v1 =	vld [tilespmem:s20+$0x3750];
	_ =	sdelay $0x4  }
0x10a: {  	v2 =	vshll.u32 v1, $0x10  }
0x10b: {  	v1 =	vand.u32 $0xFFFF0000, v1;
	[tilespmem:s19+$0xFFFFFFE0] =	vst v2  }
0x10c: {  	[tilespmem:s19+$0xFFFFFFF0] =	vst v1  }
0x10d: {  	v1 =	vld [tilespmem:s20+$0x3760];
	_ =	sdelay $0x4  }
0x10e: {  	v2 =	vand.u32 $0xFFFF0000, v1  }
0x10f: {  	v1 =	vshll.u32 v1, $0x10;
	[tilespmem:s19+$0x10] =	vst v2  }
0x110: {  	[tilespmem:s19+$0x0] =	vst v1  }
0x111: {  	v1 =	vld [tilespmem:s20+$0x3770];
	_ =	sdelay $0x4  }
0x112: {  	v2 =	vshll.u32 v1, $0x10  }
0x113: {  	v1 =	vand.u32 $0xFFFF0000, v1;
	[tilespmem:s19+$0x20] =	vst v2  }
0x114: {  	[tilespmem:s19+$0x30] =	vst v1  }
0x115: {  	[spmem:s3] =	stream.indirect.scatter.add.f32 [tilespmem:s2], [sflag:$0x4], $0x80, s4, s7, $0xb8;
	[tilespmem:$0x1F940] =	vst v63  }
0x116: {  	_ =	swait.ge [sflag:s11], $0x1A00  }
0x117: {  	[sflag:s11] =	ssyncset.done $0x0  }
0x118: {  	[sflag:s11] =	ssyncadd.s32 $0xFFFFE600  }
0x119: {  	_ =	swait.ge [sflag:s14], $0x3400  }
0x11a: {  	s20 =	rddreg [dreg:$0xe]  }
0x11b: {  	s19 =	sadd.s32 s18, s20  }
0x11c: {  	[sflag:s14] =	ssyncset.done $0x0;
	s19 =	sshrl.u32 s19, $0x3  }
0x11d: {  	s21 =	simm.s32 $0x0;
	[sflag:s14] =	ssyncadd.s32 $0xFFFFCC00;
	s19 =	sadd.s32 s5, s19  }
0x11e: {  	[tilespmem:s9], [sflag:$0x6] =	stream.linear.gather [hbm4b:s19+s21], $0xD0, $0x38;
	[tilespmem:$0x1F940] =	vst v63  }
0x11f: {  	_ =	swait.ge [sflag:s0], $0xD0  }
0x120: {  	[sflag:s0] =	ssyncset.done $0x0  }
0x121: {  	s21 =	simm.s32 $0x0;
	[sflag:s0] =	ssyncadd.s32 $0xFFFFFF30  }
0x122: {  	[tilespmem:s26], [sflag:$0x3] =	stream.indirect.gather [hbm4b:s1+s7], $0x40, s9, s7, $0xb8;
	[tilespmem:$0x1F940] =	vst v63  }
0x123: {  	v1 =	vld [tilespmem:s21+$0x340];
	_ =	sdelay $0x4  }
0x124: {  	s19 =	simm.s32 $0x8580;
	v2 =	vshll.u32 v1, $0x10  }
0x125: {  	v1 =	vand.u32 $0xFFFF0000, v1;
	[tilespmem:s19+$0xFFFFFFC0] =	vst v2  }
0x126: {  	[tilespmem:s19+$0xFFFFFFD0] =	vst v1  }
0x127: {  	v1 =	vld [tilespmem:s21+$0x350];
	_ =	sdelay $0x4  }
0x128: {  	v2 =	vshll.u32 v1, $0x10  }
0x129: {  	v1 =	vand.u32 $0xFFFF0000, v1;
	[tilespmem:s19+$0xFFFFFFE0] =	vst v2  }
0x12a: {  	[tilespmem:s19+$0xFFFFFFF0] =	vst v1  }
0x12b: {  	v1 =	vld [tilespmem:s21+$0x360];
	_ =	sdelay $0x4  }
0x12c: {  	v2 =	vand.u32 $0xFFFF0000, v1  }
0x12d: {  	v1 =	vshll.u32 v1, $0x10;
	[tilespmem:s19+$0x10] =	vst v2  }
0x12e: {  	[tilespmem:s19+$0x0] =	vst v1  }
0x12f: {  	v1 =	vld [tilespmem:s21+$0x370];
	_ =	sdelay $0x4  }
0x130: {  	v2 =	vshll.u32 v1, $0x10  }
0x131: {  	v1 =	vand.u32 $0xFFFF0000, v1;
	[tilespmem:s19+$0x20] =	vst v2  }
0x132: {  	s20 =	simm.s32 $0x40;
	[tilespmem:s19+$0x30] =	vst v1  }
0x133: {  	v1 =	vld [tilespmem:s20+$0x340]  }
0x134: {  	s21 =	simm.s32 $0x200  }
.LBB2_11:
0x135: {  	p0 =	sne.s32 s21, $0x6700;
	_ =	sdelay $0x2  }
0x136: {  	s19 =	sadd.s32 $0x80, s19;
	v2 =	vshll.u32 v1, $0x10  }
0x137: {  	v1 =	vand.u32 $0xFFFF0000, v1;
	[tilespmem:s19+$0xFFFFFFC0] =	vst v2  }
0x138: {  	[tilespmem:s19+$0xFFFFFFD0] =	vst v1  }
0x139: {  	v1 =	vld [tilespmem:s20+$0x350];
	_ =	sdelay $0x4  }
0x13a: {  	v2 =	vshll.u32 v1, $0x10  }
0x13b: {  	v1 =	vand.u32 $0xFFFF0000, v1;
	[tilespmem:s19+$0xFFFFFFE0] =	vst v2  }
0x13c: {  	[tilespmem:s19+$0xFFFFFFF0] =	vst v1  }
0x13d: {  	v1 =	vld [tilespmem:s20+$0x360];
	_ =	sdelay $0x4  }
0x13e: {  	v2 =	vshll.u32 v1, $0x10;
	v1 =	vand.u32 $0xFFFF0000, v1  }
0x13f: {  	[tilespmem:s19+$0x10] =	vst v1  }
0x140: {  	[tilespmem:s19+$0x0] =	vst v2  }
0x141: {  	v1 =	vld [tilespmem:s20+$0x370];
	_ =	sdelay $0x4  }
.Ltmp4:
0x142: {  	v2 =	vshll.u32 v1, $0x10;
	v1 =	vand.u32 $0xFFFF0000, v1;
	(pc) =	sbr.rel @p0 .LBB2_11-.Ltmp4, $4  }
0x143: {  	[tilespmem:s19+$0x20] =	vst v2  }
0x144: {  	s20 =	sshra.s32 s21, $0x2;
	[tilespmem:s19+$0x30] =	vst v1  }
0x145: {  	v1 =	vld [tilespmem:s20+$0x340]  }
0x146: {  	s21 =	sadd.s32 $0x100, s21  }
0x147: {  	_ =	sdelay $0x2  }
0x148: {  	s19 =	sadd.s32 $0x80, s19;
	v2 =	vshll.u32 v1, $0x10  }
0x149: {  	v1 =	vand.u32 $0xFFFF0000, v1;
	[tilespmem:s19+$0xFFFFFFC0] =	vst v2  }
0x14a: {  	[tilespmem:s19+$0xFFFFFFD0] =	vst v1  }
0x14b: {  	v1 =	vld [tilespmem:s20+$0x350];
	_ =	sdelay $0x4  }
0x14c: {  	v2 =	vshll.u32 v1, $0x10  }
0x14d: {  	v1 =	vand.u32 $0xFFFF0000, v1;
	[tilespmem:s19+$0xFFFFFFE0] =	vst v2  }
0x14e: {  	[tilespmem:s19+$0xFFFFFFF0] =	vst v1  }
0x14f: {  	v1 =	vld [tilespmem:s20+$0x360];
	_ =	sdelay $0x4  }
0x150: {  	v2 =	vand.u32 $0xFFFF0000, v1  }
0x151: {  	v1 =	vshll.u32 v1, $0x10;
	[tilespmem:s19+$0x10] =	vst v2  }
0x152: {  	[tilespmem:s19+$0x0] =	vst v1  }
0x153: {  	v1 =	vld [tilespmem:s20+$0x370];
	_ =	sdelay $0x4  }
0x154: {  	v2 =	vshll.u32 v1, $0x10  }
0x155: {  	v1 =	vand.u32 $0xFFFF0000, v1;
	[tilespmem:s19+$0x20] =	vst v2  }
0x156: {  	[tilespmem:s19+$0x30] =	vst v1  }
0x157: {  	[spmem:s3] =	stream.indirect.scatter.add.f32 [tilespmem:s31], [sflag:$0x5], $0x80, s15, s7, $0xb8;
	[tilespmem:$0x1F940] =	vst v63  }
0x158: {  	_ =	swait.ge [sflag:s28], $0x1A00  }
0x159: {  	[sflag:s28] =	ssyncset.done $0x0  }
0x15a: {  	[sflag:s28] =	ssyncadd.s32 $0xFFFFE600  }
0x15b: {  	_ =	swait.ge [sflag:s6], $0x3400  }
0x15c: {  	s20 =	rddreg [dreg:$0xf]  }
0x15d: {  	s19 =	sadd.s32 s18, s20  }
0x15e: {  	[sflag:s6] =	ssyncset.done $0x0;
	s19 =	sshrl.u32 s19, $0x3  }
0x15f: {  	s21 =	simm.s32 $0x0;
	[sflag:s6] =	ssyncadd.s32 $0xFFFFCC00;
	s19 =	sadd.s32 s5, s19  }
0x160: {  	[tilespmem:s12], [sflag:$0x6] =	stream.linear.gather [hbm4b:s19+s21], $0xD0, $0x38;
	[tilespmem:$0x1F940] =	vst v63  }
0x161: {  	_ =	swait.ge [sflag:s0], $0xD0  }
0x162: {  	[sflag:s0] =	ssyncset.done $0x0  }
0x163: {  	s21 =	simm.s32 $0x0;
	[sflag:s0] =	ssyncadd.s32 $0xFFFFFF30  }
0x164: {  	[tilespmem:s8], [sflag:$0x1] =	stream.indirect.gather [hbm4b:s1+s7], $0x40, s12, s7, $0xb8;
	[tilespmem:$0x1F940] =	vst v63  }
0x165: {  	v1 =	vld [tilespmem:s21+$0x1D40];
	_ =	sdelay $0x4  }
0x166: {  	s19 =	simm.s32 $0x5180;
	v2 =	vshll.u32 v1, $0x10  }
0x167: {  	v1 =	vand.u32 $0xFFFF0000, v1;
	[tilespmem:s19+$0xFFFFFFC0] =	vst v2  }
0x168: {  	[tilespmem:s19+$0xFFFFFFD0] =	vst v1  }
0x169: {  	v1 =	vld [tilespmem:s21+$0x1D50];
	_ =	sdelay $0x4  }
0x16a: {  	v2 =	vshll.u32 v1, $0x10  }
0x16b: {  	v1 =	vand.u32 $0xFFFF0000, v1;
	[tilespmem:s19+$0xFFFFFFE0] =	vst v2  }
0x16c: {  	[tilespmem:s19+$0xFFFFFFF0] =	vst v1  }
0x16d: {  	v1 =	vld [tilespmem:s21+$0x1D60];
	_ =	sdelay $0x4  }
0x16e: {  	v2 =	vand.u32 $0xFFFF0000, v1  }
0x16f: {  	v1 =	vshll.u32 v1, $0x10;
	[tilespmem:s19+$0x10] =	vst v2  }
0x170: {  	[tilespmem:s19+$0x0] =	vst v1  }
0x171: {  	v1 =	vld [tilespmem:s21+$0x1D70];
	_ =	sdelay $0x4  }
0x172: {  	v2 =	vshll.u32 v1, $0x10  }
0x173: {  	v1 =	vand.u32 $0xFFFF0000, v1;
	[tilespmem:s19+$0x20] =	vst v2  }
0x174: {  	s20 =	simm.s32 $0x40;
	[tilespmem:s19+$0x30] =	vst v1  }
0x175: {  	v1 =	vld [tilespmem:s20+$0x1D40]  }
0x176: {  	s21 =	simm.s32 $0x200  }
.LBB2_13:
0x177: {  	p0 =	sne.s32 s21, $0x6700;
	_ =	sdelay $0x2  }
0x178: {  	s19 =	sadd.s32 $0x80, s19;
	v2 =	vshll.u32 v1, $0x10  }
0x179: {  	v1 =	vand.u32 $0xFFFF0000, v1;
	[tilespmem:s19+$0xFFFFFFC0] =	vst v2  }
0x17a: {  	[tilespmem:s19+$0xFFFFFFD0] =	vst v1  }
0x17b: {  	v1 =	vld [tilespmem:s20+$0x1D50];
	_ =	sdelay $0x4  }
0x17c: {  	v2 =	vshll.u32 v1, $0x10  }
0x17d: {  	v1 =	vand.u32 $0xFFFF0000, v1;
	[tilespmem:s19+$0xFFFFFFE0] =	vst v2  }
0x17e: {  	[tilespmem:s19+$0xFFFFFFF0] =	vst v1  }
0x17f: {  	v1 =	vld [tilespmem:s20+$0x1D60];
	_ =	sdelay $0x4  }
0x180: {  	v2 =	vshll.u32 v1, $0x10;
	v1 =	vand.u32 $0xFFFF0000, v1  }
0x181: {  	[tilespmem:s19+$0x10] =	vst v1  }
0x182: {  	[tilespmem:s19+$0x0] =	vst v2  }
0x183: {  	v1 =	vld [tilespmem:s20+$0x1D70];
	_ =	sdelay $0x4  }
.Ltmp5:
0x184: {  	v2 =	vshll.u32 v1, $0x10;
	v1 =	vand.u32 $0xFFFF0000, v1;
	(pc) =	sbr.rel @p0 .LBB2_13-.Ltmp5, $4  }
0x185: {  	[tilespmem:s19+$0x20] =	vst v2  }
0x186: {  	s20 =	sshra.s32 s21, $0x2;
	[tilespmem:s19+$0x30] =	vst v1  }
0x187: {  	v1 =	vld [tilespmem:s20+$0x1D40]  }
0x188: {  	s21 =	sadd.s32 $0x100, s21  }
0x189: {  	_ =	sdelay $0x2  }
0x18a: {  	s19 =	sadd.s32 $0x80, s19;
	v2 =	vshll.u32 v1, $0x10  }
0x18b: {  	v1 =	vand.u32 $0xFFFF0000, v1;
	[tilespmem:s19+$0xFFFFFFC0] =	vst v2  }
0x18c: {  	[tilespmem:s19+$0xFFFFFFD0] =	vst v1  }
0x18d: {  	v1 =	vld [tilespmem:s20+$0x1D50];
	_ =	sdelay $0x4  }
0x18e: {  	v2 =	vshll.u32 v1, $0x10  }
0x18f: {  	v1 =	vand.u32 $0xFFFF0000, v1;
	[tilespmem:s19+$0xFFFFFFE0] =	vst v2  }
0x190: {  	[tilespmem:s19+$0xFFFFFFF0] =	vst v1  }
0x191: {  	v1 =	vld [tilespmem:s20+$0x1D60];
	_ =	sdelay $0x4  }
0x192: {  	v2 =	vand.u32 $0xFFFF0000, v1  }
0x193: {  	v1 =	vshll.u32 v1, $0x10;
	[tilespmem:s19+$0x10] =	vst v2  }
0x194: {  	[tilespmem:s19+$0x0] =	vst v1  }
0x195: {  	v1 =	vld [tilespmem:s20+$0x1D70];
	_ =	sdelay $0x4  }
0x196: {  	v2 =	vshll.u32 v1, $0x10  }
0x197: {  	v1 =	vand.u32 $0xFFFF0000, v1;
	[tilespmem:s19+$0x20] =	vst v2  }
0x198: {  	[tilespmem:s19+$0x30] =	vst v1  }
0x199: {  	[spmem:s3] =	stream.indirect.scatter.add.f32 [tilespmem:s2], [sflag:$0x4], $0x80, s7, s7, $0xb8;
	[tilespmem:$0x1F940] =	vst v63  }
0x19a: {  	_ =	swait.ge [sflag:s13], $0x1A00  }
0x19b: {  	[sflag:s13] =	ssyncset.done $0x0  }
0x19c: {  	[sflag:s13] =	ssyncadd.s32 $0xFFFFE600  }
0x19d: {  	_ =	swait.ge [sflag:s14], $0x3400  }
0x19e: {  	s20 =	rddreg [dreg:$0x10]  }
0x19f: {  	s19 =	sadd.s32 s18, s20  }
0x1a0: {  	[sflag:s14] =	ssyncset.done $0x0;
	s19 =	sshrl.u32 s19, $0x3  }
0x1a1: {  	s21 =	simm.s32 $0x0;
	[sflag:s14] =	ssyncadd.s32 $0xFFFFCC00;
	s19 =	sadd.s32 s5, s19  }
0x1a2: {  	[tilespmem:s29], [sflag:$0x6] =	stream.linear.gather [hbm4b:s19+s21], $0xD0, $0x38;
	[tilespmem:$0x1F940] =	vst v63  }
0x1a3: {  	_ =	swait.ge [sflag:s0], $0xD0  }
0x1a4: {  	[sflag:s0] =	ssyncset.done $0x0  }
0x1a5: {  	s21 =	simm.s32 $0x0;
	[sflag:s0] =	ssyncadd.s32 $0xFFFFFF30  }
0x1a6: {  	[tilespmem:s10], [sflag:$0x2] =	stream.indirect.gather [hbm4b:s1+s7], $0x40, s29, s7, $0xb8;
	[tilespmem:$0x1F940] =	vst v63  }
0x1a7: {  	v1 =	vld [tilespmem:s21+$0x3740];
	_ =	sdelay $0x4  }
0x1a8: {  	s19 =	simm.s32 $0x8580;
	v2 =	vshll.u32 v1, $0x10  }
0x1a9: {  	v1 =	vand.u32 $0xFFFF0000, v1;
	[tilespmem:s19+$0xFFFFFFC0] =	vst v2  }
0x1aa: {  	[tilespmem:s19+$0xFFFFFFD0] =	vst v1  }
0x1ab: {  	v1 =	vld [tilespmem:s21+$0x3750];
	_ =	sdelay $0x4  }
0x1ac: {  	v2 =	vshll.u32 v1, $0x10  }
0x1ad: {  	v1 =	vand.u32 $0xFFFF0000, v1;
	[tilespmem:s19+$0xFFFFFFE0] =	vst v2  }
0x1ae: {  	[tilespmem:s19+$0xFFFFFFF0] =	vst v1  }
0x1af: {  	v1 =	vld [tilespmem:s21+$0x3760];
	_ =	sdelay $0x4  }
0x1b0: {  	v2 =	vand.u32 $0xFFFF0000, v1  }
0x1b1: {  	v1 =	vshll.u32 v1, $0x10;
	[tilespmem:s19+$0x10] =	vst v2  }
0x1b2: {  	[tilespmem:s19+$0x0] =	vst v1  }
0x1b3: {  	v1 =	vld [tilespmem:s21+$0x3770];
	_ =	sdelay $0x4  }
0x1b4: {  	v2 =	vshll.u32 v1, $0x10  }
0x1b5: {  	v1 =	vand.u32 $0xFFFF0000, v1;
	[tilespmem:s19+$0x20] =	vst v2  }
0x1b6: {  	s20 =	simm.s32 $0x40;
	[tilespmem:s19+$0x30] =	vst v1  }
0x1b7: {  	v1 =	vld [tilespmem:s20+$0x3740]  }
0x1b8: {  	s21 =	simm.s32 $0x200  }
.LBB2_15:
0x1b9: {  	p0 =	sne.s32 s21, $0x6700;
	_ =	sdelay $0x2  }
0x1ba: {  	s19 =	sadd.s32 $0x80, s19;
	v2 =	vshll.u32 v1, $0x10  }
0x1bb: {  	v1 =	vand.u32 $0xFFFF0000, v1;
	[tilespmem:s19+$0xFFFFFFC0] =	vst v2  }
0x1bc: {  	[tilespmem:s19+$0xFFFFFFD0] =	vst v1  }
0x1bd: {  	v1 =	vld [tilespmem:s20+$0x3750];
	_ =	sdelay $0x4  }
0x1be: {  	v2 =	vshll.u32 v1, $0x10  }
0x1bf: {  	v1 =	vand.u32 $0xFFFF0000, v1;
	[tilespmem:s19+$0xFFFFFFE0] =	vst v2  }
0x1c0: {  	[tilespmem:s19+$0xFFFFFFF0] =	vst v1  }
0x1c1: {  	v1 =	vld [tilespmem:s20+$0x3760];
	_ =	sdelay $0x4  }
0x1c2: {  	v2 =	vshll.u32 v1, $0x10;
	v1 =	vand.u32 $0xFFFF0000, v1  }
0x1c3: {  	[tilespmem:s19+$0x10] =	vst v1  }
0x1c4: {  	[tilespmem:s19+$0x0] =	vst v2  }
0x1c5: {  	v1 =	vld [tilespmem:s20+$0x3770];
	_ =	sdelay $0x4  }
.Ltmp6:
0x1c6: {  	v2 =	vshll.u32 v1, $0x10;
	v1 =	vand.u32 $0xFFFF0000, v1;
	(pc) =	sbr.rel @p0 .LBB2_15-.Ltmp6, $4  }
0x1c7: {  	[tilespmem:s19+$0x20] =	vst v2  }
0x1c8: {  	s20 =	sshra.s32 s21, $0x2;
	[tilespmem:s19+$0x30] =	vst v1  }
0x1c9: {  	v1 =	vld [tilespmem:s20+$0x3740]  }
0x1ca: {  	s21 =	sadd.s32 $0x100, s21  }
0x1cb: {  	_ =	sdelay $0x2  }
0x1cc: {  	s19 =	sadd.s32 $0x80, s19;
	v2 =	vshll.u32 v1, $0x10  }
0x1cd: {  	v1 =	vand.u32 $0xFFFF0000, v1;
	[tilespmem:s19+$0xFFFFFFC0] =	vst v2  }
0x1ce: {  	[tilespmem:s19+$0xFFFFFFD0] =	vst v1  }
0x1cf: {  	v1 =	vld [tilespmem:s20+$0x3750];
	_ =	sdelay $0x4  }
0x1d0: {  	v2 =	vshll.u32 v1, $0x10  }
0x1d1: {  	v1 =	vand.u32 $0xFFFF0000, v1;
	[tilespmem:s19+$0xFFFFFFE0] =	vst v2  }
0x1d2: {  	[tilespmem:s19+$0xFFFFFFF0] =	vst v1  }
0x1d3: {  	v1 =	vld [tilespmem:s20+$0x3760];
	_ =	sdelay $0x4  }
0x1d4: {  	v2 =	vand.u32 $0xFFFF0000, v1  }
0x1d5: {  	v1 =	vshll.u32 v1, $0x10;
	[tilespmem:s19+$0x10] =	vst v2  }
0x1d6: {  	[tilespmem:s19+$0x0] =	vst v1  }
0x1d7: {  	v1 =	vld [tilespmem:s20+$0x3770];
	_ =	sdelay $0x4  }
0x1d8: {  	v2 =	vshll.u32 v1, $0x10  }
0x1d9: {  	v1 =	vand.u32 $0xFFFF0000, v1;
	[tilespmem:s19+$0x20] =	vst v2  }
0x1da: {  	[tilespmem:s19+$0x30] =	vst v1  }
0x1db: {  	[spmem:s3] =	stream.indirect.scatter.add.f32 [tilespmem:s31], [sflag:$0x5], $0x80, s30, s7, $0xb8;
	[tilespmem:$0x1F940] =	vst v63  }
0x1dc: {  	_ =	swait.ge [sflag:s11], $0x1A00  }
0x1dd: {  	[sflag:s11] =	ssyncset.done $0x0  }
0x1de: {  	[sflag:s11] =	ssyncadd.s32 $0xFFFFE600  }
0x1df: {  	_ =	swait.ge [sflag:s6], $0x3400  }
0x1e0: {  	s20 =	rddreg [dreg:$0x11]  }
0x1e1: {  	s19 =	sadd.s32 s18, s20  }
0x1e2: {  	[sflag:s6] =	ssyncset.done $0x0;
	s19 =	sshrl.u32 s19, $0x3  }
0x1e3: {  	s21 =	simm.s32 $0x0;
	[sflag:s6] =	ssyncadd.s32 $0xFFFFCC00;
	s19 =	sadd.s32 s5, s19  }
0x1e4: {  	[tilespmem:s21], [sflag:$0x6] =	stream.linear.gather [hbm4b:s19+s21], $0xD0, $0x38;
	[tilespmem:$0x1F940] =	vst v63  }
0x1e5: {  	_ =	swait.ge [sflag:s0], $0xD0  }
0x1e6: {  	[sflag:s0] =	ssyncset.done $0x0  }
0x1e7: {  	[sflag:s0] =	ssyncadd.s32 $0xFFFFFF30  }
0x1e8: {  	[tilespmem:s26], [sflag:$0x3] =	stream.indirect.gather [hbm4b:s1+s7], $0x40, s21, s7, $0xb8;
	[tilespmem:$0x1F940] =	vst v63  }
0x1e9: {  	s21 =	simm.s32 $0x0  }
0x1ea: {  	v1 =	vld [tilespmem:s21+$0x340];
	_ =	sdelay $0x4  }
0x1eb: {  	s19 =	simm.s32 $0x5180;
	v2 =	vshll.u32 v1, $0x10  }
0x1ec: {  	v1 =	vand.u32 $0xFFFF0000, v1;
	[tilespmem:s19+$0xFFFFFFC0] =	vst v2  }
0x1ed: {  	[tilespmem:s19+$0xFFFFFFD0] =	vst v1  }
0x1ee: {  	v1 =	vld [tilespmem:s21+$0x350];
	_ =	sdelay $0x4  }
0x1ef: {  	v2 =	vshll.u32 v1, $0x10  }
0x1f0: {  	v1 =	vand.u32 $0xFFFF0000, v1;
	[tilespmem:s19+$0xFFFFFFE0] =	vst v2  }
0x1f1: {  	[tilespmem:s19+$0xFFFFFFF0] =	vst v1  }
0x1f2: {  	v1 =	vld [tilespmem:s21+$0x360];
	_ =	sdelay $0x4  }
0x1f3: {  	v2 =	vand.u32 $0xFFFF0000, v1  }
0x1f4: {  	v1 =	vshll.u32 v1, $0x10;
	[tilespmem:s19+$0x10] =	vst v2  }
0x1f5: {  	[tilespmem:s19+$0x0] =	vst v1  }
0x1f6: {  	v1 =	vld [tilespmem:s21+$0x370];
	_ =	sdelay $0x4  }
0x1f7: {  	v2 =	vshll.u32 v1, $0x10  }
0x1f8: {  	v1 =	vand.u32 $0xFFFF0000, v1;
	[tilespmem:s19+$0x20] =	vst v2  }
0x1f9: {  	s20 =	simm.s32 $0x40;
	[tilespmem:s19+$0x30] =	vst v1  }
0x1fa: {  	v1 =	vld [tilespmem:s20+$0x340]  }
0x1fb: {  	s21 =	simm.s32 $0x200  }
.LBB2_17:
0x1fc: {  	p0 =	sne.s32 s21, $0x6700;
	_ =	sdelay $0x2  }
0x1fd: {  	s19 =	sadd.s32 $0x80, s19;
	v2 =	vshll.u32 v1, $0x10  }
0x1fe: {  	v1 =	vand.u32 $0xFFFF0000, v1;
	[tilespmem:s19+$0xFFFFFFC0] =	vst v2  }
0x1ff: {  	[tilespmem:s19+$0xFFFFFFD0] =	vst v1  }
0x200: {  	v1 =	vld [tilespmem:s20+$0x350];
	_ =	sdelay $0x4  }
0x201: {  	v2 =	vshll.u32 v1, $0x10  }
0x202: {  	v1 =	vand.u32 $0xFFFF0000, v1;
	[tilespmem:s19+$0xFFFFFFE0] =	vst v2  }
0x203: {  	[tilespmem:s19+$0xFFFFFFF0] =	vst v1  }
0x204: {  	v1 =	vld [tilespmem:s20+$0x360];
	_ =	sdelay $0x4  }
0x205: {  	v2 =	vshll.u32 v1, $0x10;
	v1 =	vand.u32 $0xFFFF0000, v1  }
0x206: {  	[tilespmem:s19+$0x10] =	vst v1  }
0x207: {  	[tilespmem:s19+$0x0] =	vst v2  }
0x208: {  	v1 =	vld [tilespmem:s20+$0x370];
	_ =	sdelay $0x4  }
.Ltmp7:
0x209: {  	v2 =	vshll.u32 v1, $0x10;
	v1 =	vand.u32 $0xFFFF0000, v1;
	(pc) =	sbr.rel @p0 .LBB2_17-.Ltmp7, $4  }
0x20a: {  	[tilespmem:s19+$0x20] =	vst v2  }
0x20b: {  	s20 =	sshra.s32 s21, $0x2;
	[tilespmem:s19+$0x30] =	vst v1  }
0x20c: {  	v1 =	vld [tilespmem:s20+$0x340]  }
0x20d: {  	s21 =	sadd.s32 $0x100, s21  }
0x20e: {  	_ =	sdelay $0x2  }
0x20f: {  	s19 =	sadd.s32 $0x80, s19;
	v2 =	vshll.u32 v1, $0x10  }
0x210: {  	v1 =	vand.u32 $0xFFFF0000, v1;
	[tilespmem:s19+$0xFFFFFFC0] =	vst v2  }
0x211: {  	[tilespmem:s19+$0xFFFFFFD0] =	vst v1  }
0x212: {  	v1 =	vld [tilespmem:s20+$0x350];
	_ =	sdelay $0x4  }
0x213: {  	v2 =	vshll.u32 v1, $0x10  }
0x214: {  	v1 =	vand.u32 $0xFFFF0000, v1;
	[tilespmem:s19+$0xFFFFFFE0] =	vst v2  }
0x215: {  	[tilespmem:s19+$0xFFFFFFF0] =	vst v1  }
0x216: {  	v1 =	vld [tilespmem:s20+$0x360];
	_ =	sdelay $0x4  }
0x217: {  	v2 =	vand.u32 $0xFFFF0000, v1  }
0x218: {  	v1 =	vshll.u32 v1, $0x10;
	[tilespmem:s19+$0x10] =	vst v2  }
0x219: {  	[tilespmem:s19+$0x0] =	vst v1  }
0x21a: {  	v1 =	vld [tilespmem:s20+$0x370];
	_ =	sdelay $0x4  }
0x21b: {  	v2 =	vshll.u32 v1, $0x10  }
0x21c: {  	v1 =	vand.u32 $0xFFFF0000, v1;
	[tilespmem:s19+$0x20] =	vst v2  }
0x21d: {  	[tilespmem:s19+$0x30] =	vst v1  }
0x21e: {  	[spmem:s3] =	stream.indirect.scatter.add.f32 [tilespmem:s2], [sflag:$0x4], $0x80, s4, s7, $0xb8;
	[tilespmem:$0x1F940] =	vst v63  }
0x21f: {  	_ =	swait.ge [sflag:s28], $0x1A00  }
0x220: {  	[sflag:s28] =	ssyncset.done $0x0  }
0x221: {  	[sflag:s28] =	ssyncadd.s32 $0xFFFFE600  }
0x222: {  	_ =	swait.ge [sflag:s14], $0x3400  }
0x223: {  	s20 =	rddreg [dreg:$0x12]  }
0x224: {  	s19 =	sadd.s32 s18, s20  }
0x225: {  	[sflag:s14] =	ssyncset.done $0x0;
	s19 =	sshrl.u32 s19, $0x3  }
0x226: {  	s21 =	simm.s32 $0x0;
	[sflag:s14] =	ssyncadd.s32 $0xFFFFCC00;
	s19 =	sadd.s32 s5, s19  }
0x227: {  	[tilespmem:s9], [sflag:$0x6] =	stream.linear.gather [hbm4b:s19+s21], $0xD0, $0x38;
	[tilespmem:$0x1F940] =	vst v63  }
0x228: {  	_ =	swait.ge [sflag:s0], $0xD0  }
0x229: {  	[sflag:s0] =	ssyncset.done $0x0  }
0x22a: {  	s21 =	simm.s32 $0x0;
	[sflag:s0] =	ssyncadd.s32 $0xFFFFFF30  }
0x22b: {  	[tilespmem:s8], [sflag:$0x1] =	stream.indirect.gather [hbm4b:s1+s7], $0x40, s9, s7, $0xb8;
	[tilespmem:$0x1F940] =	vst v63  }
0x22c: {  	v1 =	vld [tilespmem:s21+$0x1D40];
	_ =	sdelay $0x4  }
0x22d: {  	s19 =	simm.s32 $0x8580;
	v2 =	vshll.u32 v1, $0x10  }
0x22e: {  	v1 =	vand.u32 $0xFFFF0000, v1;
	[tilespmem:s19+$0xFFFFFFC0] =	vst v2  }
0x22f: {  	[tilespmem:s19+$0xFFFFFFD0] =	vst v1  }
0x230: {  	v1 =	vld [tilespmem:s21+$0x1D50];
	_ =	sdelay $0x4  }
0x231: {  	v2 =	vshll.u32 v1, $0x10  }
0x232: {  	v1 =	vand.u32 $0xFFFF0000, v1;
	[tilespmem:s19+$0xFFFFFFE0] =	vst v2  }
0x233: {  	[tilespmem:s19+$0xFFFFFFF0] =	vst v1  }
0x234: {  	v1 =	vld [tilespmem:s21+$0x1D60];
	_ =	sdelay $0x4  }
0x235: {  	v2 =	vand.u32 $0xFFFF0000, v1  }
0x236: {  	v1 =	vshll.u32 v1, $0x10;
	[tilespmem:s19+$0x10] =	vst v2  }
0x237: {  	[tilespmem:s19+$0x0] =	vst v1  }
0x238: {  	v1 =	vld [tilespmem:s21+$0x1D70];
	_ =	sdelay $0x4  }
0x239: {  	v2 =	vshll.u32 v1, $0x10  }
0x23a: {  	v1 =	vand.u32 $0xFFFF0000, v1;
	[tilespmem:s19+$0x20] =	vst v2  }
0x23b: {  	s20 =	simm.s32 $0x40;
	[tilespmem:s19+$0x30] =	vst v1  }
0x23c: {  	v1 =	vld [tilespmem:s20+$0x1D40]  }
0x23d: {  	s21 =	simm.s32 $0x200  }
.LBB2_19:
0x23e: {  	p0 =	sne.s32 s21, $0x6700;
	_ =	sdelay $0x2  }
0x23f: {  	s19 =	sadd.s32 $0x80, s19;
	v2 =	vshll.u32 v1, $0x10  }
0x240: {  	v1 =	vand.u32 $0xFFFF0000, v1;
	[tilespmem:s19+$0xFFFFFFC0] =	vst v2  }
0x241: {  	[tilespmem:s19+$0xFFFFFFD0] =	vst v1  }
0x242: {  	v1 =	vld [tilespmem:s20+$0x1D50];
	_ =	sdelay $0x4  }
0x243: {  	v2 =	vshll.u32 v1, $0x10  }
0x244: {  	v1 =	vand.u32 $0xFFFF0000, v1;
	[tilespmem:s19+$0xFFFFFFE0] =	vst v2  }
0x245: {  	[tilespmem:s19+$0xFFFFFFF0] =	vst v1  }
0x246: {  	v1 =	vld [tilespmem:s20+$0x1D60];
	_ =	sdelay $0x4  }
0x247: {  	v2 =	vshll.u32 v1, $0x10;
	v1 =	vand.u32 $0xFFFF0000, v1  }
0x248: {  	[tilespmem:s19+$0x10] =	vst v1  }
0x249: {  	[tilespmem:s19+$0x0] =	vst v2  }
0x24a: {  	v1 =	vld [tilespmem:s20+$0x1D70];
	_ =	sdelay $0x4  }
.Ltmp8:
0x24b: {  	v2 =	vshll.u32 v1, $0x10;
	v1 =	vand.u32 $0xFFFF0000, v1;
	(pc) =	sbr.rel @p0 .LBB2_19-.Ltmp8, $4  }
0x24c: {  	[tilespmem:s19+$0x20] =	vst v2  }
0x24d: {  	s20 =	sshra.s32 s21, $0x2;
	[tilespmem:s19+$0x30] =	vst v1  }
0x24e: {  	v1 =	vld [tilespmem:s20+$0x1D40]  }
0x24f: {  	s21 =	sadd.s32 $0x100, s21  }
0x250: {  	_ =	sdelay $0x2  }
0x251: {  	s19 =	sadd.s32 $0x80, s19;
	v2 =	vshll.u32 v1, $0x10  }
0x252: {  	v1 =	vand.u32 $0xFFFF0000, v1;
	[tilespmem:s19+$0xFFFFFFC0] =	vst v2  }
0x253: {  	[tilespmem:s19+$0xFFFFFFD0] =	vst v1  }
0x254: {  	v1 =	vld [tilespmem:s20+$0x1D50];
	_ =	sdelay $0x4  }
0x255: {  	v2 =	vshll.u32 v1, $0x10  }
0x256: {  	v1 =	vand.u32 $0xFFFF0000, v1;
	[tilespmem:s19+$0xFFFFFFE0] =	vst v2  }
0x257: {  	[tilespmem:s19+$0xFFFFFFF0] =	vst v1  }
0x258: {  	v1 =	vld [tilespmem:s20+$0x1D60];
	_ =	sdelay $0x4  }
0x259: {  	v2 =	vand.u32 $0xFFFF0000, v1  }
0x25a: {  	v1 =	vshll.u32 v1, $0x10;
	[tilespmem:s19+$0x10] =	vst v2  }
0x25b: {  	[tilespmem:s19+$0x0] =	vst v1  }
0x25c: {  	v1 =	vld [tilespmem:s20+$0x1D70];
	_ =	sdelay $0x4  }
0x25d: {  	v2 =	vshll.u32 v1, $0x10  }
0x25e: {  	v1 =	vand.u32 $0xFFFF0000, v1;
	[tilespmem:s19+$0x20] =	vst v2  }
0x25f: {  	[tilespmem:s19+$0x30] =	vst v1  }
0x260: {  	[spmem:s3] =	stream.indirect.scatter.add.f32 [tilespmem:s31], [sflag:$0x5], $0x80, s15, s7, $0xb8;
	[tilespmem:$0x1F940] =	vst v63  }
0x261: {  	_ =	swait.ge [sflag:s13], $0x1A00  }
0x262: {  	[sflag:s13] =	ssyncset.done $0x0  }
0x263: {  	[sflag:s13] =	ssyncadd.s32 $0xFFFFE600  }
0x264: {  	_ =	swait.ge [sflag:s6], $0x3400  }
0x265: {  	s20 =	rddreg [dreg:$0x13]  }
0x266: {  	s19 =	sadd.s32 s18, s20  }
0x267: {  	[sflag:s6] =	ssyncset.done $0x0;
	s19 =	sshrl.u32 s19, $0x3  }
0x268: {  	s21 =	simm.s32 $0x0;
	[sflag:s6] =	ssyncadd.s32 $0xFFFFCC00;
	s19 =	sadd.s32 s5, s19  }
0x269: {  	[tilespmem:s12], [sflag:$0x6] =	stream.linear.gather [hbm4b:s19+s21], $0xD0, $0x38;
	[tilespmem:$0x1F940] =	vst v63  }
0x26a: {  	_ =	swait.ge [sflag:s0], $0xD0  }
0x26b: {  	[sflag:s0] =	ssyncset.done $0x0  }
0x26c: {  	s21 =	simm.s32 $0x0;
	[sflag:s0] =	ssyncadd.s32 $0xFFFFFF30  }
0x26d: {  	[tilespmem:s10], [sflag:$0x2] =	stream.indirect.gather [hbm4b:s1+s7], $0x40, s12, s7, $0xb8;
	[tilespmem:$0x1F940] =	vst v63  }
0x26e: {  	v1 =	vld [tilespmem:s21+$0x3740];
	_ =	sdelay $0x4  }
0x26f: {  	s19 =	simm.s32 $0x5180;
	v2 =	vshll.u32 v1, $0x10  }
0x270: {  	v1 =	vand.u32 $0xFFFF0000, v1;
	[tilespmem:s19+$0xFFFFFFC0] =	vst v2  }
0x271: {  	[tilespmem:s19+$0xFFFFFFD0] =	vst v1  }
0x272: {  	v1 =	vld [tilespmem:s21+$0x3750];
	_ =	sdelay $0x4  }
0x273: {  	v2 =	vshll.u32 v1, $0x10  }
0x274: {  	v1 =	vand.u32 $0xFFFF0000, v1;
	[tilespmem:s19+$0xFFFFFFE0] =	vst v2  }
0x275: {  	[tilespmem:s19+$0xFFFFFFF0] =	vst v1  }
0x276: {  	v1 =	vld [tilespmem:s21+$0x3760];
	_ =	sdelay $0x4  }
0x277: {  	v2 =	vand.u32 $0xFFFF0000, v1  }
0x278: {  	v1 =	vshll.u32 v1, $0x10;
	[tilespmem:s19+$0x10] =	vst v2  }
0x279: {  	[tilespmem:s19+$0x0] =	vst v1  }
0x27a: {  	v1 =	vld [tilespmem:s21+$0x3770];
	_ =	sdelay $0x4  }
0x27b: {  	v2 =	vshll.u32 v1, $0x10  }
0x27c: {  	v1 =	vand.u32 $0xFFFF0000, v1;
	[tilespmem:s19+$0x20] =	vst v2  }
0x27d: {  	s20 =	simm.s32 $0x40;
	[tilespmem:s19+$0x30] =	vst v1  }
0x27e: {  	v1 =	vld [tilespmem:s20+$0x3740]  }
0x27f: {  	s21 =	simm.s32 $0x200  }
.LBB2_21:
0x280: {  	p0 =	sne.s32 s21, $0x6700;
	_ =	sdelay $0x2  }
0x281: {  	s19 =	sadd.s32 $0x80, s19;
	v2 =	vshll.u32 v1, $0x10  }
0x282: {  	v1 =	vand.u32 $0xFFFF0000, v1;
	[tilespmem:s19+$0xFFFFFFC0] =	vst v2  }
0x283: {  	[tilespmem:s19+$0xFFFFFFD0] =	vst v1  }
0x284: {  	v1 =	vld [tilespmem:s20+$0x3750];
	_ =	sdelay $0x4  }
0x285: {  	v2 =	vshll.u32 v1, $0x10  }
0x286: {  	v1 =	vand.u32 $0xFFFF0000, v1;
	[tilespmem:s19+$0xFFFFFFE0] =	vst v2  }
0x287: {  	[tilespmem:s19+$0xFFFFFFF0] =	vst v1  }
0x288: {  	v1 =	vld [tilespmem:s20+$0x3760];
	_ =	sdelay $0x4  }
0x289: {  	v2 =	vshll.u32 v1, $0x10;
	v1 =	vand.u32 $0xFFFF0000, v1  }
0x28a: {  	[tilespmem:s19+$0x10] =	vst v1  }
0x28b: {  	[tilespmem:s19+$0x0] =	vst v2  }
0x28c: {  	v1 =	vld [tilespmem:s20+$0x3770];
	_ =	sdelay $0x4  }
.Ltmp9:
0x28d: {  	v2 =	vshll.u32 v1, $0x10;
	v1 =	vand.u32 $0xFFFF0000, v1;
	(pc) =	sbr.rel @p0 .LBB2_21-.Ltmp9, $4  }
0x28e: {  	[tilespmem:s19+$0x20] =	vst v2  }
0x28f: {  	s20 =	sshra.s32 s21, $0x2;
	[tilespmem:s19+$0x30] =	vst v1  }
0x290: {  	v1 =	vld [tilespmem:s20+$0x3740]  }
0x291: {  	s21 =	sadd.s32 $0x100, s21  }
0x292: {  	_ =	sdelay $0x2  }
0x293: {  	s19 =	sadd.s32 $0x80, s19;
	v2 =	vshll.u32 v1, $0x10  }
0x294: {  	v1 =	vand.u32 $0xFFFF0000, v1;
	[tilespmem:s19+$0xFFFFFFC0] =	vst v2  }
0x295: {  	[tilespmem:s19+$0xFFFFFFD0] =	vst v1  }
0x296: {  	v1 =	vld [tilespmem:s20+$0x3750];
	_ =	sdelay $0x4  }
0x297: {  	v2 =	vshll.u32 v1, $0x10  }
0x298: {  	v1 =	vand.u32 $0xFFFF0000, v1;
	[tilespmem:s19+$0xFFFFFFE0] =	vst v2  }
0x299: {  	[tilespmem:s19+$0xFFFFFFF0] =	vst v1  }
0x29a: {  	v1 =	vld [tilespmem:s20+$0x3760];
	_ =	sdelay $0x4  }
0x29b: {  	v2 =	vand.u32 $0xFFFF0000, v1  }
0x29c: {  	v1 =	vshll.u32 v1, $0x10;
	[tilespmem:s19+$0x10] =	vst v2  }
0x29d: {  	[tilespmem:s19+$0x0] =	vst v1  }
0x29e: {  	v1 =	vld [tilespmem:s20+$0x3770];
	_ =	sdelay $0x4  }
0x29f: {  	v2 =	vshll.u32 v1, $0x10  }
0x2a0: {  	v1 =	vand.u32 $0xFFFF0000, v1;
	[tilespmem:s19+$0x20] =	vst v2  }
0x2a1: {  	[tilespmem:s19+$0x30] =	vst v1  }
0x2a2: {  	[spmem:s3] =	stream.indirect.scatter.add.f32 [tilespmem:s2], [sflag:$0x4], $0x80, s7, s7, $0xb8;
	[tilespmem:$0x1F940] =	vst v63  }
0x2a3: {  	_ =	swait.ge [sflag:s11], $0x1A00  }
0x2a4: {  	[sflag:s11] =	ssyncset.done $0x0  }
0x2a5: {  	[sflag:s11] =	ssyncadd.s32 $0xFFFFE600  }
0x2a6: {  	_ =	swait.ge [sflag:s14], $0x3400  }
0x2a7: {  	s20 =	rddreg [dreg:$0x14]  }
0x2a8: {  	s19 =	sadd.s32 s18, s20  }
0x2a9: {  	[sflag:s14] =	ssyncset.done $0x0;
	s19 =	sshrl.u32 s19, $0x3  }
0x2aa: {  	s21 =	simm.s32 $0x0;
	[sflag:s14] =	ssyncadd.s32 $0xFFFFCC00;
	s19 =	sadd.s32 s5, s19  }
0x2ab: {  	[tilespmem:s29], [sflag:$0x6] =	stream.linear.gather [hbm4b:s19+s21], $0xD0, $0x38;
	[tilespmem:$0x1F940] =	vst v63  }
0x2ac: {  	_ =	swait.ge [sflag:s0], $0xD0  }
0x2ad: {  	[sflag:s0] =	ssyncset.done $0x0  }
0x2ae: {  	s21 =	simm.s32 $0x0;
	[sflag:s0] =	ssyncadd.s32 $0xFFFFFF30  }
0x2af: {  	[tilespmem:s26], [sflag:$0x3] =	stream.indirect.gather [hbm4b:s1+s7], $0x40, s29, s7, $0xb8;
	[tilespmem:$0x1F940] =	vst v63  }
0x2b0: {  	v1 =	vld [tilespmem:s21+$0x340];
	_ =	sdelay $0x4  }
0x2b1: {  	s19 =	simm.s32 $0x8580;
	v2 =	vshll.u32 v1, $0x10  }
0x2b2: {  	v1 =	vand.u32 $0xFFFF0000, v1;
	[tilespmem:s19+$0xFFFFFFC0] =	vst v2  }
0x2b3: {  	[tilespmem:s19+$0xFFFFFFD0] =	vst v1  }
0x2b4: {  	v1 =	vld [tilespmem:s21+$0x350];
	_ =	sdelay $0x4  }
0x2b5: {  	v2 =	vshll.u32 v1, $0x10  }
0x2b6: {  	v1 =	vand.u32 $0xFFFF0000, v1;
	[tilespmem:s19+$0xFFFFFFE0] =	vst v2  }
0x2b7: {  	[tilespmem:s19+$0xFFFFFFF0] =	vst v1  }
0x2b8: {  	v1 =	vld [tilespmem:s21+$0x360];
	_ =	sdelay $0x4  }
0x2b9: {  	v2 =	vand.u32 $0xFFFF0000, v1  }
0x2ba: {  	v1 =	vshll.u32 v1, $0x10;
	[tilespmem:s19+$0x10] =	vst v2  }
0x2bb: {  	[tilespmem:s19+$0x0] =	vst v1  }
0x2bc: {  	v1 =	vld [tilespmem:s21+$0x370];
	_ =	sdelay $0x4  }
0x2bd: {  	v2 =	vshll.u32 v1, $0x10  }
0x2be: {  	v1 =	vand.u32 $0xFFFF0000, v1;
	[tilespmem:s19+$0x20] =	vst v2  }
0x2bf: {  	s20 =	simm.s32 $0x40;
	[tilespmem:s19+$0x30] =	vst v1  }
0x2c0: {  	v1 =	vld [tilespmem:s20+$0x340]  }
0x2c1: {  	s21 =	simm.s32 $0x200  }
.LBB2_23:
0x2c2: {  	p0 =	sne.s32 s21, $0x6700;
	_ =	sdelay $0x2  }
0x2c3: {  	s19 =	sadd.s32 $0x80, s19;
	v2 =	vshll.u32 v1, $0x10  }
0x2c4: {  	v1 =	vand.u32 $0xFFFF0000, v1;
	[tilespmem:s19+$0xFFFFFFC0] =	vst v2  }
0x2c5: {  	[tilespmem:s19+$0xFFFFFFD0] =	vst v1  }
0x2c6: {  	v1 =	vld [tilespmem:s20+$0x350];
	_ =	sdelay $0x4  }
0x2c7: {  	v2 =	vshll.u32 v1, $0x10  }
0x2c8: {  	v1 =	vand.u32 $0xFFFF0000, v1;
	[tilespmem:s19+$0xFFFFFFE0] =	vst v2  }
0x2c9: {  	[tilespmem:s19+$0xFFFFFFF0] =	vst v1  }
0x2ca: {  	v1 =	vld [tilespmem:s20+$0x360];
	_ =	sdelay $0x4  }
0x2cb: {  	v2 =	vshll.u32 v1, $0x10;
	v1 =	vand.u32 $0xFFFF0000, v1  }
0x2cc: {  	[tilespmem:s19+$0x10] =	vst v1  }
0x2cd: {  	[tilespmem:s19+$0x0] =	vst v2  }
0x2ce: {  	v1 =	vld [tilespmem:s20+$0x370];
	_ =	sdelay $0x4  }
.Ltmp10:
0x2cf: {  	v2 =	vshll.u32 v1, $0x10;
	v1 =	vand.u32 $0xFFFF0000, v1;
	(pc) =	sbr.rel @p0 .LBB2_23-.Ltmp10, $4  }
0x2d0: {  	[tilespmem:s19+$0x20] =	vst v2  }
0x2d1: {  	s20 =	sshra.s32 s21, $0x2;
	[tilespmem:s19+$0x30] =	vst v1  }
0x2d2: {  	v1 =	vld [tilespmem:s20+$0x340]  }
0x2d3: {  	s21 =	sadd.s32 $0x100, s21  }
0x2d4: {  	_ =	sdelay $0x2  }
0x2d5: {  	s19 =	sadd.s32 $0x80, s19;
	v2 =	vshll.u32 v1, $0x10  }
0x2d6: {  	v1 =	vand.u32 $0xFFFF0000, v1;
	[tilespmem:s19+$0xFFFFFFC0] =	vst v2  }
0x2d7: {  	[tilespmem:s19+$0xFFFFFFD0] =	vst v1  }
0x2d8: {  	v1 =	vld [tilespmem:s20+$0x350];
	_ =	sdelay $0x4  }
0x2d9: {  	v2 =	vshll.u32 v1, $0x10  }
0x2da: {  	v1 =	vand.u32 $0xFFFF0000, v1;
	[tilespmem:s19+$0xFFFFFFE0] =	vst v2  }
0x2db: {  	[tilespmem:s19+$0xFFFFFFF0] =	vst v1  }
0x2dc: {  	v1 =	vld [tilespmem:s20+$0x360];
	_ =	sdelay $0x4  }
0x2dd: {  	v2 =	vand.u32 $0xFFFF0000, v1  }
0x2de: {  	v1 =	vshll.u32 v1, $0x10;
	[tilespmem:s19+$0x10] =	vst v2  }
0x2df: {  	[tilespmem:s19+$0x0] =	vst v1  }
0x2e0: {  	v1 =	vld [tilespmem:s20+$0x370];
	_ =	sdelay $0x4  }
0x2e1: {  	v2 =	vshll.u32 v1, $0x10  }
0x2e2: {  	v1 =	vand.u32 $0xFFFF0000, v1;
	[tilespmem:s19+$0x20] =	vst v2  }
0x2e3: {  	[tilespmem:s19+$0x30] =	vst v1  }
0x2e4: {  	[spmem:s3] =	stream.indirect.scatter.add.f32 [tilespmem:s31], [sflag:$0x5], $0x80, s30, s7, $0xb8;
	[tilespmem:$0x1F940] =	vst v63  }
0x2e5: {  	_ =	swait.ge [sflag:s28], $0x1A00  }
0x2e6: {  	[sflag:s28] =	ssyncset.done $0x0  }
0x2e7: {  	[sflag:s28] =	ssyncadd.s32 $0xFFFFE600  }
0x2e8: {  	s20 =	sadd.s32 s18, s22;
	_ =	swait.ge [sflag:s6], $0x3400  }
0x2e9: {  	s19 =	sshrl.u32 s20, $0x3;
	[sflag:s6] =	ssyncset.done $0x0  }
0x2ea: {  	s21 =	simm.s32 $0x0;
	s19 =	sadd.s32 s5, s19;
	[sflag:s6] =	ssyncadd.s32 $0xFFFFCC00  }
0x2eb: {  	[tilespmem:s21], [sflag:$0x6] =	stream.linear.gather [hbm4b:s19+s21], $0xD0, $0x38;
	[tilespmem:$0x1F940] =	vst v63  }
0x2ec: {  	_ =	swait.ge [sflag:s0], $0xD0  }
0x2ed: {  	[sflag:s0] =	ssyncset.done $0x0  }
0x2ee: {  	[sflag:s0] =	ssyncadd.s32 $0xFFFFFF30  }
0x2ef: {  	[tilespmem:s8], [sflag:$0x1] =	stream.indirect.gather [hbm4b:s1+s7], $0x40, s21, s7, $0xb8;
	[tilespmem:$0x1F940] =	vst v63  }
0x2f0: {  	s21 =	simm.s32 $0x0  }
0x2f1: {  	v1 =	vld [tilespmem:s21+$0x1D40];
	_ =	sdelay $0x4  }
0x2f2: {  	s19 =	simm.s32 $0x5180;
	v2 =	vshll.u32 v1, $0x10  }
0x2f3: {  	v1 =	vand.u32 $0xFFFF0000, v1;
	[tilespmem:s19+$0xFFFFFFC0] =	vst v2  }
0x2f4: {  	[tilespmem:s19+$0xFFFFFFD0] =	vst v1  }
0x2f5: {  	v1 =	vld [tilespmem:s21+$0x1D50];
	_ =	sdelay $0x4  }
0x2f6: {  	v2 =	vshll.u32 v1, $0x10  }
0x2f7: {  	v1 =	vand.u32 $0xFFFF0000, v1;
	[tilespmem:s19+$0xFFFFFFE0] =	vst v2  }
0x2f8: {  	[tilespmem:s19+$0xFFFFFFF0] =	vst v1  }
0x2f9: {  	v1 =	vld [tilespmem:s21+$0x1D60];
	_ =	sdelay $0x4  }
0x2fa: {  	v2 =	vand.u32 $0xFFFF0000, v1  }
0x2fb: {  	v1 =	vshll.u32 v1, $0x10;
	[tilespmem:s19+$0x10] =	vst v2  }
0x2fc: {  	[tilespmem:s19+$0x0] =	vst v1  }
0x2fd: {  	v1 =	vld [tilespmem:s21+$0x1D70];
	_ =	sdelay $0x4  }
0x2fe: {  	v2 =	vshll.u32 v1, $0x10  }
0x2ff: {  	v1 =	vand.u32 $0xFFFF0000, v1;
	[tilespmem:s19+$0x20] =	vst v2  }
0x300: {  	s20 =	simm.s32 $0x40;
	[tilespmem:s19+$0x30] =	vst v1  }
0x301: {  	v1 =	vld [tilespmem:s20+$0x1D40]  }
0x302: {  	s21 =	simm.s32 $0x200  }
.LBB2_25:
0x303: {  	p0 =	sne.s32 s21, $0x6700;
	_ =	sdelay $0x2  }
0x304: {  	s19 =	sadd.s32 $0x80, s19;
	v2 =	vshll.u32 v1, $0x10  }
0x305: {  	v1 =	vand.u32 $0xFFFF0000, v1;
	[tilespmem:s19+$0xFFFFFFC0] =	vst v2  }
0x306: {  	[tilespmem:s19+$0xFFFFFFD0] =	vst v1  }
0x307: {  	v1 =	vld [tilespmem:s20+$0x1D50];
	_ =	sdelay $0x4  }
0x308: {  	v2 =	vshll.u32 v1, $0x10  }
0x309: {  	v1 =	vand.u32 $0xFFFF0000, v1;
	[tilespmem:s19+$0xFFFFFFE0] =	vst v2  }
0x30a: {  	[tilespmem:s19+$0xFFFFFFF0] =	vst v1  }
0x30b: {  	v1 =	vld [tilespmem:s20+$0x1D60];
	_ =	sdelay $0x4  }
0x30c: {  	v2 =	vshll.u32 v1, $0x10;
	v1 =	vand.u32 $0xFFFF0000, v1  }
0x30d: {  	[tilespmem:s19+$0x10] =	vst v1  }
0x30e: {  	[tilespmem:s19+$0x0] =	vst v2  }
0x30f: {  	v1 =	vld [tilespmem:s20+$0x1D70];
	_ =	sdelay $0x4  }
.Ltmp11:
0x310: {  	v2 =	vshll.u32 v1, $0x10;
	v1 =	vand.u32 $0xFFFF0000, v1;
	(pc) =	sbr.rel @p0 .LBB2_25-.Ltmp11, $4  }
0x311: {  	[tilespmem:s19+$0x20] =	vst v2  }
0x312: {  	s20 =	sshra.s32 s21, $0x2;
	[tilespmem:s19+$0x30] =	vst v1  }
0x313: {  	v1 =	vld [tilespmem:s20+$0x1D40]  }
0x314: {  	s21 =	sadd.s32 $0x100, s21  }
0x315: {  	_ =	sdelay $0x2  }
0x316: {  	s19 =	sadd.s32 $0x80, s19;
	v2 =	vshll.u32 v1, $0x10  }
0x317: {  	v1 =	vand.u32 $0xFFFF0000, v1;
	[tilespmem:s19+$0xFFFFFFC0] =	vst v2  }
0x318: {  	[tilespmem:s19+$0xFFFFFFD0] =	vst v1  }
0x319: {  	v1 =	vld [tilespmem:s20+$0x1D50];
	_ =	sdelay $0x4  }
0x31a: {  	v2 =	vshll.u32 v1, $0x10  }
0x31b: {  	v1 =	vand.u32 $0xFFFF0000, v1;
	[tilespmem:s19+$0xFFFFFFE0] =	vst v2  }
0x31c: {  	[tilespmem:s19+$0xFFFFFFF0] =	vst v1  }
0x31d: {  	v1 =	vld [tilespmem:s20+$0x1D60];
	_ =	sdelay $0x4  }
0x31e: {  	v2 =	vand.u32 $0xFFFF0000, v1  }
0x31f: {  	v1 =	vshll.u32 v1, $0x10;
	[tilespmem:s19+$0x10] =	vst v2  }
0x320: {  	[tilespmem:s19+$0x0] =	vst v1  }
0x321: {  	v1 =	vld [tilespmem:s20+$0x1D70];
	_ =	sdelay $0x4  }
0x322: {  	v2 =	vshll.u32 v1, $0x10  }
0x323: {  	v1 =	vand.u32 $0xFFFF0000, v1;
	[tilespmem:s19+$0x20] =	vst v2  }
0x324: {  	[tilespmem:s19+$0x30] =	vst v1  }
0x325: {  	[spmem:s3] =	stream.indirect.scatter.add.f32 [tilespmem:s2], [sflag:$0x4], $0x80, s4, s7, $0xb8;
	[tilespmem:$0x1F940] =	vst v63  }
0x326: {  	_ =	swait.ge [sflag:s13], $0x1A00  }
0x327: {  	[sflag:s13] =	ssyncset.done $0x0  }
0x328: {  	[sflag:s13] =	ssyncadd.s32 $0xFFFFE600  }
0x329: {  	s20 =	sadd.s32 s18, s23;
	_ =	swait.ge [sflag:s14], $0x3400  }
0x32a: {  	s19 =	sshrl.u32 s20, $0x3;
	[sflag:s14] =	ssyncset.done $0x0  }
0x32b: {  	s21 =	simm.s32 $0x0;
	s19 =	sadd.s32 s5, s19;
	[sflag:s14] =	ssyncadd.s32 $0xFFFFCC00  }
0x32c: {  	[tilespmem:s9], [sflag:$0x6] =	stream.linear.gather [hbm4b:s19+s21], $0xD0, $0x38;
	[tilespmem:$0x1F940] =	vst v63  }
0x32d: {  	_ =	swait.ge [sflag:s0], $0xD0  }
0x32e: {  	[sflag:s0] =	ssyncset.done $0x0  }
0x32f: {  	s21 =	simm.s32 $0x0;
	[sflag:s0] =	ssyncadd.s32 $0xFFFFFF30  }
0x330: {  	[tilespmem:s10], [sflag:$0x2] =	stream.indirect.gather [hbm4b:s1+s7], $0x40, s9, s7, $0xb8;
	[tilespmem:$0x1F940] =	vst v63  }
0x331: {  	v1 =	vld [tilespmem:s21+$0x3740];
	_ =	sdelay $0x4  }
0x332: {  	s19 =	simm.s32 $0x8580;
	v2 =	vshll.u32 v1, $0x10  }
0x333: {  	v1 =	vand.u32 $0xFFFF0000, v1;
	[tilespmem:s19+$0xFFFFFFC0] =	vst v2  }
0x334: {  	[tilespmem:s19+$0xFFFFFFD0] =	vst v1  }
0x335: {  	v1 =	vld [tilespmem:s21+$0x3750];
	_ =	sdelay $0x4  }
0x336: {  	v2 =	vshll.u32 v1, $0x10  }
0x337: {  	v1 =	vand.u32 $0xFFFF0000, v1;
	[tilespmem:s19+$0xFFFFFFE0] =	vst v2  }
0x338: {  	[tilespmem:s19+$0xFFFFFFF0] =	vst v1  }
0x339: {  	v1 =	vld [tilespmem:s21+$0x3760];
	_ =	sdelay $0x4  }
0x33a: {  	v2 =	vand.u32 $0xFFFF0000, v1  }
0x33b: {  	v1 =	vshll.u32 v1, $0x10;
	[tilespmem:s19+$0x10] =	vst v2  }
0x33c: {  	[tilespmem:s19+$0x0] =	vst v1  }
0x33d: {  	v1 =	vld [tilespmem:s21+$0x3770];
	_ =	sdelay $0x4  }
0x33e: {  	v2 =	vshll.u32 v1, $0x10  }
0x33f: {  	v1 =	vand.u32 $0xFFFF0000, v1;
	[tilespmem:s19+$0x20] =	vst v2  }
0x340: {  	s20 =	simm.s32 $0x40;
	[tilespmem:s19+$0x30] =	vst v1  }
0x341: {  	v1 =	vld [tilespmem:s20+$0x3740]  }
0x342: {  	s21 =	simm.s32 $0x200  }
.LBB2_27:
0x343: {  	p0 =	sne.s32 s21, $0x6700;
	_ =	sdelay $0x2  }
0x344: {  	s19 =	sadd.s32 $0x80, s19;
	v2 =	vshll.u32 v1, $0x10  }
0x345: {  	v1 =	vand.u32 $0xFFFF0000, v1;
	[tilespmem:s19+$0xFFFFFFC0] =	vst v2  }
0x346: {  	[tilespmem:s19+$0xFFFFFFD0] =	vst v1  }
0x347: {  	v1 =	vld [tilespmem:s20+$0x3750];
	_ =	sdelay $0x4  }
0x348: {  	v2 =	vshll.u32 v1, $0x10  }
0x349: {  	v1 =	vand.u32 $0xFFFF0000, v1;
	[tilespmem:s19+$0xFFFFFFE0] =	vst v2  }
0x34a: {  	[tilespmem:s19+$0xFFFFFFF0] =	vst v1  }
0x34b: {  	v1 =	vld [tilespmem:s20+$0x3760];
	_ =	sdelay $0x4  }
0x34c: {  	v2 =	vshll.u32 v1, $0x10;
	v1 =	vand.u32 $0xFFFF0000, v1  }
0x34d: {  	[tilespmem:s19+$0x10] =	vst v1  }
0x34e: {  	[tilespmem:s19+$0x0] =	vst v2  }
0x34f: {  	v1 =	vld [tilespmem:s20+$0x3770];
	_ =	sdelay $0x4  }
.Ltmp12:
0x350: {  	v2 =	vshll.u32 v1, $0x10;
	v1 =	vand.u32 $0xFFFF0000, v1;
	(pc) =	sbr.rel @p0 .LBB2_27-.Ltmp12, $4  }
0x351: {  	[tilespmem:s19+$0x20] =	vst v2  }
0x352: {  	s20 =	sshra.s32 s21, $0x2;
	[tilespmem:s19+$0x30] =	vst v1  }
0x353: {  	v1 =	vld [tilespmem:s20+$0x3740]  }
0x354: {  	s21 =	sadd.s32 $0x100, s21  }
0x355: {  	_ =	sdelay $0x2  }
0x356: {  	s19 =	sadd.s32 $0x80, s19;
	v2 =	vshll.u32 v1, $0x10  }
0x357: {  	v1 =	vand.u32 $0xFFFF0000, v1;
	[tilespmem:s19+$0xFFFFFFC0] =	vst v2  }
0x358: {  	[tilespmem:s19+$0xFFFFFFD0] =	vst v1  }
0x359: {  	v1 =	vld [tilespmem:s20+$0x3750];
	_ =	sdelay $0x4  }
0x35a: {  	v2 =	vshll.u32 v1, $0x10  }
0x35b: {  	v1 =	vand.u32 $0xFFFF0000, v1;
	[tilespmem:s19+$0xFFFFFFE0] =	vst v2  }
0x35c: {  	[tilespmem:s19+$0xFFFFFFF0] =	vst v1  }
0x35d: {  	v1 =	vld [tilespmem:s20+$0x3760];
	_ =	sdelay $0x4  }
0x35e: {  	v2 =	vand.u32 $0xFFFF0000, v1  }
0x35f: {  	v1 =	vshll.u32 v1, $0x10;
	[tilespmem:s19+$0x10] =	vst v2  }
0x360: {  	[tilespmem:s19+$0x0] =	vst v1  }
0x361: {  	v1 =	vld [tilespmem:s20+$0x3770];
	_ =	sdelay $0x4  }
0x362: {  	v2 =	vshll.u32 v1, $0x10  }
0x363: {  	v1 =	vand.u32 $0xFFFF0000, v1;
	[tilespmem:s19+$0x20] =	vst v2  }
0x364: {  	[tilespmem:s19+$0x30] =	vst v1  }
0x365: {  	[spmem:s3] =	stream.indirect.scatter.add.f32 [tilespmem:s31], [sflag:$0x5], $0x80, s15, s7, $0xb8;
	[tilespmem:$0x1F940] =	vst v63  }
0x366: {  	_ =	swait.ge [sflag:s11], $0x1A00  }
0x367: {  	[sflag:s11] =	ssyncset.done $0x0  }
0x368: {  	[sflag:s11] =	ssyncadd.s32 $0xFFFFE600  }
0x369: {  	s20 =	sadd.s32 s18, s24;
	_ =	swait.ge [sflag:s6], $0x3400  }
0x36a: {  	s19 =	sshrl.u32 s20, $0x3;
	[sflag:s6] =	ssyncset.done $0x0  }
0x36b: {  	s21 =	simm.s32 $0x0;
	s19 =	sadd.s32 s5, s19;
	[sflag:s6] =	ssyncadd.s32 $0xFFFFCC00  }
0x36c: {  	[tilespmem:s12], [sflag:$0x6] =	stream.linear.gather [hbm4b:s19+s21], $0xD0, $0x38;
	[tilespmem:$0x1F940] =	vst v63  }
0x36d: {  	_ =	swait.ge [sflag:s0], $0xD0  }
0x36e: {  	[sflag:s0] =	ssyncset.done $0x0  }
0x36f: {  	s21 =	simm.s32 $0x0;
	[sflag:s0] =	ssyncadd.s32 $0xFFFFFF30  }
0x370: {  	[tilespmem:s26], [sflag:$0x3] =	stream.indirect.gather [hbm4b:s1+s7], $0x40, s12, s7, $0xb8;
	[tilespmem:$0x1F940] =	vst v63  }
0x371: {  	v1 =	vld [tilespmem:s21+$0x340];
	_ =	sdelay $0x4  }
0x372: {  	s19 =	simm.s32 $0x5180;
	v2 =	vshll.u32 v1, $0x10  }
0x373: {  	v1 =	vand.u32 $0xFFFF0000, v1;
	[tilespmem:s19+$0xFFFFFFC0] =	vst v2  }
0x374: {  	[tilespmem:s19+$0xFFFFFFD0] =	vst v1  }
0x375: {  	v1 =	vld [tilespmem:s21+$0x350];
	_ =	sdelay $0x4  }
0x376: {  	v2 =	vshll.u32 v1, $0x10  }
0x377: {  	v1 =	vand.u32 $0xFFFF0000, v1;
	[tilespmem:s19+$0xFFFFFFE0] =	vst v2  }
0x378: {  	[tilespmem:s19+$0xFFFFFFF0] =	vst v1  }
0x379: {  	v1 =	vld [tilespmem:s21+$0x360];
	_ =	sdelay $0x4  }
0x37a: {  	v2 =	vand.u32 $0xFFFF0000, v1  }
0x37b: {  	v1 =	vshll.u32 v1, $0x10;
	[tilespmem:s19+$0x10] =	vst v2  }
0x37c: {  	[tilespmem:s19+$0x0] =	vst v1  }
0x37d: {  	v1 =	vld [tilespmem:s21+$0x370];
	_ =	sdelay $0x4  }
0x37e: {  	v2 =	vshll.u32 v1, $0x10  }
0x37f: {  	v1 =	vand.u32 $0xFFFF0000, v1;
	[tilespmem:s19+$0x20] =	vst v2  }
0x380: {  	s20 =	simm.s32 $0x40;
	[tilespmem:s19+$0x30] =	vst v1  }
0x381: {  	v1 =	vld [tilespmem:s20+$0x340]  }
0x382: {  	s21 =	simm.s32 $0x200  }
.LBB2_29:
0x383: {  	p0 =	sne.s32 s21, $0x6700;
	_ =	sdelay $0x2  }
0x384: {  	s19 =	sadd.s32 $0x80, s19;
	v2 =	vshll.u32 v1, $0x10  }
0x385: {  	v1 =	vand.u32 $0xFFFF0000, v1;
	[tilespmem:s19+$0xFFFFFFC0] =	vst v2  }
0x386: {  	[tilespmem:s19+$0xFFFFFFD0] =	vst v1  }
0x387: {  	v1 =	vld [tilespmem:s20+$0x350];
	_ =	sdelay $0x4  }
0x388: {  	v2 =	vshll.u32 v1, $0x10  }
0x389: {  	v1 =	vand.u32 $0xFFFF0000, v1;
	[tilespmem:s19+$0xFFFFFFE0] =	vst v2  }
0x38a: {  	[tilespmem:s19+$0xFFFFFFF0] =	vst v1  }
0x38b: {  	v1 =	vld [tilespmem:s20+$0x360];
	_ =	sdelay $0x4  }
0x38c: {  	v2 =	vshll.u32 v1, $0x10;
	v1 =	vand.u32 $0xFFFF0000, v1  }
0x38d: {  	[tilespmem:s19+$0x10] =	vst v1  }
0x38e: {  	[tilespmem:s19+$0x0] =	vst v2  }
0x38f: {  	v1 =	vld [tilespmem:s20+$0x370];
	_ =	sdelay $0x4  }
.Ltmp13:
0x390: {  	v2 =	vshll.u32 v1, $0x10;
	v1 =	vand.u32 $0xFFFF0000, v1;
	(pc) =	sbr.rel @p0 .LBB2_29-.Ltmp13, $4  }
0x391: {  	[tilespmem:s19+$0x20] =	vst v2  }
0x392: {  	s20 =	sshra.s32 s21, $0x2;
	[tilespmem:s19+$0x30] =	vst v1  }
0x393: {  	v1 =	vld [tilespmem:s20+$0x340]  }
0x394: {  	s21 =	sadd.s32 $0x100, s21  }
0x395: {  	_ =	sdelay $0x2  }
0x396: {  	s19 =	sadd.s32 $0x80, s19;
	v2 =	vshll.u32 v1, $0x10  }
0x397: {  	v1 =	vand.u32 $0xFFFF0000, v1;
	[tilespmem:s19+$0xFFFFFFC0] =	vst v2  }
0x398: {  	[tilespmem:s19+$0xFFFFFFD0] =	vst v1  }
0x399: {  	v1 =	vld [tilespmem:s20+$0x350];
	_ =	sdelay $0x4  }
0x39a: {  	v2 =	vshll.u32 v1, $0x10  }
0x39b: {  	v1 =	vand.u32 $0xFFFF0000, v1;
	[tilespmem:s19+$0xFFFFFFE0] =	vst v2  }
0x39c: {  	[tilespmem:s19+$0xFFFFFFF0] =	vst v1  }
0x39d: {  	v1 =	vld [tilespmem:s20+$0x360];
	_ =	sdelay $0x4  }
0x39e: {  	v2 =	vand.u32 $0xFFFF0000, v1  }
0x39f: {  	v1 =	vshll.u32 v1, $0x10;
	[tilespmem:s19+$0x10] =	vst v2  }
0x3a0: {  	[tilespmem:s19+$0x0] =	vst v1  }
0x3a1: {  	v1 =	vld [tilespmem:s20+$0x370];
	_ =	sdelay $0x4  }
0x3a2: {  	v2 =	vshll.u32 v1, $0x10  }
0x3a3: {  	v1 =	vand.u32 $0xFFFF0000, v1;
	[tilespmem:s19+$0x20] =	vst v2  }
0x3a4: {  	[tilespmem:s19+$0x30] =	vst v1  }
0x3a5: {  	[spmem:s3] =	stream.indirect.scatter.add.f32 [tilespmem:s2], [sflag:$0x4], $0x80, s7, s7, $0xb8;
	[tilespmem:$0x1F940] =	vst v63  }
0x3a6: {  	_ =	swait.ge [sflag:s28], $0x1A00  }
0x3a7: {  	[sflag:s28] =	ssyncset.done $0x0  }
0x3a8: {  	[sflag:s28] =	ssyncadd.s32 $0xFFFFE600  }
0x3a9: {  	s18 =	sadd.s32 s18, s25;
	_ =	swait.ge [sflag:s14], $0x3400  }
0x3aa: {  	s18 =	sshrl.u32 s18, $0x3;
	[sflag:s14] =	ssyncset.done $0x0  }
0x3ab: {  	s18 =	sadd.s32 s5, s18;
	s20 =	simm.s32 $0x0;
	[sflag:s14] =	ssyncadd.s32 $0xFFFFCC00  }
0x3ac: {  	[tilespmem:s29], [sflag:$0x6] =	stream.linear.gather [hbm4b:s18+s20], $0xD0, $0x38;
	[tilespmem:$0x1F940] =	vst v63  }
0x3ad: {  	_ =	swait.ge [sflag:s0], $0xD0  }
0x3ae: {  	[sflag:s0] =	ssyncset.done $0x0  }
0x3af: {  	s21 =	simm.s32 $0x0;
	[sflag:s0] =	ssyncadd.s32 $0xFFFFFF30  }
0x3b0: {  	[tilespmem:s8], [sflag:$0x1] =	stream.indirect.gather [hbm4b:s1+s7], $0x40, s29, s7, $0xb8;
	[tilespmem:$0x1F940] =	vst v63  }
0x3b1: {  	v1 =	vld [tilespmem:s21+$0x1D40];
	_ =	sdelay $0x4  }
0x3b2: {  	s18 =	simm.s32 $0x8580;
	v2 =	vshll.u32 v1, $0x10  }
0x3b3: {  	v1 =	vand.u32 $0xFFFF0000, v1;
	[tilespmem:s18+$0xFFFFFFC0] =	vst v2  }
0x3b4: {  	[tilespmem:s18+$0xFFFFFFD0] =	vst v1  }
0x3b5: {  	v1 =	vld [tilespmem:s21+$0x1D50];
	_ =	sdelay $0x4  }
0x3b6: {  	v2 =	vshll.u32 v1, $0x10  }
0x3b7: {  	v1 =	vand.u32 $0xFFFF0000, v1;
	[tilespmem:s18+$0xFFFFFFE0] =	vst v2  }
0x3b8: {  	[tilespmem:s18+$0xFFFFFFF0] =	vst v1  }
0x3b9: {  	v1 =	vld [tilespmem:s21+$0x1D60];
	_ =	sdelay $0x4  }
0x3ba: {  	v2 =	vand.u32 $0xFFFF0000, v1  }
0x3bb: {  	v1 =	vshll.u32 v1, $0x10;
	[tilespmem:s18+$0x10] =	vst v2  }
0x3bc: {  	[tilespmem:s18+$0x0] =	vst v1  }
0x3bd: {  	v1 =	vld [tilespmem:s21+$0x1D70];
	_ =	sdelay $0x4  }
0x3be: {  	v2 =	vshll.u32 v1, $0x10  }
0x3bf: {  	v1 =	vand.u32 $0xFFFF0000, v1;
	[tilespmem:s18+$0x20] =	vst v2  }
0x3c0: {  	s19 =	simm.s32 $0x40;
	[tilespmem:s18+$0x30] =	vst v1  }
0x3c1: {  	v1 =	vld [tilespmem:s19+$0x1D40]  }
0x3c2: {  	s20 =	simm.s32 $0x200  }
.LBB2_31:
0x3c3: {  	p0 =	sne.s32 s20, $0x6700;
	_ =	sdelay $0x2  }
0x3c4: {  	s18 =	sadd.s32 $0x80, s18;
	v2 =	vshll.u32 v1, $0x10  }
0x3c5: {  	v1 =	vand.u32 $0xFFFF0000, v1;
	[tilespmem:s18+$0xFFFFFFC0] =	vst v2  }
0x3c6: {  	[tilespmem:s18+$0xFFFFFFD0] =	vst v1  }
0x3c7: {  	v1 =	vld [tilespmem:s19+$0x1D50];
	_ =	sdelay $0x4  }
0x3c8: {  	v2 =	vshll.u32 v1, $0x10  }
0x3c9: {  	v1 =	vand.u32 $0xFFFF0000, v1;
	[tilespmem:s18+$0xFFFFFFE0] =	vst v2  }
0x3ca: {  	[tilespmem:s18+$0xFFFFFFF0] =	vst v1  }
0x3cb: {  	v1 =	vld [tilespmem:s19+$0x1D60];
	_ =	sdelay $0x4  }
0x3cc: {  	v2 =	vshll.u32 v1, $0x10;
	v1 =	vand.u32 $0xFFFF0000, v1  }
0x3cd: {  	[tilespmem:s18+$0x10] =	vst v1  }
0x3ce: {  	[tilespmem:s18+$0x0] =	vst v2  }
0x3cf: {  	v1 =	vld [tilespmem:s19+$0x1D70];
	_ =	sdelay $0x4  }
.Ltmp14:
0x3d0: {  	v2 =	vshll.u32 v1, $0x10;
	v1 =	vand.u32 $0xFFFF0000, v1;
	(pc) =	sbr.rel @p0 .LBB2_31-.Ltmp14, $4  }
0x3d1: {  	[tilespmem:s18+$0x20] =	vst v2  }
0x3d2: {  	s19 =	sshra.s32 s20, $0x2;
	[tilespmem:s18+$0x30] =	vst v1  }
0x3d3: {  	v1 =	vld [tilespmem:s19+$0x1D40]  }
0x3d4: {  	s20 =	sadd.s32 $0x100, s20  }
0x3d5: {  	_ =	sdelay $0x2  }
0x3d6: {  	s18 =	sadd.s32 $0x80, s18;
	v2 =	vshll.u32 v1, $0x10  }
0x3d7: {  	v1 =	vand.u32 $0xFFFF0000, v1;
	[tilespmem:s18+$0xFFFFFFC0] =	vst v2  }
0x3d8: {  	[tilespmem:s18+$0xFFFFFFD0] =	vst v1  }
0x3d9: {  	v1 =	vld [tilespmem:s19+$0x1D50];
	_ =	sdelay $0x4  }
0x3da: {  	v2 =	vshll.u32 v1, $0x10  }
0x3db: {  	v1 =	vand.u32 $0xFFFF0000, v1;
	[tilespmem:s18+$0xFFFFFFE0] =	vst v2  }
0x3dc: {  	[tilespmem:s18+$0xFFFFFFF0] =	vst v1  }
0x3dd: {  	v1 =	vld [tilespmem:s19+$0x1D60];
	_ =	sdelay $0x4  }
0x3de: {  	v2 =	vand.u32 $0xFFFF0000, v1  }
0x3df: {  	v1 =	vshll.u32 v1, $0x10;
	[tilespmem:s18+$0x10] =	vst v2  }
0x3e0: {  	[tilespmem:s18+$0x0] =	vst v1  }
0x3e1: {  	v1 =	vld [tilespmem:s19+$0x1D70];
	_ =	sdelay $0x1  }
0x3e2: {  	s17 =	sadd.s32 $0x1, s17  }
0x3e3: {  	p0 =	sne.s32 s17, $0x10  }
.Ltmp15:
0x3e4: {  	_ = 	snop;
	(pc) =	sbr.rel @p0 .LBB2_8-.Ltmp15, $4  }
0x3e5: {  	v2 =	vshll.u32 v1, $0x10  }
0x3e6: {  	v1 =	vand.u32 $0xFFFF0000, v1;
	[tilespmem:s18+$0x20] =	vst v2  }
0x3e7: {  	[tilespmem:s18+$0x30] =	vst v1  }
0x3e8: {  	[spmem:s3] =	stream.indirect.scatter.add.f32 [tilespmem:s31], [sflag:$0x5], $0x80, s30, s7, $0xb8;
	[tilespmem:$0x1F940] =	vst v63  }
0x3e9: {  	_ =	swait.ge [sflag:s13], $0x1A00  }
0x3ea: {  	[sflag:s13] =	ssyncset.done $0x0  }
0x3eb: {  	[sflag:s13] =	ssyncadd.s32 $0xFFFFE600  }
0x3ec: {  	_ =	swait.ge [sflag:s6], $0x3400  }
0x3ed: {  	[sflag:s6] =	ssyncset.done $0x0  }
0x3ee: {  	s17 =	simm.s32 $0x0;
	[sflag:s6] =	ssyncadd.s32 $0xFFFFCC00  }
0x3ef: {  	v1 =	vld [tilespmem:s17+$0x3740];
	_ =	sdelay $0x4  }
0x3f0: {  	s16 =	simm.s32 $0x5180;
	v2 =	vshll.u32 v1, $0x10  }
0x3f1: {  	v1 =	vand.u32 $0xFFFF0000, v1;
	[tilespmem:s16+$0xFFFFFFC0] =	vst v2  }
0x3f2: {  	[tilespmem:s16+$0xFFFFFFD0] =	vst v1  }
0x3f3: {  	v1 =	vld [tilespmem:s17+$0x3750];
	_ =	sdelay $0x4  }
0x3f4: {  	v2 =	vshll.u32 v1, $0x10  }
0x3f5: {  	v1 =	vand.u32 $0xFFFF0000, v1;
	[tilespmem:s16+$0xFFFFFFE0] =	vst v2  }
0x3f6: {  	[tilespmem:s16+$0xFFFFFFF0] =	vst v1  }
0x3f7: {  	v1 =	vld [tilespmem:s17+$0x3760];
	_ =	sdelay $0x4  }
0x3f8: {  	v2 =	vand.u32 $0xFFFF0000, v1  }
0x3f9: {  	v1 =	vshll.u32 v1, $0x10;
	[tilespmem:s16+$0x10] =	vst v2  }
0x3fa: {  	[tilespmem:s16+$0x0] =	vst v1  }
0x3fb: {  	v1 =	vld [tilespmem:s17+$0x3770];
	_ =	sdelay $0x4  }
0x3fc: {  	v2 =	vshll.u32 v1, $0x10  }
0x3fd: {  	v1 =	vand.u32 $0xFFFF0000, v1;
	[tilespmem:s16+$0x20] =	vst v2  }
0x3fe: {  	s17 =	simm.s32 $0x40;
	[tilespmem:s16+$0x30] =	vst v1  }
0x3ff: {  	v1 =	vld [tilespmem:s17+$0x3740]  }
0x400: {  	s18 =	simm.s32 $0x200  }
.LBB2_34:
0x401: {  	p0 =	sne.s32 s18, $0x6700;
	_ =	sdelay $0x2  }
0x402: {  	s16 =	sadd.s32 $0x80, s16;
	v2 =	vshll.u32 v1, $0x10  }
0x403: {  	v1 =	vand.u32 $0xFFFF0000, v1;
	[tilespmem:s16+$0xFFFFFFC0] =	vst v2  }
0x404: {  	[tilespmem:s16+$0xFFFFFFD0] =	vst v1  }
0x405: {  	v1 =	vld [tilespmem:s17+$0x3750];
	_ =	sdelay $0x4  }
0x406: {  	v2 =	vshll.u32 v1, $0x10  }
0x407: {  	v1 =	vand.u32 $0xFFFF0000, v1;
	[tilespmem:s16+$0xFFFFFFE0] =	vst v2  }
0x408: {  	[tilespmem:s16+$0xFFFFFFF0] =	vst v1  }
0x409: {  	v1 =	vld [tilespmem:s17+$0x3760];
	_ =	sdelay $0x4  }
0x40a: {  	v2 =	vshll.u32 v1, $0x10;
	v1 =	vand.u32 $0xFFFF0000, v1  }
0x40b: {  	[tilespmem:s16+$0x10] =	vst v1  }
0x40c: {  	[tilespmem:s16+$0x0] =	vst v2  }
0x40d: {  	v1 =	vld [tilespmem:s17+$0x3770];
	_ =	sdelay $0x4  }
.Ltmp16:
0x40e: {  	v2 =	vshll.u32 v1, $0x10;
	v1 =	vand.u32 $0xFFFF0000, v1;
	(pc) =	sbr.rel @p0 .LBB2_34-.Ltmp16, $4  }
0x40f: {  	[tilespmem:s16+$0x20] =	vst v2  }
0x410: {  	s17 =	sshra.s32 s18, $0x2;
	[tilespmem:s16+$0x30] =	vst v1  }
0x411: {  	v1 =	vld [tilespmem:s17+$0x3740]  }
0x412: {  	s18 =	sadd.s32 $0x100, s18  }
0x413: {  	_ =	sdelay $0x2  }
0x414: {  	s16 =	sadd.s32 $0x80, s16;
	v2 =	vshll.u32 v1, $0x10  }
0x415: {  	v1 =	vand.u32 $0xFFFF0000, v1;
	[tilespmem:s16+$0xFFFFFFC0] =	vst v2  }
0x416: {  	[tilespmem:s16+$0xFFFFFFD0] =	vst v1  }
0x417: {  	v1 =	vld [tilespmem:s17+$0x3750];
	_ =	sdelay $0x4  }
0x418: {  	v2 =	vshll.u32 v1, $0x10  }
0x419: {  	v1 =	vand.u32 $0xFFFF0000, v1;
	[tilespmem:s16+$0xFFFFFFE0] =	vst v2  }
0x41a: {  	[tilespmem:s16+$0xFFFFFFF0] =	vst v1  }
0x41b: {  	v1 =	vld [tilespmem:s17+$0x3760];
	_ =	sdelay $0x4  }
0x41c: {  	v2 =	vand.u32 $0xFFFF0000, v1  }
0x41d: {  	v1 =	vshll.u32 v1, $0x10;
	[tilespmem:s16+$0x10] =	vst v2  }
0x41e: {  	[tilespmem:s16+$0x0] =	vst v1  }
0x41f: {  	v1 =	vld [tilespmem:s17+$0x3770];
	_ =	sdelay $0x4  }
0x420: {  	v2 =	vshll.u32 v1, $0x10  }
0x421: {  	v1 =	vand.u32 $0xFFFF0000, v1;
	[tilespmem:s16+$0x20] =	vst v2  }
0x422: {  	[tilespmem:s16+$0x30] =	vst v1  }
0x423: {  	[spmem:s3] =	stream.indirect.scatter.add.f32 [tilespmem:s2], [sflag:$0x4], $0x80, s4, s7, $0xb8;
	[tilespmem:$0x1F940] =	vst v63  }
0x424: {  	_ =	swait.ge [sflag:s11], $0x1A00  }
0x425: {  	[sflag:s11] =	ssyncset.done $0x0  }
0x426: {  	[sflag:s11] =	ssyncadd.s32 $0xFFFFE600  }
0x427: {  	_ =	swait.ge [sflag:s14], $0x3400  }
0x428: {  	[sflag:s14] =	ssyncset.done $0x0  }
0x429: {  	s21 =	simm.s32 $0x0;
	[sflag:s14] =	ssyncadd.s32 $0xFFFFCC00  }
0x42a: {  	v1 =	vld [tilespmem:s21+$0x340];
	_ =	sdelay $0x4  }
0x42b: {  	s16 =	simm.s32 $0x8580;
	v2 =	vshll.u32 v1, $0x10  }
0x42c: {  	v1 =	vand.u32 $0xFFFF0000, v1;
	[tilespmem:s16+$0xFFFFFFC0] =	vst v2  }
0x42d: {  	[tilespmem:s16+$0xFFFFFFD0] =	vst v1  }
0x42e: {  	v1 =	vld [tilespmem:s21+$0x350];
	_ =	sdelay $0x4  }
0x42f: {  	v2 =	vshll.u32 v1, $0x10  }
0x430: {  	v1 =	vand.u32 $0xFFFF0000, v1;
	[tilespmem:s16+$0xFFFFFFE0] =	vst v2  }
0x431: {  	[tilespmem:s16+$0xFFFFFFF0] =	vst v1  }
0x432: {  	v1 =	vld [tilespmem:s21+$0x360];
	_ =	sdelay $0x4  }
0x433: {  	v2 =	vand.u32 $0xFFFF0000, v1  }
0x434: {  	v1 =	vshll.u32 v1, $0x10;
	[tilespmem:s16+$0x10] =	vst v2  }
0x435: {  	[tilespmem:s16+$0x0] =	vst v1  }
0x436: {  	v1 =	vld [tilespmem:s21+$0x370];
	_ =	sdelay $0x4  }
0x437: {  	v2 =	vshll.u32 v1, $0x10  }
0x438: {  	v1 =	vand.u32 $0xFFFF0000, v1;
	[tilespmem:s16+$0x20] =	vst v2  }
0x439: {  	s17 =	simm.s32 $0x40;
	[tilespmem:s16+$0x30] =	vst v1  }
0x43a: {  	v1 =	vld [tilespmem:s17+$0x340]  }
0x43b: {  	s18 =	simm.s32 $0x200  }
.LBB2_36:
0x43c: {  	p0 =	sne.s32 s18, $0x6700;
	_ =	sdelay $0x2  }
0x43d: {  	s16 =	sadd.s32 $0x80, s16;
	v2 =	vshll.u32 v1, $0x10  }
0x43e: {  	v1 =	vand.u32 $0xFFFF0000, v1;
	[tilespmem:s16+$0xFFFFFFC0] =	vst v2  }
0x43f: {  	[tilespmem:s16+$0xFFFFFFD0] =	vst v1  }
0x440: {  	v1 =	vld [tilespmem:s17+$0x350];
	_ =	sdelay $0x4  }
0x441: {  	v2 =	vshll.u32 v1, $0x10  }
0x442: {  	v1 =	vand.u32 $0xFFFF0000, v1;
	[tilespmem:s16+$0xFFFFFFE0] =	vst v2  }
0x443: {  	[tilespmem:s16+$0xFFFFFFF0] =	vst v1  }
0x444: {  	v1 =	vld [tilespmem:s17+$0x360];
	_ =	sdelay $0x4  }
0x445: {  	v2 =	vshll.u32 v1, $0x10;
	v1 =	vand.u32 $0xFFFF0000, v1  }
0x446: {  	[tilespmem:s16+$0x10] =	vst v1  }
0x447: {  	[tilespmem:s16+$0x0] =	vst v2  }
0x448: {  	v1 =	vld [tilespmem:s17+$0x370];
	_ =	sdelay $0x4  }
.Ltmp17:
0x449: {  	v2 =	vshll.u32 v1, $0x10;
	v1 =	vand.u32 $0xFFFF0000, v1;
	(pc) =	sbr.rel @p0 .LBB2_36-.Ltmp17, $4  }
0x44a: {  	[tilespmem:s16+$0x20] =	vst v2  }
0x44b: {  	s17 =	sshra.s32 s18, $0x2;
	[tilespmem:s16+$0x30] =	vst v1  }
0x44c: {  	v1 =	vld [tilespmem:s17+$0x340]  }
0x44d: {  	s18 =	sadd.s32 $0x100, s18  }
0x44e: {  	_ =	sdelay $0x2  }
0x44f: {  	s16 =	sadd.s32 $0x80, s16;
	v2 =	vshll.u32 v1, $0x10  }
0x450: {  	v1 =	vand.u32 $0xFFFF0000, v1;
	[tilespmem:s16+$0xFFFFFFC0] =	vst v2  }
0x451: {  	[tilespmem:s16+$0xFFFFFFD0] =	vst v1  }
0x452: {  	v1 =	vld [tilespmem:s17+$0x350];
	_ =	sdelay $0x4  }
0x453: {  	v2 =	vshll.u32 v1, $0x10  }
0x454: {  	v1 =	vand.u32 $0xFFFF0000, v1;
	[tilespmem:s16+$0xFFFFFFE0] =	vst v2  }
0x455: {  	[tilespmem:s16+$0xFFFFFFF0] =	vst v1  }
0x456: {  	v1 =	vld [tilespmem:s17+$0x360];
	_ =	sdelay $0x4  }
0x457: {  	v2 =	vand.u32 $0xFFFF0000, v1  }
0x458: {  	v1 =	vshll.u32 v1, $0x10;
	[tilespmem:s16+$0x10] =	vst v2  }
0x459: {  	[tilespmem:s16+$0x0] =	vst v1  }
0x45a: {  	v1 =	vld [tilespmem:s17+$0x370];
	_ =	sdelay $0x4  }
0x45b: {  	v2 =	vshll.u32 v1, $0x10  }
0x45c: {  	v1 =	vand.u32 $0xFFFF0000, v1;
	[tilespmem:s16+$0x20] =	vst v2  }
0x45d: {  	[tilespmem:s16+$0x30] =	vst v1  }
0x45e: {  	[spmem:s3] =	stream.indirect.scatter.add.f32 [tilespmem:s31], [sflag:$0x5], $0x80, s15, s7, $0xb8;
	[tilespmem:$0x1F940] =	vst v63  }
0x45f: {  	_ =	swait.ge [sflag:s6], $0x3400  }
0x460: {  	[sflag:s6] =	ssyncset.done $0x0  }
0x461: {  	[sflag:s6] =	ssyncadd.s32 $0xFFFFCC00  }
0x462: {  	_ =	swait.ge [sflag:s14], $0x3400  }
0x463: {  	[sflag:s14] =	ssyncset.done $0x0  }
0x464: {  	[sflag:s14] =	ssyncadd.s32 $0xFFFFCC00  }
0x465: {  	s20 =	stileid.u32;
	[bflag:$0x0] =	sbarrier.arrive $0xFFFF  }
0x466: {  	s16 =	sshll.u32 s20, $0x6;
	s18 =	rddreg [dreg:$0x5]  }
0x467: {  	s16 =	sor.u32 $0x1C06, s16;
	s19 =	rddreg [dreg:$0x15];
	s21 =	sshrl.u32 s18, $0x3  }
0x468: {  	[hbm:s19], [sflag:s16] =	dma.local [spmem:s21], $0x2800  }
0x469: {  	_ =	swait.ge [sflag:s0], $0x2800  }
0x46a: {  	s20 =	rddreg [dreg:$0x4]  }
0x46b: {  	s21 =	rddreg [dreg:$0x16];
	s16 =	sadd.s32 $0x1, s20  }
0x46c: {  	p0 =	sne.s32 s16, s21  }
.Ltmp18:
0x46d: {  	_ = 	snop;
	(pc) =	sbr.rel @p0 .LBB2_1-.Ltmp18, $3  }
0x46e: {  	_ =	sdelay $0x1  }
0x46f: {  	[sflag:s0] =	ssyncset.done $0x0  }
0x470: {  	[sflag:s0] =	ssyncadd.s32 $0xFFFFD800  }
0x471: {  	_ =	sfence.sel $0x180000  }
0x472: {  	[bflag:$0x0] =	sbarrier.arrive $0xFFFF  }
0x473: {  	_ =	strace $0x90000047  }
0x474: {  	s0 =	stileid.u32;
	[bflag:$0x2] =	sbarrier.arrive $0xFFFF  }
0x475: {  	p0 =	sne.s32 s0, $0x0;
	s0 =	rddreg [dreg:$0x3]  }
0x476: {  	s0 =	sadd.s32 @!p0 $0x100000, s0  }
0x477: {  	[sflag:s0] =	ssyncadd.tile.s32 @!p0 $0x1;
	_ =	shalt  }
.Lfunc_end2:
_tile_overlayer_lowered:
.L_overlay_start_2:
0x478: {  	(tag) =	ssettag $0x2  }
0x479: {  	s0 =	rddreg [dreg:$0x0];
	s2 =	stileid.u32  }
0x47a: {  	s1 =	rddreg [dreg:$0x1];
	p0 =	sne.s32 s2, $0x0  }
0x47b: {  	s3 =	rddreg [dreg:$0x2];
	[bflag:$0x3] =	sbarrier.arrive $0xFFFF;
	s2 =	simm.s32 @!p0 $0x1C06  }
0x47c: {  	[timem:s3], [sflag:s2] =	dma.local @!p0 [hbm:s0], s1  }
0x47d: {  	s0 =	simm.s32 @!p0 $0x6  }
0x47e: {  	_ =	swait.ge @!p0 [sflag:s0], s1  }
0x47f: {  	s1 =	ssub.s32 @!p0 $0x0, s1;
	[sflag:s0] =	ssyncset.done @!p0 $0x0  }
0x480: {  	[sflag:s0] =	ssyncadd.s32 @!p0 s1  }
0x481: {  	[bflag:$0x3] =	sbarrier.arrive $0xFFFF  }
0x482: {  	_ =	shalt  }

</sc_bundles>
